<compile_context>
chip_gen: v7x
topology: tpu7x:2x2x1
jax: 0.10.2.dev20260603
libtpu: 0.0.44.dev20260713+nightly
codegen_flags: <defaults>
</compile_context>

<pallas_src>
import functools

import jax
import jax.numpy as jnp
from jax import lax
from jax.experimental import pallas as pl
from jax.experimental.pallas import tpu as pltpu
from jax.experimental.pallas import tpu_sc as plsc

_N = 10000
_D = 128
_E = 320000
_NC = 2
_NS = 16
_NW = _NC * _NS
_EP = _E
_EPW = _EP // _NW
_CH = 80
_NCH = _EPW // _CH
_NB = 5
_CB = _NCH // _NB
_NP = 10240
_RPS = _NP // _NS

_mesh = plsc.VectorSubcoreMesh(core_axis_name="c", subcore_axis_name="s")


def _fill_rows(rows, value):

  def fill(j, carry):
    for k in range(_D // 16):
      rows[j, pl.ds(k * 16, 16)] = jnp.full((16,), value, jnp.float32)
    return carry

  lax.fori_loop(0, _CH, fill, 0)


def _zero_shared_slice(rows, shared, r0):
  _fill_rows(rows, 0.0)
  for k in range(_RPS // _CH):
    pltpu.sync_copy(rows, shared.at[pl.ds(r0 + k * _CH, _CH)])


def _make_agg(with_counts):
  out_type = [jax.ShapeDtypeStruct((_NC, _NP, _D), jnp.float32)]
  if with_counts:
    out_type.append(jax.ShapeDtypeStruct((_NC, _NP, _D), jnp.float32))
  return functools.partial(
      pl.kernel,
      out_type=out_type,
      mesh=_mesh,
      scratch_types=[
          pltpu.VMEM((_CB, _CH), jnp.int32),
          pltpu.VMEM((_CB, _CH), jnp.int32),
          pltpu.VMEM((_CH, _D), jnp.float32),
          pltpu.VMEM((_CH, _D), jnp.float32),
          pltpu.SemaphoreType.DMA,
          pltpu.SemaphoreType.DMA,
          pltpu.SemaphoreType.DMA,
          pltpu.SemaphoreType.DMA,
          pltpu.VMEM_SHARED((_NP, _D), jnp.float32),
      ],
  )(functools.partial(_agg_body, with_counts))


def _agg_body(with_counts, src_h, dst_h, x_h, agg_o, *rest):
  if with_counts:
    (cnt_o, idx_s, idx_d, rows_a, rows_b,
     sem_a, sem_b, sem_sa, sem_sb, agg_sh) = rest
  else:
    (idx_s, idx_d, rows_a, rows_b,
     sem_a, sem_b, sem_sa, sem_sb, agg_sh) = rest
  c = lax.axis_index("c")
  s = lax.axis_index("s")
  r0 = s * _RPS

  _zero_shared_slice(rows_a, agg_sh, r0)
  plsc.subcore_barrier()

  if with_counts:
    _fill_rows(rows_a, 1.0)

    def cstep(j, carry):
      pltpu.async_copy(rows_a, agg_sh.at[idx_d.at[j]], sem_sa, add=True)
      return carry

    def cdrain(j, carry):
      pltpu.make_async_copy(rows_a, agg_sh.at[idx_d.at[0]], sem_sa).wait()
      return carry

    for b in range(_NB):
      pltpu.sync_copy(dst_h.at[c, s, b], idx_d)
      lax.fori_loop(0, _CB, cstep, 0)
      lax.fori_loop(0, _CB, cdrain, 0)

    plsc.subcore_barrier()
    pltpu.sync_copy(agg_sh.at[pl.ds(r0, _RPS)], cnt_o.at[c, pl.ds(r0, _RPS)])
    _zero_shared_slice(rows_a, agg_sh, r0)
    plsc.subcore_barrier()

  def pair(p, carry):
    j = p * 2
    pltpu.make_async_copy(x_h.at[idx_s.at[j]], rows_a, sem_a).wait()

    @pl.when(j > 0)
    def _():
      pltpu.make_async_copy(rows_b, agg_sh.at[idx_d.at[j]], sem_sb).wait()

    pltpu.async_copy(x_h.at[idx_s.at[j + 1]], rows_b, sem_b)
    pltpu.async_copy(rows_a, agg_sh.at[idx_d.at[j]], sem_sa, add=True)
    pltpu.make_async_copy(x_h.at[idx_s.at[j + 1]], rows_b, sem_b).wait()
    pltpu.make_async_copy(rows_a, agg_sh.at[idx_d.at[j]], sem_sa).wait()
    pltpu.async_copy(x_h.at[idx_s.at[j + 2]], rows_a, sem_a)
    pltpu.async_copy(rows_b, agg_sh.at[idx_d.at[j + 1]], sem_sb, add=True)
    return carry

  for b in range(_NB):
    pltpu.sync_copy(src_h.at[c, s, b], idx_s)
    pltpu.sync_copy(dst_h.at[c, s, b], idx_d)
    pltpu.async_copy(x_h.at[idx_s.at[0]], rows_a, sem_a)
    lax.fori_loop(0, _CB // 2, pair, 0)
    pltpu.make_async_copy(x_h.at[idx_s.at[_CB - 1]], rows_a, sem_a).wait()
    pltpu.sync_copy(rows_a, agg_sh.at[idx_d.at[_CB - 1]], add=True)
    pltpu.make_async_copy(rows_b, agg_sh.at[idx_d.at[_CB - 2]], sem_sb).wait()

  plsc.subcore_barrier()
  pltpu.sync_copy(agg_sh.at[pl.ds(r0, _RPS)], agg_o.at[c, pl.ds(r0, _RPS)])


_agg = _make_agg(False)
_agg_cnt = _make_agg(True)

_BLK = 2000


_row_spec = pl.BlockSpec((_BLK, _D), lambda i: (i, 0))
_w_spec = pl.BlockSpec((_D, _D), lambda i: (0, 0))


def _self_body(x, wr, b, o):
  o[...] = lax.dot_general(x[...], wr[...], (((1,), (1,)), ((), ())),
                           preferred_element_type=jnp.float32) + b[...]


_self_term = pl.pallas_call(
    _self_body,
    grid=(_N // _BLK,),
    in_specs=[_row_spec, _w_spec, pl.BlockSpec((1, _D), lambda i: (0, 0))],
    out_specs=_row_spec,
    out_shape=jax.ShapeDtypeStruct((_N, _D), jnp.float32),
)


def _mix_body(p0, p1, c0, c1, st, wl, o, *, relu):
  cnt = jnp.maximum(c0[...] + c1[...], 1.0)
  agg = (p0[...] + p1[...]) / cnt
  acc = lax.dot_general(agg, wl[...], (((1,), (1,)), ((), ())),
                        preferred_element_type=jnp.float32) + st[...]
  o[...] = jnp.maximum(acc, 0.0) if relu else acc


def _make_mix(relu):
  return pl.pallas_call(
      functools.partial(_mix_body, relu=relu),
      grid=(_N // _BLK,),
      in_specs=[_row_spec, _row_spec, _row_spec, _row_spec, _row_spec,
                _w_spec],
      out_specs=_row_spec,
      out_shape=jax.ShapeDtypeStruct((_N, _D), jnp.float32),
  )


_mix_relu = _make_mix(True)
_mix_plain = _make_mix(False)


def kernel(x, edge_index, W1_l, b1_l, W1_r, W2_l, b2_l, W2_r):
  src = edge_index[0].astype(jnp.int32).reshape(_NC, _NS, _NB, _CB, _CH)
  dst = edge_index[1].astype(jnp.int32).reshape(_NC, _NS, _NB, _CB, _CH)

  s1 = _self_term(x, W1_r, b1_l.reshape(1, _D))
  agg1, cnt = _agg_cnt(src, dst, x)
  h = _mix_relu(agg1[0], agg1[1], cnt[0], cnt[1], s1, W1_l)
  s2 = _self_term(h, W2_r, b2_l.reshape(1, _D))
  (agg2,) = _agg(src, dst, h)
  out = _mix_plain(agg2[0], agg2[1], cnt[0], cnt[1], s2, W2_l)
  return out

# --- scband reference (transcript-rebuilt; emitter-appended) ---
"""Pipeline reference for scband-sage-51092930953818 (READ-ONLY COPY).

The authoritative reference and input builder live on the scoring server;
editing this copy changes nothing except your own understanding.
"""

import jax, jax.numpy as jnp
import numpy as np

N_NODES = 10000
N_EDGES = 320000
D_IN = 128
D_HID = 128
D_OUT = 128


def setup_inputs(seed: int = 0) -> dict:
    key = jax.random.key(seed)
    k = jax.random.split(key, 8)
    x = jax.random.normal(k[0], (N_NODES, D_IN), dtype=jnp.float32)
    edge_index = jax.random.randint(k[1], (2, N_EDGES), 0, N_NODES, dtype=jnp.int64 if jax.config.jax_enable_x64 else jnp.int32)
    s1 = 1.0 / np.sqrt(D_IN)
    s2 = 1.0 / np.sqrt(D_HID)
    W1_l = jax.random.uniform(k[2], (D_HID, D_IN), dtype=jnp.float32, minval=-s1, maxval=s1)
    b1_l = jnp.zeros((D_HID,), dtype=jnp.float32)
    W1_r = jax.random.uniform(k[3], (D_HID, D_IN), dtype=jnp.float32, minval=-s1, maxval=s1)
    W2_l = jax.random.uniform(k[4], (D_OUT, D_HID), dtype=jnp.float32, minval=-s2, maxval=s2)
    b2_l = jnp.zeros((D_OUT,), dtype=jnp.float32)
    W2_r = jax.random.uniform(k[5], (D_OUT, D_HID), dtype=jnp.float32, minval=-s2, maxval=s2)
    return {"x": x, "edge_index": edge_index, "W1_l": W1_l, "b1_l": b1_l, "W1_r": W1_r, "W2_l": W2_l, "b2_l": b2_l, "W2_r": W2_r}


def _sage_conv(x, edge_index, W_l, b_l, W_r):
    # PyG SAGEConv (aggr='mean', root_weight=True):
    #   out = lin_l(mean_{j in N(i)} x_j) + lin_r(x_i)
    src = edge_index[0]
    dst = edge_index[1]
    msgs = jnp.take(x, src, axis=0)                       # gather
    agg = jax.ops.segment_sum(msgs, dst, num_segments=x.shape[0])  # scatter-add
    cnt = jax.ops.segment_sum(jnp.ones((edge_index.shape[1],), dtype=x.dtype), dst, num_segments=x.shape[0])
    agg = agg / jnp.maximum(cnt, 1.0)[:, None]
    return agg @ W_l.T + b_l + x @ W_r.T


def reference(x, edge_index, W1_l, b1_l, W1_r, W2_l, b2_l, W2_r):
    h = _sage_conv(x, edge_index, W1_l, b1_l, W1_r)
    h = jax.nn.relu(h)
    # dropout p=0.0 -> identity
    out = _sage_conv(h, edge_index, W2_l, b2_l, W2_r)
    return out

if __name__ == "__main__":
    import jax
    _d = setup_inputs()
    print(jax.jit(kernel)(*tuple(_d.values())))

</pallas_src>

<mosaic_0001>
#map = affine_map<(d0, d1) -> (0, 0, 0, 0, 0)>
#map1 = affine_map<(d0, d1) -> (0, 0)>
#map2 = affine_map<(d0, d1) -> (0, 0, 0)>
module attributes {stable_mosaic.version = 14 : i64} {
  func.func @_agg_body(%arg0: i32, %arg1: i32, %arg2: memref<2x16x5x25x80xi32, #tpu.memory_space<hbm>>, %arg3: memref<2x16x5x25x80xi32, #tpu.memory_space<hbm>>, %arg4: memref<10000x128xf32, #tpu.memory_space<hbm>>, %arg5: memref<2x10240x128xf32, #tpu.memory_space<hbm>>, %arg6: memref<2x10240x128xf32, #tpu.memory_space<hbm>>, %arg7: memref<25x80xi32, #tpu.memory_space<vmem>>, %arg8: memref<25x80xi32, #tpu.memory_space<vmem>>, %arg9: memref<80x128xf32, #tpu.memory_space<vmem>>, %arg10: memref<80x128xf32, #tpu.memory_space<vmem>>, %arg11: memref<!tpu.dma_semaphore, #tpu.memory_space<semaphore_mem>>, %arg12: memref<!tpu.dma_semaphore, #tpu.memory_space<semaphore_mem>>, %arg13: memref<!tpu.dma_semaphore, #tpu.memory_space<semaphore_mem>>, %arg14: memref<!tpu.dma_semaphore, #tpu.memory_space<semaphore_mem>>, %arg15: memref<10240x128xf32, #tpu.memory_space<vmem_shared>>) attributes {dimension_semantics = [#tpu.dimension_semantics<core_parallel>, #tpu.dimension_semantics<subcore_parallel>], iteration_bounds = array<i64: 2, 16>, scalar_prefetch = 0 : i64, scratch_operands = 9 : i64, tpu.core_type = #tpu.core_type<sc_vector_subcore>, window_params = [{transform_indices = #map}, {transform_indices = #map}, {transform_indices = #map1}, {transform_indices = #map2}, {transform_indices = #map2}]} {
    %mul3A = arith.constant 640 : i32
    %mul3A_0 = arith.muli %arg1, %mul3A : i32
    %scan3A = arith.constant 0 : i32
    %scan3A_1 = arith.constant 0 : i32
    %scan3A_2 = arith.constant 80 : i32
    %scan3A_3 = arith.addi %scan3A_1, %scan3A_2 : i32
    %scan3A_4 = arith.constant 1 : i32
    scf.for %scan3A_264 = %scan3A_1 to %scan3A_3 step %scan3A_4  : i32 {
      %broadcast_in_dim3A = arith.constant 0.000000e+00 : f32
      %broadcast_in_dim3A_265 = vector.broadcast %broadcast_in_dim3A : f32 to vector<16xf32>
      %swap3A = arith.index_cast %scan3A_264 : i32 to index
      %swap3A_266 = arith.constant 0 : index
      %swap3A_267 = tpu.vector_load %arg9[%swap3A, %swap3A_266] {strides = array<i32>} : memref<80x128xf32, #tpu.memory_space<vmem>>, vector<1x16xf32>,
      %swap3A_268 = vector.shape_cast %swap3A_267 : vector<1x16xf32> to vector<16xf32>
      %swap3A_269 = vector.shape_cast %broadcast_in_dim3A_265 : vector<16xf32> to vector<1x16xf32>
      tpu.vector_store %arg9[%swap3A, %swap3A_266], %swap3A_269 {strides = array<i32>} : memref<80x128xf32, #tpu.memory_space<vmem>>, vector<1x16xf32>,
      %broadcast_in_dim3A_270 = arith.constant 0.000000e+00 : f32
      %broadcast_in_dim3A_271 = vector.broadcast %broadcast_in_dim3A_270 : f32 to vector<16xf32>
      %swap3A_272 = arith.index_cast %scan3A_264 : i32 to index
      %swap3A_273 = arith.constant 16 : index
      %swap3A_274 = tpu.vector_load %arg9[%swap3A_272, %swap3A_273] {strides = array<i32>} : memref<80x128xf32, #tpu.memory_space<vmem>>, vector<1x16xf32>,
      %swap3A_275 = vector.shape_cast %swap3A_274 : vector<1x16xf32> to vector<16xf32>
      %swap3A_276 = vector.shape_cast %broadcast_in_dim3A_271 : vector<16xf32> to vector<1x16xf32>
      tpu.vector_store %arg9[%swap3A_272, %swap3A_273], %swap3A_276 {strides = array<i32>} : memref<80x128xf32, #tpu.memory_space<vmem>>, vector<1x16xf32>,
      %broadcast_in_dim3A_277 = arith.constant 0.000000e+00 : f32
      %broadcast_in_dim3A_278 = vector.broadcast %broadcast_in_dim3A_277 : f32 to vector<16xf32>
      %swap3A_279 = arith.index_cast %scan3A_264 : i32 to index
      %swap3A_280 = arith.constant 32 : index
      %swap3A_281 = tpu.vector_load %arg9[%swap3A_279, %swap3A_280] {strides = array<i32>} : memref<80x128xf32, #tpu.memory_space<vmem>>, vector<1x16xf32>,
      %swap3A_282 = vector.shape_cast %swap3A_281 : vector<1x16xf32> to vector<16xf32>
      %swap3A_283 = vector.shape_cast %broadcast_in_dim3A_278 : vector<16xf32> to vector<1x16xf32>
      tpu.vector_store %arg9[%swap3A_279, %swap3A_280], %swap3A_283 {strides = array<i32>} : memref<80x128xf32, #tpu.memory_space<vmem>>, vector<1x16xf32>,
      %broadcast_in_dim3A_284 = arith.constant 0.000000e+00 : f32
      %broadcast_in_dim3A_285 = vector.broadcast %broadcast_in_dim3A_284 : f32 to vector<16xf32>
      %swap3A_286 = arith.index_cast %scan3A_264 : i32 to index
      %swap3A_287 = arith.constant 48 : index
      %swap3A_288 = tpu.vector_load %arg9[%swap3A_286, %swap3A_287] {strides = array<i32>} : memref<80x128xf32, #tpu.memory_space<vmem>>, vector<1x16xf32>,
      %swap3A_289 = vector.shape_cast %swap3A_288 : vector<1x16xf32> to vector<16xf32>
      %swap3A_290 = vector.shape_cast %broadcast_in_dim3A_285 : vector<16xf32> to vector<1x16xf32>
      tpu.vector_store %arg9[%swap3A_286, %swap3A_287], %swap3A_290 {strides = array<i32>} : memref<80x128xf32, #tpu.memory_space<vmem>>, vector<1x16xf32>,
      %broadcast_in_dim3A_291 = arith.constant 0.000000e+00 : f32
      %broadcast_in_dim3A_292 = vector.broadcast %broadcast_in_dim3A_291 : f32 to vector<16xf32>
      %swap3A_293 = arith.index_cast %scan3A_264 : i32 to index
      %swap3A_294 = arith.constant 64 : index
      %swap3A_295 = tpu.vector_load %arg9[%swap3A_293, %swap3A_294] {strides = array<i32>} : memref<80x128xf32, #tpu.memory_space<vmem>>, vector<1x16xf32>,
      %swap3A_296 = vector.shape_cast %swap3A_295 : vector<1x16xf32> to vector<16xf32>
      %swap3A_297 = vector.shape_cast %broadcast_in_dim3A_292 : vector<16xf32> to vector<1x16xf32>
      tpu.vector_store %arg9[%swap3A_293, %swap3A_294], %swap3A_297 {strides = array<i32>} : memref<80x128xf32, #tpu.memory_space<vmem>>, vector<1x16xf32>,
      %broadcast_in_dim3A_298 = arith.constant 0.000000e+00 : f32
      %broadcast_in_dim3A_299 = vector.broadcast %broadcast_in_dim3A_298 : f32 to vector<16xf32>
      %swap3A_300 = arith.index_cast %scan3A_264 : i32 to index
      %swap3A_301 = arith.constant 80 : index
      %swap3A_302 = tpu.vector_load %arg9[%swap3A_300, %swap3A_301] {strides = array<i32>} : memref<80x128xf32, #tpu.memory_space<vmem>>, vector<1x16xf32>,
      %swap3A_303 = vector.shape_cast %swap3A_302 : vector<1x16xf32> to vector<16xf32>
      %swap3A_304 = vector.shape_cast %broadcast_in_dim3A_299 : vector<16xf32> to vector<1x16xf32>
      tpu.vector_store %arg9[%swap3A_300, %swap3A_301], %swap3A_304 {strides = array<i32>} : memref<80x128xf32, #tpu.memory_space<vmem>>, vector<1x16xf32>,
      %broadcast_in_dim3A_305 = arith.constant 0.000000e+00 : f32
      %broadcast_in_dim3A_306 = vector.broadcast %broadcast_in_dim3A_305 : f32 to vector<16xf32>
      %swap3A_307 = arith.index_cast %scan3A_264 : i32 to index
      %swap3A_308 = arith.constant 96 : index
      %swap3A_309 = tpu.vector_load %arg9[%swap3A_307, %swap3A_308] {strides = array<i32>} : memref<80x128xf32, #tpu.memory_space<vmem>>, vector<1x16xf32>,
      %swap3A_310 = vector.shape_cast %swap3A_309 : vector<1x16xf32> to vector<16xf32>
      %swap3A_311 = vector.shape_cast %broadcast_in_dim3A_306 : vector<16xf32> to vector<1x16xf32>
      tpu.vector_store %arg9[%swap3A_307, %swap3A_308], %swap3A_311 {strides = array<i32>} : memref<80x128xf32, #tpu.memory_space<vmem>>, vector<1x16xf32>,
      %broadcast_in_dim3A_312 = arith.constant 0.000000e+00 : f32
      %broadcast_in_dim3A_313 = vector.broadcast %broadcast_in_dim3A_312 : f32 to vector<16xf32>
      %swap3A_314 = arith.index_cast %scan3A_264 : i32 to index
      %swap3A_315 = arith.constant 112 : index
      %swap3A_316 = tpu.vector_load %arg9[%swap3A_314, %swap3A_315] {strides = array<i32>} : memref<80x128xf32, #tpu.memory_space<vmem>>, vector<1x16xf32>,
      %swap3A_317 = vector.shape_cast %swap3A_316 : vector<1x16xf32> to vector<16xf32>
      %swap3A_318 = vector.shape_cast %broadcast_in_dim3A_313 : vector<16xf32> to vector<1x16xf32>
      tpu.vector_store %arg9[%swap3A_314, %swap3A_315], %swap3A_318 {strides = array<i32>} : memref<80x128xf32, #tpu.memory_space<vmem>>, vector<1x16xf32>,
    }
    %scan3A_5 = arith.constant 80 : i32
    %add3A = arith.constant 0 : i32
    %add3A_6 = arith.addi %mul3A_0, %add3A : i32
    "tpu.region"() ({
      %run_scoped3A_264 = tpu.sem_alloc : memref<!tpu.dma_semaphore, #tpu.memory_space<semaphore_mem>>
      %dma_start3A_265 = arith.constant 0 : i32
      %dma_start3A_266 = tpu.memref_slice %arg15[%add3A_6, %dma_start3A_265] : memref<10240x128xf32, #tpu.memory_space<vmem_shared>> -> memref<80x128xf32, #tpu.memory_space<vmem_shared>>
      %dma_start3A_267 = arith.constant 0 : i32
      %dma_start3A_268 = tpu.memref_slice %arg15[%add3A_6, %dma_start3A_267] : memref<10240x128xf32, #tpu.memory_space<vmem_shared>> -> memref<80x128xf32, #tpu.memory_space<vmem_shared>>
      tpu.enqueue_dma source(%arg9 : memref<80x128xf32, #tpu.memory_space<vmem>>) target(%dma_start3A_268 : memref<80x128xf32, #tpu.memory_space<vmem_shared>>) target_semaphore(%run_scoped3A_264 : memref<!tpu.dma_semaphore, #tpu.memory_space<semaphore_mem>>)
      %dma_wait3A_269 = arith.constant 0 : i32
      %dma_wait3A_270 = tpu.memref_slice %arg15[%add3A_6, %dma_wait3A_269] : memref<10240x128xf32, #tpu.memory_space<vmem_shared>> -> memref<80x128xf32, #tpu.memory_space<vmem_shared>>
      %dma_wait3A_271 = arith.constant 0 : i32
      %dma_wait3A_272 = tpu.memref_slice %arg15[%add3A_6, %dma_wait3A_271] : memref<10240x128xf32, #tpu.memory_space<vmem_shared>> -> memref<80x128xf32, #tpu.memory_space<vmem_shared>>
      tpu.wait_dma2 semaphore(%run_scoped3A_264 : memref<!tpu.dma_semaphore, #tpu.memory_space<semaphore_mem>>) src(%arg9 : memref<80x128xf32, #tpu.memory_space<vmem>>) dst(%dma_wait3A_272 : memref<80x128xf32, #tpu.memory_space<vmem_shared>>)
      tpu.yield
    }) : () -> ()
    %add3A_7 = arith.constant 80 : i32
    %add3A_8 = arith.addi %mul3A_0, %add3A_7 : i32
    "tpu.region"() ({
      %run_scoped3A_264 = tpu.sem_alloc : memref<!tpu.dma_semaphore, #tpu.memory_space<semaphore_mem>>
      %dma_start3A_265 = arith.constant 0 : i32
      %dma_start3A_266 = tpu.memref_slice %arg15[%add3A_8, %dma_start3A_265] : memref<10240x128xf32, #tpu.memory_space<vmem_shared>> -> memref<80x128xf32, #tpu.memory_space<vmem_shared>>
      %dma_start3A_267 = arith.constant 0 : i32
      %dma_start3A_268 = tpu.memref_slice %arg15[%add3A_8, %dma_start3A_267] : memref<10240x128xf32, #tpu.memory_space<vmem_shared>> -> memref<80x128xf32, #tpu.memory_space<vmem_shared>>
      tpu.enqueue_dma source(%arg9 : memref<80x128xf32, #tpu.memory_space<vmem>>) target(%dma_start3A_268 : memref<80x128xf32, #tpu.memory_space<vmem_shared>>) target_semaphore(%run_scoped3A_264 : memref<!tpu.dma_semaphore, #tpu.memory_space<semaphore_mem>>)
      %dma_wait3A_269 = arith.constant 0 : i32
      %dma_wait3A_270 = tpu.memref_slice %arg15[%add3A_8, %dma_wait3A_269] : memref<10240x128xf32, #tpu.memory_space<vmem_shared>> -> memref<80x128xf32, #tpu.memory_space<vmem_shared>>
      %dma_wait3A_271 = arith.constant 0 : i32
      %dma_wait3A_272 = tpu.memref_slice %arg15[%add3A_8, %dma_wait3A_271] : memref<10240x128xf32, #tpu.memory_space<vmem_shared>> -> memref<80x128xf32, #tpu.memory_space<vmem_shared>>
      tpu.wait_dma2 semaphore(%run_scoped3A_264 : memref<!tpu.dma_semaphore, #tpu.memory_space<semaphore_mem>>) src(%arg9 : memref<80x128xf32, #tpu.memory_space<vmem>>) dst(%dma_wait3A_272 : memref<80x128xf32, #tpu.memory_space<vmem_shared>>)
      tpu.yield
    }) : () -> ()
    %add3A_9 = arith.constant 160 : i32
    %add3A_10 = arith.addi %mul3A_0, %add3A_9 : i32
    "tpu.region"() ({
      %run_scoped3A_264 = tpu.sem_alloc : memref<!tpu.dma_semaphore, #tpu.memory_space<semaphore_mem>>
      %dma_start3A_265 = arith.constant 0 : i32
      %dma_start3A_266 = tpu.memref_slice %arg15[%add3A_10, %dma_start3A_265] : memref<10240x128xf32, #tpu.memory_space<vmem_shared>> -> memref<80x128xf32, #tpu.memory_space<vmem_shared>>
      %dma_start3A_267 = arith.constant 0 : i32
      %dma_start3A_268 = tpu.memref_slice %arg15[%add3A_10, %dma_start3A_267] : memref<10240x128xf32, #tpu.memory_space<vmem_shared>> -> memref<80x128xf32, #tpu.memory_space<vmem_shared>>
      tpu.enqueue_dma source(%arg9 : memref<80x128xf32, #tpu.memory_space<vmem>>) target(%dma_start3A_268 : memref<80x128xf32, #tpu.memory_space<vmem_shared>>) target_semaphore(%run_scoped3A_264 : memref<!tpu.dma_semaphore, #tpu.memory_space<semaphore_mem>>)
      %dma_wait3A_269 = arith.constant 0 : i32
      %dma_wait3A_270 = tpu.memref_slice %arg15[%add3A_10, %dma_wait3A_269] : memref<10240x128xf32, #tpu.memory_space<vmem_shared>> -> memref<80x128xf32, #tpu.memory_space<vmem_shared>>
      %dma_wait3A_271 = arith.constant 0 : i32
      %dma_wait3A_272 = tpu.memref_slice %arg15[%add3A_10, %dma_wait3A_271] : memref<10240x128xf32, #tpu.memory_space<vmem_shared>> -> memref<80x128xf32, #tpu.memory_space<vmem_shared>>
      tpu.wait_dma2 semaphore(%run_scoped3A_264 : memref<!tpu.dma_semaphore, #tpu.memory_space<semaphore_mem>>) src(%arg9 : memref<80x128xf32, #tpu.memory_space<vmem>>) dst(%dma_wait3A_272 : memref<80x128xf32, #tpu.memory_space<vmem_shared>>)
      tpu.yield
    }) : () -> ()
    %add3A_11 = arith.constant 240 : i32
    %add3A_12 = arith.addi %mul3A_0, %add3A_11 : i32
    "tpu.region"() ({
      %run_scoped3A_264 = tpu.sem_alloc : memref<!tpu.dma_semaphore, #tpu.memory_space<semaphore_mem>>
      %dma_start3A_265 = arith.constant 0 : i32
      %dma_start3A_266 = tpu.memref_slice %arg15[%add3A_12, %dma_start3A_265] : memref<10240x128xf32, #tpu.memory_space<vmem_shared>> -> memref<80x128xf32, #tpu.memory_space<vmem_shared>>
      %dma_start3A_267 = arith.constant 0 : i32
      %dma_start3A_268 = tpu.memref_slice %arg15[%add3A_12, %dma_start3A_267] : memref<10240x128xf32, #tpu.memory_space<vmem_shared>> -> memref<80x128xf32, #tpu.memory_space<vmem_shared>>
      tpu.enqueue_dma source(%arg9 : memref<80x128xf32, #tpu.memory_space<vmem>>) target(%dma_start3A_268 : memref<80x128xf32, #tpu.memory_space<vmem_shared>>) target_semaphore(%run_scoped3A_264 : memref<!tpu.dma_semaphore, #tpu.memory_space<semaphore_mem>>)
      %dma_wait3A_269 = arith.constant 0 : i32
      %dma_wait3A_270 = tpu.memref_slice %arg15[%add3A_12, %dma_wait3A_269] : memref<10240x128xf32, #tpu.memory_space<vmem_shared>> -> memref<80x128xf32, #tpu.memory_space<vmem_shared>>
      %dma_wait3A_271 = arith.constant 0 : i32
      %dma_wait3A_272 = tpu.memref_slice %arg15[%add3A_12, %dma_wait3A_271] : memref<10240x128xf32, #tpu.memory_space<vmem_shared>> -> memref<80x128xf32, #tpu.memory_space<vmem_shared>>
      tpu.wait_dma2 semaphore(%run_scoped3A_264 : memref<!tpu.dma_semaphore, #tpu.memory_space<semaphore_mem>>) src(%arg9 : memref<80x128xf32, #tpu.memory_space<vmem>>) dst(%dma_wait3A_272 : memref<80x128xf32, #tpu.memory_space<vmem_shared>>)
      tpu.yield
    }) : () -> ()
    %add3A_13 = arith.constant 320 : i32
    %add3A_14 = arith.addi %mul3A_0, %add3A_13 : i32
    "tpu.region"() ({
      %run_scoped3A_264 = tpu.sem_alloc : memref<!tpu.dma_semaphore, #tpu.memory_space<semaphore_mem>>
      %dma_start3A_265 = arith.constant 0 : i32
      %dma_start3A_266 = tpu.memref_slice %arg15[%add3A_14, %dma_start3A_265] : memref<10240x128xf32, #tpu.memory_space<vmem_shared>> -> memref<80x128xf32, #tpu.memory_space<vmem_shared>>
      %dma_start3A_267 = arith.constant 0 : i32
      %dma_start3A_268 = tpu.memref_slice %arg15[%add3A_14, %dma_start3A_267] : memref<10240x128xf32, #tpu.memory_space<vmem_shared>> -> memref<80x128xf32, #tpu.memory_space<vmem_shared>>
      tpu.enqueue_dma source(%arg9 : memref<80x128xf32, #tpu.memory_space<vmem>>) target(%dma_start3A_268 : memref<80x128xf32, #tpu.memory_space<vmem_shared>>) target_semaphore(%run_scoped3A_264 : memref<!tpu.dma_semaphore, #tpu.memory_space<semaphore_mem>>)
      %dma_wait3A_269 = arith.constant 0 : i32
      %dma_wait3A_270 = tpu.memref_slice %arg15[%add3A_14, %dma_wait3A_269] : memref<10240x128xf32, #tpu.memory_space<vmem_shared>> -> memref<80x128xf32, #tpu.memory_space<vmem_shared>>
      %dma_wait3A_271 = arith.constant 0 : i32
      %dma_wait3A_272 = tpu.memref_slice %arg15[%add3A_14, %dma_wait3A_271] : memref<10240x128xf32, #tpu.memory_space<vmem_shared>> -> memref<80x128xf32, #tpu.memory_space<vmem_shared>>
      tpu.wait_dma2 semaphore(%run_scoped3A_264 : memref<!tpu.dma_semaphore, #tpu.memory_space<semaphore_mem>>) src(%arg9 : memref<80x128xf32, #tpu.memory_space<vmem>>) dst(%dma_wait3A_272 : memref<80x128xf32, #tpu.memory_space<vmem_shared>>)
      tpu.yield
    }) : () -> ()
    %add3A_15 = arith.constant 400 : i32
    %add3A_16 = arith.addi %mul3A_0, %add3A_15 : i32
    "tpu.region"() ({
      %run_scoped3A_264 = tpu.sem_alloc : memref<!tpu.dma_semaphore, #tpu.memory_space<semaphore_mem>>
      %dma_start3A_265 = arith.constant 0 : i32
      %dma_start3A_266 = tpu.memref_slice %arg15[%add3A_16, %dma_start3A_265] : memref<10240x128xf32, #tpu.memory_space<vmem_shared>> -> memref<80x128xf32, #tpu.memory_space<vmem_shared>>
      %dma_start3A_267 = arith.constant 0 : i32
      %dma_start3A_268 = tpu.memref_slice %arg15[%add3A_16, %dma_start3A_267] : memref<10240x128xf32, #tpu.memory_space<vmem_shared>> -> memref<80x128xf32, #tpu.memory_space<vmem_shared>>
      tpu.enqueue_dma source(%arg9 : memref<80x128xf32, #tpu.memory_space<vmem>>) target(%dma_start3A_268 : memref<80x128xf32, #tpu.memory_space<vmem_shared>>) target_semaphore(%run_scoped3A_264 : memref<!tpu.dma_semaphore, #tpu.memory_space<semaphore_mem>>)
      %dma_wait3A_269 = arith.constant 0 : i32
      %dma_wait3A_270 = tpu.memref_slice %arg15[%add3A_16, %dma_wait3A_269] : memref<10240x128xf32, #tpu.memory_space<vmem_shared>> -> memref<80x128xf32, #tpu.memory_space<vmem_shared>>
      %dma_wait3A_271 = arith.constant 0 : i32
      %dma_wait3A_272 = tpu.memref_slice %arg15[%add3A_16, %dma_wait3A_271] : memref<10240x128xf32, #tpu.memory_space<vmem_shared>> -> memref<80x128xf32, #tpu.memory_space<vmem_shared>>
      tpu.wait_dma2 semaphore(%run_scoped3A_264 : memref<!tpu.dma_semaphore, #tpu.memory_space<semaphore_mem>>) src(%arg9 : memref<80x128xf32, #tpu.memory_space<vmem>>) dst(%dma_wait3A_272 : memref<80x128xf32, #tpu.memory_space<vmem_shared>>)
      tpu.yield
    }) : () -> ()
    %add3A_17 = arith.constant 480 : i32
    %add3A_18 = arith.addi %mul3A_0, %add3A_17 : i32
    "tpu.region"() ({
      %run_scoped3A_264 = tpu.sem_alloc : memref<!tpu.dma_semaphore, #tpu.memory_space<semaphore_mem>>
      %dma_start3A_265 = arith.constant 0 : i32
      %dma_start3A_266 = tpu.memref_slice %arg15[%add3A_18, %dma_start3A_265] : memref<10240x128xf32, #tpu.memory_space<vmem_shared>> -> memref<80x128xf32, #tpu.memory_space<vmem_shared>>
      %dma_start3A_267 = arith.constant 0 : i32
      %dma_start3A_268 = tpu.memref_slice %arg15[%add3A_18, %dma_start3A_267] : memref<10240x128xf32, #tpu.memory_space<vmem_shared>> -> memref<80x128xf32, #tpu.memory_space<vmem_shared>>
      tpu.enqueue_dma source(%arg9 : memref<80x128xf32, #tpu.memory_space<vmem>>) target(%dma_start3A_268 : memref<80x128xf32, #tpu.memory_space<vmem_shared>>) target_semaphore(%run_scoped3A_264 : memref<!tpu.dma_semaphore, #tpu.memory_space<semaphore_mem>>)
      %dma_wait3A_269 = arith.constant 0 : i32
      %dma_wait3A_270 = tpu.memref_slice %arg15[%add3A_18, %dma_wait3A_269] : memref<10240x128xf32, #tpu.memory_space<vmem_shared>> -> memref<80x128xf32, #tpu.memory_space<vmem_shared>>
      %dma_wait3A_271 = arith.constant 0 : i32
      %dma_wait3A_272 = tpu.memref_slice %arg15[%add3A_18, %dma_wait3A_271] : memref<10240x128xf32, #tpu.memory_space<vmem_shared>> -> memref<80x128xf32, #tpu.memory_space<vmem_shared>>
      tpu.wait_dma2 semaphore(%run_scoped3A_264 : memref<!tpu.dma_semaphore, #tpu.memory_space<semaphore_mem>>) src(%arg9 : memref<80x128xf32, #tpu.memory_space<vmem>>) dst(%dma_wait3A_272 : memref<80x128xf32, #tpu.memory_space<vmem_shared>>)
      tpu.yield
    }) : () -> ()
    %add3A_19 = arith.constant 560 : i32
    %add3A_20 = arith.addi %mul3A_0, %add3A_19 : i32
    "tpu.region"() ({
      %run_scoped3A_264 = tpu.sem_alloc : memref<!tpu.dma_semaphore, #tpu.memory_space<semaphore_mem>>
      %dma_start3A_265 = arith.constant 0 : i32
      %dma_start3A_266 = tpu.memref_slice %arg15[%add3A_20, %dma_start3A_265] : memref<10240x128xf32, #tpu.memory_space<vmem_shared>> -> memref<80x128xf32, #tpu.memory_space<vmem_shared>>
      %dma_start3A_267 = arith.constant 0 : i32
      %dma_start3A_268 = tpu.memref_slice %arg15[%add3A_20, %dma_start3A_267] : memref<10240x128xf32, #tpu.memory_space<vmem_shared>> -> memref<80x128xf32, #tpu.memory_space<vmem_shared>>
      tpu.enqueue_dma source(%arg9 : memref<80x128xf32, #tpu.memory_space<vmem>>) target(%dma_start3A_268 : memref<80x128xf32, #tpu.memory_space<vmem_shared>>) target_semaphore(%run_scoped3A_264 : memref<!tpu.dma_semaphore, #tpu.memory_space<semaphore_mem>>)
      %dma_wait3A_269 = arith.constant 0 : i32
      %dma_wait3A_270 = tpu.memref_slice %arg15[%add3A_20, %dma_wait3A_269] : memref<10240x128xf32, #tpu.memory_space<vmem_shared>> -> memref<80x128xf32, #tpu.memory_space<vmem_shared>>
      %dma_wait3A_271 = arith.constant 0 : i32
      %dma_wait3A_272 = tpu.memref_slice %arg15[%add3A_20, %dma_wait3A_271] : memref<10240x128xf32, #tpu.memory_space<vmem_shared>> -> memref<80x128xf32, #tpu.memory_space<vmem_shared>>
      tpu.wait_dma2 semaphore(%run_scoped3A_264 : memref<!tpu.dma_semaphore, #tpu.memory_space<semaphore_mem>>) src(%arg9 : memref<80x128xf32, #tpu.memory_space<vmem>>) dst(%dma_wait3A_272 : memref<80x128xf32, #tpu.memory_space<vmem_shared>>)
      tpu.yield
    }) : () -> ()
    %barrier3A = arith.constant 0 : index
    tpu.barrier barrier_id(%barrier3A)
    %scan3A_21 = arith.constant 0 : i32
    %scan3A_22 = arith.constant 0 : i32
    %scan3A_23 = arith.constant 80 : i32
    %scan3A_24 = arith.addi %scan3A_22, %scan3A_23 : i32
    %scan3A_25 = arith.constant 1 : i32
    scf.for %scan3A_264 = %scan3A_22 to %scan3A_24 step %scan3A_25  : i32 {
      %broadcast_in_dim3A = arith.constant 1.000000e+00 : f32
      %broadcast_in_dim3A_265 = vector.broadcast %broadcast_in_dim3A : f32 to vector<16xf32>
      %swap3A = arith.index_cast %scan3A_264 : i32 to index
      %swap3A_266 = arith.constant 0 : index
      %swap3A_267 = tpu.vector_load %arg9[%swap3A, %swap3A_266] {strides = array<i32>} : memref<80x128xf32, #tpu.memory_space<vmem>>, vector<1x16xf32>,
      %swap3A_268 = vector.shape_cast %swap3A_267 : vector<1x16xf32> to vector<16xf32>
      %swap3A_269 = vector.shape_cast %broadcast_in_dim3A_265 : vector<16xf32> to vector<1x16xf32>
      tpu.vector_store %arg9[%swap3A, %swap3A_266], %swap3A_269 {strides = array<i32>} : memref<80x128xf32, #tpu.memory_space<vmem>>, vector<1x16xf32>,
      %broadcast_in_dim3A_270 = arith.constant 1.000000e+00 : f32
      %broadcast_in_dim3A_271 = vector.broadcast %broadcast_in_dim3A_270 : f32 to vector<16xf32>
      %swap3A_272 = arith.index_cast %scan3A_264 : i32 to index
      %swap3A_273 = arith.constant 16 : index
      %swap3A_274 = tpu.vector_load %arg9[%swap3A_272, %swap3A_273] {strides = array<i32>} : memref<80x128xf32, #tpu.memory_space<vmem>>, vector<1x16xf32>,
      %swap3A_275 = vector.shape_cast %swap3A_274 : vector<1x16xf32> to vector<16xf32>
      %swap3A_276 = vector.shape_cast %broadcast_in_dim3A_271 : vector<16xf32> to vector<1x16xf32>
      tpu.vector_store %arg9[%swap3A_272, %swap3A_273], %swap3A_276 {strides = array<i32>} : memref<80x128xf32, #tpu.memory_space<vmem>>, vector<1x16xf32>,
      %broadcast_in_dim3A_277 = arith.constant 1.000000e+00 : f32
      %broadcast_in_dim3A_278 = vector.broadcast %broadcast_in_dim3A_277 : f32 to vector<16xf32>
      %swap3A_279 = arith.index_cast %scan3A_264 : i32 to index
      %swap3A_280 = arith.constant 32 : index
      %swap3A_281 = tpu.vector_load %arg9[%swap3A_279, %swap3A_280] {strides = array<i32>} : memref<80x128xf32, #tpu.memory_space<vmem>>, vector<1x16xf32>,
      %swap3A_282 = vector.shape_cast %swap3A_281 : vector<1x16xf32> to vector<16xf32>
      %swap3A_283 = vector.shape_cast %broadcast_in_dim3A_278 : vector<16xf32> to vector<1x16xf32>
      tpu.vector_store %arg9[%swap3A_279, %swap3A_280], %swap3A_283 {strides = array<i32>} : memref<80x128xf32, #tpu.memory_space<vmem>>, vector<1x16xf32>,
      %broadcast_in_dim3A_284 = arith.constant 1.000000e+00 : f32
      %broadcast_in_dim3A_285 = vector.broadcast %broadcast_in_dim3A_284 : f32 to vector<16xf32>
      %swap3A_286 = arith.index_cast %scan3A_264 : i32 to index
      %swap3A_287 = arith.constant 48 : index
      %swap3A_288 = tpu.vector_load %arg9[%swap3A_286, %swap3A_287] {strides = array<i32>} : memref<80x128xf32, #tpu.memory_space<vmem>>, vector<1x16xf32>,
      %swap3A_289 = vector.shape_cast %swap3A_288 : vector<1x16xf32> to vector<16xf32>
      %swap3A_290 = vector.shape_cast %broadcast_in_dim3A_285 : vector<16xf32> to vector<1x16xf32>
      tpu.vector_store %arg9[%swap3A_286, %swap3A_287], %swap3A_290 {strides = array<i32>} : memref<80x128xf32, #tpu.memory_space<vmem>>, vector<1x16xf32>,
      %broadcast_in_dim3A_291 = arith.constant 1.000000e+00 : f32
      %broadcast_in_dim3A_292 = vector.broadcast %broadcast_in_dim3A_291 : f32 to vector<16xf32>
      %swap3A_293 = arith.index_cast %scan3A_264 : i32 to index
      %swap3A_294 = arith.constant 64 : index
      %swap3A_295 = tpu.vector_load %arg9[%swap3A_293, %swap3A_294] {strides = array<i32>} : memref<80x128xf32, #tpu.memory_space<vmem>>, vector<1x16xf32>,
      %swap3A_296 = vector.shape_cast %swap3A_295 : vector<1x16xf32> to vector<16xf32>
      %swap3A_297 = vector.shape_cast %broadcast_in_dim3A_292 : vector<16xf32> to vector<1x16xf32>
      tpu.vector_store %arg9[%swap3A_293, %swap3A_294], %swap3A_297 {strides = array<i32>} : memref<80x128xf32, #tpu.memory_space<vmem>>, vector<1x16xf32>,
      %broadcast_in_dim3A_298 = arith.constant 1.000000e+00 : f32
      %broadcast_in_dim3A_299 = vector.broadcast %broadcast_in_dim3A_298 : f32 to vector<16xf32>
      %swap3A_300 = arith.index_cast %scan3A_264 : i32 to index
      %swap3A_301 = arith.constant 80 : index
      %swap3A_302 = tpu.vector_load %arg9[%swap3A_300, %swap3A_301] {strides = array<i32>} : memref<80x128xf32, #tpu.memory_space<vmem>>, vector<1x16xf32>,
      %swap3A_303 = vector.shape_cast %swap3A_302 : vector<1x16xf32> to vector<16xf32>
      %swap3A_304 = vector.shape_cast %broadcast_in_dim3A_299 : vector<16xf32> to vector<1x16xf32>
      tpu.vector_store %arg9[%swap3A_300, %swap3A_301], %swap3A_304 {strides = array<i32>} : memref<80x128xf32, #tpu.memory_space<vmem>>, vector<1x16xf32>,
      %broadcast_in_dim3A_305 = arith.constant 1.000000e+00 : f32
      %broadcast_in_dim3A_306 = vector.broadcast %broadcast_in_dim3A_305 : f32 to vector<16xf32>
      %swap3A_307 = arith.index_cast %scan3A_264 : i32 to index
      %swap3A_308 = arith.constant 96 : index
      %swap3A_309 = tpu.vector_load %arg9[%swap3A_307, %swap3A_308] {strides = array<i32>} : memref<80x128xf32, #tpu.memory_space<vmem>>, vector<1x16xf32>,
      %swap3A_310 = vector.shape_cast %swap3A_309 : vector<1x16xf32> to vector<16xf32>
      %swap3A_311 = vector.shape_cast %broadcast_in_dim3A_306 : vector<16xf32> to vector<1x16xf32>
      tpu.vector_store %arg9[%swap3A_307, %swap3A_308], %swap3A_311 {strides = array<i32>} : memref<80x128xf32, #tpu.memory_space<vmem>>, vector<1x16xf32>,
      %broadcast_in_dim3A_312 = arith.constant 1.000000e+00 : f32
      %broadcast_in_dim3A_313 = vector.broadcast %broadcast_in_dim3A_312 : f32 to vector<16xf32>
      %swap3A_314 = arith.index_cast %scan3A_264 : i32 to index
      %swap3A_315 = arith.constant 112 : index
      %swap3A_316 = tpu.vector_load %arg9[%swap3A_314, %swap3A_315] {strides = array<i32>} : memref<80x128xf32, #tpu.memory_space<vmem>>, vector<1x16xf32>,
      %swap3A_317 = vector.shape_cast %swap3A_316 : vector<1x16xf32> to vector<16xf32>
      %swap3A_318 = vector.shape_cast %broadcast_in_dim3A_313 : vector<16xf32> to vector<1x16xf32>
      tpu.vector_store %arg9[%swap3A_314, %swap3A_315], %swap3A_318 {strides = array<i32>} : memref<80x128xf32, #tpu.memory_space<vmem>>, vector<1x16xf32>,
    }
    %scan3A_26 = arith.constant 80 : i32
    %run_scoped3A = arith.constant 0 : i32
    "tpu.region"() ({
      %run_scoped3A_264 = tpu.sem_alloc : memref<!tpu.dma_semaphore, #tpu.memory_space<semaphore_mem>>
      %dma_start3A_265 = arith.constant 0 : i32
      %dma_start3A_266 = arith.constant 0 : i32
      %dma_start3A_267 = tpu.memref_slice %arg3[%arg0, %arg1, %run_scoped3A, %dma_start3A_265, %dma_start3A_266] : memref<2x16x5x25x80xi32, #tpu.memory_space<hbm>> -> memref<1x1x1x25x80xi32, #tpu.memory_space<hbm>>
      %dma_start3A_268 = tpu.memref_squeeze %dma_start3A_267 : memref<1x1x1x25x80xi32, #tpu.memory_space<hbm>> -> memref<25x80xi32, #tpu.memory_space<hbm>>
      %dma_start3A_269 = arith.constant 0 : i32
      %dma_start3A_270 = arith.constant 0 : i32
      %dma_start3A_271 = tpu.memref_slice %arg3[%arg0, %arg1, %run_scoped3A, %dma_start3A_269, %dma_start3A_270] : memref<2x16x5x25x80xi32, #tpu.memory_space<hbm>> -> memref<1x1x1x25x80xi32, #tpu.memory_space<hbm>>
      %dma_start3A_272 = tpu.memref_squeeze %dma_start3A_271 : memref<1x1x1x25x80xi32, #tpu.memory_space<hbm>> -> memref<25x80xi32, #tpu.memory_space<hbm>>
      tpu.enqueue_dma source(%dma_start3A_272 : memref<25x80xi32, #tpu.memory_space<hbm>>) target(%arg8 : memref<25x80xi32, #tpu.memory_space<vmem>>) target_semaphore(%run_scoped3A_264 : memref<!tpu.dma_semaphore, #tpu.memory_space<semaphore_mem>>)
      %dma_wait3A_273 = arith.constant 0 : i32
      %dma_wait3A_274 = arith.constant 0 : i32
      %dma_wait3A_275 = tpu.memref_slice %arg3[%arg0, %arg1, %run_scoped3A, %dma_wait3A_273, %dma_wait3A_274] : memref<2x16x5x25x80xi32, #tpu.memory_space<hbm>> -> memref<1x1x1x25x80xi32, #tpu.memory_space<hbm>>
      %dma_wait3A_276 = tpu.memref_squeeze %dma_wait3A_275 : memref<1x1x1x25x80xi32, #tpu.memory_space<hbm>> -> memref<25x80xi32, #tpu.memory_space<hbm>>
      %dma_wait3A_277 = arith.constant 0 : i32
      %dma_wait3A_278 = arith.constant 0 : i32
      %dma_wait3A_279 = tpu.memref_slice %arg3[%arg0, %arg1, %run_scoped3A, %dma_wait3A_277, %dma_wait3A_278] : memref<2x16x5x25x80xi32, #tpu.memory_space<hbm>> -> memref<1x1x1x25x80xi32, #tpu.memory_space<hbm>>
      %dma_wait3A_280 = tpu.memref_squeeze %dma_wait3A_279 : memref<1x1x1x25x80xi32, #tpu.memory_space<hbm>> -> memref<25x80xi32, #tpu.memory_space<hbm>>
      tpu.wait_dma2 semaphore(%run_scoped3A_264 : memref<!tpu.dma_semaphore, #tpu.memory_space<semaphore_mem>>) src(%dma_wait3A_280 : memref<25x80xi32, #tpu.memory_space<hbm>>) dst(%arg8 : memref<25x80xi32, #tpu.memory_space<vmem>>)
      tpu.yield
    }) : () -> ()
    %scan3A_27 = arith.constant 0 : i32
    %scan3A_28 = arith.constant 0 : i32
    %scan3A_29 = arith.constant 25 : i32
    %scan3A_30 = arith.addi %scan3A_28, %scan3A_29 : i32
    %scan3A_31 = arith.constant 1 : i32
    scf.for %scan3A_264 = %scan3A_28 to %scan3A_30 step %scan3A_31  : i32 {
      %dma_start3A_265 = arith.constant 0 : i32
      %dma_start3A_266 = tpu.memref_slice %arg8[%scan3A_264, %dma_start3A_265] : memref<25x80xi32, #tpu.memory_space<vmem>> -> memref<1x80xi32, #tpu.memory_space<vmem>>
      %dma_start3A_267 = tpu.memref_squeeze %dma_start3A_266 : memref<1x80xi32, #tpu.memory_space<vmem>> -> memref<80xi32, #tpu.memory_space<vmem>>
      %dma_start3A_268 = arith.constant 0 : i32
      %dma_start3A_269 = arith.constant 0 : i32
      %dma_start3A_270 = tpu.memref_slice %arg15[%dma_start3A_268, %dma_start3A_269] : memref<10240x128xf32, #tpu.memory_space<vmem_shared>> -> memref<10240x128xf32, #tpu.memory_space<vmem_shared>>
      tpu.enqueue_indirect_dma source(%arg9 : memref<80x128xf32, #tpu.memory_space<vmem>>) target(%dma_start3A_270 : memref<10240x128xf32, #tpu.memory_space<vmem_shared>>) offsets(%dma_start3A_267 : memref<80xi32, #tpu.memory_space<vmem>>) semaphore(%arg13 : memref<!tpu.dma_semaphore, #tpu.memory_space<semaphore_mem>>) {add = true}
    }
    %scan3A_32 = arith.constant 25 : i32
    %scan3A_33 = arith.constant 0 : i32
    %scan3A_34 = arith.constant 0 : i32
    %scan3A_35 = arith.constant 25 : i32
    %scan3A_36 = arith.addi %scan3A_34, %scan3A_35 : i32
    %scan3A_37 = arith.constant 1 : i32
    scf.for %scan3A_264 = %scan3A_34 to %scan3A_36 step %scan3A_37  : i32 {
      %dma_wait3A_265 = arith.constant 0 : i32
      %dma_wait3A_266 = arith.constant 0 : i32
      %dma_wait3A_267 = tpu.memref_slice %arg8[%dma_wait3A_265, %dma_wait3A_266] : memref<25x80xi32, #tpu.memory_space<vmem>> -> memref<1x80xi32, #tpu.memory_space<vmem>>
      %dma_wait3A_268 = tpu.memref_squeeze %dma_wait3A_267 : memref<1x80xi32, #tpu.memory_space<vmem>> -> memref<80xi32, #tpu.memory_space<vmem>>
      %dma_wait3A_269 = arith.constant 0 : i32
      %dma_wait3A_270 = arith.constant 0 : i32
      %dma_wait3A_271 = tpu.memref_slice %arg15[%dma_wait3A_269, %dma_wait3A_270] : memref<10240x128xf32, #tpu.memory_space<vmem_shared>> -> memref<10240x128xf32, #tpu.memory_space<vmem_shared>>
      tpu.wait_indirect_dma semaphore(%arg13 : memref<!tpu.dma_semaphore, #tpu.memory_space<semaphore_mem>>) src(%arg9 : memref<80x128xf32, #tpu.memory_space<vmem>>) dst(%dma_wait3A_271 : memref<10240x128xf32, #tpu.memory_space<vmem_shared>>)
    }
    %scan3A_38 = arith.constant 25 : i32
    %run_scoped3A_39 = arith.constant 1 : i32
    "tpu.region"() ({
      %run_scoped3A_264 = tpu.sem_alloc : memref<!tpu.dma_semaphore, #tpu.memory_space<semaphore_mem>>
      %dma_start3A_265 = arith.constant 0 : i32
      %dma_start3A_266 = arith.constant 0 : i32
      %dma_start3A_267 = tpu.memref_slice %arg3[%arg0, %arg1, %run_scoped3A_39, %dma_start3A_265, %dma_start3A_266] : memref<2x16x5x25x80xi32, #tpu.memory_space<hbm>> -> memref<1x1x1x25x80xi32, #tpu.memory_space<hbm>>
      %dma_start3A_268 = tpu.memref_squeeze %dma_start3A_267 : memref<1x1x1x25x80xi32, #tpu.memory_space<hbm>> -> memref<25x80xi32, #tpu.memory_space<hbm>>
      %dma_start3A_269 = arith.constant 0 : i32
      %dma_start3A_270 = arith.constant 0 : i32
      %dma_start3A_271 = tpu.memref_slice %arg3[%arg0, %arg1, %run_scoped3A_39, %dma_start3A_269, %dma_start3A_270] : memref<2x16x5x25x80xi32, #tpu.memory_space<hbm>> -> memref<1x1x1x25x80xi32, #tpu.memory_space<hbm>>
      %dma_start3A_272 = tpu.memref_squeeze %dma_start3A_271 : memref<1x1x1x25x80xi32, #tpu.memory_space<hbm>> -> memref<25x80xi32, #tpu.memory_space<hbm>>
      tpu.enqueue_dma source(%dma_start3A_272 : memref<25x80xi32, #tpu.memory_space<hbm>>) target(%arg8 : memref<25x80xi32, #tpu.memory_space<vmem>>) target_semaphore(%run_scoped3A_264 : memref<!tpu.dma_semaphore, #tpu.memory_space<semaphore_mem>>)
      %dma_wait3A_273 = arith.constant 0 : i32
      %dma_wait3A_274 = arith.constant 0 : i32
      %dma_wait3A_275 = tpu.memref_slice %arg3[%arg0, %arg1, %run_scoped3A_39, %dma_wait3A_273, %dma_wait3A_274] : memref<2x16x5x25x80xi32, #tpu.memory_space<hbm>> -> memref<1x1x1x25x80xi32, #tpu.memory_space<hbm>>
      %dma_wait3A_276 = tpu.memref_squeeze %dma_wait3A_275 : memref<1x1x1x25x80xi32, #tpu.memory_space<hbm>> -> memref<25x80xi32, #tpu.memory_space<hbm>>
      %dma_wait3A_277 = arith.constant 0 : i32
      %dma_wait3A_278 = arith.constant 0 : i32
      %dma_wait3A_279 = tpu.memref_slice %arg3[%arg0, %arg1, %run_scoped3A_39, %dma_wait3A_277, %dma_wait3A_278] : memref<2x16x5x25x80xi32, #tpu.memory_space<hbm>> -> memref<1x1x1x25x80xi32, #tpu.memory_space<hbm>>
      %dma_wait3A_280 = tpu.memref_squeeze %dma_wait3A_279 : memref<1x1x1x25x80xi32, #tpu.memory_space<hbm>> -> memref<25x80xi32, #tpu.memory_space<hbm>>
      tpu.wait_dma2 semaphore(%run_scoped3A_264 : memref<!tpu.dma_semaphore, #tpu.memory_space<semaphore_mem>>) src(%dma_wait3A_280 : memref<25x80xi32, #tpu.memory_space<hbm>>) dst(%arg8 : memref<25x80xi32, #tpu.memory_space<vmem>>)
      tpu.yield
    }) : () -> ()
    %scan3A_40 = arith.constant 0 : i32
    %scan3A_41 = arith.constant 0 : i32
    %scan3A_42 = arith.constant 25 : i32
    %scan3A_43 = arith.addi %scan3A_41, %scan3A_42 : i32
    %scan3A_44 = arith.constant 1 : i32
    scf.for %scan3A_264 = %scan3A_41 to %scan3A_43 step %scan3A_44  : i32 {
      %dma_start3A_265 = arith.constant 0 : i32
      %dma_start3A_266 = tpu.memref_slice %arg8[%scan3A_264, %dma_start3A_265] : memref<25x80xi32, #tpu.memory_space<vmem>> -> memref<1x80xi32, #tpu.memory_space<vmem>>
      %dma_start3A_267 = tpu.memref_squeeze %dma_start3A_266 : memref<1x80xi32, #tpu.memory_space<vmem>> -> memref<80xi32, #tpu.memory_space<vmem>>
      %dma_start3A_268 = arith.constant 0 : i32
      %dma_start3A_269 = arith.constant 0 : i32
      %dma_start3A_270 = tpu.memref_slice %arg15[%dma_start3A_268, %dma_start3A_269] : memref<10240x128xf32, #tpu.memory_space<vmem_shared>> -> memref<10240x128xf32, #tpu.memory_space<vmem_shared>>
      tpu.enqueue_indirect_dma source(%arg9 : memref<80x128xf32, #tpu.memory_space<vmem>>) target(%dma_start3A_270 : memref<10240x128xf32, #tpu.memory_space<vmem_shared>>) offsets(%dma_start3A_267 : memref<80xi32, #tpu.memory_space<vmem>>) semaphore(%arg13 : memref<!tpu.dma_semaphore, #tpu.memory_space<semaphore_mem>>) {add = true}
    }
    %scan3A_45 = arith.constant 25 : i32
    %scan3A_46 = arith.constant 0 : i32
    %scan3A_47 = arith.constant 0 : i32
    %scan3A_48 = arith.constant 25 : i32
    %scan3A_49 = arith.addi %scan3A_47, %scan3A_48 : i32
    %scan3A_50 = arith.constant 1 : i32
    scf.for %scan3A_264 = %scan3A_47 to %scan3A_49 step %scan3A_50  : i32 {
      %dma_wait3A_265 = arith.constant 0 : i32
      %dma_wait3A_266 = arith.constant 0 : i32
      %dma_wait3A_267 = tpu.memref_slice %arg8[%dma_wait3A_265, %dma_wait3A_266] : memref<25x80xi32, #tpu.memory_space<vmem>> -> memref<1x80xi32, #tpu.memory_space<vmem>>
      %dma_wait3A_268 = tpu.memref_squeeze %dma_wait3A_267 : memref<1x80xi32, #tpu.memory_space<vmem>> -> memref<80xi32, #tpu.memory_space<vmem>>
      %dma_wait3A_269 = arith.constant 0 : i32
      %dma_wait3A_270 = arith.constant 0 : i32
      %dma_wait3A_271 = tpu.memref_slice %arg15[%dma_wait3A_269, %dma_wait3A_270] : memref<10240x128xf32, #tpu.memory_space<vmem_shared>> -> memref<10240x128xf32, #tpu.memory_space<vmem_shared>>
      tpu.wait_indirect_dma semaphore(%arg13 : memref<!tpu.dma_semaphore, #tpu.memory_space<semaphore_mem>>) src(%arg9 : memref<80x128xf32, #tpu.memory_space<vmem>>) dst(%dma_wait3A_271 : memref<10240x128xf32, #tpu.memory_space<vmem_shared>>)
    }
    %scan3A_51 = arith.constant 25 : i32
    %run_scoped3A_52 = arith.constant 2 : i32
    "tpu.region"() ({
      %run_scoped3A_264 = tpu.sem_alloc : memref<!tpu.dma_semaphore, #tpu.memory_space<semaphore_mem>>
      %dma_start3A_265 = arith.constant 0 : i32
      %dma_start3A_266 = arith.constant 0 : i32
      %dma_start3A_267 = tpu.memref_slice %arg3[%arg0, %arg1, %run_scoped3A_52, %dma_start3A_265, %dma_start3A_266] : memref<2x16x5x25x80xi32, #tpu.memory_space<hbm>> -> memref<1x1x1x25x80xi32, #tpu.memory_space<hbm>>
      %dma_start3A_268 = tpu.memref_squeeze %dma_start3A_267 : memref<1x1x1x25x80xi32, #tpu.memory_space<hbm>> -> memref<25x80xi32, #tpu.memory_space<hbm>>
      %dma_start3A_269 = arith.constant 0 : i32
      %dma_start3A_270 = arith.constant 0 : i32
      %dma_start3A_271 = tpu.memref_slice %arg3[%arg0, %arg1, %run_scoped3A_52, %dma_start3A_269, %dma_start3A_270] : memref<2x16x5x25x80xi32, #tpu.memory_space<hbm>> -> memref<1x1x1x25x80xi32, #tpu.memory_space<hbm>>
      %dma_start3A_272 = tpu.memref_squeeze %dma_start3A_271 : memref<1x1x1x25x80xi32, #tpu.memory_space<hbm>> -> memref<25x80xi32, #tpu.memory_space<hbm>>
      tpu.enqueue_dma source(%dma_start3A_272 : memref<25x80xi32, #tpu.memory_space<hbm>>) target(%arg8 : memref<25x80xi32, #tpu.memory_space<vmem>>) target_semaphore(%run_scoped3A_264 : memref<!tpu.dma_semaphore, #tpu.memory_space<semaphore_mem>>)
      %dma_wait3A_273 = arith.constant 0 : i32
      %dma_wait3A_274 = arith.constant 0 : i32
      %dma_wait3A_275 = tpu.memref_slice %arg3[%arg0, %arg1, %run_scoped3A_52, %dma_wait3A_273, %dma_wait3A_274] : memref<2x16x5x25x80xi32, #tpu.memory_space<hbm>> -> memref<1x1x1x25x80xi32, #tpu.memory_space<hbm>>
      %dma_wait3A_276 = tpu.memref_squeeze %dma_wait3A_275 : memref<1x1x1x25x80xi32, #tpu.memory_space<hbm>> -> memref<25x80xi32, #tpu.memory_space<hbm>>
      %dma_wait3A_277 = arith.constant 0 : i32
      %dma_wait3A_278 = arith.constant 0 : i32
      %dma_wait3A_279 = tpu.memref_slice %arg3[%arg0, %arg1, %run_scoped3A_52, %dma_wait3A_277, %dma_wait3A_278] : memref<2x16x5x25x80xi32, #tpu.memory_space<hbm>> -> memref<1x1x1x25x80xi32, #tpu.memory_space<hbm>>
      %dma_wait3A_280 = tpu.memref_squeeze %dma_wait3A_279 : memref<1x1x1x25x80xi32, #tpu.memory_space<hbm>> -> memref<25x80xi32, #tpu.memory_space<hbm>>
      tpu.wait_dma2 semaphore(%run_scoped3A_264 : memref<!tpu.dma_semaphore, #tpu.memory_space<semaphore_mem>>) src(%dma_wait3A_280 : memref<25x80xi32, #tpu.memory_space<hbm>>) dst(%arg8 : memref<25x80xi32, #tpu.memory_space<vmem>>)
      tpu.yield
    }) : () -> ()
    %scan3A_53 = arith.constant 0 : i32
    %scan3A_54 = arith.constant 0 : i32
    %scan3A_55 = arith.constant 25 : i32
    %scan3A_56 = arith.addi %scan3A_54, %scan3A_55 : i32
    %scan3A_57 = arith.constant 1 : i32
    scf.for %scan3A_264 = %scan3A_54 to %scan3A_56 step %scan3A_57  : i32 {
      %dma_start3A_265 = arith.constant 0 : i32
      %dma_start3A_266 = tpu.memref_slice %arg8[%scan3A_264, %dma_start3A_265] : memref<25x80xi32, #tpu.memory_space<vmem>> -> memref<1x80xi32, #tpu.memory_space<vmem>>
      %dma_start3A_267 = tpu.memref_squeeze %dma_start3A_266 : memref<1x80xi32, #tpu.memory_space<vmem>> -> memref<80xi32, #tpu.memory_space<vmem>>
      %dma_start3A_268 = arith.constant 0 : i32
      %dma_start3A_269 = arith.constant 0 : i32
      %dma_start3A_270 = tpu.memref_slice %arg15[%dma_start3A_268, %dma_start3A_269] : memref<10240x128xf32, #tpu.memory_space<vmem_shared>> -> memref<10240x128xf32, #tpu.memory_space<vmem_shared>>
      tpu.enqueue_indirect_dma source(%arg9 : memref<80x128xf32, #tpu.memory_space<vmem>>) target(%dma_start3A_270 : memref<10240x128xf32, #tpu.memory_space<vmem_shared>>) offsets(%dma_start3A_267 : memref<80xi32, #tpu.memory_space<vmem>>) semaphore(%arg13 : memref<!tpu.dma_semaphore, #tpu.memory_space<semaphore_mem>>) {add = true}
    }
    %scan3A_58 = arith.constant 25 : i32
    %scan3A_59 = arith.constant 0 : i32
    %scan3A_60 = arith.constant 0 : i32
    %scan3A_61 = arith.constant 25 : i32
    %scan3A_62 = arith.addi %scan3A_60, %scan3A_61 : i32
    %scan3A_63 = arith.constant 1 : i32
    scf.for %scan3A_264 = %scan3A_60 to %scan3A_62 step %scan3A_63  : i32 {
      %dma_wait3A_265 = arith.constant 0 : i32
      %dma_wait3A_266 = arith.constant 0 : i32
      %dma_wait3A_267 = tpu.memref_slice %arg8[%dma_wait3A_265, %dma_wait3A_266] : memref<25x80xi32, #tpu.memory_space<vmem>> -> memref<1x80xi32, #tpu.memory_space<vmem>>
      %dma_wait3A_268 = tpu.memref_squeeze %dma_wait3A_267 : memref<1x80xi32, #tpu.memory_space<vmem>> -> memref<80xi32, #tpu.memory_space<vmem>>
      %dma_wait3A_269 = arith.constant 0 : i32
      %dma_wait3A_270 = arith.constant 0 : i32
      %dma_wait3A_271 = tpu.memref_slice %arg15[%dma_wait3A_269, %dma_wait3A_270] : memref<10240x128xf32, #tpu.memory_space<vmem_shared>> -> memref<10240x128xf32, #tpu.memory_space<vmem_shared>>
      tpu.wait_indirect_dma semaphore(%arg13 : memref<!tpu.dma_semaphore, #tpu.memory_space<semaphore_mem>>) src(%arg9 : memref<80x128xf32, #tpu.memory_space<vmem>>) dst(%dma_wait3A_271 : memref<10240x128xf32, #tpu.memory_space<vmem_shared>>)
    }
    %scan3A_64 = arith.constant 25 : i32
    %run_scoped3A_65 = arith.constant 3 : i32
    "tpu.region"() ({
      %run_scoped3A_264 = tpu.sem_alloc : memref<!tpu.dma_semaphore, #tpu.memory_space<semaphore_mem>>
      %dma_start3A_265 = arith.constant 0 : i32
      %dma_start3A_266 = arith.constant 0 : i32
      %dma_start3A_267 = tpu.memref_slice %arg3[%arg0, %arg1, %run_scoped3A_65, %dma_start3A_265, %dma_start3A_266] : memref<2x16x5x25x80xi32, #tpu.memory_space<hbm>> -> memref<1x1x1x25x80xi32, #tpu.memory_space<hbm>>
      %dma_start3A_268 = tpu.memref_squeeze %dma_start3A_267 : memref<1x1x1x25x80xi32, #tpu.memory_space<hbm>> -> memref<25x80xi32, #tpu.memory_space<hbm>>
      %dma_start3A_269 = arith.constant 0 : i32
      %dma_start3A_270 = arith.constant 0 : i32
      %dma_start3A_271 = tpu.memref_slice %arg3[%arg0, %arg1, %run_scoped3A_65, %dma_start3A_269, %dma_start3A_270] : memref<2x16x5x25x80xi32, #tpu.memory_space<hbm>> -> memref<1x1x1x25x80xi32, #tpu.memory_space<hbm>>
      %dma_start3A_272 = tpu.memref_squeeze %dma_start3A_271 : memref<1x1x1x25x80xi32, #tpu.memory_space<hbm>> -> memref<25x80xi32, #tpu.memory_space<hbm>>
      tpu.enqueue_dma source(%dma_start3A_272 : memref<25x80xi32, #tpu.memory_space<hbm>>) target(%arg8 : memref<25x80xi32, #tpu.memory_space<vmem>>) target_semaphore(%run_scoped3A_264 : memref<!tpu.dma_semaphore, #tpu.memory_space<semaphore_mem>>)
      %dma_wait3A_273 = arith.constant 0 : i32
      %dma_wait3A_274 = arith.constant 0 : i32
      %dma_wait3A_275 = tpu.memref_slice %arg3[%arg0, %arg1, %run_scoped3A_65, %dma_wait3A_273, %dma_wait3A_274] : memref<2x16x5x25x80xi32, #tpu.memory_space<hbm>> -> memref<1x1x1x25x80xi32, #tpu.memory_space<hbm>>
      %dma_wait3A_276 = tpu.memref_squeeze %dma_wait3A_275 : memref<1x1x1x25x80xi32, #tpu.memory_space<hbm>> -> memref<25x80xi32, #tpu.memory_space<hbm>>
      %dma_wait3A_277 = arith.constant 0 : i32
      %dma_wait3A_278 = arith.constant 0 : i32
      %dma_wait3A_279 = tpu.memref_slice %arg3[%arg0, %arg1, %run_scoped3A_65, %dma_wait3A_277, %dma_wait3A_278] : memref<2x16x5x25x80xi32, #tpu.memory_space<hbm>> -> memref<1x1x1x25x80xi32, #tpu.memory_space<hbm>>
      %dma_wait3A_280 = tpu.memref_squeeze %dma_wait3A_279 : memref<1x1x1x25x80xi32, #tpu.memory_space<hbm>> -> memref<25x80xi32, #tpu.memory_space<hbm>>
      tpu.wait_dma2 semaphore(%run_scoped3A_264 : memref<!tpu.dma_semaphore, #tpu.memory_space<semaphore_mem>>) src(%dma_wait3A_280 : memref<25x80xi32, #tpu.memory_space<hbm>>) dst(%arg8 : memref<25x80xi32, #tpu.memory_space<vmem>>)
      tpu.yield
    }) : () -> ()
    %scan3A_66 = arith.constant 0 : i32
    %scan3A_67 = arith.constant 0 : i32
    %scan3A_68 = arith.constant 25 : i32
    %scan3A_69 = arith.addi %scan3A_67, %scan3A_68 : i32
    %scan3A_70 = arith.constant 1 : i32
    scf.for %scan3A_264 = %scan3A_67 to %scan3A_69 step %scan3A_70  : i32 {
      %dma_start3A_265 = arith.constant 0 : i32
      %dma_start3A_266 = tpu.memref_slice %arg8[%scan3A_264, %dma_start3A_265] : memref<25x80xi32, #tpu.memory_space<vmem>> -> memref<1x80xi32, #tpu.memory_space<vmem>>
      %dma_start3A_267 = tpu.memref_squeeze %dma_start3A_266 : memref<1x80xi32, #tpu.memory_space<vmem>> -> memref<80xi32, #tpu.memory_space<vmem>>
      %dma_start3A_268 = arith.constant 0 : i32
      %dma_start3A_269 = arith.constant 0 : i32
      %dma_start3A_270 = tpu.memref_slice %arg15[%dma_start3A_268, %dma_start3A_269] : memref<10240x128xf32, #tpu.memory_space<vmem_shared>> -> memref<10240x128xf32, #tpu.memory_space<vmem_shared>>
      tpu.enqueue_indirect_dma source(%arg9 : memref<80x128xf32, #tpu.memory_space<vmem>>) target(%dma_start3A_270 : memref<10240x128xf32, #tpu.memory_space<vmem_shared>>) offsets(%dma_start3A_267 : memref<80xi32, #tpu.memory_space<vmem>>) semaphore(%arg13 : memref<!tpu.dma_semaphore, #tpu.memory_space<semaphore_mem>>) {add = true}
    }
    %scan3A_71 = arith.constant 25 : i32
    %scan3A_72 = arith.constant 0 : i32
    %scan3A_73 = arith.constant 0 : i32
    %scan3A_74 = arith.constant 25 : i32
    %scan3A_75 = arith.addi %scan3A_73, %scan3A_74 : i32
    %scan3A_76 = arith.constant 1 : i32
    scf.for %scan3A_264 = %scan3A_73 to %scan3A_75 step %scan3A_76  : i32 {
      %dma_wait3A_265 = arith.constant 0 : i32
      %dma_wait3A_266 = arith.constant 0 : i32
      %dma_wait3A_267 = tpu.memref_slice %arg8[%dma_wait3A_265, %dma_wait3A_266] : memref<25x80xi32, #tpu.memory_space<vmem>> -> memref<1x80xi32, #tpu.memory_space<vmem>>
      %dma_wait3A_268 = tpu.memref_squeeze %dma_wait3A_267 : memref<1x80xi32, #tpu.memory_space<vmem>> -> memref<80xi32, #tpu.memory_space<vmem>>
      %dma_wait3A_269 = arith.constant 0 : i32
      %dma_wait3A_270 = arith.constant 0 : i32
      %dma_wait3A_271 = tpu.memref_slice %arg15[%dma_wait3A_269, %dma_wait3A_270] : memref<10240x128xf32, #tpu.memory_space<vmem_shared>> -> memref<10240x128xf32, #tpu.memory_space<vmem_shared>>
      tpu.wait_indirect_dma semaphore(%arg13 : memref<!tpu.dma_semaphore, #tpu.memory_space<semaphore_mem>>) src(%arg9 : memref<80x128xf32, #tpu.memory_space<vmem>>) dst(%dma_wait3A_271 : memref<10240x128xf32, #tpu.memory_space<vmem_shared>>)
    }
    %scan3A_77 = arith.constant 25 : i32
    %run_scoped3A_78 = arith.constant 4 : i32
    "tpu.region"() ({
      %run_scoped3A_264 = tpu.sem_alloc : memref<!tpu.dma_semaphore, #tpu.memory_space<semaphore_mem>>
      %dma_start3A_265 = arith.constant 0 : i32
      %dma_start3A_266 = arith.constant 0 : i32
      %dma_start3A_267 = tpu.memref_slice %arg3[%arg0, %arg1, %run_scoped3A_78, %dma_start3A_265, %dma_start3A_266] : memref<2x16x5x25x80xi32, #tpu.memory_space<hbm>> -> memref<1x1x1x25x80xi32, #tpu.memory_space<hbm>>
      %dma_start3A_268 = tpu.memref_squeeze %dma_start3A_267 : memref<1x1x1x25x80xi32, #tpu.memory_space<hbm>> -> memref<25x80xi32, #tpu.memory_space<hbm>>
      %dma_start3A_269 = arith.constant 0 : i32
      %dma_start3A_270 = arith.constant 0 : i32
      %dma_start3A_271 = tpu.memref_slice %arg3[%arg0, %arg1, %run_scoped3A_78, %dma_start3A_269, %dma_start3A_270] : memref<2x16x5x25x80xi32, #tpu.memory_space<hbm>> -> memref<1x1x1x25x80xi32, #tpu.memory_space<hbm>>
      %dma_start3A_272 = tpu.memref_squeeze %dma_start3A_271 : memref<1x1x1x25x80xi32, #tpu.memory_space<hbm>> -> memref<25x80xi32, #tpu.memory_space<hbm>>
      tpu.enqueue_dma source(%dma_start3A_272 : memref<25x80xi32, #tpu.memory_space<hbm>>) target(%arg8 : memref<25x80xi32, #tpu.memory_space<vmem>>) target_semaphore(%run_scoped3A_264 : memref<!tpu.dma_semaphore, #tpu.memory_space<semaphore_mem>>)
      %dma_wait3A_273 = arith.constant 0 : i32
      %dma_wait3A_274 = arith.constant 0 : i32
      %dma_wait3A_275 = tpu.memref_slice %arg3[%arg0, %arg1, %run_scoped3A_78, %dma_wait3A_273, %dma_wait3A_274] : memref<2x16x5x25x80xi32, #tpu.memory_space<hbm>> -> memref<1x1x1x25x80xi32, #tpu.memory_space<hbm>>
      %dma_wait3A_276 = tpu.memref_squeeze %dma_wait3A_275 : memref<1x1x1x25x80xi32, #tpu.memory_space<hbm>> -> memref<25x80xi32, #tpu.memory_space<hbm>>
      %dma_wait3A_277 = arith.constant 0 : i32
      %dma_wait3A_278 = arith.constant 0 : i32
      %dma_wait3A_279 = tpu.memref_slice %arg3[%arg0, %arg1, %run_scoped3A_78, %dma_wait3A_277, %dma_wait3A_278] : memref<2x16x5x25x80xi32, #tpu.memory_space<hbm>> -> memref<1x1x1x25x80xi32, #tpu.memory_space<hbm>>
      %dma_wait3A_280 = tpu.memref_squeeze %dma_wait3A_279 : memref<1x1x1x25x80xi32, #tpu.memory_space<hbm>> -> memref<25x80xi32, #tpu.memory_space<hbm>>
      tpu.wait_dma2 semaphore(%run_scoped3A_264 : memref<!tpu.dma_semaphore, #tpu.memory_space<semaphore_mem>>) src(%dma_wait3A_280 : memref<25x80xi32, #tpu.memory_space<hbm>>) dst(%arg8 : memref<25x80xi32, #tpu.memory_space<vmem>>)
      tpu.yield
    }) : () -> ()
    %scan3A_79 = arith.constant 0 : i32
    %scan3A_80 = arith.constant 0 : i32
    %scan3A_81 = arith.constant 25 : i32
    %scan3A_82 = arith.addi %scan3A_80, %scan3A_81 : i32
    %scan3A_83 = arith.constant 1 : i32
    scf.for %scan3A_264 = %scan3A_80 to %scan3A_82 step %scan3A_83  : i32 {
      %dma_start3A_265 = arith.constant 0 : i32
      %dma_start3A_266 = tpu.memref_slice %arg8[%scan3A_264, %dma_start3A_265] : memref<25x80xi32, #tpu.memory_space<vmem>> -> memref<1x80xi32, #tpu.memory_space<vmem>>
      %dma_start3A_267 = tpu.memref_squeeze %dma_start3A_266 : memref<1x80xi32, #tpu.memory_space<vmem>> -> memref<80xi32, #tpu.memory_space<vmem>>
      %dma_start3A_268 = arith.constant 0 : i32
      %dma_start3A_269 = arith.constant 0 : i32
      %dma_start3A_270 = tpu.memref_slice %arg15[%dma_start3A_268, %dma_start3A_269] : memref<10240x128xf32, #tpu.memory_space<vmem_shared>> -> memref<10240x128xf32, #tpu.memory_space<vmem_shared>>
      tpu.enqueue_indirect_dma source(%arg9 : memref<80x128xf32, #tpu.memory_space<vmem>>) target(%dma_start3A_270 : memref<10240x128xf32, #tpu.memory_space<vmem_shared>>) offsets(%dma_start3A_267 : memref<80xi32, #tpu.memory_space<vmem>>) semaphore(%arg13 : memref<!tpu.dma_semaphore, #tpu.memory_space<semaphore_mem>>) {add = true}
    }
    %scan3A_84 = arith.constant 25 : i32
    %scan3A_85 = arith.constant 0 : i32
    %scan3A_86 = arith.constant 0 : i32
    %scan3A_87 = arith.constant 25 : i32
    %scan3A_88 = arith.addi %scan3A_86, %scan3A_87 : i32
    %scan3A_89 = arith.constant 1 : i32
    scf.for %scan3A_264 = %scan3A_86 to %scan3A_88 step %scan3A_89  : i32 {
      %dma_wait3A_265 = arith.constant 0 : i32
      %dma_wait3A_266 = arith.constant 0 : i32
      %dma_wait3A_267 = tpu.memref_slice %arg8[%dma_wait3A_265, %dma_wait3A_266] : memref<25x80xi32, #tpu.memory_space<vmem>> -> memref<1x80xi32, #tpu.memory_space<vmem>>
      %dma_wait3A_268 = tpu.memref_squeeze %dma_wait3A_267 : memref<1x80xi32, #tpu.memory_space<vmem>> -> memref<80xi32, #tpu.memory_space<vmem>>
      %dma_wait3A_269 = arith.constant 0 : i32
      %dma_wait3A_270 = arith.constant 0 : i32
      %dma_wait3A_271 = tpu.memref_slice %arg15[%dma_wait3A_269, %dma_wait3A_270] : memref<10240x128xf32, #tpu.memory_space<vmem_shared>> -> memref<10240x128xf32, #tpu.memory_space<vmem_shared>>
      tpu.wait_indirect_dma semaphore(%arg13 : memref<!tpu.dma_semaphore, #tpu.memory_space<semaphore_mem>>) src(%arg9 : memref<80x128xf32, #tpu.memory_space<vmem>>) dst(%dma_wait3A_271 : memref<10240x128xf32, #tpu.memory_space<vmem_shared>>)
    }
    %scan3A_90 = arith.constant 25 : i32
    %barrier3A_91 = arith.constant 0 : index
    tpu.barrier barrier_id(%barrier3A_91)
    "tpu.region"() ({
      %run_scoped3A_264 = tpu.sem_alloc : memref<!tpu.dma_semaphore, #tpu.memory_space<semaphore_mem>>
      %dma_start3A_265 = arith.constant 0 : i32
      %dma_start3A_266 = tpu.memref_slice %arg6[%arg0, %mul3A_0, %dma_start3A_265] : memref<2x10240x128xf32, #tpu.memory_space<hbm>> -> memref<1x640x128xf32, #tpu.memory_space<hbm>>
      %dma_start3A_267 = tpu.memref_squeeze %dma_start3A_266 : memref<1x640x128xf32, #tpu.memory_space<hbm>> -> memref<640x128xf32, #tpu.memory_space<hbm>>
      %dma_start3A_268 = arith.constant 0 : i32
      %dma_start3A_269 = tpu.memref_slice %arg15[%mul3A_0, %dma_start3A_268] : memref<10240x128xf32, #tpu.memory_space<vmem_shared>> -> memref<640x128xf32, #tpu.memory_space<vmem_shared>>
      tpu.enqueue_dma source(%dma_start3A_269 : memref<640x128xf32, #tpu.memory_space<vmem_shared>>) target(%dma_start3A_267 : memref<640x128xf32, #tpu.memory_space<hbm>>) target_semaphore(%run_scoped3A_264 : memref<!tpu.dma_semaphore, #tpu.memory_space<semaphore_mem>>)
      %dma_wait3A_270 = arith.constant 0 : i32
      %dma_wait3A_271 = tpu.memref_slice %arg6[%arg0, %mul3A_0, %dma_wait3A_270] : memref<2x10240x128xf32, #tpu.memory_space<hbm>> -> memref<1x640x128xf32, #tpu.memory_space<hbm>>
      %dma_wait3A_272 = tpu.memref_squeeze %dma_wait3A_271 : memref<1x640x128xf32, #tpu.memory_space<hbm>> -> memref<640x128xf32, #tpu.memory_space<hbm>>
      %dma_wait3A_273 = arith.constant 0 : i32
      %dma_wait3A_274 = tpu.memref_slice %arg15[%mul3A_0, %dma_wait3A_273] : memref<10240x128xf32, #tpu.memory_space<vmem_shared>> -> memref<640x128xf32, #tpu.memory_space<vmem_shared>>
      tpu.wait_dma2 semaphore(%run_scoped3A_264 : memref<!tpu.dma_semaphore, #tpu.memory_space<semaphore_mem>>) src(%dma_wait3A_274 : memref<640x128xf32, #tpu.memory_space<vmem_shared>>) dst(%dma_wait3A_272 : memref<640x128xf32, #tpu.memory_space<hbm>>)
      tpu.yield
    }) : () -> ()
    %scan3A_92 = arith.constant 0 : i32
    %scan3A_93 = arith.constant 0 : i32
    %scan3A_94 = arith.constant 80 : i32
    %scan3A_95 = arith.addi %scan3A_93, %scan3A_94 : i32
    %scan3A_96 = arith.constant 1 : i32
    scf.for %scan3A_264 = %scan3A_93 to %scan3A_95 step %scan3A_96  : i32 {
      %broadcast_in_dim3A = arith.constant 0.000000e+00 : f32
      %broadcast_in_dim3A_265 = vector.broadcast %broadcast_in_dim3A : f32 to vector<16xf32>
      %swap3A = arith.index_cast %scan3A_264 : i32 to index
      %swap3A_266 = arith.constant 0 : index
      %swap3A_267 = tpu.vector_load %arg9[%swap3A, %swap3A_266] {strides = array<i32>} : memref<80x128xf32, #tpu.memory_space<vmem>>, vector<1x16xf32>,
      %swap3A_268 = vector.shape_cast %swap3A_267 : vector<1x16xf32> to vector<16xf32>
      %swap3A_269 = vector.shape_cast %broadcast_in_dim3A_265 : vector<16xf32> to vector<1x16xf32>
      tpu.vector_store %arg9[%swap3A, %swap3A_266], %swap3A_269 {strides = array<i32>} : memref<80x128xf32, #tpu.memory_space<vmem>>, vector<1x16xf32>,
      %broadcast_in_dim3A_270 = arith.constant 0.000000e+00 : f32
      %broadcast_in_dim3A_271 = vector.broadcast %broadcast_in_dim3A_270 : f32 to vector<16xf32>
      %swap3A_272 = arith.index_cast %scan3A_264 : i32 to index
      %swap3A_273 = arith.constant 16 : index
      %swap3A_274 = tpu.vector_load %arg9[%swap3A_272, %swap3A_273] {strides = array<i32>} : memref<80x128xf32, #tpu.memory_space<vmem>>, vector<1x16xf32>,
      %swap3A_275 = vector.shape_cast %swap3A_274 : vector<1x16xf32> to vector<16xf32>
      %swap3A_276 = vector.shape_cast %broadcast_in_dim3A_271 : vector<16xf32> to vector<1x16xf32>
      tpu.vector_store %arg9[%swap3A_272, %swap3A_273], %swap3A_276 {strides = array<i32>} : memref<80x128xf32, #tpu.memory_space<vmem>>, vector<1x16xf32>,
      %broadcast_in_dim3A_277 = arith.constant 0.000000e+00 : f32
      %broadcast_in_dim3A_278 = vector.broadcast %broadcast_in_dim3A_277 : f32 to vector<16xf32>
      %swap3A_279 = arith.index_cast %scan3A_264 : i32 to index
      %swap3A_280 = arith.constant 32 : index
      %swap3A_281 = tpu.vector_load %arg9[%swap3A_279, %swap3A_280] {strides = array<i32>} : memref<80x128xf32, #tpu.memory_space<vmem>>, vector<1x16xf32>,
      %swap3A_282 = vector.shape_cast %swap3A_281 : vector<1x16xf32> to vector<16xf32>
      %swap3A_283 = vector.shape_cast %broadcast_in_dim3A_278 : vector<16xf32> to vector<1x16xf32>
      tpu.vector_store %arg9[%swap3A_279, %swap3A_280], %swap3A_283 {strides = array<i32>} : memref<80x128xf32, #tpu.memory_space<vmem>>, vector<1x16xf32>,
      %broadcast_in_dim3A_284 = arith.constant 0.000000e+00 : f32
      %broadcast_in_dim3A_285 = vector.broadcast %broadcast_in_dim3A_284 : f32 to vector<16xf32>
      %swap3A_286 = arith.index_cast %scan3A_264 : i32 to index
      %swap3A_287 = arith.constant 48 : index
      %swap3A_288 = tpu.vector_load %arg9[%swap3A_286, %swap3A_287] {strides = array<i32>} : memref<80x128xf32, #tpu.memory_space<vmem>>, vector<1x16xf32>,
      %swap3A_289 = vector.shape_cast %swap3A_288 : vector<1x16xf32> to vector<16xf32>
      %swap3A_290 = vector.shape_cast %broadcast_in_dim3A_285 : vector<16xf32> to vector<1x16xf32>
      tpu.vector_store %arg9[%swap3A_286, %swap3A_287], %swap3A_290 {strides = array<i32>} : memref<80x128xf32, #tpu.memory_space<vmem>>, vector<1x16xf32>,
      %broadcast_in_dim3A_291 = arith.constant 0.000000e+00 : f32
      %broadcast_in_dim3A_292 = vector.broadcast %broadcast_in_dim3A_291 : f32 to vector<16xf32>
      %swap3A_293 = arith.index_cast %scan3A_264 : i32 to index
      %swap3A_294 = arith.constant 64 : index
      %swap3A_295 = tpu.vector_load %arg9[%swap3A_293, %swap3A_294] {strides = array<i32>} : memref<80x128xf32, #tpu.memory_space<vmem>>, vector<1x16xf32>,
      %swap3A_296 = vector.shape_cast %swap3A_295 : vector<1x16xf32> to vector<16xf32>
      %swap3A_297 = vector.shape_cast %broadcast_in_dim3A_292 : vector<16xf32> to vector<1x16xf32>
      tpu.vector_store %arg9[%swap3A_293, %swap3A_294], %swap3A_297 {strides = array<i32>} : memref<80x128xf32, #tpu.memory_space<vmem>>, vector<1x16xf32>,
      %broadcast_in_dim3A_298 = arith.constant 0.000000e+00 : f32
      %broadcast_in_dim3A_299 = vector.broadcast %broadcast_in_dim3A_298 : f32 to vector<16xf32>
      %swap3A_300 = arith.index_cast %scan3A_264 : i32 to index
      %swap3A_301 = arith.constant 80 : index
      %swap3A_302 = tpu.vector_load %arg9[%swap3A_300, %swap3A_301] {strides = array<i32>} : memref<80x128xf32, #tpu.memory_space<vmem>>, vector<1x16xf32>,
      %swap3A_303 = vector.shape_cast %swap3A_302 : vector<1x16xf32> to vector<16xf32>
      %swap3A_304 = vector.shape_cast %broadcast_in_dim3A_299 : vector<16xf32> to vector<1x16xf32>
      tpu.vector_store %arg9[%swap3A_300, %swap3A_301], %swap3A_304 {strides = array<i32>} : memref<80x128xf32, #tpu.memory_space<vmem>>, vector<1x16xf32>,
      %broadcast_in_dim3A_305 = arith.constant 0.000000e+00 : f32
      %broadcast_in_dim3A_306 = vector.broadcast %broadcast_in_dim3A_305 : f32 to vector<16xf32>
      %swap3A_307 = arith.index_cast %scan3A_264 : i32 to index
      %swap3A_308 = arith.constant 96 : index
      %swap3A_309 = tpu.vector_load %arg9[%swap3A_307, %swap3A_308] {strides = array<i32>} : memref<80x128xf32, #tpu.memory_space<vmem>>, vector<1x16xf32>,
      %swap3A_310 = vector.shape_cast %swap3A_309 : vector<1x16xf32> to vector<16xf32>
      %swap3A_311 = vector.shape_cast %broadcast_in_dim3A_306 : vector<16xf32> to vector<1x16xf32>
      tpu.vector_store %arg9[%swap3A_307, %swap3A_308], %swap3A_311 {strides = array<i32>} : memref<80x128xf32, #tpu.memory_space<vmem>>, vector<1x16xf32>,
      %broadcast_in_dim3A_312 = arith.constant 0.000000e+00 : f32
      %broadcast_in_dim3A_313 = vector.broadcast %broadcast_in_dim3A_312 : f32 to vector<16xf32>
      %swap3A_314 = arith.index_cast %scan3A_264 : i32 to index
      %swap3A_315 = arith.constant 112 : index
      %swap3A_316 = tpu.vector_load %arg9[%swap3A_314, %swap3A_315] {strides = array<i32>} : memref<80x128xf32, #tpu.memory_space<vmem>>, vector<1x16xf32>,
      %swap3A_317 = vector.shape_cast %swap3A_316 : vector<1x16xf32> to vector<16xf32>
      %swap3A_318 = vector.shape_cast %broadcast_in_dim3A_313 : vector<16xf32> to vector<1x16xf32>
      tpu.vector_store %arg9[%swap3A_314, %swap3A_315], %swap3A_318 {strides = array<i32>} : memref<80x128xf32, #tpu.memory_space<vmem>>, vector<1x16xf32>,
    }
    %scan3A_97 = arith.constant 80 : i32
    %add3A_98 = arith.constant 0 : i32
    %add3A_99 = arith.addi %mul3A_0, %add3A_98 : i32
    "tpu.region"() ({
      %run_scoped3A_264 = tpu.sem_alloc : memref<!tpu.dma_semaphore, #tpu.memory_space<semaphore_mem>>
      %dma_start3A_265 = arith.constant 0 : i32
      %dma_start3A_266 = tpu.memref_slice %arg15[%add3A_99, %dma_start3A_265] : memref<10240x128xf32, #tpu.memory_space<vmem_shared>> -> memref<80x128xf32, #tpu.memory_space<vmem_shared>>
      %dma_start3A_267 = arith.constant 0 : i32
      %dma_start3A_268 = tpu.memref_slice %arg15[%add3A_99, %dma_start3A_267] : memref<10240x128xf32, #tpu.memory_space<vmem_shared>> -> memref<80x128xf32, #tpu.memory_space<vmem_shared>>
      tpu.enqueue_dma source(%arg9 : memref<80x128xf32, #tpu.memory_space<vmem>>) target(%dma_start3A_268 : memref<80x128xf32, #tpu.memory_space<vmem_shared>>) target_semaphore(%run_scoped3A_264 : memref<!tpu.dma_semaphore, #tpu.memory_space<semaphore_mem>>)
      %dma_wait3A_269 = arith.constant 0 : i32
      %dma_wait3A_270 = tpu.memref_slice %arg15[%add3A_99, %dma_wait3A_269] : memref<10240x128xf32, #tpu.memory_space<vmem_shared>> -> memref<80x128xf32, #tpu.memory_space<vmem_shared>>
      %dma_wait3A_271 = arith.constant 0 : i32
      %dma_wait3A_272 = tpu.memref_slice %arg15[%add3A_99, %dma_wait3A_271] : memref<10240x128xf32, #tpu.memory_space<vmem_shared>> -> memref<80x128xf32, #tpu.memory_space<vmem_shared>>
      tpu.wait_dma2 semaphore(%run_scoped3A_264 : memref<!tpu.dma_semaphore, #tpu.memory_space<semaphore_mem>>) src(%arg9 : memref<80x128xf32, #tpu.memory_space<vmem>>) dst(%dma_wait3A_272 : memref<80x128xf32, #tpu.memory_space<vmem_shared>>)
      tpu.yield
    }) : () -> ()
    %add3A_100 = arith.constant 80 : i32
    %add3A_101 = arith.addi %mul3A_0, %add3A_100 : i32
    "tpu.region"() ({
      %run_scoped3A_264 = tpu.sem_alloc : memref<!tpu.dma_semaphore, #tpu.memory_space<semaphore_mem>>
      %dma_start3A_265 = arith.constant 0 : i32
      %dma_start3A_266 = tpu.memref_slice %arg15[%add3A_101, %dma_start3A_265] : memref<10240x128xf32, #tpu.memory_space<vmem_shared>> -> memref<80x128xf32, #tpu.memory_space<vmem_shared>>
      %dma_start3A_267 = arith.constant 0 : i32
      %dma_start3A_268 = tpu.memref_slice %arg15[%add3A_101, %dma_start3A_267] : memref<10240x128xf32, #tpu.memory_space<vmem_shared>> -> memref<80x128xf32, #tpu.memory_space<vmem_shared>>
      tpu.enqueue_dma source(%arg9 : memref<80x128xf32, #tpu.memory_space<vmem>>) target(%dma_start3A_268 : memref<80x128xf32, #tpu.memory_space<vmem_shared>>) target_semaphore(%run_scoped3A_264 : memref<!tpu.dma_semaphore, #tpu.memory_space<semaphore_mem>>)
      %dma_wait3A_269 = arith.constant 0 : i32
      %dma_wait3A_270 = tpu.memref_slice %arg15[%add3A_101, %dma_wait3A_269] : memref<10240x128xf32, #tpu.memory_space<vmem_shared>> -> memref<80x128xf32, #tpu.memory_space<vmem_shared>>
      %dma_wait3A_271 = arith.constant 0 : i32
      %dma_wait3A_272 = tpu.memref_slice %arg15[%add3A_101, %dma_wait3A_271] : memref<10240x128xf32, #tpu.memory_space<vmem_shared>> -> memref<80x128xf32, #tpu.memory_space<vmem_shared>>
      tpu.wait_dma2 semaphore(%run_scoped3A_264 : memref<!tpu.dma_semaphore, #tpu.memory_space<semaphore_mem>>) src(%arg9 : memref<80x128xf32, #tpu.memory_space<vmem>>) dst(%dma_wait3A_272 : memref<80x128xf32, #tpu.memory_space<vmem_shared>>)
      tpu.yield
    }) : () -> ()
    %add3A_102 = arith.constant 160 : i32
    %add3A_103 = arith.addi %mul3A_0, %add3A_102 : i32
    "tpu.region"() ({
      %run_scoped3A_264 = tpu.sem_alloc : memref<!tpu.dma_semaphore, #tpu.memory_space<semaphore_mem>>
      %dma_start3A_265 = arith.constant 0 : i32
      %dma_start3A_266 = tpu.memref_slice %arg15[%add3A_103, %dma_start3A_265] : memref<10240x128xf32, #tpu.memory_space<vmem_shared>> -> memref<80x128xf32, #tpu.memory_space<vmem_shared>>
      %dma_start3A_267 = arith.constant 0 : i32
      %dma_start3A_268 = tpu.memref_slice %arg15[%add3A_103, %dma_start3A_267] : memref<10240x128xf32, #tpu.memory_space<vmem_shared>> -> memref<80x128xf32, #tpu.memory_space<vmem_shared>>
      tpu.enqueue_dma source(%arg9 : memref<80x128xf32, #tpu.memory_space<vmem>>) target(%dma_start3A_268 : memref<80x128xf32, #tpu.memory_space<vmem_shared>>) target_semaphore(%run_scoped3A_264 : memref<!tpu.dma_semaphore, #tpu.memory_space<semaphore_mem>>)
      %dma_wait3A_269 = arith.constant 0 : i32
      %dma_wait3A_270 = tpu.memref_slice %arg15[%add3A_103, %dma_wait3A_269] : memref<10240x128xf32, #tpu.memory_space<vmem_shared>> -> memref<80x128xf32, #tpu.memory_space<vmem_shared>>
      %dma_wait3A_271 = arith.constant 0 : i32
      %dma_wait3A_272 = tpu.memref_slice %arg15[%add3A_103, %dma_wait3A_271] : memref<10240x128xf32, #tpu.memory_space<vmem_shared>> -> memref<80x128xf32, #tpu.memory_space<vmem_shared>>
      tpu.wait_dma2 semaphore(%run_scoped3A_264 : memref<!tpu.dma_semaphore, #tpu.memory_space<semaphore_mem>>) src(%arg9 : memref<80x128xf32, #tpu.memory_space<vmem>>) dst(%dma_wait3A_272 : memref<80x128xf32, #tpu.memory_space<vmem_shared>>)
      tpu.yield
    }) : () -> ()
    %add3A_104 = arith.constant 240 : i32
    %add3A_105 = arith.addi %mul3A_0, %add3A_104 : i32
    "tpu.region"() ({
      %run_scoped3A_264 = tpu.sem_alloc : memref<!tpu.dma_semaphore, #tpu.memory_space<semaphore_mem>>
      %dma_start3A_265 = arith.constant 0 : i32
      %dma_start3A_266 = tpu.memref_slice %arg15[%add3A_105, %dma_start3A_265] : memref<10240x128xf32, #tpu.memory_space<vmem_shared>> -> memref<80x128xf32, #tpu.memory_space<vmem_shared>>
      %dma_start3A_267 = arith.constant 0 : i32
      %dma_start3A_268 = tpu.memref_slice %arg15[%add3A_105, %dma_start3A_267] : memref<10240x128xf32, #tpu.memory_space<vmem_shared>> -> memref<80x128xf32, #tpu.memory_space<vmem_shared>>
      tpu.enqueue_dma source(%arg9 : memref<80x128xf32, #tpu.memory_space<vmem>>) target(%dma_start3A_268 : memref<80x128xf32, #tpu.memory_space<vmem_shared>>) target_semaphore(%run_scoped3A_264 : memref<!tpu.dma_semaphore, #tpu.memory_space<semaphore_mem>>)
      %dma_wait3A_269 = arith.constant 0 : i32
      %dma_wait3A_270 = tpu.memref_slice %arg15[%add3A_105, %dma_wait3A_269] : memref<10240x128xf32, #tpu.memory_space<vmem_shared>> -> memref<80x128xf32, #tpu.memory_space<vmem_shared>>
      %dma_wait3A_271 = arith.constant 0 : i32
      %dma_wait3A_272 = tpu.memref_slice %arg15[%add3A_105, %dma_wait3A_271] : memref<10240x128xf32, #tpu.memory_space<vmem_shared>> -> memref<80x128xf32, #tpu.memory_space<vmem_shared>>
      tpu.wait_dma2 semaphore(%run_scoped3A_264 : memref<!tpu.dma_semaphore, #tpu.memory_space<semaphore_mem>>) src(%arg9 : memref<80x128xf32, #tpu.memory_space<vmem>>) dst(%dma_wait3A_272 : memref<80x128xf32, #tpu.memory_space<vmem_shared>>)
      tpu.yield
    }) : () -> ()
    %add3A_106 = arith.constant 320 : i32
    %add3A_107 = arith.addi %mul3A_0, %add3A_106 : i32
    "tpu.region"() ({
      %run_scoped3A_264 = tpu.sem_alloc : memref<!tpu.dma_semaphore, #tpu.memory_space<semaphore_mem>>
      %dma_start3A_265 = arith.constant 0 : i32
      %dma_start3A_266 = tpu.memref_slice %arg15[%add3A_107, %dma_start3A_265] : memref<10240x128xf32, #tpu.memory_space<vmem_shared>> -> memref<80x128xf32, #tpu.memory_space<vmem_shared>>
      %dma_start3A_267 = arith.constant 0 : i32
      %dma_start3A_268 = tpu.memref_slice %arg15[%add3A_107, %dma_start3A_267] : memref<10240x128xf32, #tpu.memory_space<vmem_shared>> -> memref<80x128xf32, #tpu.memory_space<vmem_shared>>
      tpu.enqueue_dma source(%arg9 : memref<80x128xf32, #tpu.memory_space<vmem>>) target(%dma_start3A_268 : memref<80x128xf32, #tpu.memory_space<vmem_shared>>) target_semaphore(%run_scoped3A_264 : memref<!tpu.dma_semaphore, #tpu.memory_space<semaphore_mem>>)
      %dma_wait3A_269 = arith.constant 0 : i32
      %dma_wait3A_270 = tpu.memref_slice %arg15[%add3A_107, %dma_wait3A_269] : memref<10240x128xf32, #tpu.memory_space<vmem_shared>> -> memref<80x128xf32, #tpu.memory_space<vmem_shared>>
      %dma_wait3A_271 = arith.constant 0 : i32
      %dma_wait3A_272 = tpu.memref_slice %arg15[%add3A_107, %dma_wait3A_271] : memref<10240x128xf32, #tpu.memory_space<vmem_shared>> -> memref<80x128xf32, #tpu.memory_space<vmem_shared>>
      tpu.wait_dma2 semaphore(%run_scoped3A_264 : memref<!tpu.dma_semaphore, #tpu.memory_space<semaphore_mem>>) src(%arg9 : memref<80x128xf32, #tpu.memory_space<vmem>>) dst(%dma_wait3A_272 : memref<80x128xf32, #tpu.memory_space<vmem_shared>>)
      tpu.yield
    }) : () -> ()
    %add3A_108 = arith.constant 400 : i32
    %add3A_109 = arith.addi %mul3A_0, %add3A_108 : i32
    "tpu.region"() ({
      %run_scoped3A_264 = tpu.sem_alloc : memref<!tpu.dma_semaphore, #tpu.memory_space<semaphore_mem>>
      %dma_start3A_265 = arith.constant 0 : i32
      %dma_start3A_266 = tpu.memref_slice %arg15[%add3A_109, %dma_start3A_265] : memref<10240x128xf32, #tpu.memory_space<vmem_shared>> -> memref<80x128xf32, #tpu.memory_space<vmem_shared>>
      %dma_start3A_267 = arith.constant 0 : i32
      %dma_start3A_268 = tpu.memref_slice %arg15[%add3A_109, %dma_start3A_267] : memref<10240x128xf32, #tpu.memory_space<vmem_shared>> -> memref<80x128xf32, #tpu.memory_space<vmem_shared>>
      tpu.enqueue_dma source(%arg9 : memref<80x128xf32, #tpu.memory_space<vmem>>) target(%dma_start3A_268 : memref<80x128xf32, #tpu.memory_space<vmem_shared>>) target_semaphore(%run_scoped3A_264 : memref<!tpu.dma_semaphore, #tpu.memory_space<semaphore_mem>>)
      %dma_wait3A_269 = arith.constant 0 : i32
      %dma_wait3A_270 = tpu.memref_slice %arg15[%add3A_109, %dma_wait3A_269] : memref<10240x128xf32, #tpu.memory_space<vmem_shared>> -> memref<80x128xf32, #tpu.memory_space<vmem_shared>>
      %dma_wait3A_271 = arith.constant 0 : i32
      %dma_wait3A_272 = tpu.memref_slice %arg15[%add3A_109, %dma_wait3A_271] : memref<10240x128xf32, #tpu.memory_space<vmem_shared>> -> memref<80x128xf32, #tpu.memory_space<vmem_shared>>
      tpu.wait_dma2 semaphore(%run_scoped3A_264 : memref<!tpu.dma_semaphore, #tpu.memory_space<semaphore_mem>>) src(%arg9 : memref<80x128xf32, #tpu.memory_space<vmem>>) dst(%dma_wait3A_272 : memref<80x128xf32, #tpu.memory_space<vmem_shared>>)
      tpu.yield
    }) : () -> ()
    %add3A_110 = arith.constant 480 : i32
    %add3A_111 = arith.addi %mul3A_0, %add3A_110 : i32
    "tpu.region"() ({
      %run_scoped3A_264 = tpu.sem_alloc : memref<!tpu.dma_semaphore, #tpu.memory_space<semaphore_mem>>
      %dma_start3A_265 = arith.constant 0 : i32
      %dma_start3A_266 = tpu.memref_slice %arg15[%add3A_111, %dma_start3A_265] : memref<10240x128xf32, #tpu.memory_space<vmem_shared>> -> memref<80x128xf32, #tpu.memory_space<vmem_shared>>
      %dma_start3A_267 = arith.constant 0 : i32
      %dma_start3A_268 = tpu.memref_slice %arg15[%add3A_111, %dma_start3A_267] : memref<10240x128xf32, #tpu.memory_space<vmem_shared>> -> memref<80x128xf32, #tpu.memory_space<vmem_shared>>
      tpu.enqueue_dma source(%arg9 : memref<80x128xf32, #tpu.memory_space<vmem>>) target(%dma_start3A_268 : memref<80x128xf32, #tpu.memory_space<vmem_shared>>) target_semaphore(%run_scoped3A_264 : memref<!tpu.dma_semaphore, #tpu.memory_space<semaphore_mem>>)
      %dma_wait3A_269 = arith.constant 0 : i32
      %dma_wait3A_270 = tpu.memref_slice %arg15[%add3A_111, %dma_wait3A_269] : memref<10240x128xf32, #tpu.memory_space<vmem_shared>> -> memref<80x128xf32, #tpu.memory_space<vmem_shared>>
      %dma_wait3A_271 = arith.constant 0 : i32
      %dma_wait3A_272 = tpu.memref_slice %arg15[%add3A_111, %dma_wait3A_271] : memref<10240x128xf32, #tpu.memory_space<vmem_shared>> -> memref<80x128xf32, #tpu.memory_space<vmem_shared>>
      tpu.wait_dma2 semaphore(%run_scoped3A_264 : memref<!tpu.dma_semaphore, #tpu.memory_space<semaphore_mem>>) src(%arg9 : memref<80x128xf32, #tpu.memory_space<vmem>>) dst(%dma_wait3A_272 : memref<80x128xf32, #tpu.memory_space<vmem_shared>>)
      tpu.yield
    }) : () -> ()
    %add3A_112 = arith.constant 560 : i32
    %add3A_113 = arith.addi %mul3A_0, %add3A_112 : i32
    "tpu.region"() ({
      %run_scoped3A_264 = tpu.sem_alloc : memref<!tpu.dma_semaphore, #tpu.memory_space<semaphore_mem>>
      %dma_start3A_265 = arith.constant 0 : i32
      %dma_start3A_266 = tpu.memref_slice %arg15[%add3A_113, %dma_start3A_265] : memref<10240x128xf32, #tpu.memory_space<vmem_shared>> -> memref<80x128xf32, #tpu.memory_space<vmem_shared>>
      %dma_start3A_267 = arith.constant 0 : i32
      %dma_start3A_268 = tpu.memref_slice %arg15[%add3A_113, %dma_start3A_267] : memref<10240x128xf32, #tpu.memory_space<vmem_shared>> -> memref<80x128xf32, #tpu.memory_space<vmem_shared>>
      tpu.enqueue_dma source(%arg9 : memref<80x128xf32, #tpu.memory_space<vmem>>) target(%dma_start3A_268 : memref<80x128xf32, #tpu.memory_space<vmem_shared>>) target_semaphore(%run_scoped3A_264 : memref<!tpu.dma_semaphore, #tpu.memory_space<semaphore_mem>>)
      %dma_wait3A_269 = arith.constant 0 : i32
      %dma_wait3A_270 = tpu.memref_slice %arg15[%add3A_113, %dma_wait3A_269] : memref<10240x128xf32, #tpu.memory_space<vmem_shared>> -> memref<80x128xf32, #tpu.memory_space<vmem_shared>>
      %dma_wait3A_271 = arith.constant 0 : i32
      %dma_wait3A_272 = tpu.memref_slice %arg15[%add3A_113, %dma_wait3A_271] : memref<10240x128xf32, #tpu.memory_space<vmem_shared>> -> memref<80x128xf32, #tpu.memory_space<vmem_shared>>
      tpu.wait_dma2 semaphore(%run_scoped3A_264 : memref<!tpu.dma_semaphore, #tpu.memory_space<semaphore_mem>>) src(%arg9 : memref<80x128xf32, #tpu.memory_space<vmem>>) dst(%dma_wait3A_272 : memref<80x128xf32, #tpu.memory_space<vmem_shared>>)
      tpu.yield
    }) : () -> ()
    %barrier3A_114 = arith.constant 0 : index
    tpu.barrier barrier_id(%barrier3A_114)
    %run_scoped3A_115 = arith.constant 0 : i32
    "tpu.region"() ({
      %run_scoped3A_264 = tpu.sem_alloc : memref<!tpu.dma_semaphore, #tpu.memory_space<semaphore_mem>>
      %dma_start3A_265 = arith.constant 0 : i32
      %dma_start3A_266 = arith.constant 0 : i32
      %dma_start3A_267 = tpu.memref_slice %arg2[%arg0, %arg1, %run_scoped3A_115, %dma_start3A_265, %dma_start3A_266] : memref<2x16x5x25x80xi32, #tpu.memory_space<hbm>> -> memref<1x1x1x25x80xi32, #tpu.memory_space<hbm>>
      %dma_start3A_268 = tpu.memref_squeeze %dma_start3A_267 : memref<1x1x1x25x80xi32, #tpu.memory_space<hbm>> -> memref<25x80xi32, #tpu.memory_space<hbm>>
      %dma_start3A_269 = arith.constant 0 : i32
      %dma_start3A_270 = arith.constant 0 : i32
      %dma_start3A_271 = tpu.memref_slice %arg2[%arg0, %arg1, %run_scoped3A_115, %dma_start3A_269, %dma_start3A_270] : memref<2x16x5x25x80xi32, #tpu.memory_space<hbm>> -> memref<1x1x1x25x80xi32, #tpu.memory_space<hbm>>
      %dma_start3A_272 = tpu.memref_squeeze %dma_start3A_271 : memref<1x1x1x25x80xi32, #tpu.memory_space<hbm>> -> memref<25x80xi32, #tpu.memory_space<hbm>>
      tpu.enqueue_dma source(%dma_start3A_272 : memref<25x80xi32, #tpu.memory_space<hbm>>) target(%arg7 : memref<25x80xi32, #tpu.memory_space<vmem>>) target_semaphore(%run_scoped3A_264 : memref<!tpu.dma_semaphore, #tpu.memory_space<semaphore_mem>>)
      %dma_wait3A_273 = arith.constant 0 : i32
      %dma_wait3A_274 = arith.constant 0 : i32
      %dma_wait3A_275 = tpu.memref_slice %arg2[%arg0, %arg1, %run_scoped3A_115, %dma_wait3A_273, %dma_wait3A_274] : memref<2x16x5x25x80xi32, #tpu.memory_space<hbm>> -> memref<1x1x1x25x80xi32, #tpu.memory_space<hbm>>
      %dma_wait3A_276 = tpu.memref_squeeze %dma_wait3A_275 : memref<1x1x1x25x80xi32, #tpu.memory_space<hbm>> -> memref<25x80xi32, #tpu.memory_space<hbm>>
      %dma_wait3A_277 = arith.constant 0 : i32
      %dma_wait3A_278 = arith.constant 0 : i32
      %dma_wait3A_279 = tpu.memref_slice %arg2[%arg0, %arg1, %run_scoped3A_115, %dma_wait3A_277, %dma_wait3A_278] : memref<2x16x5x25x80xi32, #tpu.memory_space<hbm>> -> memref<1x1x1x25x80xi32, #tpu.memory_space<hbm>>
      %dma_wait3A_280 = tpu.memref_squeeze %dma_wait3A_279 : memref<1x1x1x25x80xi32, #tpu.memory_space<hbm>> -> memref<25x80xi32, #tpu.memory_space<hbm>>
      tpu.wait_dma2 semaphore(%run_scoped3A_264 : memref<!tpu.dma_semaphore, #tpu.memory_space<semaphore_mem>>) src(%dma_wait3A_280 : memref<25x80xi32, #tpu.memory_space<hbm>>) dst(%arg7 : memref<25x80xi32, #tpu.memory_space<vmem>>)
      tpu.yield
    }) : () -> ()
    %run_scoped3A_116 = arith.constant 0 : i32
    "tpu.region"() ({
      %run_scoped3A_264 = tpu.sem_alloc : memref<!tpu.dma_semaphore, #tpu.memory_space<semaphore_mem>>
      %dma_start3A_265 = arith.constant 0 : i32
      %dma_start3A_266 = arith.constant 0 : i32
      %dma_start3A_267 = tpu.memref_slice %arg3[%arg0, %arg1, %run_scoped3A_116, %dma_start3A_265, %dma_start3A_266] : memref<2x16x5x25x80xi32, #tpu.memory_space<hbm>> -> memref<1x1x1x25x80xi32, #tpu.memory_space<hbm>>
      %dma_start3A_268 = tpu.memref_squeeze %dma_start3A_267 : memref<1x1x1x25x80xi32, #tpu.memory_space<hbm>> -> memref<25x80xi32, #tpu.memory_space<hbm>>
      %dma_start3A_269 = arith.constant 0 : i32
      %dma_start3A_270 = arith.constant 0 : i32
      %dma_start3A_271 = tpu.memref_slice %arg3[%arg0, %arg1, %run_scoped3A_116, %dma_start3A_269, %dma_start3A_270] : memref<2x16x5x25x80xi32, #tpu.memory_space<hbm>> -> memref<1x1x1x25x80xi32, #tpu.memory_space<hbm>>
      %dma_start3A_272 = tpu.memref_squeeze %dma_start3A_271 : memref<1x1x1x25x80xi32, #tpu.memory_space<hbm>> -> memref<25x80xi32, #tpu.memory_space<hbm>>
      tpu.enqueue_dma source(%dma_start3A_272 : memref<25x80xi32, #tpu.memory_space<hbm>>) target(%arg8 : memref<25x80xi32, #tpu.memory_space<vmem>>) target_semaphore(%run_scoped3A_264 : memref<!tpu.dma_semaphore, #tpu.memory_space<semaphore_mem>>)
      %dma_wait3A_273 = arith.constant 0 : i32
      %dma_wait3A_274 = arith.constant 0 : i32
      %dma_wait3A_275 = tpu.memref_slice %arg3[%arg0, %arg1, %run_scoped3A_116, %dma_wait3A_273, %dma_wait3A_274] : memref<2x16x5x25x80xi32, #tpu.memory_space<hbm>> -> memref<1x1x1x25x80xi32, #tpu.memory_space<hbm>>
      %dma_wait3A_276 = tpu.memref_squeeze %dma_wait3A_275 : memref<1x1x1x25x80xi32, #tpu.memory_space<hbm>> -> memref<25x80xi32, #tpu.memory_space<hbm>>
      %dma_wait3A_277 = arith.constant 0 : i32
      %dma_wait3A_278 = arith.constant 0 : i32
      %dma_wait3A_279 = tpu.memref_slice %arg3[%arg0, %arg1, %run_scoped3A_116, %dma_wait3A_277, %dma_wait3A_278] : memref<2x16x5x25x80xi32, #tpu.memory_space<hbm>> -> memref<1x1x1x25x80xi32, #tpu.memory_space<hbm>>
      %dma_wait3A_280 = tpu.memref_squeeze %dma_wait3A_279 : memref<1x1x1x25x80xi32, #tpu.memory_space<hbm>> -> memref<25x80xi32, #tpu.memory_space<hbm>>
      tpu.wait_dma2 semaphore(%run_scoped3A_264 : memref<!tpu.dma_semaphore, #tpu.memory_space<semaphore_mem>>) src(%dma_wait3A_280 : memref<25x80xi32, #tpu.memory_space<hbm>>) dst(%arg8 : memref<25x80xi32, #tpu.memory_space<vmem>>)
      tpu.yield
    }) : () -> ()
    %dma_start3A = arith.constant 0 : i32
    %dma_start3A_117 = arith.constant 0 : i32
    %dma_start3A_118 = tpu.memref_slice %arg7[%dma_start3A, %dma_start3A_117] : memref<25x80xi32, #tpu.memory_space<vmem>> -> memref<1x80xi32, #tpu.memory_space<vmem>>
    %dma_start3A_119 = tpu.memref_squeeze %dma_start3A_118 : memref<1x80xi32, #tpu.memory_space<vmem>> -> memref<80xi32, #tpu.memory_space<vmem>>
    %dma_start3A_120 = arith.constant 0 : i32
    %dma_start3A_121 = arith.constant 0 : i32
    %dma_start3A_122 = tpu.memref_slice %arg4[%dma_start3A_120, %dma_start3A_121] : memref<10000x128xf32, #tpu.memory_space<hbm>> -> memref<10000x128xf32, #tpu.memory_space<hbm>>
    tpu.enqueue_indirect_dma source(%dma_start3A_122 : memref<10000x128xf32, #tpu.memory_space<hbm>>) target(%arg9 : memref<80x128xf32, #tpu.memory_space<vmem>>) offsets(%dma_start3A_119 : memref<80xi32, #tpu.memory_space<vmem>>) semaphore(%arg11 : memref<!tpu.dma_semaphore, #tpu.memory_space<semaphore_mem>>)
    %scan3A_123 = arith.constant 0 : i32
    %scan3A_124 = arith.constant 0 : i32
    %scan3A_125 = arith.constant 12 : i32
    %scan3A_126 = arith.addi %scan3A_124, %scan3A_125 : i32
    %scan3A_127 = arith.constant 1 : i32
    scf.for %scan3A_264 = %scan3A_124 to %scan3A_126 step %scan3A_127  : i32 {
      %mul3A_265 = arith.constant 2 : i32
      %mul3A_266 = arith.muli %scan3A_264, %mul3A_265 : i32
      %dma_wait3A_267 = arith.constant 0 : i32
      %dma_wait3A_268 = tpu.memref_slice %arg7[%mul3A_266, %dma_wait3A_267] : memref<25x80xi32, #tpu.memory_space<vmem>> -> memref<1x80xi32, #tpu.memory_space<vmem>>
      %dma_wait3A_269 = tpu.memref_squeeze %dma_wait3A_268 : memref<1x80xi32, #tpu.memory_space<vmem>> -> memref<80xi32, #tpu.memory_space<vmem>>
      %dma_wait3A_270 = arith.constant 0 : i32
      %dma_wait3A_271 = arith.constant 0 : i32
      %dma_wait3A_272 = tpu.memref_slice %arg4[%dma_wait3A_270, %dma_wait3A_271] : memref<10000x128xf32, #tpu.memory_space<hbm>> -> memref<10000x128xf32, #tpu.memory_space<hbm>>
      tpu.wait_indirect_dma semaphore(%arg11 : memref<!tpu.dma_semaphore, #tpu.memory_space<semaphore_mem>>) src(%dma_wait3A_272 : memref<10000x128xf32, #tpu.memory_space<hbm>>) dst(%arg9 : memref<80x128xf32, #tpu.memory_space<vmem>>)
      %gt3A = arith.constant 0 : i32
      %gt3A_273 = arith.cmpi sgt, %mul3A_266, %gt3A : i32
      %convert_element_type3A = arith.extui %gt3A_273 : i1 to i32
      %cond3A = arith.constant 0 : i32
      %cond3A_274 = arith.cmpi ne, %convert_element_type3A, %cond3A : i32
      scf.if %cond3A_274 {
        %dma_wait3A_319 = arith.constant 0 : i32
        %dma_wait3A_320 = tpu.memref_slice %arg8[%mul3A_266, %dma_wait3A_319] : memref<25x80xi32, #tpu.memory_space<vmem>> -> memref<1x80xi32, #tpu.memory_space<vmem>>
        %dma_wait3A_321 = tpu.memref_squeeze %dma_wait3A_320 : memref<1x80xi32, #tpu.memory_space<vmem>> -> memref<80xi32, #tpu.memory_space<vmem>>
        %dma_wait3A_322 = arith.constant 0 : i32
        %dma_wait3A_323 = arith.constant 0 : i32
        %dma_wait3A_324 = tpu.memref_slice %arg15[%dma_wait3A_322, %dma_wait3A_323] : memref<10240x128xf32, #tpu.memory_space<vmem_shared>> -> memref<10240x128xf32, #tpu.memory_space<vmem_shared>>
        tpu.wait_indirect_dma semaphore(%arg14 : memref<!tpu.dma_semaphore, #tpu.memory_space<semaphore_mem>>) src(%arg10 : memref<80x128xf32, #tpu.memory_space<vmem>>) dst(%dma_wait3A_324 : memref<10240x128xf32, #tpu.memory_space<vmem_shared>>)
      } else {
      }
      %add3A_275 = arith.constant 1 : i32
      %add3A_276 = arith.addi %mul3A_266, %add3A_275 : i32
      %dma_start3A_277 = arith.constant 0 : i32
      %dma_start3A_278 = tpu.memref_slice %arg7[%add3A_276, %dma_start3A_277] : memref<25x80xi32, #tpu.memory_space<vmem>> -> memref<1x80xi32, #tpu.memory_space<vmem>>
      %dma_start3A_279 = tpu.memref_squeeze %dma_start3A_278 : memref<1x80xi32, #tpu.memory_space<vmem>> -> memref<80xi32, #tpu.memory_space<vmem>>
      %dma_start3A_280 = arith.constant 0 : i32
      %dma_start3A_281 = arith.constant 0 : i32
      %dma_start3A_282 = tpu.memref_slice %arg4[%dma_start3A_280, %dma_start3A_281] : memref<10000x128xf32, #tpu.memory_space<hbm>> -> memref<10000x128xf32, #tpu.memory_space<hbm>>
      tpu.enqueue_indirect_dma source(%dma_start3A_282 : memref<10000x128xf32, #tpu.memory_space<hbm>>) target(%arg10 : memref<80x128xf32, #tpu.memory_space<vmem>>) offsets(%dma_start3A_279 : memref<80xi32, #tpu.memory_space<vmem>>) semaphore(%arg12 : memref<!tpu.dma_semaphore, #tpu.memory_space<semaphore_mem>>)
      %dma_start3A_283 = arith.constant 0 : i32
      %dma_start3A_284 = tpu.memref_slice %arg8[%mul3A_266, %dma_start3A_283] : memref<25x80xi32, #tpu.memory_space<vmem>> -> memref<1x80xi32, #tpu.memory_space<vmem>>
      %dma_start3A_285 = tpu.memref_squeeze %dma_start3A_284 : memref<1x80xi32, #tpu.memory_space<vmem>> -> memref<80xi32, #tpu.memory_space<vmem>>
      %dma_start3A_286 = arith.constant 0 : i32
      %dma_start3A_287 = arith.constant 0 : i32
      %dma_start3A_288 = tpu.memref_slice %arg15[%dma_start3A_286, %dma_start3A_287] : memref<10240x128xf32, #tpu.memory_space<vmem_shared>> -> memref<10240x128xf32, #tpu.memory_space<vmem_shared>>
      tpu.enqueue_indirect_dma source(%arg9 : memref<80x128xf32, #tpu.memory_space<vmem>>) target(%dma_start3A_288 : memref<10240x128xf32, #tpu.memory_space<vmem_shared>>) offsets(%dma_start3A_285 : memref<80xi32, #tpu.memory_space<vmem>>) semaphore(%arg13 : memref<!tpu.dma_semaphore, #tpu.memory_space<semaphore_mem>>) {add = true}
      %add3A_289 = arith.constant 1 : i32
      %add3A_290 = arith.addi %mul3A_266, %add3A_289 : i32
      %dma_wait3A_291 = arith.constant 0 : i32
      %dma_wait3A_292 = tpu.memref_slice %arg7[%add3A_290, %dma_wait3A_291] : memref<25x80xi32, #tpu.memory_space<vmem>> -> memref<1x80xi32, #tpu.memory_space<vmem>>
      %dma_wait3A_293 = tpu.memref_squeeze %dma_wait3A_292 : memref<1x80xi32, #tpu.memory_space<vmem>> -> memref<80xi32, #tpu.memory_space<vmem>>
      %dma_wait3A_294 = arith.constant 0 : i32
      %dma_wait3A_295 = arith.constant 0 : i32
      %dma_wait3A_296 = tpu.memref_slice %arg4[%dma_wait3A_294, %dma_wait3A_295] : memref<10000x128xf32, #tpu.memory_space<hbm>> -> memref<10000x128xf32, #tpu.memory_space<hbm>>
      tpu.wait_indirect_dma semaphore(%arg12 : memref<!tpu.dma_semaphore, #tpu.memory_space<semaphore_mem>>) src(%dma_wait3A_296 : memref<10000x128xf32, #tpu.memory_space<hbm>>) dst(%arg10 : memref<80x128xf32, #tpu.memory_space<vmem>>)
      %dma_wait3A_297 = arith.constant 0 : i32
      %dma_wait3A_298 = tpu.memref_slice %arg8[%mul3A_266, %dma_wait3A_297] : memref<25x80xi32, #tpu.memory_space<vmem>> -> memref<1x80xi32, #tpu.memory_space<vmem>>
      %dma_wait3A_299 = tpu.memref_squeeze %dma_wait3A_298 : memref<1x80xi32, #tpu.memory_space<vmem>> -> memref<80xi32, #tpu.memory_space<vmem>>
      %dma_wait3A_300 = arith.constant 0 : i32
      %dma_wait3A_301 = arith.constant 0 : i32
      %dma_wait3A_302 = tpu.memref_slice %arg15[%dma_wait3A_300, %dma_wait3A_301] : memref<10240x128xf32, #tpu.memory_space<vmem_shared>> -> memref<10240x128xf32, #tpu.memory_space<vmem_shared>>
      tpu.wait_indirect_dma semaphore(%arg13 : memref<!tpu.dma_semaphore, #tpu.memory_space<semaphore_mem>>) src(%arg9 : memref<80x128xf32, #tpu.memory_space<vmem>>) dst(%dma_wait3A_302 : memref<10240x128xf32, #tpu.memory_space<vmem_shared>>)
      %add3A_303 = arith.constant 2 : i32
      %add3A_304 = arith.addi %mul3A_266, %add3A_303 : i32
      %dma_start3A_305 = arith.constant 0 : i32
      %dma_start3A_306 = tpu.memref_slice %arg7[%add3A_304, %dma_start3A_305] : memref<25x80xi32, #tpu.memory_space<vmem>> -> memref<1x80xi32, #tpu.memory_space<vmem>>
      %dma_start3A_307 = tpu.memref_squeeze %dma_start3A_306 : memref<1x80xi32, #tpu.memory_space<vmem>> -> memref<80xi32, #tpu.memory_space<vmem>>
      %dma_start3A_308 = arith.constant 0 : i32
      %dma_start3A_309 = arith.constant 0 : i32
      %dma_start3A_310 = tpu.memref_slice %arg4[%dma_start3A_308, %dma_start3A_309] : memref<10000x128xf32, #tpu.memory_space<hbm>> -> memref<10000x128xf32, #tpu.memory_space<hbm>>
      tpu.enqueue_indirect_dma source(%dma_start3A_310 : memref<10000x128xf32, #tpu.memory_space<hbm>>) target(%arg9 : memref<80x128xf32, #tpu.memory_space<vmem>>) offsets(%dma_start3A_307 : memref<80xi32, #tpu.memory_space<vmem>>) semaphore(%arg11 : memref<!tpu.dma_semaphore, #tpu.memory_space<semaphore_mem>>)
      %add3A_311 = arith.constant 1 : i32
      %add3A_312 = arith.addi %mul3A_266, %add3A_311 : i32
      %dma_start3A_313 = arith.constant 0 : i32
      %dma_start3A_314 = tpu.memref_slice %arg8[%add3A_312, %dma_start3A_313] : memref<25x80xi32, #tpu.memory_space<vmem>> -> memref<1x80xi32, #tpu.memory_space<vmem>>
      %dma_start3A_315 = tpu.memref_squeeze %dma_start3A_314 : memref<1x80xi32, #tpu.memory_space<vmem>> -> memref<80xi32, #tpu.memory_space<vmem>>
      %dma_start3A_316 = arith.constant 0 : i32
      %dma_start3A_317 = arith.constant 0 : i32
      %dma_start3A_318 = tpu.memref_slice %arg15[%dma_start3A_316, %dma_start3A_317] : memref<10240x128xf32, #tpu.memory_space<vmem_shared>> -> memref<10240x128xf32, #tpu.memory_space<vmem_shared>>
      tpu.enqueue_indirect_dma source(%arg10 : memref<80x128xf32, #tpu.memory_space<vmem>>) target(%dma_start3A_318 : memref<10240x128xf32, #tpu.memory_space<vmem_shared>>) offsets(%dma_start3A_315 : memref<80xi32, #tpu.memory_space<vmem>>) semaphore(%arg14 : memref<!tpu.dma_semaphore, #tpu.memory_space<semaphore_mem>>) {add = true}
    }
    %scan3A_128 = arith.constant 12 : i32
    %dma_wait3A = arith.constant 24 : i32
    %dma_wait3A_129 = arith.constant 0 : i32
    %dma_wait3A_130 = tpu.memref_slice %arg7[%dma_wait3A, %dma_wait3A_129] : memref<25x80xi32, #tpu.memory_space<vmem>> -> memref<1x80xi32, #tpu.memory_space<vmem>>
    %dma_wait3A_131 = tpu.memref_squeeze %dma_wait3A_130 : memref<1x80xi32, #tpu.memory_space<vmem>> -> memref<80xi32, #tpu.memory_space<vmem>>
    %dma_wait3A_132 = arith.constant 0 : i32
    %dma_wait3A_133 = arith.constant 0 : i32
    %dma_wait3A_134 = tpu.memref_slice %arg4[%dma_wait3A_132, %dma_wait3A_133] : memref<10000x128xf32, #tpu.memory_space<hbm>> -> memref<10000x128xf32, #tpu.memory_space<hbm>>
    tpu.wait_indirect_dma semaphore(%arg11 : memref<!tpu.dma_semaphore, #tpu.memory_space<semaphore_mem>>) src(%dma_wait3A_134 : memref<10000x128xf32, #tpu.memory_space<hbm>>) dst(%arg9 : memref<80x128xf32, #tpu.memory_space<vmem>>)
    %run_scoped3A_135 = arith.constant 24 : i32
    "tpu.region"() ({
      %run_scoped3A_264 = tpu.sem_alloc : memref<!tpu.dma_semaphore, #tpu.memory_space<semaphore_mem>>
      %dma_start3A_265 = arith.constant 0 : i32
      %dma_start3A_266 = tpu.memref_slice %arg8[%run_scoped3A_135, %dma_start3A_265] : memref<25x80xi32, #tpu.memory_space<vmem>> -> memref<1x80xi32, #tpu.memory_space<vmem>>
      %dma_start3A_267 = tpu.memref_squeeze %dma_start3A_266 : memref<1x80xi32, #tpu.memory_space<vmem>> -> memref<80xi32, #tpu.memory_space<vmem>>
      %dma_start3A_268 = arith.constant 0 : i32
      %dma_start3A_269 = arith.constant 0 : i32
      %dma_start3A_270 = tpu.memref_slice %arg15[%dma_start3A_268, %dma_start3A_269] : memref<10240x128xf32, #tpu.memory_space<vmem_shared>> -> memref<10240x128xf32, #tpu.memory_space<vmem_shared>>
      tpu.enqueue_indirect_dma source(%arg9 : memref<80x128xf32, #tpu.memory_space<vmem>>) target(%dma_start3A_270 : memref<10240x128xf32, #tpu.memory_space<vmem_shared>>) offsets(%dma_start3A_267 : memref<80xi32, #tpu.memory_space<vmem>>) semaphore(%run_scoped3A_264 : memref<!tpu.dma_semaphore, #tpu.memory_space<semaphore_mem>>) {add = true}
      %dma_wait3A_271 = arith.constant 0 : i32
      %dma_wait3A_272 = tpu.memref_slice %arg8[%run_scoped3A_135, %dma_wait3A_271] : memref<25x80xi32, #tpu.memory_space<vmem>> -> memref<1x80xi32, #tpu.memory_space<vmem>>
      %dma_wait3A_273 = tpu.memref_squeeze %dma_wait3A_272 : memref<1x80xi32, #tpu.memory_space<vmem>> -> memref<80xi32, #tpu.memory_space<vmem>>
      %dma_wait3A_274 = arith.constant 0 : i32
      %dma_wait3A_275 = arith.constant 0 : i32
      %dma_wait3A_276 = tpu.memref_slice %arg15[%dma_wait3A_274, %dma_wait3A_275] : memref<10240x128xf32, #tpu.memory_space<vmem_shared>> -> memref<10240x128xf32, #tpu.memory_space<vmem_shared>>
      tpu.wait_indirect_dma semaphore(%run_scoped3A_264 : memref<!tpu.dma_semaphore, #tpu.memory_space<semaphore_mem>>) src(%arg9 : memref<80x128xf32, #tpu.memory_space<vmem>>) dst(%dma_wait3A_276 : memref<10240x128xf32, #tpu.memory_space<vmem_shared>>)
      tpu.yield
    }) : () -> ()
    %dma_wait3A_136 = arith.constant 23 : i32
    %dma_wait3A_137 = arith.constant 0 : i32
    %dma_wait3A_138 = tpu.memref_slice %arg8[%dma_wait3A_136, %dma_wait3A_137] : memref<25x80xi32, #tpu.memory_space<vmem>> -> memref<1x80xi32, #tpu.memory_space<vmem>>
    %dma_wait3A_139 = tpu.memref_squeeze %dma_wait3A_138 : memref<1x80xi32, #tpu.memory_space<vmem>> -> memref<80xi32, #tpu.memory_space<vmem>>
    %dma_wait3A_140 = arith.constant 0 : i32
    %dma_wait3A_141 = arith.constant 0 : i32
    %dma_wait3A_142 = tpu.memref_slice %arg15[%dma_wait3A_140, %dma_wait3A_141] : memref<10240x128xf32, #tpu.memory_space<vmem_shared>> -> memref<10240x128xf32, #tpu.memory_space<vmem_shared>>
    tpu.wait_indirect_dma semaphore(%arg14 : memref<!tpu.dma_semaphore, #tpu.memory_space<semaphore_mem>>) src(%arg10 : memref<80x128xf32, #tpu.memory_space<vmem>>) dst(%dma_wait3A_142 : memref<10240x128xf32, #tpu.memory_space<vmem_shared>>)
    %run_scoped3A_143 = arith.constant 1 : i32
    "tpu.region"() ({
      %run_scoped3A_264 = tpu.sem_alloc : memref<!tpu.dma_semaphore, #tpu.memory_space<semaphore_mem>>
      %dma_start3A_265 = arith.constant 0 : i32
      %dma_start3A_266 = arith.constant 0 : i32
      %dma_start3A_267 = tpu.memref_slice %arg2[%arg0, %arg1, %run_scoped3A_143, %dma_start3A_265, %dma_start3A_266] : memref<2x16x5x25x80xi32, #tpu.memory_space<hbm>> -> memref<1x1x1x25x80xi32, #tpu.memory_space<hbm>>
      %dma_start3A_268 = tpu.memref_squeeze %dma_start3A_267 : memref<1x1x1x25x80xi32, #tpu.memory_space<hbm>> -> memref<25x80xi32, #tpu.memory_space<hbm>>
      %dma_start3A_269 = arith.constant 0 : i32
      %dma_start3A_270 = arith.constant 0 : i32
      %dma_start3A_271 = tpu.memref_slice %arg2[%arg0, %arg1, %run_scoped3A_143, %dma_start3A_269, %dma_start3A_270] : memref<2x16x5x25x80xi32, #tpu.memory_space<hbm>> -> memref<1x1x1x25x80xi32, #tpu.memory_space<hbm>>
      %dma_start3A_272 = tpu.memref_squeeze %dma_start3A_271 : memref<1x1x1x25x80xi32, #tpu.memory_space<hbm>> -> memref<25x80xi32, #tpu.memory_space<hbm>>
      tpu.enqueue_dma source(%dma_start3A_272 : memref<25x80xi32, #tpu.memory_space<hbm>>) target(%arg7 : memref<25x80xi32, #tpu.memory_space<vmem>>) target_semaphore(%run_scoped3A_264 : memref<!tpu.dma_semaphore, #tpu.memory_space<semaphore_mem>>)
      %dma_wait3A_273 = arith.constant 0 : i32
      %dma_wait3A_274 = arith.constant 0 : i32
      %dma_wait3A_275 = tpu.memref_slice %arg2[%arg0, %arg1, %run_scoped3A_143, %dma_wait3A_273, %dma_wait3A_274] : memref<2x16x5x25x80xi32, #tpu.memory_space<hbm>> -> memref<1x1x1x25x80xi32, #tpu.memory_space<hbm>>
      %dma_wait3A_276 = tpu.memref_squeeze %dma_wait3A_275 : memref<1x1x1x25x80xi32, #tpu.memory_space<hbm>> -> memref<25x80xi32, #tpu.memory_space<hbm>>
      %dma_wait3A_277 = arith.constant 0 : i32
      %dma_wait3A_278 = arith.constant 0 : i32
      %dma_wait3A_279 = tpu.memref_slice %arg2[%arg0, %arg1, %run_scoped3A_143, %dma_wait3A_277, %dma_wait3A_278] : memref<2x16x5x25x80xi32, #tpu.memory_space<hbm>> -> memref<1x1x1x25x80xi32, #tpu.memory_space<hbm>>
      %dma_wait3A_280 = tpu.memref_squeeze %dma_wait3A_279 : memref<1x1x1x25x80xi32, #tpu.memory_space<hbm>> -> memref<25x80xi32, #tpu.memory_space<hbm>>
      tpu.wait_dma2 semaphore(%run_scoped3A_264 : memref<!tpu.dma_semaphore, #tpu.memory_space<semaphore_mem>>) src(%dma_wait3A_280 : memref<25x80xi32, #tpu.memory_space<hbm>>) dst(%arg7 : memref<25x80xi32, #tpu.memory_space<vmem>>)
      tpu.yield
    }) : () -> ()
    %run_scoped3A_144 = arith.constant 1 : i32
    "tpu.region"() ({
      %run_scoped3A_264 = tpu.sem_alloc : memref<!tpu.dma_semaphore, #tpu.memory_space<semaphore_mem>>
      %dma_start3A_265 = arith.constant 0 : i32
      %dma_start3A_266 = arith.constant 0 : i32
      %dma_start3A_267 = tpu.memref_slice %arg3[%arg0, %arg1, %run_scoped3A_144, %dma_start3A_265, %dma_start3A_266] : memref<2x16x5x25x80xi32, #tpu.memory_space<hbm>> -> memref<1x1x1x25x80xi32, #tpu.memory_space<hbm>>
      %dma_start3A_268 = tpu.memref_squeeze %dma_start3A_267 : memref<1x1x1x25x80xi32, #tpu.memory_space<hbm>> -> memref<25x80xi32, #tpu.memory_space<hbm>>
      %dma_start3A_269 = arith.constant 0 : i32
      %dma_start3A_270 = arith.constant 0 : i32
      %dma_start3A_271 = tpu.memref_slice %arg3[%arg0, %arg1, %run_scoped3A_144, %dma_start3A_269, %dma_start3A_270] : memref<2x16x5x25x80xi32, #tpu.memory_space<hbm>> -> memref<1x1x1x25x80xi32, #tpu.memory_space<hbm>>
      %dma_start3A_272 = tpu.memref_squeeze %dma_start3A_271 : memref<1x1x1x25x80xi32, #tpu.memory_space<hbm>> -> memref<25x80xi32, #tpu.memory_space<hbm>>
      tpu.enqueue_dma source(%dma_start3A_272 : memref<25x80xi32, #tpu.memory_space<hbm>>) target(%arg8 : memref<25x80xi32, #tpu.memory_space<vmem>>) target_semaphore(%run_scoped3A_264 : memref<!tpu.dma_semaphore, #tpu.memory_space<semaphore_mem>>)
      %dma_wait3A_273 = arith.constant 0 : i32
      %dma_wait3A_274 = arith.constant 0 : i32
      %dma_wait3A_275 = tpu.memref_slice %arg3[%arg0, %arg1, %run_scoped3A_144, %dma_wait3A_273, %dma_wait3A_274] : memref<2x16x5x25x80xi32, #tpu.memory_space<hbm>> -> memref<1x1x1x25x80xi32, #tpu.memory_space<hbm>>
      %dma_wait3A_276 = tpu.memref_squeeze %dma_wait3A_275 : memref<1x1x1x25x80xi32, #tpu.memory_space<hbm>> -> memref<25x80xi32, #tpu.memory_space<hbm>>
      %dma_wait3A_277 = arith.constant 0 : i32
      %dma_wait3A_278 = arith.constant 0 : i32
      %dma_wait3A_279 = tpu.memref_slice %arg3[%arg0, %arg1, %run_scoped3A_144, %dma_wait3A_277, %dma_wait3A_278] : memref<2x16x5x25x80xi32, #tpu.memory_space<hbm>> -> memref<1x1x1x25x80xi32, #tpu.memory_space<hbm>>
      %dma_wait3A_280 = tpu.memref_squeeze %dma_wait3A_279 : memref<1x1x1x25x80xi32, #tpu.memory_space<hbm>> -> memref<25x80xi32, #tpu.memory_space<hbm>>
      tpu.wait_dma2 semaphore(%run_scoped3A_264 : memref<!tpu.dma_semaphore, #tpu.memory_space<semaphore_mem>>) src(%dma_wait3A_280 : memref<25x80xi32, #tpu.memory_space<hbm>>) dst(%arg8 : memref<25x80xi32, #tpu.memory_space<vmem>>)
      tpu.yield
    }) : () -> ()
    %dma_start3A_145 = arith.constant 0 : i32
    %dma_start3A_146 = arith.constant 0 : i32
    %dma_start3A_147 = tpu.memref_slice %arg7[%dma_start3A_145, %dma_start3A_146] : memref<25x80xi32, #tpu.memory_space<vmem>> -> memref<1x80xi32, #tpu.memory_space<vmem>>
    %dma_start3A_148 = tpu.memref_squeeze %dma_start3A_147 : memref<1x80xi32, #tpu.memory_space<vmem>> -> memref<80xi32, #tpu.memory_space<vmem>>
    %dma_start3A_149 = arith.constant 0 : i32
    %dma_start3A_150 = arith.constant 0 : i32
    %dma_start3A_151 = tpu.memref_slice %arg4[%dma_start3A_149, %dma_start3A_150] : memref<10000x128xf32, #tpu.memory_space<hbm>> -> memref<10000x128xf32, #tpu.memory_space<hbm>>
    tpu.enqueue_indirect_dma source(%dma_start3A_151 : memref<10000x128xf32, #tpu.memory_space<hbm>>) target(%arg9 : memref<80x128xf32, #tpu.memory_space<vmem>>) offsets(%dma_start3A_148 : memref<80xi32, #tpu.memory_space<vmem>>) semaphore(%arg11 : memref<!tpu.dma_semaphore, #tpu.memory_space<semaphore_mem>>)
    %scan3A_152 = arith.constant 0 : i32
    %scan3A_153 = arith.constant 0 : i32
    %scan3A_154 = arith.constant 12 : i32
    %scan3A_155 = arith.addi %scan3A_153, %scan3A_154 : i32
    %scan3A_156 = arith.constant 1 : i32
    scf.for %scan3A_264 = %scan3A_153 to %scan3A_155 step %scan3A_156  : i32 {
      %mul3A_265 = arith.constant 2 : i32
      %mul3A_266 = arith.muli %scan3A_264, %mul3A_265 : i32
      %dma_wait3A_267 = arith.constant 0 : i32
      %dma_wait3A_268 = tpu.memref_slice %arg7[%mul3A_266, %dma_wait3A_267] : memref<25x80xi32, #tpu.memory_space<vmem>> -> memref<1x80xi32, #tpu.memory_space<vmem>>
      %dma_wait3A_269 = tpu.memref_squeeze %dma_wait3A_268 : memref<1x80xi32, #tpu.memory_space<vmem>> -> memref<80xi32, #tpu.memory_space<vmem>>
      %dma_wait3A_270 = arith.constant 0 : i32
      %dma_wait3A_271 = arith.constant 0 : i32
      %dma_wait3A_272 = tpu.memref_slice %arg4[%dma_wait3A_270, %dma_wait3A_271] : memref<10000x128xf32, #tpu.memory_space<hbm>> -> memref<10000x128xf32, #tpu.memory_space<hbm>>
      tpu.wait_indirect_dma semaphore(%arg11 : memref<!tpu.dma_semaphore, #tpu.memory_space<semaphore_mem>>) src(%dma_wait3A_272 : memref<10000x128xf32, #tpu.memory_space<hbm>>) dst(%arg9 : memref<80x128xf32, #tpu.memory_space<vmem>>)
      %gt3A = arith.constant 0 : i32
      %gt3A_273 = arith.cmpi sgt, %mul3A_266, %gt3A : i32
      %convert_element_type3A = arith.extui %gt3A_273 : i1 to i32
      %cond3A = arith.constant 0 : i32
      %cond3A_274 = arith.cmpi ne, %convert_element_type3A, %cond3A : i32
      scf.if %cond3A_274 {
        %dma_wait3A_319 = arith.constant 0 : i32
        %dma_wait3A_320 = tpu.memref_slice %arg8[%mul3A_266, %dma_wait3A_319] : memref<25x80xi32, #tpu.memory_space<vmem>> -> memref<1x80xi32, #tpu.memory_space<vmem>>
        %dma_wait3A_321 = tpu.memref_squeeze %dma_wait3A_320 : memref<1x80xi32, #tpu.memory_space<vmem>> -> memref<80xi32, #tpu.memory_space<vmem>>
        %dma_wait3A_322 = arith.constant 0 : i32
        %dma_wait3A_323 = arith.constant 0 : i32
        %dma_wait3A_324 = tpu.memref_slice %arg15[%dma_wait3A_322, %dma_wait3A_323] : memref<10240x128xf32, #tpu.memory_space<vmem_shared>> -> memref<10240x128xf32, #tpu.memory_space<vmem_shared>>
        tpu.wait_indirect_dma semaphore(%arg14 : memref<!tpu.dma_semaphore, #tpu.memory_space<semaphore_mem>>) src(%arg10 : memref<80x128xf32, #tpu.memory_space<vmem>>) dst(%dma_wait3A_324 : memref<10240x128xf32, #tpu.memory_space<vmem_shared>>)
      } else {
      }
      %add3A_275 = arith.constant 1 : i32
      %add3A_276 = arith.addi %mul3A_266, %add3A_275 : i32
      %dma_start3A_277 = arith.constant 0 : i32
      %dma_start3A_278 = tpu.memref_slice %arg7[%add3A_276, %dma_start3A_277] : memref<25x80xi32, #tpu.memory_space<vmem>> -> memref<1x80xi32, #tpu.memory_space<vmem>>
      %dma_start3A_279 = tpu.memref_squeeze %dma_start3A_278 : memref<1x80xi32, #tpu.memory_space<vmem>> -> memref<80xi32, #tpu.memory_space<vmem>>
      %dma_start3A_280 = arith.constant 0 : i32
      %dma_start3A_281 = arith.constant 0 : i32
      %dma_start3A_282 = tpu.memref_slice %arg4[%dma_start3A_280, %dma_start3A_281] : memref<10000x128xf32, #tpu.memory_space<hbm>> -> memref<10000x128xf32, #tpu.memory_space<hbm>>
      tpu.enqueue_indirect_dma source(%dma_start3A_282 : memref<10000x128xf32, #tpu.memory_space<hbm>>) target(%arg10 : memref<80x128xf32, #tpu.memory_space<vmem>>) offsets(%dma_start3A_279 : memref<80xi32, #tpu.memory_space<vmem>>) semaphore(%arg12 : memref<!tpu.dma_semaphore, #tpu.memory_space<semaphore_mem>>)
      %dma_start3A_283 = arith.constant 0 : i32
      %dma_start3A_284 = tpu.memref_slice %arg8[%mul3A_266, %dma_start3A_283] : memref<25x80xi32, #tpu.memory_space<vmem>> -> memref<1x80xi32, #tpu.memory_space<vmem>>
      %dma_start3A_285 = tpu.memref_squeeze %dma_start3A_284 : memref<1x80xi32, #tpu.memory_space<vmem>> -> memref<80xi32, #tpu.memory_space<vmem>>
      %dma_start3A_286 = arith.constant 0 : i32
      %dma_start3A_287 = arith.constant 0 : i32
      %dma_start3A_288 = tpu.memref_slice %arg15[%dma_start3A_286, %dma_start3A_287] : memref<10240x128xf32, #tpu.memory_space<vmem_shared>> -> memref<10240x128xf32, #tpu.memory_space<vmem_shared>>
      tpu.enqueue_indirect_dma source(%arg9 : memref<80x128xf32, #tpu.memory_space<vmem>>) target(%dma_start3A_288 : memref<10240x128xf32, #tpu.memory_space<vmem_shared>>) offsets(%dma_start3A_285 : memref<80xi32, #tpu.memory_space<vmem>>) semaphore(%arg13 : memref<!tpu.dma_semaphore, #tpu.memory_space<semaphore_mem>>) {add = true}
      %add3A_289 = arith.constant 1 : i32
      %add3A_290 = arith.addi %mul3A_266, %add3A_289 : i32
      %dma_wait3A_291 = arith.constant 0 : i32
      %dma_wait3A_292 = tpu.memref_slice %arg7[%add3A_290, %dma_wait3A_291] : memref<25x80xi32, #tpu.memory_space<vmem>> -> memref<1x80xi32, #tpu.memory_space<vmem>>
      %dma_wait3A_293 = tpu.memref_squeeze %dma_wait3A_292 : memref<1x80xi32, #tpu.memory_space<vmem>> -> memref<80xi32, #tpu.memory_space<vmem>>
      %dma_wait3A_294 = arith.constant 0 : i32
      %dma_wait3A_295 = arith.constant 0 : i32
      %dma_wait3A_296 = tpu.memref_slice %arg4[%dma_wait3A_294, %dma_wait3A_295] : memref<10000x128xf32, #tpu.memory_space<hbm>> -> memref<10000x128xf32, #tpu.memory_space<hbm>>
      tpu.wait_indirect_dma semaphore(%arg12 : memref<!tpu.dma_semaphore, #tpu.memory_space<semaphore_mem>>) src(%dma_wait3A_296 : memref<10000x128xf32, #tpu.memory_space<hbm>>) dst(%arg10 : memref<80x128xf32, #tpu.memory_space<vmem>>)
      %dma_wait3A_297 = arith.constant 0 : i32
      %dma_wait3A_298 = tpu.memref_slice %arg8[%mul3A_266, %dma_wait3A_297] : memref<25x80xi32, #tpu.memory_space<vmem>> -> memref<1x80xi32, #tpu.memory_space<vmem>>
      %dma_wait3A_299 = tpu.memref_squeeze %dma_wait3A_298 : memref<1x80xi32, #tpu.memory_space<vmem>> -> memref<80xi32, #tpu.memory_space<vmem>>
      %dma_wait3A_300 = arith.constant 0 : i32
      %dma_wait3A_301 = arith.constant 0 : i32
      %dma_wait3A_302 = tpu.memref_slice %arg15[%dma_wait3A_300, %dma_wait3A_301] : memref<10240x128xf32, #tpu.memory_space<vmem_shared>> -> memref<10240x128xf32, #tpu.memory_space<vmem_shared>>
      tpu.wait_indirect_dma semaphore(%arg13 : memref<!tpu.dma_semaphore, #tpu.memory_space<semaphore_mem>>) src(%arg9 : memref<80x128xf32, #tpu.memory_space<vmem>>) dst(%dma_wait3A_302 : memref<10240x128xf32, #tpu.memory_space<vmem_shared>>)
      %add3A_303 = arith.constant 2 : i32
      %add3A_304 = arith.addi %mul3A_266, %add3A_303 : i32
      %dma_start3A_305 = arith.constant 0 : i32
      %dma_start3A_306 = tpu.memref_slice %arg7[%add3A_304, %dma_start3A_305] : memref<25x80xi32, #tpu.memory_space<vmem>> -> memref<1x80xi32, #tpu.memory_space<vmem>>
      %dma_start3A_307 = tpu.memref_squeeze %dma_start3A_306 : memref<1x80xi32, #tpu.memory_space<vmem>> -> memref<80xi32, #tpu.memory_space<vmem>>
      %dma_start3A_308 = arith.constant 0 : i32
      %dma_start3A_309 = arith.constant 0 : i32
      %dma_start3A_310 = tpu.memref_slice %arg4[%dma_start3A_308, %dma_start3A_309] : memref<10000x128xf32, #tpu.memory_space<hbm>> -> memref<10000x128xf32, #tpu.memory_space<hbm>>
      tpu.enqueue_indirect_dma source(%dma_start3A_310 : memref<10000x128xf32, #tpu.memory_space<hbm>>) target(%arg9 : memref<80x128xf32, #tpu.memory_space<vmem>>) offsets(%dma_start3A_307 : memref<80xi32, #tpu.memory_space<vmem>>) semaphore(%arg11 : memref<!tpu.dma_semaphore, #tpu.memory_space<semaphore_mem>>)
      %add3A_311 = arith.constant 1 : i32
      %add3A_312 = arith.addi %mul3A_266, %add3A_311 : i32
      %dma_start3A_313 = arith.constant 0 : i32
      %dma_start3A_314 = tpu.memref_slice %arg8[%add3A_312, %dma_start3A_313] : memref<25x80xi32, #tpu.memory_space<vmem>> -> memref<1x80xi32, #tpu.memory_space<vmem>>
      %dma_start3A_315 = tpu.memref_squeeze %dma_start3A_314 : memref<1x80xi32, #tpu.memory_space<vmem>> -> memref<80xi32, #tpu.memory_space<vmem>>
      %dma_start3A_316 = arith.constant 0 : i32
      %dma_start3A_317 = arith.constant 0 : i32
      %dma_start3A_318 = tpu.memref_slice %arg15[%dma_start3A_316, %dma_start3A_317] : memref<10240x128xf32, #tpu.memory_space<vmem_shared>> -> memref<10240x128xf32, #tpu.memory_space<vmem_shared>>
      tpu.enqueue_indirect_dma source(%arg10 : memref<80x128xf32, #tpu.memory_space<vmem>>) target(%dma_start3A_318 : memref<10240x128xf32, #tpu.memory_space<vmem_shared>>) offsets(%dma_start3A_315 : memref<80xi32, #tpu.memory_space<vmem>>) semaphore(%arg14 : memref<!tpu.dma_semaphore, #tpu.memory_space<semaphore_mem>>) {add = true}
    }
    %scan3A_157 = arith.constant 12 : i32
    %dma_wait3A_158 = arith.constant 24 : i32
    %dma_wait3A_159 = arith.constant 0 : i32
    %dma_wait3A_160 = tpu.memref_slice %arg7[%dma_wait3A_158, %dma_wait3A_159] : memref<25x80xi32, #tpu.memory_space<vmem>> -> memref<1x80xi32, #tpu.memory_space<vmem>>
    %dma_wait3A_161 = tpu.memref_squeeze %dma_wait3A_160 : memref<1x80xi32, #tpu.memory_space<vmem>> -> memref<80xi32, #tpu.memory_space<vmem>>
    %dma_wait3A_162 = arith.constant 0 : i32
    %dma_wait3A_163 = arith.constant 0 : i32
    %dma_wait3A_164 = tpu.memref_slice %arg4[%dma_wait3A_162, %dma_wait3A_163] : memref<10000x128xf32, #tpu.memory_space<hbm>> -> memref<10000x128xf32, #tpu.memory_space<hbm>>
    tpu.wait_indirect_dma semaphore(%arg11 : memref<!tpu.dma_semaphore, #tpu.memory_space<semaphore_mem>>) src(%dma_wait3A_164 : memref<10000x128xf32, #tpu.memory_space<hbm>>) dst(%arg9 : memref<80x128xf32, #tpu.memory_space<vmem>>)
    %run_scoped3A_165 = arith.constant 24 : i32
    "tpu.region"() ({
      %run_scoped3A_264 = tpu.sem_alloc : memref<!tpu.dma_semaphore, #tpu.memory_space<semaphore_mem>>
      %dma_start3A_265 = arith.constant 0 : i32
      %dma_start3A_266 = tpu.memref_slice %arg8[%run_scoped3A_165, %dma_start3A_265] : memref<25x80xi32, #tpu.memory_space<vmem>> -> memref<1x80xi32, #tpu.memory_space<vmem>>
      %dma_start3A_267 = tpu.memref_squeeze %dma_start3A_266 : memref<1x80xi32, #tpu.memory_space<vmem>> -> memref<80xi32, #tpu.memory_space<vmem>>
      %dma_start3A_268 = arith.constant 0 : i32
      %dma_start3A_269 = arith.constant 0 : i32
      %dma_start3A_270 = tpu.memref_slice %arg15[%dma_start3A_268, %dma_start3A_269] : memref<10240x128xf32, #tpu.memory_space<vmem_shared>> -> memref<10240x128xf32, #tpu.memory_space<vmem_shared>>
      tpu.enqueue_indirect_dma source(%arg9 : memref<80x128xf32, #tpu.memory_space<vmem>>) target(%dma_start3A_270 : memref<10240x128xf32, #tpu.memory_space<vmem_shared>>) offsets(%dma_start3A_267 : memref<80xi32, #tpu.memory_space<vmem>>) semaphore(%run_scoped3A_264 : memref<!tpu.dma_semaphore, #tpu.memory_space<semaphore_mem>>) {add = true}
      %dma_wait3A_271 = arith.constant 0 : i32
      %dma_wait3A_272 = tpu.memref_slice %arg8[%run_scoped3A_165, %dma_wait3A_271] : memref<25x80xi32, #tpu.memory_space<vmem>> -> memref<1x80xi32, #tpu.memory_space<vmem>>
      %dma_wait3A_273 = tpu.memref_squeeze %dma_wait3A_272 : memref<1x80xi32, #tpu.memory_space<vmem>> -> memref<80xi32, #tpu.memory_space<vmem>>
      %dma_wait3A_274 = arith.constant 0 : i32
      %dma_wait3A_275 = arith.constant 0 : i32
      %dma_wait3A_276 = tpu.memref_slice %arg15[%dma_wait3A_274, %dma_wait3A_275] : memref<10240x128xf32, #tpu.memory_space<vmem_shared>> -> memref<10240x128xf32, #tpu.memory_space<vmem_shared>>
      tpu.wait_indirect_dma semaphore(%run_scoped3A_264 : memref<!tpu.dma_semaphore, #tpu.memory_space<semaphore_mem>>) src(%arg9 : memref<80x128xf32, #tpu.memory_space<vmem>>) dst(%dma_wait3A_276 : memref<10240x128xf32, #tpu.memory_space<vmem_shared>>)
      tpu.yield
    }) : () -> ()
    %dma_wait3A_166 = arith.constant 23 : i32
    %dma_wait3A_167 = arith.constant 0 : i32
    %dma_wait3A_168 = tpu.memref_slice %arg8[%dma_wait3A_166, %dma_wait3A_167] : memref<25x80xi32, #tpu.memory_space<vmem>> -> memref<1x80xi32, #tpu.memory_space<vmem>>
    %dma_wait3A_169 = tpu.memref_squeeze %dma_wait3A_168 : memref<1x80xi32, #tpu.memory_space<vmem>> -> memref<80xi32, #tpu.memory_space<vmem>>
    %dma_wait3A_170 = arith.constant 0 : i32
    %dma_wait3A_171 = arith.constant 0 : i32
    %dma_wait3A_172 = tpu.memref_slice %arg15[%dma_wait3A_170, %dma_wait3A_171] : memref<10240x128xf32, #tpu.memory_space<vmem_shared>> -> memref<10240x128xf32, #tpu.memory_space<vmem_shared>>
    tpu.wait_indirect_dma semaphore(%arg14 : memref<!tpu.dma_semaphore, #tpu.memory_space<semaphore_mem>>) src(%arg10 : memref<80x128xf32, #tpu.memory_space<vmem>>) dst(%dma_wait3A_172 : memref<10240x128xf32, #tpu.memory_space<vmem_shared>>)
    %run_scoped3A_173 = arith.constant 2 : i32
    "tpu.region"() ({
      %run_scoped3A_264 = tpu.sem_alloc : memref<!tpu.dma_semaphore, #tpu.memory_space<semaphore_mem>>
      %dma_start3A_265 = arith.constant 0 : i32
      %dma_start3A_266 = arith.constant 0 : i32
      %dma_start3A_267 = tpu.memref_slice %arg2[%arg0, %arg1, %run_scoped3A_173, %dma_start3A_265, %dma_start3A_266] : memref<2x16x5x25x80xi32, #tpu.memory_space<hbm>> -> memref<1x1x1x25x80xi32, #tpu.memory_space<hbm>>
      %dma_start3A_268 = tpu.memref_squeeze %dma_start3A_267 : memref<1x1x1x25x80xi32, #tpu.memory_space<hbm>> -> memref<25x80xi32, #tpu.memory_space<hbm>>
      %dma_start3A_269 = arith.constant 0 : i32
      %dma_start3A_270 = arith.constant 0 : i32
      %dma_start3A_271 = tpu.memref_slice %arg2[%arg0, %arg1, %run_scoped3A_173, %dma_start3A_269, %dma_start3A_270] : memref<2x16x5x25x80xi32, #tpu.memory_space<hbm>> -> memref<1x1x1x25x80xi32, #tpu.memory_space<hbm>>
      %dma_start3A_272 = tpu.memref_squeeze %dma_start3A_271 : memref<1x1x1x25x80xi32, #tpu.memory_space<hbm>> -> memref<25x80xi32, #tpu.memory_space<hbm>>
      tpu.enqueue_dma source(%dma_start3A_272 : memref<25x80xi32, #tpu.memory_space<hbm>>) target(%arg7 : memref<25x80xi32, #tpu.memory_space<vmem>>) target_semaphore(%run_scoped3A_264 : memref<!tpu.dma_semaphore, #tpu.memory_space<semaphore_mem>>)
      %dma_wait3A_273 = arith.constant 0 : i32
      %dma_wait3A_274 = arith.constant 0 : i32
      %dma_wait3A_275 = tpu.memref_slice %arg2[%arg0, %arg1, %run_scoped3A_173, %dma_wait3A_273, %dma_wait3A_274] : memref<2x16x5x25x80xi32, #tpu.memory_space<hbm>> -> memref<1x1x1x25x80xi32, #tpu.memory_space<hbm>>
      %dma_wait3A_276 = tpu.memref_squeeze %dma_wait3A_275 : memref<1x1x1x25x80xi32, #tpu.memory_space<hbm>> -> memref<25x80xi32, #tpu.memory_space<hbm>>
      %dma_wait3A_277 = arith.constant 0 : i32
      %dma_wait3A_278 = arith.constant 0 : i32
      %dma_wait3A_279 = tpu.memref_slice %arg2[%arg0, %arg1, %run_scoped3A_173, %dma_wait3A_277, %dma_wait3A_278] : memref<2x16x5x25x80xi32, #tpu.memory_space<hbm>> -> memref<1x1x1x25x80xi32, #tpu.memory_space<hbm>>
      %dma_wait3A_280 = tpu.memref_squeeze %dma_wait3A_279 : memref<1x1x1x25x80xi32, #tpu.memory_space<hbm>> -> memref<25x80xi32, #tpu.memory_space<hbm>>
      tpu.wait_dma2 semaphore(%run_scoped3A_264 : memref<!tpu.dma_semaphore, #tpu.memory_space<semaphore_mem>>) src(%dma_wait3A_280 : memref<25x80xi32, #tpu.memory_space<hbm>>) dst(%arg7 : memref<25x80xi32, #tpu.memory_space<vmem>>)
      tpu.yield
    }) : () -> ()
    %run_scoped3A_174 = arith.constant 2 : i32
    "tpu.region"() ({
      %run_scoped3A_264 = tpu.sem_alloc : memref<!tpu.dma_semaphore, #tpu.memory_space<semaphore_mem>>
      %dma_start3A_265 = arith.constant 0 : i32
      %dma_start3A_266 = arith.constant 0 : i32
      %dma_start3A_267 = tpu.memref_slice %arg3[%arg0, %arg1, %run_scoped3A_174, %dma_start3A_265, %dma_start3A_266] : memref<2x16x5x25x80xi32, #tpu.memory_space<hbm>> -> memref<1x1x1x25x80xi32, #tpu.memory_space<hbm>>
      %dma_start3A_268 = tpu.memref_squeeze %dma_start3A_267 : memref<1x1x1x25x80xi32, #tpu.memory_space<hbm>> -> memref<25x80xi32, #tpu.memory_space<hbm>>
      %dma_start3A_269 = arith.constant 0 : i32
      %dma_start3A_270 = arith.constant 0 : i32
      %dma_start3A_271 = tpu.memref_slice %arg3[%arg0, %arg1, %run_scoped3A_174, %dma_start3A_269, %dma_start3A_270] : memref<2x16x5x25x80xi32, #tpu.memory_space<hbm>> -> memref<1x1x1x25x80xi32, #tpu.memory_space<hbm>>
      %dma_start3A_272 = tpu.memref_squeeze %dma_start3A_271 : memref<1x1x1x25x80xi32, #tpu.memory_space<hbm>> -> memref<25x80xi32, #tpu.memory_space<hbm>>
      tpu.enqueue_dma source(%dma_start3A_272 : memref<25x80xi32, #tpu.memory_space<hbm>>) target(%arg8 : memref<25x80xi32, #tpu.memory_space<vmem>>) target_semaphore(%run_scoped3A_264 : memref<!tpu.dma_semaphore, #tpu.memory_space<semaphore_mem>>)
      %dma_wait3A_273 = arith.constant 0 : i32
      %dma_wait3A_274 = arith.constant 0 : i32
      %dma_wait3A_275 = tpu.memref_slice %arg3[%arg0, %arg1, %run_scoped3A_174, %dma_wait3A_273, %dma_wait3A_274] : memref<2x16x5x25x80xi32, #tpu.memory_space<hbm>> -> memref<1x1x1x25x80xi32, #tpu.memory_space<hbm>>
      %dma_wait3A_276 = tpu.memref_squeeze %dma_wait3A_275 : memref<1x1x1x25x80xi32, #tpu.memory_space<hbm>> -> memref<25x80xi32, #tpu.memory_space<hbm>>
      %dma_wait3A_277 = arith.constant 0 : i32
      %dma_wait3A_278 = arith.constant 0 : i32
      %dma_wait3A_279 = tpu.memref_slice %arg3[%arg0, %arg1, %run_scoped3A_174, %dma_wait3A_277, %dma_wait3A_278] : memref<2x16x5x25x80xi32, #tpu.memory_space<hbm>> -> memref<1x1x1x25x80xi32, #tpu.memory_space<hbm>>
      %dma_wait3A_280 = tpu.memref_squeeze %dma_wait3A_279 : memref<1x1x1x25x80xi32, #tpu.memory_space<hbm>> -> memref<25x80xi32, #tpu.memory_space<hbm>>
      tpu.wait_dma2 semaphore(%run_scoped3A_264 : memref<!tpu.dma_semaphore, #tpu.memory_space<semaphore_mem>>) src(%dma_wait3A_280 : memref<25x80xi32, #tpu.memory_space<hbm>>) dst(%arg8 : memref<25x80xi32, #tpu.memory_space<vmem>>)
      tpu.yield
    }) : () -> ()
    %dma_start3A_175 = arith.constant 0 : i32
    %dma_start3A_176 = arith.constant 0 : i32
    %dma_start3A_177 = tpu.memref_slice %arg7[%dma_start3A_175, %dma_start3A_176] : memref<25x80xi32, #tpu.memory_space<vmem>> -> memref<1x80xi32, #tpu.memory_space<vmem>>
    %dma_start3A_178 = tpu.memref_squeeze %dma_start3A_177 : memref<1x80xi32, #tpu.memory_space<vmem>> -> memref<80xi32, #tpu.memory_space<vmem>>
    %dma_start3A_179 = arith.constant 0 : i32
    %dma_start3A_180 = arith.constant 0 : i32
    %dma_start3A_181 = tpu.memref_slice %arg4[%dma_start3A_179, %dma_start3A_180] : memref<10000x128xf32, #tpu.memory_space<hbm>> -> memref<10000x128xf32, #tpu.memory_space<hbm>>
    tpu.enqueue_indirect_dma source(%dma_start3A_181 : memref<10000x128xf32, #tpu.memory_space<hbm>>) target(%arg9 : memref<80x128xf32, #tpu.memory_space<vmem>>) offsets(%dma_start3A_178 : memref<80xi32, #tpu.memory_space<vmem>>) semaphore(%arg11 : memref<!tpu.dma_semaphore, #tpu.memory_space<semaphore_mem>>)
    %scan3A_182 = arith.constant 0 : i32
    %scan3A_183 = arith.constant 0 : i32
    %scan3A_184 = arith.constant 12 : i32
    %scan3A_185 = arith.addi %scan3A_183, %scan3A_184 : i32
    %scan3A_186 = arith.constant 1 : i32
    scf.for %scan3A_264 = %scan3A_183 to %scan3A_185 step %scan3A_186  : i32 {
      %mul3A_265 = arith.constant 2 : i32
      %mul3A_266 = arith.muli %scan3A_264, %mul3A_265 : i32
      %dma_wait3A_267 = arith.constant 0 : i32
      %dma_wait3A_268 = tpu.memref_slice %arg7[%mul3A_266, %dma_wait3A_267] : memref<25x80xi32, #tpu.memory_space<vmem>> -> memref<1x80xi32, #tpu.memory_space<vmem>>
      %dma_wait3A_269 = tpu.memref_squeeze %dma_wait3A_268 : memref<1x80xi32, #tpu.memory_space<vmem>> -> memref<80xi32, #tpu.memory_space<vmem>>
      %dma_wait3A_270 = arith.constant 0 : i32
      %dma_wait3A_271 = arith.constant 0 : i32
      %dma_wait3A_272 = tpu.memref_slice %arg4[%dma_wait3A_270, %dma_wait3A_271] : memref<10000x128xf32, #tpu.memory_space<hbm>> -> memref<10000x128xf32, #tpu.memory_space<hbm>>
      tpu.wait_indirect_dma semaphore(%arg11 : memref<!tpu.dma_semaphore, #tpu.memory_space<semaphore_mem>>) src(%dma_wait3A_272 : memref<10000x128xf32, #tpu.memory_space<hbm>>) dst(%arg9 : memref<80x128xf32, #tpu.memory_space<vmem>>)
      %gt3A = arith.constant 0 : i32
      %gt3A_273 = arith.cmpi sgt, %mul3A_266, %gt3A : i32
      %convert_element_type3A = arith.extui %gt3A_273 : i1 to i32
      %cond3A = arith.constant 0 : i32
      %cond3A_274 = arith.cmpi ne, %convert_element_type3A, %cond3A : i32
      scf.if %cond3A_274 {
        %dma_wait3A_319 = arith.constant 0 : i32
        %dma_wait3A_320 = tpu.memref_slice %arg8[%mul3A_266, %dma_wait3A_319] : memref<25x80xi32, #tpu.memory_space<vmem>> -> memref<1x80xi32, #tpu.memory_space<vmem>>
        %dma_wait3A_321 = tpu.memref_squeeze %dma_wait3A_320 : memref<1x80xi32, #tpu.memory_space<vmem>> -> memref<80xi32, #tpu.memory_space<vmem>>
        %dma_wait3A_322 = arith.constant 0 : i32
        %dma_wait3A_323 = arith.constant 0 : i32
        %dma_wait3A_324 = tpu.memref_slice %arg15[%dma_wait3A_322, %dma_wait3A_323] : memref<10240x128xf32, #tpu.memory_space<vmem_shared>> -> memref<10240x128xf32, #tpu.memory_space<vmem_shared>>
        tpu.wait_indirect_dma semaphore(%arg14 : memref<!tpu.dma_semaphore, #tpu.memory_space<semaphore_mem>>) src(%arg10 : memref<80x128xf32, #tpu.memory_space<vmem>>) dst(%dma_wait3A_324 : memref<10240x128xf32, #tpu.memory_space<vmem_shared>>)
      } else {
      }
      %add3A_275 = arith.constant 1 : i32
      %add3A_276 = arith.addi %mul3A_266, %add3A_275 : i32
      %dma_start3A_277 = arith.constant 0 : i32
      %dma_start3A_278 = tpu.memref_slice %arg7[%add3A_276, %dma_start3A_277] : memref<25x80xi32, #tpu.memory_space<vmem>> -> memref<1x80xi32, #tpu.memory_space<vmem>>
      %dma_start3A_279 = tpu.memref_squeeze %dma_start3A_278 : memref<1x80xi32, #tpu.memory_space<vmem>> -> memref<80xi32, #tpu.memory_space<vmem>>
      %dma_start3A_280 = arith.constant 0 : i32
      %dma_start3A_281 = arith.constant 0 : i32
      %dma_start3A_282 = tpu.memref_slice %arg4[%dma_start3A_280, %dma_start3A_281] : memref<10000x128xf32, #tpu.memory_space<hbm>> -> memref<10000x128xf32, #tpu.memory_space<hbm>>
      tpu.enqueue_indirect_dma source(%dma_start3A_282 : memref<10000x128xf32, #tpu.memory_space<hbm>>) target(%arg10 : memref<80x128xf32, #tpu.memory_space<vmem>>) offsets(%dma_start3A_279 : memref<80xi32, #tpu.memory_space<vmem>>) semaphore(%arg12 : memref<!tpu.dma_semaphore, #tpu.memory_space<semaphore_mem>>)
      %dma_start3A_283 = arith.constant 0 : i32
      %dma_start3A_284 = tpu.memref_slice %arg8[%mul3A_266, %dma_start3A_283] : memref<25x80xi32, #tpu.memory_space<vmem>> -> memref<1x80xi32, #tpu.memory_space<vmem>>
      %dma_start3A_285 = tpu.memref_squeeze %dma_start3A_284 : memref<1x80xi32, #tpu.memory_space<vmem>> -> memref<80xi32, #tpu.memory_space<vmem>>
      %dma_start3A_286 = arith.constant 0 : i32
      %dma_start3A_287 = arith.constant 0 : i32
      %dma_start3A_288 = tpu.memref_slice %arg15[%dma_start3A_286, %dma_start3A_287] : memref<10240x128xf32, #tpu.memory_space<vmem_shared>> -> memref<10240x128xf32, #tpu.memory_space<vmem_shared>>
      tpu.enqueue_indirect_dma source(%arg9 : memref<80x128xf32, #tpu.memory_space<vmem>>) target(%dma_start3A_288 : memref<10240x128xf32, #tpu.memory_space<vmem_shared>>) offsets(%dma_start3A_285 : memref<80xi32, #tpu.memory_space<vmem>>) semaphore(%arg13 : memref<!tpu.dma_semaphore, #tpu.memory_space<semaphore_mem>>) {add = true}
      %add3A_289 = arith.constant 1 : i32
      %add3A_290 = arith.addi %mul3A_266, %add3A_289 : i32
      %dma_wait3A_291 = arith.constant 0 : i32
      %dma_wait3A_292 = tpu.memref_slice %arg7[%add3A_290, %dma_wait3A_291] : memref<25x80xi32, #tpu.memory_space<vmem>> -> memref<1x80xi32, #tpu.memory_space<vmem>>
      %dma_wait3A_293 = tpu.memref_squeeze %dma_wait3A_292 : memref<1x80xi32, #tpu.memory_space<vmem>> -> memref<80xi32, #tpu.memory_space<vmem>>
      %dma_wait3A_294 = arith.constant 0 : i32
      %dma_wait3A_295 = arith.constant 0 : i32
      %dma_wait3A_296 = tpu.memref_slice %arg4[%dma_wait3A_294, %dma_wait3A_295] : memref<10000x128xf32, #tpu.memory_space<hbm>> -> memref<10000x128xf32, #tpu.memory_space<hbm>>
      tpu.wait_indirect_dma semaphore(%arg12 : memref<!tpu.dma_semaphore, #tpu.memory_space<semaphore_mem>>) src(%dma_wait3A_296 : memref<10000x128xf32, #tpu.memory_space<hbm>>) dst(%arg10 : memref<80x128xf32, #tpu.memory_space<vmem>>)
      %dma_wait3A_297 = arith.constant 0 : i32
      %dma_wait3A_298 = tpu.memref_slice %arg8[%mul3A_266, %dma_wait3A_297] : memref<25x80xi32, #tpu.memory_space<vmem>> -> memref<1x80xi32, #tpu.memory_space<vmem>>
      %dma_wait3A_299 = tpu.memref_squeeze %dma_wait3A_298 : memref<1x80xi32, #tpu.memory_space<vmem>> -> memref<80xi32, #tpu.memory_space<vmem>>
      %dma_wait3A_300 = arith.constant 0 : i32
      %dma_wait3A_301 = arith.constant 0 : i32
      %dma_wait3A_302 = tpu.memref_slice %arg15[%dma_wait3A_300, %dma_wait3A_301] : memref<10240x128xf32, #tpu.memory_space<vmem_shared>> -> memref<10240x128xf32, #tpu.memory_space<vmem_shared>>
      tpu.wait_indirect_dma semaphore(%arg13 : memref<!tpu.dma_semaphore, #tpu.memory_space<semaphore_mem>>) src(%arg9 : memref<80x128xf32, #tpu.memory_space<vmem>>) dst(%dma_wait3A_302 : memref<10240x128xf32, #tpu.memory_space<vmem_shared>>)
      %add3A_303 = arith.constant 2 : i32
      %add3A_304 = arith.addi %mul3A_266, %add3A_303 : i32
      %dma_start3A_305 = arith.constant 0 : i32
      %dma_start3A_306 = tpu.memref_slice %arg7[%add3A_304, %dma_start3A_305] : memref<25x80xi32, #tpu.memory_space<vmem>> -> memref<1x80xi32, #tpu.memory_space<vmem>>
      %dma_start3A_307 = tpu.memref_squeeze %dma_start3A_306 : memref<1x80xi32, #tpu.memory_space<vmem>> -> memref<80xi32, #tpu.memory_space<vmem>>
      %dma_start3A_308 = arith.constant 0 : i32
      %dma_start3A_309 = arith.constant 0 : i32
      %dma_start3A_310 = tpu.memref_slice %arg4[%dma_start3A_308, %dma_start3A_309] : memref<10000x128xf32, #tpu.memory_space<hbm>> -> memref<10000x128xf32, #tpu.memory_space<hbm>>
      tpu.enqueue_indirect_dma source(%dma_start3A_310 : memref<10000x128xf32, #tpu.memory_space<hbm>>) target(%arg9 : memref<80x128xf32, #tpu.memory_space<vmem>>) offsets(%dma_start3A_307 : memref<80xi32, #tpu.memory_space<vmem>>) semaphore(%arg11 : memref<!tpu.dma_semaphore, #tpu.memory_space<semaphore_mem>>)
      %add3A_311 = arith.constant 1 : i32
      %add3A_312 = arith.addi %mul3A_266, %add3A_311 : i32
      %dma_start3A_313 = arith.constant 0 : i32
      %dma_start3A_314 = tpu.memref_slice %arg8[%add3A_312, %dma_start3A_313] : memref<25x80xi32, #tpu.memory_space<vmem>> -> memref<1x80xi32, #tpu.memory_space<vmem>>
      %dma_start3A_315 = tpu.memref_squeeze %dma_start3A_314 : memref<1x80xi32, #tpu.memory_space<vmem>> -> memref<80xi32, #tpu.memory_space<vmem>>
      %dma_start3A_316 = arith.constant 0 : i32
      %dma_start3A_317 = arith.constant 0 : i32
      %dma_start3A_318 = tpu.memref_slice %arg15[%dma_start3A_316, %dma_start3A_317] : memref<10240x128xf32, #tpu.memory_space<vmem_shared>> -> memref<10240x128xf32, #tpu.memory_space<vmem_shared>>
      tpu.enqueue_indirect_dma source(%arg10 : memref<80x128xf32, #tpu.memory_space<vmem>>) target(%dma_start3A_318 : memref<10240x128xf32, #tpu.memory_space<vmem_shared>>) offsets(%dma_start3A_315 : memref<80xi32, #tpu.memory_space<vmem>>) semaphore(%arg14 : memref<!tpu.dma_semaphore, #tpu.memory_space<semaphore_mem>>) {add = true}
    }
    %scan3A_187 = arith.constant 12 : i32
    %dma_wait3A_188 = arith.constant 24 : i32
    %dma_wait3A_189 = arith.constant 0 : i32
    %dma_wait3A_190 = tpu.memref_slice %arg7[%dma_wait3A_188, %dma_wait3A_189] : memref<25x80xi32, #tpu.memory_space<vmem>> -> memref<1x80xi32, #tpu.memory_space<vmem>>
    %dma_wait3A_191 = tpu.memref_squeeze %dma_wait3A_190 : memref<1x80xi32, #tpu.memory_space<vmem>> -> memref<80xi32, #tpu.memory_space<vmem>>
    %dma_wait3A_192 = arith.constant 0 : i32
    %dma_wait3A_193 = arith.constant 0 : i32
    %dma_wait3A_194 = tpu.memref_slice %arg4[%dma_wait3A_192, %dma_wait3A_193] : memref<10000x128xf32, #tpu.memory_space<hbm>> -> memref<10000x128xf32, #tpu.memory_space<hbm>>
    tpu.wait_indirect_dma semaphore(%arg11 : memref<!tpu.dma_semaphore, #tpu.memory_space<semaphore_mem>>) src(%dma_wait3A_194 : memref<10000x128xf32, #tpu.memory_space<hbm>>) dst(%arg9 : memref<80x128xf32, #tpu.memory_space<vmem>>)
    %run_scoped3A_195 = arith.constant 24 : i32
    "tpu.region"() ({
      %run_scoped3A_264 = tpu.sem_alloc : memref<!tpu.dma_semaphore, #tpu.memory_space<semaphore_mem>>
      %dma_start3A_265 = arith.constant 0 : i32
      %dma_start3A_266 = tpu.memref_slice %arg8[%run_scoped3A_195, %dma_start3A_265] : memref<25x80xi32, #tpu.memory_space<vmem>> -> memref<1x80xi32, #tpu.memory_space<vmem>>
      %dma_start3A_267 = tpu.memref_squeeze %dma_start3A_266 : memref<1x80xi32, #tpu.memory_space<vmem>> -> memref<80xi32, #tpu.memory_space<vmem>>
      %dma_start3A_268 = arith.constant 0 : i32
      %dma_start3A_269 = arith.constant 0 : i32
      %dma_start3A_270 = tpu.memref_slice %arg15[%dma_start3A_268, %dma_start3A_269] : memref<10240x128xf32, #tpu.memory_space<vmem_shared>> -> memref<10240x128xf32, #tpu.memory_space<vmem_shared>>
      tpu.enqueue_indirect_dma source(%arg9 : memref<80x128xf32, #tpu.memory_space<vmem>>) target(%dma_start3A_270 : memref<10240x128xf32, #tpu.memory_space<vmem_shared>>) offsets(%dma_start3A_267 : memref<80xi32, #tpu.memory_space<vmem>>) semaphore(%run_scoped3A_264 : memref<!tpu.dma_semaphore, #tpu.memory_space<semaphore_mem>>) {add = true}
      %dma_wait3A_271 = arith.constant 0 : i32
      %dma_wait3A_272 = tpu.memref_slice %arg8[%run_scoped3A_195, %dma_wait3A_271] : memref<25x80xi32, #tpu.memory_space<vmem>> -> memref<1x80xi32, #tpu.memory_space<vmem>>
      %dma_wait3A_273 = tpu.memref_squeeze %dma_wait3A_272 : memref<1x80xi32, #tpu.memory_space<vmem>> -> memref<80xi32, #tpu.memory_space<vmem>>
      %dma_wait3A_274 = arith.constant 0 : i32
      %dma_wait3A_275 = arith.constant 0 : i32
      %dma_wait3A_276 = tpu.memref_slice %arg15[%dma_wait3A_274, %dma_wait3A_275] : memref<10240x128xf32, #tpu.memory_space<vmem_shared>> -> memref<10240x128xf32, #tpu.memory_space<vmem_shared>>
      tpu.wait_indirect_dma semaphore(%run_scoped3A_264 : memref<!tpu.dma_semaphore, #tpu.memory_space<semaphore_mem>>) src(%arg9 : memref<80x128xf32, #tpu.memory_space<vmem>>) dst(%dma_wait3A_276 : memref<10240x128xf32, #tpu.memory_space<vmem_shared>>)
      tpu.yield
    }) : () -> ()
    %dma_wait3A_196 = arith.constant 23 : i32
    %dma_wait3A_197 = arith.constant 0 : i32
    %dma_wait3A_198 = tpu.memref_slice %arg8[%dma_wait3A_196, %dma_wait3A_197] : memref<25x80xi32, #tpu.memory_space<vmem>> -> memref<1x80xi32, #tpu.memory_space<vmem>>
    %dma_wait3A_199 = tpu.memref_squeeze %dma_wait3A_198 : memref<1x80xi32, #tpu.memory_space<vmem>> -> memref<80xi32, #tpu.memory_space<vmem>>
    %dma_wait3A_200 = arith.constant 0 : i32
    %dma_wait3A_201 = arith.constant 0 : i32
    %dma_wait3A_202 = tpu.memref_slice %arg15[%dma_wait3A_200, %dma_wait3A_201] : memref<10240x128xf32, #tpu.memory_space<vmem_shared>> -> memref<10240x128xf32, #tpu.memory_space<vmem_shared>>
    tpu.wait_indirect_dma semaphore(%arg14 : memref<!tpu.dma_semaphore, #tpu.memory_space<semaphore_mem>>) src(%arg10 : memref<80x128xf32, #tpu.memory_space<vmem>>) dst(%dma_wait3A_202 : memref<10240x128xf32, #tpu.memory_space<vmem_shared>>)
    %run_scoped3A_203 = arith.constant 3 : i32
    "tpu.region"() ({
      %run_scoped3A_264 = tpu.sem_alloc : memref<!tpu.dma_semaphore, #tpu.memory_space<semaphore_mem>>
      %dma_start3A_265 = arith.constant 0 : i32
      %dma_start3A_266 = arith.constant 0 : i32
      %dma_start3A_267 = tpu.memref_slice %arg2[%arg0, %arg1, %run_scoped3A_203, %dma_start3A_265, %dma_start3A_266] : memref<2x16x5x25x80xi32, #tpu.memory_space<hbm>> -> memref<1x1x1x25x80xi32, #tpu.memory_space<hbm>>
      %dma_start3A_268 = tpu.memref_squeeze %dma_start3A_267 : memref<1x1x1x25x80xi32, #tpu.memory_space<hbm>> -> memref<25x80xi32, #tpu.memory_space<hbm>>
      %dma_start3A_269 = arith.constant 0 : i32
      %dma_start3A_270 = arith.constant 0 : i32
      %dma_start3A_271 = tpu.memref_slice %arg2[%arg0, %arg1, %run_scoped3A_203, %dma_start3A_269, %dma_start3A_270] : memref<2x16x5x25x80xi32, #tpu.memory_space<hbm>> -> memref<1x1x1x25x80xi32, #tpu.memory_space<hbm>>
      %dma_start3A_272 = tpu.memref_squeeze %dma_start3A_271 : memref<1x1x1x25x80xi32, #tpu.memory_space<hbm>> -> memref<25x80xi32, #tpu.memory_space<hbm>>
      tpu.enqueue_dma source(%dma_start3A_272 : memref<25x80xi32, #tpu.memory_space<hbm>>) target(%arg7 : memref<25x80xi32, #tpu.memory_space<vmem>>) target_semaphore(%run_scoped3A_264 : memref<!tpu.dma_semaphore, #tpu.memory_space<semaphore_mem>>)
      %dma_wait3A_273 = arith.constant 0 : i32
      %dma_wait3A_274 = arith.constant 0 : i32
      %dma_wait3A_275 = tpu.memref_slice %arg2[%arg0, %arg1, %run_scoped3A_203, %dma_wait3A_273, %dma_wait3A_274] : memref<2x16x5x25x80xi32, #tpu.memory_space<hbm>> -> memref<1x1x1x25x80xi32, #tpu.memory_space<hbm>>
      %dma_wait3A_276 = tpu.memref_squeeze %dma_wait3A_275 : memref<1x1x1x25x80xi32, #tpu.memory_space<hbm>> -> memref<25x80xi32, #tpu.memory_space<hbm>>
      %dma_wait3A_277 = arith.constant 0 : i32
      %dma_wait3A_278 = arith.constant 0 : i32
      %dma_wait3A_279 = tpu.memref_slice %arg2[%arg0, %arg1, %run_scoped3A_203, %dma_wait3A_277, %dma_wait3A_278] : memref<2x16x5x25x80xi32, #tpu.memory_space<hbm>> -> memref<1x1x1x25x80xi32, #tpu.memory_space<hbm>>
      %dma_wait3A_280 = tpu.memref_squeeze %dma_wait3A_279 : memref<1x1x1x25x80xi32, #tpu.memory_space<hbm>> -> memref<25x80xi32, #tpu.memory_space<hbm>>
      tpu.wait_dma2 semaphore(%run_scoped3A_264 : memref<!tpu.dma_semaphore, #tpu.memory_space<semaphore_mem>>) src(%dma_wait3A_280 : memref<25x80xi32, #tpu.memory_space<hbm>>) dst(%arg7 : memref<25x80xi32, #tpu.memory_space<vmem>>)
      tpu.yield
    }) : () -> ()
    %run_scoped3A_204 = arith.constant 3 : i32
    "tpu.region"() ({
      %run_scoped3A_264 = tpu.sem_alloc : memref<!tpu.dma_semaphore, #tpu.memory_space<semaphore_mem>>
      %dma_start3A_265 = arith.constant 0 : i32
      %dma_start3A_266 = arith.constant 0 : i32
      %dma_start3A_267 = tpu.memref_slice %arg3[%arg0, %arg1, %run_scoped3A_204, %dma_start3A_265, %dma_start3A_266] : memref<2x16x5x25x80xi32, #tpu.memory_space<hbm>> -> memref<1x1x1x25x80xi32, #tpu.memory_space<hbm>>
      %dma_start3A_268 = tpu.memref_squeeze %dma_start3A_267 : memref<1x1x1x25x80xi32, #tpu.memory_space<hbm>> -> memref<25x80xi32, #tpu.memory_space<hbm>>
      %dma_start3A_269 = arith.constant 0 : i32
      %dma_start3A_270 = arith.constant 0 : i32
      %dma_start3A_271 = tpu.memref_slice %arg3[%arg0, %arg1, %run_scoped3A_204, %dma_start3A_269, %dma_start3A_270] : memref<2x16x5x25x80xi32, #tpu.memory_space<hbm>> -> memref<1x1x1x25x80xi32, #tpu.memory_space<hbm>>
      %dma_start3A_272 = tpu.memref_squeeze %dma_start3A_271 : memref<1x1x1x25x80xi32, #tpu.memory_space<hbm>> -> memref<25x80xi32, #tpu.memory_space<hbm>>
      tpu.enqueue_dma source(%dma_start3A_272 : memref<25x80xi32, #tpu.memory_space<hbm>>) target(%arg8 : memref<25x80xi32, #tpu.memory_space<vmem>>) target_semaphore(%run_scoped3A_264 : memref<!tpu.dma_semaphore, #tpu.memory_space<semaphore_mem>>)
      %dma_wait3A_273 = arith.constant 0 : i32
      %dma_wait3A_274 = arith.constant 0 : i32
      %dma_wait3A_275 = tpu.memref_slice %arg3[%arg0, %arg1, %run_scoped3A_204, %dma_wait3A_273, %dma_wait3A_274] : memref<2x16x5x25x80xi32, #tpu.memory_space<hbm>> -> memref<1x1x1x25x80xi32, #tpu.memory_space<hbm>>
      %dma_wait3A_276 = tpu.memref_squeeze %dma_wait3A_275 : memref<1x1x1x25x80xi32, #tpu.memory_space<hbm>> -> memref<25x80xi32, #tpu.memory_space<hbm>>
      %dma_wait3A_277 = arith.constant 0 : i32
      %dma_wait3A_278 = arith.constant 0 : i32
      %dma_wait3A_279 = tpu.memref_slice %arg3[%arg0, %arg1, %run_scoped3A_204, %dma_wait3A_277, %dma_wait3A_278] : memref<2x16x5x25x80xi32, #tpu.memory_space<hbm>> -> memref<1x1x1x25x80xi32, #tpu.memory_space<hbm>>
      %dma_wait3A_280 = tpu.memref_squeeze %dma_wait3A_279 : memref<1x1x1x25x80xi32, #tpu.memory_space<hbm>> -> memref<25x80xi32, #tpu.memory_space<hbm>>
      tpu.wait_dma2 semaphore(%run_scoped3A_264 : memref<!tpu.dma_semaphore, #tpu.memory_space<semaphore_mem>>) src(%dma_wait3A_280 : memref<25x80xi32, #tpu.memory_space<hbm>>) dst(%arg8 : memref<25x80xi32, #tpu.memory_space<vmem>>)
      tpu.yield
    }) : () -> ()
    %dma_start3A_205 = arith.constant 0 : i32
    %dma_start3A_206 = arith.constant 0 : i32
    %dma_start3A_207 = tpu.memref_slice %arg7[%dma_start3A_205, %dma_start3A_206] : memref<25x80xi32, #tpu.memory_space<vmem>> -> memref<1x80xi32, #tpu.memory_space<vmem>>
    %dma_start3A_208 = tpu.memref_squeeze %dma_start3A_207 : memref<1x80xi32, #tpu.memory_space<vmem>> -> memref<80xi32, #tpu.memory_space<vmem>>
    %dma_start3A_209 = arith.constant 0 : i32
    %dma_start3A_210 = arith.constant 0 : i32
    %dma_start3A_211 = tpu.memref_slice %arg4[%dma_start3A_209, %dma_start3A_210] : memref<10000x128xf32, #tpu.memory_space<hbm>> -> memref<10000x128xf32, #tpu.memory_space<hbm>>
    tpu.enqueue_indirect_dma source(%dma_start3A_211 : memref<10000x128xf32, #tpu.memory_space<hbm>>) target(%arg9 : memref<80x128xf32, #tpu.memory_space<vmem>>) offsets(%dma_start3A_208 : memref<80xi32, #tpu.memory_space<vmem>>) semaphore(%arg11 : memref<!tpu.dma_semaphore, #tpu.memory_space<semaphore_mem>>)
    %scan3A_212 = arith.constant 0 : i32
    %scan3A_213 = arith.constant 0 : i32
    %scan3A_214 = arith.constant 12 : i32
    %scan3A_215 = arith.addi %scan3A_213, %scan3A_214 : i32
    %scan3A_216 = arith.constant 1 : i32
    scf.for %scan3A_264 = %scan3A_213 to %scan3A_215 step %scan3A_216  : i32 {
      %mul3A_265 = arith.constant 2 : i32
      %mul3A_266 = arith.muli %scan3A_264, %mul3A_265 : i32
      %dma_wait3A_267 = arith.constant 0 : i32
      %dma_wait3A_268 = tpu.memref_slice %arg7[%mul3A_266, %dma_wait3A_267] : memref<25x80xi32, #tpu.memory_space<vmem>> -> memref<1x80xi32, #tpu.memory_space<vmem>>
      %dma_wait3A_269 = tpu.memref_squeeze %dma_wait3A_268 : memref<1x80xi32, #tpu.memory_space<vmem>> -> memref<80xi32, #tpu.memory_space<vmem>>
      %dma_wait3A_270 = arith.constant 0 : i32
      %dma_wait3A_271 = arith.constant 0 : i32
      %dma_wait3A_272 = tpu.memref_slice %arg4[%dma_wait3A_270, %dma_wait3A_271] : memref<10000x128xf32, #tpu.memory_space<hbm>> -> memref<10000x128xf32, #tpu.memory_space<hbm>>
      tpu.wait_indirect_dma semaphore(%arg11 : memref<!tpu.dma_semaphore, #tpu.memory_space<semaphore_mem>>) src(%dma_wait3A_272 : memref<10000x128xf32, #tpu.memory_space<hbm>>) dst(%arg9 : memref<80x128xf32, #tpu.memory_space<vmem>>)
      %gt3A = arith.constant 0 : i32
      %gt3A_273 = arith.cmpi sgt, %mul3A_266, %gt3A : i32
      %convert_element_type3A = arith.extui %gt3A_273 : i1 to i32
      %cond3A = arith.constant 0 : i32
      %cond3A_274 = arith.cmpi ne, %convert_element_type3A, %cond3A : i32
      scf.if %cond3A_274 {
        %dma_wait3A_319 = arith.constant 0 : i32
        %dma_wait3A_320 = tpu.memref_slice %arg8[%mul3A_266, %dma_wait3A_319] : memref<25x80xi32, #tpu.memory_space<vmem>> -> memref<1x80xi32, #tpu.memory_space<vmem>>
        %dma_wait3A_321 = tpu.memref_squeeze %dma_wait3A_320 : memref<1x80xi32, #tpu.memory_space<vmem>> -> memref<80xi32, #tpu.memory_space<vmem>>
        %dma_wait3A_322 = arith.constant 0 : i32
        %dma_wait3A_323 = arith.constant 0 : i32
        %dma_wait3A_324 = tpu.memref_slice %arg15[%dma_wait3A_322, %dma_wait3A_323] : memref<10240x128xf32, #tpu.memory_space<vmem_shared>> -> memref<10240x128xf32, #tpu.memory_space<vmem_shared>>
        tpu.wait_indirect_dma semaphore(%arg14 : memref<!tpu.dma_semaphore, #tpu.memory_space<semaphore_mem>>) src(%arg10 : memref<80x128xf32, #tpu.memory_space<vmem>>) dst(%dma_wait3A_324 : memref<10240x128xf32, #tpu.memory_space<vmem_shared>>)
      } else {
      }
      %add3A_275 = arith.constant 1 : i32
      %add3A_276 = arith.addi %mul3A_266, %add3A_275 : i32
      %dma_start3A_277 = arith.constant 0 : i32
      %dma_start3A_278 = tpu.memref_slice %arg7[%add3A_276, %dma_start3A_277] : memref<25x80xi32, #tpu.memory_space<vmem>> -> memref<1x80xi32, #tpu.memory_space<vmem>>
      %dma_start3A_279 = tpu.memref_squeeze %dma_start3A_278 : memref<1x80xi32, #tpu.memory_space<vmem>> -> memref<80xi32, #tpu.memory_space<vmem>>
      %dma_start3A_280 = arith.constant 0 : i32
      %dma_start3A_281 = arith.constant 0 : i32
      %dma_start3A_282 = tpu.memref_slice %arg4[%dma_start3A_280, %dma_start3A_281] : memref<10000x128xf32, #tpu.memory_space<hbm>> -> memref<10000x128xf32, #tpu.memory_space<hbm>>
      tpu.enqueue_indirect_dma source(%dma_start3A_282 : memref<10000x128xf32, #tpu.memory_space<hbm>>) target(%arg10 : memref<80x128xf32, #tpu.memory_space<vmem>>) offsets(%dma_start3A_279 : memref<80xi32, #tpu.memory_space<vmem>>) semaphore(%arg12 : memref<!tpu.dma_semaphore, #tpu.memory_space<semaphore_mem>>)
      %dma_start3A_283 = arith.constant 0 : i32
      %dma_start3A_284 = tpu.memref_slice %arg8[%mul3A_266, %dma_start3A_283] : memref<25x80xi32, #tpu.memory_space<vmem>> -> memref<1x80xi32, #tpu.memory_space<vmem>>
      %dma_start3A_285 = tpu.memref_squeeze %dma_start3A_284 : memref<1x80xi32, #tpu.memory_space<vmem>> -> memref<80xi32, #tpu.memory_space<vmem>>
      %dma_start3A_286 = arith.constant 0 : i32
      %dma_start3A_287 = arith.constant 0 : i32
      %dma_start3A_288 = tpu.memref_slice %arg15[%dma_start3A_286, %dma_start3A_287] : memref<10240x128xf32, #tpu.memory_space<vmem_shared>> -> memref<10240x128xf32, #tpu.memory_space<vmem_shared>>
      tpu.enqueue_indirect_dma source(%arg9 : memref<80x128xf32, #tpu.memory_space<vmem>>) target(%dma_start3A_288 : memref<10240x128xf32, #tpu.memory_space<vmem_shared>>) offsets(%dma_start3A_285 : memref<80xi32, #tpu.memory_space<vmem>>) semaphore(%arg13 : memref<!tpu.dma_semaphore, #tpu.memory_space<semaphore_mem>>) {add = true}
      %add3A_289 = arith.constant 1 : i32
      %add3A_290 = arith.addi %mul3A_266, %add3A_289 : i32
      %dma_wait3A_291 = arith.constant 0 : i32
      %dma_wait3A_292 = tpu.memref_slice %arg7[%add3A_290, %dma_wait3A_291] : memref<25x80xi32, #tpu.memory_space<vmem>> -> memref<1x80xi32, #tpu.memory_space<vmem>>
      %dma_wait3A_293 = tpu.memref_squeeze %dma_wait3A_292 : memref<1x80xi32, #tpu.memory_space<vmem>> -> memref<80xi32, #tpu.memory_space<vmem>>
      %dma_wait3A_294 = arith.constant 0 : i32
      %dma_wait3A_295 = arith.constant 0 : i32
      %dma_wait3A_296 = tpu.memref_slice %arg4[%dma_wait3A_294, %dma_wait3A_295] : memref<10000x128xf32, #tpu.memory_space<hbm>> -> memref<10000x128xf32, #tpu.memory_space<hbm>>
      tpu.wait_indirect_dma semaphore(%arg12 : memref<!tpu.dma_semaphore, #tpu.memory_space<semaphore_mem>>) src(%dma_wait3A_296 : memref<10000x128xf32, #tpu.memory_space<hbm>>) dst(%arg10 : memref<80x128xf32, #tpu.memory_space<vmem>>)
      %dma_wait3A_297 = arith.constant 0 : i32
      %dma_wait3A_298 = tpu.memref_slice %arg8[%mul3A_266, %dma_wait3A_297] : memref<25x80xi32, #tpu.memory_space<vmem>> -> memref<1x80xi32, #tpu.memory_space<vmem>>
      %dma_wait3A_299 = tpu.memref_squeeze %dma_wait3A_298 : memref<1x80xi32, #tpu.memory_space<vmem>> -> memref<80xi32, #tpu.memory_space<vmem>>
      %dma_wait3A_300 = arith.constant 0 : i32
      %dma_wait3A_301 = arith.constant 0 : i32
      %dma_wait3A_302 = tpu.memref_slice %arg15[%dma_wait3A_300, %dma_wait3A_301] : memref<10240x128xf32, #tpu.memory_space<vmem_shared>> -> memref<10240x128xf32, #tpu.memory_space<vmem_shared>>
      tpu.wait_indirect_dma semaphore(%arg13 : memref<!tpu.dma_semaphore, #tpu.memory_space<semaphore_mem>>) src(%arg9 : memref<80x128xf32, #tpu.memory_space<vmem>>) dst(%dma_wait3A_302 : memref<10240x128xf32, #tpu.memory_space<vmem_shared>>)
      %add3A_303 = arith.constant 2 : i32
      %add3A_304 = arith.addi %mul3A_266, %add3A_303 : i32
      %dma_start3A_305 = arith.constant 0 : i32
      %dma_start3A_306 = tpu.memref_slice %arg7[%add3A_304, %dma_start3A_305] : memref<25x80xi32, #tpu.memory_space<vmem>> -> memref<1x80xi32, #tpu.memory_space<vmem>>
      %dma_start3A_307 = tpu.memref_squeeze %dma_start3A_306 : memref<1x80xi32, #tpu.memory_space<vmem>> -> memref<80xi32, #tpu.memory_space<vmem>>
      %dma_start3A_308 = arith.constant 0 : i32
      %dma_start3A_309 = arith.constant 0 : i32
      %dma_start3A_310 = tpu.memref_slice %arg4[%dma_start3A_308, %dma_start3A_309] : memref<10000x128xf32, #tpu.memory_space<hbm>> -> memref<10000x128xf32, #tpu.memory_space<hbm>>
      tpu.enqueue_indirect_dma source(%dma_start3A_310 : memref<10000x128xf32, #tpu.memory_space<hbm>>) target(%arg9 : memref<80x128xf32, #tpu.memory_space<vmem>>) offsets(%dma_start3A_307 : memref<80xi32, #tpu.memory_space<vmem>>) semaphore(%arg11 : memref<!tpu.dma_semaphore, #tpu.memory_space<semaphore_mem>>)
      %add3A_311 = arith.constant 1 : i32
      %add3A_312 = arith.addi %mul3A_266, %add3A_311 : i32
      %dma_start3A_313 = arith.constant 0 : i32
      %dma_start3A_314 = tpu.memref_slice %arg8[%add3A_312, %dma_start3A_313] : memref<25x80xi32, #tpu.memory_space<vmem>> -> memref<1x80xi32, #tpu.memory_space<vmem>>
      %dma_start3A_315 = tpu.memref_squeeze %dma_start3A_314 : memref<1x80xi32, #tpu.memory_space<vmem>> -> memref<80xi32, #tpu.memory_space<vmem>>
      %dma_start3A_316 = arith.constant 0 : i32
      %dma_start3A_317 = arith.constant 0 : i32
      %dma_start3A_318 = tpu.memref_slice %arg15[%dma_start3A_316, %dma_start3A_317] : memref<10240x128xf32, #tpu.memory_space<vmem_shared>> -> memref<10240x128xf32, #tpu.memory_space<vmem_shared>>
      tpu.enqueue_indirect_dma source(%arg10 : memref<80x128xf32, #tpu.memory_space<vmem>>) target(%dma_start3A_318 : memref<10240x128xf32, #tpu.memory_space<vmem_shared>>) offsets(%dma_start3A_315 : memref<80xi32, #tpu.memory_space<vmem>>) semaphore(%arg14 : memref<!tpu.dma_semaphore, #tpu.memory_space<semaphore_mem>>) {add = true}
    }
    %scan3A_217 = arith.constant 12 : i32
    %dma_wait3A_218 = arith.constant 24 : i32
    %dma_wait3A_219 = arith.constant 0 : i32
    %dma_wait3A_220 = tpu.memref_slice %arg7[%dma_wait3A_218, %dma_wait3A_219] : memref<25x80xi32, #tpu.memory_space<vmem>> -> memref<1x80xi32, #tpu.memory_space<vmem>>
    %dma_wait3A_221 = tpu.memref_squeeze %dma_wait3A_220 : memref<1x80xi32, #tpu.memory_space<vmem>> -> memref<80xi32, #tpu.memory_space<vmem>>
    %dma_wait3A_222 = arith.constant 0 : i32
    %dma_wait3A_223 = arith.constant 0 : i32
    %dma_wait3A_224 = tpu.memref_slice %arg4[%dma_wait3A_222, %dma_wait3A_223] : memref<10000x128xf32, #tpu.memory_space<hbm>> -> memref<10000x128xf32, #tpu.memory_space<hbm>>
    tpu.wait_indirect_dma semaphore(%arg11 : memref<!tpu.dma_semaphore, #tpu.memory_space<semaphore_mem>>) src(%dma_wait3A_224 : memref<10000x128xf32, #tpu.memory_space<hbm>>) dst(%arg9 : memref<80x128xf32, #tpu.memory_space<vmem>>)
    %run_scoped3A_225 = arith.constant 24 : i32
    "tpu.region"() ({
      %run_scoped3A_264 = tpu.sem_alloc : memref<!tpu.dma_semaphore, #tpu.memory_space<semaphore_mem>>
      %dma_start3A_265 = arith.constant 0 : i32
      %dma_start3A_266 = tpu.memref_slice %arg8[%run_scoped3A_225, %dma_start3A_265] : memref<25x80xi32, #tpu.memory_space<vmem>> -> memref<1x80xi32, #tpu.memory_space<vmem>>
      %dma_start3A_267 = tpu.memref_squeeze %dma_start3A_266 : memref<1x80xi32, #tpu.memory_space<vmem>> -> memref<80xi32, #tpu.memory_space<vmem>>
      %dma_start3A_268 = arith.constant 0 : i32
      %dma_start3A_269 = arith.constant 0 : i32
      %dma_start3A_270 = tpu.memref_slice %arg15[%dma_start3A_268, %dma_start3A_269] : memref<10240x128xf32, #tpu.memory_space<vmem_shared>> -> memref<10240x128xf32, #tpu.memory_space<vmem_shared>>
      tpu.enqueue_indirect_dma source(%arg9 : memref<80x128xf32, #tpu.memory_space<vmem>>) target(%dma_start3A_270 : memref<10240x128xf32, #tpu.memory_space<vmem_shared>>) offsets(%dma_start3A_267 : memref<80xi32, #tpu.memory_space<vmem>>) semaphore(%run_scoped3A_264 : memref<!tpu.dma_semaphore, #tpu.memory_space<semaphore_mem>>) {add = true}
      %dma_wait3A_271 = arith.constant 0 : i32
      %dma_wait3A_272 = tpu.memref_slice %arg8[%run_scoped3A_225, %dma_wait3A_271] : memref<25x80xi32, #tpu.memory_space<vmem>> -> memref<1x80xi32, #tpu.memory_space<vmem>>
      %dma_wait3A_273 = tpu.memref_squeeze %dma_wait3A_272 : memref<1x80xi32, #tpu.memory_space<vmem>> -> memref<80xi32, #tpu.memory_space<vmem>>
      %dma_wait3A_274 = arith.constant 0 : i32
      %dma_wait3A_275 = arith.constant 0 : i32
      %dma_wait3A_276 = tpu.memref_slice %arg15[%dma_wait3A_274, %dma_wait3A_275] : memref<10240x128xf32, #tpu.memory_space<vmem_shared>> -> memref<10240x128xf32, #tpu.memory_space<vmem_shared>>
      tpu.wait_indirect_dma semaphore(%run_scoped3A_264 : memref<!tpu.dma_semaphore, #tpu.memory_space<semaphore_mem>>) src(%arg9 : memref<80x128xf32, #tpu.memory_space<vmem>>) dst(%dma_wait3A_276 : memref<10240x128xf32, #tpu.memory_space<vmem_shared>>)
      tpu.yield
    }) : () -> ()
    %dma_wait3A_226 = arith.constant 23 : i32
    %dma_wait3A_227 = arith.constant 0 : i32
    %dma_wait3A_228 = tpu.memref_slice %arg8[%dma_wait3A_226, %dma_wait3A_227] : memref<25x80xi32, #tpu.memory_space<vmem>> -> memref<1x80xi32, #tpu.memory_space<vmem>>
    %dma_wait3A_229 = tpu.memref_squeeze %dma_wait3A_228 : memref<1x80xi32, #tpu.memory_space<vmem>> -> memref<80xi32, #tpu.memory_space<vmem>>
    %dma_wait3A_230 = arith.constant 0 : i32
    %dma_wait3A_231 = arith.constant 0 : i32
    %dma_wait3A_232 = tpu.memref_slice %arg15[%dma_wait3A_230, %dma_wait3A_231] : memref<10240x128xf32, #tpu.memory_space<vmem_shared>> -> memref<10240x128xf32, #tpu.memory_space<vmem_shared>>
    tpu.wait_indirect_dma semaphore(%arg14 : memref<!tpu.dma_semaphore, #tpu.memory_space<semaphore_mem>>) src(%arg10 : memref<80x128xf32, #tpu.memory_space<vmem>>) dst(%dma_wait3A_232 : memref<10240x128xf32, #tpu.memory_space<vmem_shared>>)
    %run_scoped3A_233 = arith.constant 4 : i32
    "tpu.region"() ({
      %run_scoped3A_264 = tpu.sem_alloc : memref<!tpu.dma_semaphore, #tpu.memory_space<semaphore_mem>>
      %dma_start3A_265 = arith.constant 0 : i32
      %dma_start3A_266 = arith.constant 0 : i32
      %dma_start3A_267 = tpu.memref_slice %arg2[%arg0, %arg1, %run_scoped3A_233, %dma_start3A_265, %dma_start3A_266] : memref<2x16x5x25x80xi32, #tpu.memory_space<hbm>> -> memref<1x1x1x25x80xi32, #tpu.memory_space<hbm>>
      %dma_start3A_268 = tpu.memref_squeeze %dma_start3A_267 : memref<1x1x1x25x80xi32, #tpu.memory_space<hbm>> -> memref<25x80xi32, #tpu.memory_space<hbm>>
      %dma_start3A_269 = arith.constant 0 : i32
      %dma_start3A_270 = arith.constant 0 : i32
      %dma_start3A_271 = tpu.memref_slice %arg2[%arg0, %arg1, %run_scoped3A_233, %dma_start3A_269, %dma_start3A_270] : memref<2x16x5x25x80xi32, #tpu.memory_space<hbm>> -> memref<1x1x1x25x80xi32, #tpu.memory_space<hbm>>
      %dma_start3A_272 = tpu.memref_squeeze %dma_start3A_271 : memref<1x1x1x25x80xi32, #tpu.memory_space<hbm>> -> memref<25x80xi32, #tpu.memory_space<hbm>>
      tpu.enqueue_dma source(%dma_start3A_272 : memref<25x80xi32, #tpu.memory_space<hbm>>) target(%arg7 : memref<25x80xi32, #tpu.memory_space<vmem>>) target_semaphore(%run_scoped3A_264 : memref<!tpu.dma_semaphore, #tpu.memory_space<semaphore_mem>>)
      %dma_wait3A_273 = arith.constant 0 : i32
      %dma_wait3A_274 = arith.constant 0 : i32
      %dma_wait3A_275 = tpu.memref_slice %arg2[%arg0, %arg1, %run_scoped3A_233, %dma_wait3A_273, %dma_wait3A_274] : memref<2x16x5x25x80xi32, #tpu.memory_space<hbm>> -> memref<1x1x1x25x80xi32, #tpu.memory_space<hbm>>
      %dma_wait3A_276 = tpu.memref_squeeze %dma_wait3A_275 : memref<1x1x1x25x80xi32, #tpu.memory_space<hbm>> -> memref<25x80xi32, #tpu.memory_space<hbm>>
      %dma_wait3A_277 = arith.constant 0 : i32
      %dma_wait3A_278 = arith.constant 0 : i32
      %dma_wait3A_279 = tpu.memref_slice %arg2[%arg0, %arg1, %run_scoped3A_233, %dma_wait3A_277, %dma_wait3A_278] : memref<2x16x5x25x80xi32, #tpu.memory_space<hbm>> -> memref<1x1x1x25x80xi32, #tpu.memory_space<hbm>>
      %dma_wait3A_280 = tpu.memref_squeeze %dma_wait3A_279 : memref<1x1x1x25x80xi32, #tpu.memory_space<hbm>> -> memref<25x80xi32, #tpu.memory_space<hbm>>
      tpu.wait_dma2 semaphore(%run_scoped3A_264 : memref<!tpu.dma_semaphore, #tpu.memory_space<semaphore_mem>>) src(%dma_wait3A_280 : memref<25x80xi32, #tpu.memory_space<hbm>>) dst(%arg7 : memref<25x80xi32, #tpu.memory_space<vmem>>)
      tpu.yield
    }) : () -> ()
    %run_scoped3A_234 = arith.constant 4 : i32
    "tpu.region"() ({
      %run_scoped3A_264 = tpu.sem_alloc : memref<!tpu.dma_semaphore, #tpu.memory_space<semaphore_mem>>
      %dma_start3A_265 = arith.constant 0 : i32
      %dma_start3A_266 = arith.constant 0 : i32
      %dma_start3A_267 = tpu.memref_slice %arg3[%arg0, %arg1, %run_scoped3A_234, %dma_start3A_265, %dma_start3A_266] : memref<2x16x5x25x80xi32, #tpu.memory_space<hbm>> -> memref<1x1x1x25x80xi32, #tpu.memory_space<hbm>>
      %dma_start3A_268 = tpu.memref_squeeze %dma_start3A_267 : memref<1x1x1x25x80xi32, #tpu.memory_space<hbm>> -> memref<25x80xi32, #tpu.memory_space<hbm>>
      %dma_start3A_269 = arith.constant 0 : i32
      %dma_start3A_270 = arith.constant 0 : i32
      %dma_start3A_271 = tpu.memref_slice %arg3[%arg0, %arg1, %run_scoped3A_234, %dma_start3A_269, %dma_start3A_270] : memref<2x16x5x25x80xi32, #tpu.memory_space<hbm>> -> memref<1x1x1x25x80xi32, #tpu.memory_space<hbm>>
      %dma_start3A_272 = tpu.memref_squeeze %dma_start3A_271 : memref<1x1x1x25x80xi32, #tpu.memory_space<hbm>> -> memref<25x80xi32, #tpu.memory_space<hbm>>
      tpu.enqueue_dma source(%dma_start3A_272 : memref<25x80xi32, #tpu.memory_space<hbm>>) target(%arg8 : memref<25x80xi32, #tpu.memory_space<vmem>>) target_semaphore(%run_scoped3A_264 : memref<!tpu.dma_semaphore, #tpu.memory_space<semaphore_mem>>)
      %dma_wait3A_273 = arith.constant 0 : i32
      %dma_wait3A_274 = arith.constant 0 : i32
      %dma_wait3A_275 = tpu.memref_slice %arg3[%arg0, %arg1, %run_scoped3A_234, %dma_wait3A_273, %dma_wait3A_274] : memref<2x16x5x25x80xi32, #tpu.memory_space<hbm>> -> memref<1x1x1x25x80xi32, #tpu.memory_space<hbm>>
      %dma_wait3A_276 = tpu.memref_squeeze %dma_wait3A_275 : memref<1x1x1x25x80xi32, #tpu.memory_space<hbm>> -> memref<25x80xi32, #tpu.memory_space<hbm>>
      %dma_wait3A_277 = arith.constant 0 : i32
      %dma_wait3A_278 = arith.constant 0 : i32
      %dma_wait3A_279 = tpu.memref_slice %arg3[%arg0, %arg1, %run_scoped3A_234, %dma_wait3A_277, %dma_wait3A_278] : memref<2x16x5x25x80xi32, #tpu.memory_space<hbm>> -> memref<1x1x1x25x80xi32, #tpu.memory_space<hbm>>
      %dma_wait3A_280 = tpu.memref_squeeze %dma_wait3A_279 : memref<1x1x1x25x80xi32, #tpu.memory_space<hbm>> -> memref<25x80xi32, #tpu.memory_space<hbm>>
      tpu.wait_dma2 semaphore(%run_scoped3A_264 : memref<!tpu.dma_semaphore, #tpu.memory_space<semaphore_mem>>) src(%dma_wait3A_280 : memref<25x80xi32, #tpu.memory_space<hbm>>) dst(%arg8 : memref<25x80xi32, #tpu.memory_space<vmem>>)
      tpu.yield
    }) : () -> ()
    %dma_start3A_235 = arith.constant 0 : i32
    %dma_start3A_236 = arith.constant 0 : i32
    %dma_start3A_237 = tpu.memref_slice %arg7[%dma_start3A_235, %dma_start3A_236] : memref<25x80xi32, #tpu.memory_space<vmem>> -> memref<1x80xi32, #tpu.memory_space<vmem>>
    %dma_start3A_238 = tpu.memref_squeeze %dma_start3A_237 : memref<1x80xi32, #tpu.memory_space<vmem>> -> memref<80xi32, #tpu.memory_space<vmem>>
    %dma_start3A_239 = arith.constant 0 : i32
    %dma_start3A_240 = arith.constant 0 : i32
    %dma_start3A_241 = tpu.memref_slice %arg4[%dma_start3A_239, %dma_start3A_240] : memref<10000x128xf32, #tpu.memory_space<hbm>> -> memref<10000x128xf32, #tpu.memory_space<hbm>>
    tpu.enqueue_indirect_dma source(%dma_start3A_241 : memref<10000x128xf32, #tpu.memory_space<hbm>>) target(%arg9 : memref<80x128xf32, #tpu.memory_space<vmem>>) offsets(%dma_start3A_238 : memref<80xi32, #tpu.memory_space<vmem>>) semaphore(%arg11 : memref<!tpu.dma_semaphore, #tpu.memory_space<semaphore_mem>>)
    %scan3A_242 = arith.constant 0 : i32
    %scan3A_243 = arith.constant 0 : i32
    %scan3A_244 = arith.constant 12 : i32
    %scan3A_245 = arith.addi %scan3A_243, %scan3A_244 : i32
    %scan3A_246 = arith.constant 1 : i32
    scf.for %scan3A_264 = %scan3A_243 to %scan3A_245 step %scan3A_246  : i32 {
      %mul3A_265 = arith.constant 2 : i32
      %mul3A_266 = arith.muli %scan3A_264, %mul3A_265 : i32
      %dma_wait3A_267 = arith.constant 0 : i32
      %dma_wait3A_268 = tpu.memref_slice %arg7[%mul3A_266, %dma_wait3A_267] : memref<25x80xi32, #tpu.memory_space<vmem>> -> memref<1x80xi32, #tpu.memory_space<vmem>>
      %dma_wait3A_269 = tpu.memref_squeeze %dma_wait3A_268 : memref<1x80xi32, #tpu.memory_space<vmem>> -> memref<80xi32, #tpu.memory_space<vmem>>
      %dma_wait3A_270 = arith.constant 0 : i32
      %dma_wait3A_271 = arith.constant 0 : i32
      %dma_wait3A_272 = tpu.memref_slice %arg4[%dma_wait3A_270, %dma_wait3A_271] : memref<10000x128xf32, #tpu.memory_space<hbm>> -> memref<10000x128xf32, #tpu.memory_space<hbm>>
      tpu.wait_indirect_dma semaphore(%arg11 : memref<!tpu.dma_semaphore, #tpu.memory_space<semaphore_mem>>) src(%dma_wait3A_272 : memref<10000x128xf32, #tpu.memory_space<hbm>>) dst(%arg9 : memref<80x128xf32, #tpu.memory_space<vmem>>)
      %gt3A = arith.constant 0 : i32
      %gt3A_273 = arith.cmpi sgt, %mul3A_266, %gt3A : i32
      %convert_element_type3A = arith.extui %gt3A_273 : i1 to i32
      %cond3A = arith.constant 0 : i32
      %cond3A_274 = arith.cmpi ne, %convert_element_type3A, %cond3A : i32
      scf.if %cond3A_274 {
        %dma_wait3A_319 = arith.constant 0 : i32
        %dma_wait3A_320 = tpu.memref_slice %arg8[%mul3A_266, %dma_wait3A_319] : memref<25x80xi32, #tpu.memory_space<vmem>> -> memref<1x80xi32, #tpu.memory_space<vmem>>
        %dma_wait3A_321 = tpu.memref_squeeze %dma_wait3A_320 : memref<1x80xi32, #tpu.memory_space<vmem>> -> memref<80xi32, #tpu.memory_space<vmem>>
        %dma_wait3A_322 = arith.constant 0 : i32
        %dma_wait3A_323 = arith.constant 0 : i32
        %dma_wait3A_324 = tpu.memref_slice %arg15[%dma_wait3A_322, %dma_wait3A_323] : memref<10240x128xf32, #tpu.memory_space<vmem_shared>> -> memref<10240x128xf32, #tpu.memory_space<vmem_shared>>
        tpu.wait_indirect_dma semaphore(%arg14 : memref<!tpu.dma_semaphore, #tpu.memory_space<semaphore_mem>>) src(%arg10 : memref<80x128xf32, #tpu.memory_space<vmem>>) dst(%dma_wait3A_324 : memref<10240x128xf32, #tpu.memory_space<vmem_shared>>)
      } else {
      }
      %add3A_275 = arith.constant 1 : i32
      %add3A_276 = arith.addi %mul3A_266, %add3A_275 : i32
      %dma_start3A_277 = arith.constant 0 : i32
      %dma_start3A_278 = tpu.memref_slice %arg7[%add3A_276, %dma_start3A_277] : memref<25x80xi32, #tpu.memory_space<vmem>> -> memref<1x80xi32, #tpu.memory_space<vmem>>
      %dma_start3A_279 = tpu.memref_squeeze %dma_start3A_278 : memref<1x80xi32, #tpu.memory_space<vmem>> -> memref<80xi32, #tpu.memory_space<vmem>>
      %dma_start3A_280 = arith.constant 0 : i32
      %dma_start3A_281 = arith.constant 0 : i32
      %dma_start3A_282 = tpu.memref_slice %arg4[%dma_start3A_280, %dma_start3A_281] : memref<10000x128xf32, #tpu.memory_space<hbm>> -> memref<10000x128xf32, #tpu.memory_space<hbm>>
      tpu.enqueue_indirect_dma source(%dma_start3A_282 : memref<10000x128xf32, #tpu.memory_space<hbm>>) target(%arg10 : memref<80x128xf32, #tpu.memory_space<vmem>>) offsets(%dma_start3A_279 : memref<80xi32, #tpu.memory_space<vmem>>) semaphore(%arg12 : memref<!tpu.dma_semaphore, #tpu.memory_space<semaphore_mem>>)
      %dma_start3A_283 = arith.constant 0 : i32
      %dma_start3A_284 = tpu.memref_slice %arg8[%mul3A_266, %dma_start3A_283] : memref<25x80xi32, #tpu.memory_space<vmem>> -> memref<1x80xi32, #tpu.memory_space<vmem>>
      %dma_start3A_285 = tpu.memref_squeeze %dma_start3A_284 : memref<1x80xi32, #tpu.memory_space<vmem>> -> memref<80xi32, #tpu.memory_space<vmem>>
      %dma_start3A_286 = arith.constant 0 : i32
      %dma_start3A_287 = arith.constant 0 : i32
      %dma_start3A_288 = tpu.memref_slice %arg15[%dma_start3A_286, %dma_start3A_287] : memref<10240x128xf32, #tpu.memory_space<vmem_shared>> -> memref<10240x128xf32, #tpu.memory_space<vmem_shared>>
      tpu.enqueue_indirect_dma source(%arg9 : memref<80x128xf32, #tpu.memory_space<vmem>>) target(%dma_start3A_288 : memref<10240x128xf32, #tpu.memory_space<vmem_shared>>) offsets(%dma_start3A_285 : memref<80xi32, #tpu.memory_space<vmem>>) semaphore(%arg13 : memref<!tpu.dma_semaphore, #tpu.memory_space<semaphore_mem>>) {add = true}
      %add3A_289 = arith.constant 1 : i32
      %add3A_290 = arith.addi %mul3A_266, %add3A_289 : i32
      %dma_wait3A_291 = arith.constant 0 : i32
      %dma_wait3A_292 = tpu.memref_slice %arg7[%add3A_290, %dma_wait3A_291] : memref<25x80xi32, #tpu.memory_space<vmem>> -> memref<1x80xi32, #tpu.memory_space<vmem>>
      %dma_wait3A_293 = tpu.memref_squeeze %dma_wait3A_292 : memref<1x80xi32, #tpu.memory_space<vmem>> -> memref<80xi32, #tpu.memory_space<vmem>>
      %dma_wait3A_294 = arith.constant 0 : i32
      %dma_wait3A_295 = arith.constant 0 : i32
      %dma_wait3A_296 = tpu.memref_slice %arg4[%dma_wait3A_294, %dma_wait3A_295] : memref<10000x128xf32, #tpu.memory_space<hbm>> -> memref<10000x128xf32, #tpu.memory_space<hbm>>
      tpu.wait_indirect_dma semaphore(%arg12 : memref<!tpu.dma_semaphore, #tpu.memory_space<semaphore_mem>>) src(%dma_wait3A_296 : memref<10000x128xf32, #tpu.memory_space<hbm>>) dst(%arg10 : memref<80x128xf32, #tpu.memory_space<vmem>>)
      %dma_wait3A_297 = arith.constant 0 : i32
      %dma_wait3A_298 = tpu.memref_slice %arg8[%mul3A_266, %dma_wait3A_297] : memref<25x80xi32, #tpu.memory_space<vmem>> -> memref<1x80xi32, #tpu.memory_space<vmem>>
      %dma_wait3A_299 = tpu.memref_squeeze %dma_wait3A_298 : memref<1x80xi32, #tpu.memory_space<vmem>> -> memref<80xi32, #tpu.memory_space<vmem>>
      %dma_wait3A_300 = arith.constant 0 : i32
      %dma_wait3A_301 = arith.constant 0 : i32
      %dma_wait3A_302 = tpu.memref_slice %arg15[%dma_wait3A_300, %dma_wait3A_301] : memref<10240x128xf32, #tpu.memory_space<vmem_shared>> -> memref<10240x128xf32, #tpu.memory_space<vmem_shared>>
      tpu.wait_indirect_dma semaphore(%arg13 : memref<!tpu.dma_semaphore, #tpu.memory_space<semaphore_mem>>) src(%arg9 : memref<80x128xf32, #tpu.memory_space<vmem>>) dst(%dma_wait3A_302 : memref<10240x128xf32, #tpu.memory_space<vmem_shared>>)
      %add3A_303 = arith.constant 2 : i32
      %add3A_304 = arith.addi %mul3A_266, %add3A_303 : i32
      %dma_start3A_305 = arith.constant 0 : i32
      %dma_start3A_306 = tpu.memref_slice %arg7[%add3A_304, %dma_start3A_305] : memref<25x80xi32, #tpu.memory_space<vmem>> -> memref<1x80xi32, #tpu.memory_space<vmem>>
      %dma_start3A_307 = tpu.memref_squeeze %dma_start3A_306 : memref<1x80xi32, #tpu.memory_space<vmem>> -> memref<80xi32, #tpu.memory_space<vmem>>
      %dma_start3A_308 = arith.constant 0 : i32
      %dma_start3A_309 = arith.constant 0 : i32
      %dma_start3A_310 = tpu.memref_slice %arg4[%dma_start3A_308, %dma_start3A_309] : memref<10000x128xf32, #tpu.memory_space<hbm>> -> memref<10000x128xf32, #tpu.memory_space<hbm>>
      tpu.enqueue_indirect_dma source(%dma_start3A_310 : memref<10000x128xf32, #tpu.memory_space<hbm>>) target(%arg9 : memref<80x128xf32, #tpu.memory_space<vmem>>) offsets(%dma_start3A_307 : memref<80xi32, #tpu.memory_space<vmem>>) semaphore(%arg11 : memref<!tpu.dma_semaphore, #tpu.memory_space<semaphore_mem>>)
      %add3A_311 = arith.constant 1 : i32
      %add3A_312 = arith.addi %mul3A_266, %add3A_311 : i32
      %dma_start3A_313 = arith.constant 0 : i32
      %dma_start3A_314 = tpu.memref_slice %arg8[%add3A_312, %dma_start3A_313] : memref<25x80xi32, #tpu.memory_space<vmem>> -> memref<1x80xi32, #tpu.memory_space<vmem>>
      %dma_start3A_315 = tpu.memref_squeeze %dma_start3A_314 : memref<1x80xi32, #tpu.memory_space<vmem>> -> memref<80xi32, #tpu.memory_space<vmem>>
      %dma_start3A_316 = arith.constant 0 : i32
      %dma_start3A_317 = arith.constant 0 : i32
      %dma_start3A_318 = tpu.memref_slice %arg15[%dma_start3A_316, %dma_start3A_317] : memref<10240x128xf32, #tpu.memory_space<vmem_shared>> -> memref<10240x128xf32, #tpu.memory_space<vmem_shared>>
      tpu.enqueue_indirect_dma source(%arg10 : memref<80x128xf32, #tpu.memory_space<vmem>>) target(%dma_start3A_318 : memref<10240x128xf32, #tpu.memory_space<vmem_shared>>) offsets(%dma_start3A_315 : memref<80xi32, #tpu.memory_space<vmem>>) semaphore(%arg14 : memref<!tpu.dma_semaphore, #tpu.memory_space<semaphore_mem>>) {add = true}
    }
    %scan3A_247 = arith.constant 12 : i32
    %dma_wait3A_248 = arith.constant 24 : i32
    %dma_wait3A_249 = arith.constant 0 : i32
    %dma_wait3A_250 = tpu.memref_slice %arg7[%dma_wait3A_248, %dma_wait3A_249] : memref<25x80xi32, #tpu.memory_space<vmem>> -> memref<1x80xi32, #tpu.memory_space<vmem>>
    %dma_wait3A_251 = tpu.memref_squeeze %dma_wait3A_250 : memref<1x80xi32, #tpu.memory_space<vmem>> -> memref<80xi32, #tpu.memory_space<vmem>>
    %dma_wait3A_252 = arith.constant 0 : i32
    %dma_wait3A_253 = arith.constant 0 : i32
    %dma_wait3A_254 = tpu.memref_slice %arg4[%dma_wait3A_252, %dma_wait3A_253] : memref<10000x128xf32, #tpu.memory_space<hbm>> -> memref<10000x128xf32, #tpu.memory_space<hbm>>
    tpu.wait_indirect_dma semaphore(%arg11 : memref<!tpu.dma_semaphore, #tpu.memory_space<semaphore_mem>>) src(%dma_wait3A_254 : memref<10000x128xf32, #tpu.memory_space<hbm>>) dst(%arg9 : memref<80x128xf32, #tpu.memory_space<vmem>>)
    %run_scoped3A_255 = arith.constant 24 : i32
    "tpu.region"() ({
      %run_scoped3A_264 = tpu.sem_alloc : memref<!tpu.dma_semaphore, #tpu.memory_space<semaphore_mem>>
      %dma_start3A_265 = arith.constant 0 : i32
      %dma_start3A_266 = tpu.memref_slice %arg8[%run_scoped3A_255, %dma_start3A_265] : memref<25x80xi32, #tpu.memory_space<vmem>> -> memref<1x80xi32, #tpu.memory_space<vmem>>
      %dma_start3A_267 = tpu.memref_squeeze %dma_start3A_266 : memref<1x80xi32, #tpu.memory_space<vmem>> -> memref<80xi32, #tpu.memory_space<vmem>>
      %dma_start3A_268 = arith.constant 0 : i32
      %dma_start3A_269 = arith.constant 0 : i32
      %dma_start3A_270 = tpu.memref_slice %arg15[%dma_start3A_268, %dma_start3A_269] : memref<10240x128xf32, #tpu.memory_space<vmem_shared>> -> memref<10240x128xf32, #tpu.memory_space<vmem_shared>>
      tpu.enqueue_indirect_dma source(%arg9 : memref<80x128xf32, #tpu.memory_space<vmem>>) target(%dma_start3A_270 : memref<10240x128xf32, #tpu.memory_space<vmem_shared>>) offsets(%dma_start3A_267 : memref<80xi32, #tpu.memory_space<vmem>>) semaphore(%run_scoped3A_264 : memref<!tpu.dma_semaphore, #tpu.memory_space<semaphore_mem>>) {add = true}
      %dma_wait3A_271 = arith.constant 0 : i32
      %dma_wait3A_272 = tpu.memref_slice %arg8[%run_scoped3A_255, %dma_wait3A_271] : memref<25x80xi32, #tpu.memory_space<vmem>> -> memref<1x80xi32, #tpu.memory_space<vmem>>
      %dma_wait3A_273 = tpu.memref_squeeze %dma_wait3A_272 : memref<1x80xi32, #tpu.memory_space<vmem>> -> memref<80xi32, #tpu.memory_space<vmem>>
      %dma_wait3A_274 = arith.constant 0 : i32
      %dma_wait3A_275 = arith.constant 0 : i32
      %dma_wait3A_276 = tpu.memref_slice %arg15[%dma_wait3A_274, %dma_wait3A_275] : memref<10240x128xf32, #tpu.memory_space<vmem_shared>> -> memref<10240x128xf32, #tpu.memory_space<vmem_shared>>
      tpu.wait_indirect_dma semaphore(%run_scoped3A_264 : memref<!tpu.dma_semaphore, #tpu.memory_space<semaphore_mem>>) src(%arg9 : memref<80x128xf32, #tpu.memory_space<vmem>>) dst(%dma_wait3A_276 : memref<10240x128xf32, #tpu.memory_space<vmem_shared>>)
      tpu.yield
    }) : () -> ()
    %dma_wait3A_256 = arith.constant 23 : i32
    %dma_wait3A_257 = arith.constant 0 : i32
    %dma_wait3A_258 = tpu.memref_slice %arg8[%dma_wait3A_256, %dma_wait3A_257] : memref<25x80xi32, #tpu.memory_space<vmem>> -> memref<1x80xi32, #tpu.memory_space<vmem>>
    %dma_wait3A_259 = tpu.memref_squeeze %dma_wait3A_258 : memref<1x80xi32, #tpu.memory_space<vmem>> -> memref<80xi32, #tpu.memory_space<vmem>>
    %dma_wait3A_260 = arith.constant 0 : i32
    %dma_wait3A_261 = arith.constant 0 : i32
    %dma_wait3A_262 = tpu.memref_slice %arg15[%dma_wait3A_260, %dma_wait3A_261] : memref<10240x128xf32, #tpu.memory_space<vmem_shared>> -> memref<10240x128xf32, #tpu.memory_space<vmem_shared>>
    tpu.wait_indirect_dma semaphore(%arg14 : memref<!tpu.dma_semaphore, #tpu.memory_space<semaphore_mem>>) src(%arg10 : memref<80x128xf32, #tpu.memory_space<vmem>>) dst(%dma_wait3A_262 : memref<10240x128xf32, #tpu.memory_space<vmem_shared>>)
    %barrier3A_263 = arith.constant 0 : index
    tpu.barrier barrier_id(%barrier3A_263)
    "tpu.region"() ({
      %run_scoped3A_264 = tpu.sem_alloc : memref<!tpu.dma_semaphore, #tpu.memory_space<semaphore_mem>>
      %dma_start3A_265 = arith.constant 0 : i32
      %dma_start3A_266 = tpu.memref_slice %arg5[%arg0, %mul3A_0, %dma_start3A_265] : memref<2x10240x128xf32, #tpu.memory_space<hbm>> -> memref<1x640x128xf32, #tpu.memory_space<hbm>>
      %dma_start3A_267 = tpu.memref_squeeze %dma_start3A_266 : memref<1x640x128xf32, #tpu.memory_space<hbm>> -> memref<640x128xf32, #tpu.memory_space<hbm>>
      %dma_start3A_268 = arith.constant 0 : i32
      %dma_start3A_269 = tpu.memref_slice %arg15[%mul3A_0, %dma_start3A_268] : memref<10240x128xf32, #tpu.memory_space<vmem_shared>> -> memref<640x128xf32, #tpu.memory_space<vmem_shared>>
      tpu.enqueue_dma source(%dma_start3A_269 : memref<640x128xf32, #tpu.memory_space<vmem_shared>>) target(%dma_start3A_267 : memref<640x128xf32, #tpu.memory_space<hbm>>) target_semaphore(%run_scoped3A_264 : memref<!tpu.dma_semaphore, #tpu.memory_space<semaphore_mem>>)
      %dma_wait3A_270 = arith.constant 0 : i32
      %dma_wait3A_271 = tpu.memref_slice %arg5[%arg0, %mul3A_0, %dma_wait3A_270] : memref<2x10240x128xf32, #tpu.memory_space<hbm>> -> memref<1x640x128xf32, #tpu.memory_space<hbm>>
      %dma_wait3A_272 = tpu.memref_squeeze %dma_wait3A_271 : memref<1x640x128xf32, #tpu.memory_space<hbm>> -> memref<640x128xf32, #tpu.memory_space<hbm>>
      %dma_wait3A_273 = arith.constant 0 : i32
      %dma_wait3A_274 = tpu.memref_slice %arg15[%mul3A_0, %dma_wait3A_273] : memref<10240x128xf32, #tpu.memory_space<vmem_shared>> -> memref<640x128xf32, #tpu.memory_space<vmem_shared>>
      tpu.wait_dma2 semaphore(%run_scoped3A_264 : memref<!tpu.dma_semaphore, #tpu.memory_space<semaphore_mem>>) src(%dma_wait3A_274 : memref<640x128xf32, #tpu.memory_space<vmem_shared>>) dst(%dma_wait3A_272 : memref<640x128xf32, #tpu.memory_space<hbm>>)
      tpu.yield
    }) : () -> ()
    return
  }
}

#map = affine_map<(d0, d1) -> (0, 0, 0, 0, 0)>
#map1 = affine_map<(d0, d1) -> (0, 0)>
#map2 = affine_map<(d0, d1) -> (0, 0, 0)>
module attributes {stable_mosaic.version = 14 : i64} {
  func.func @_agg_body(%arg0: i32, %arg1: i32, %arg2: memref<2x16x5x25x80xi32, #tpu.memory_space<hbm>>, %arg3: memref<2x16x5x25x80xi32, #tpu.memory_space<hbm>>, %arg4: memref<10000x128xf32, #tpu.memory_space<hbm>>, %arg5: memref<2x10240x128xf32, #tpu.memory_space<hbm>>, %arg6: memref<25x80xi32, #tpu.memory_space<vmem>>, %arg7: memref<25x80xi32, #tpu.memory_space<vmem>>, %arg8: memref<80x128xf32, #tpu.memory_space<vmem>>, %arg9: memref<80x128xf32, #tpu.memory_space<vmem>>, %arg10: memref<!tpu.dma_semaphore, #tpu.memory_space<semaphore_mem>>, %arg11: memref<!tpu.dma_semaphore, #tpu.memory_space<semaphore_mem>>, %arg12: memref<!tpu.dma_semaphore, #tpu.memory_space<semaphore_mem>>, %arg13: memref<!tpu.dma_semaphore, #tpu.memory_space<semaphore_mem>>, %arg14: memref<10240x128xf32, #tpu.memory_space<vmem_shared>>) attributes {dimension_semantics = [#tpu.dimension_semantics<core_parallel>, #tpu.dimension_semantics<subcore_parallel>], iteration_bounds = array<i64: 2, 16>, scalar_prefetch = 0 : i64, scratch_operands = 9 : i64, tpu.core_type = #tpu.core_type<sc_vector_subcore>, window_params = [{transform_indices = #map}, {transform_indices = #map}, {transform_indices = #map1}, {transform_indices = #map2}]} {
    %mul3A = arith.constant 640 : i32
    %mul3A_0 = arith.muli %arg1, %mul3A : i32
    %scan3A = arith.constant 0 : i32
    %scan3A_1 = arith.constant 0 : i32
    %scan3A_2 = arith.constant 80 : i32
    %scan3A_3 = arith.addi %scan3A_1, %scan3A_2 : i32
    %scan3A_4 = arith.constant 1 : i32
    scf.for %scan3A_169 = %scan3A_1 to %scan3A_3 step %scan3A_4  : i32 {
      %broadcast_in_dim3A = arith.constant 0.000000e+00 : f32
      %broadcast_in_dim3A_170 = vector.broadcast %broadcast_in_dim3A : f32 to vector<16xf32>
      %swap3A = arith.index_cast %scan3A_169 : i32 to index
      %swap3A_171 = arith.constant 0 : index
      %swap3A_172 = tpu.vector_load %arg8[%swap3A, %swap3A_171] {strides = array<i32>} : memref<80x128xf32, #tpu.memory_space<vmem>>, vector<1x16xf32>,
      %swap3A_173 = vector.shape_cast %swap3A_172 : vector<1x16xf32> to vector<16xf32>
      %swap3A_174 = vector.shape_cast %broadcast_in_dim3A_170 : vector<16xf32> to vector<1x16xf32>
      tpu.vector_store %arg8[%swap3A, %swap3A_171], %swap3A_174 {strides = array<i32>} : memref<80x128xf32, #tpu.memory_space<vmem>>, vector<1x16xf32>,
      %broadcast_in_dim3A_175 = arith.constant 0.000000e+00 : f32
      %broadcast_in_dim3A_176 = vector.broadcast %broadcast_in_dim3A_175 : f32 to vector<16xf32>
      %swap3A_177 = arith.index_cast %scan3A_169 : i32 to index
      %swap3A_178 = arith.constant 16 : index
      %swap3A_179 = tpu.vector_load %arg8[%swap3A_177, %swap3A_178] {strides = array<i32>} : memref<80x128xf32, #tpu.memory_space<vmem>>, vector<1x16xf32>,
      %swap3A_180 = vector.shape_cast %swap3A_179 : vector<1x16xf32> to vector<16xf32>
      %swap3A_181 = vector.shape_cast %broadcast_in_dim3A_176 : vector<16xf32> to vector<1x16xf32>
      tpu.vector_store %arg8[%swap3A_177, %swap3A_178], %swap3A_181 {strides = array<i32>} : memref<80x128xf32, #tpu.memory_space<vmem>>, vector<1x16xf32>,
      %broadcast_in_dim3A_182 = arith.constant 0.000000e+00 : f32
      %broadcast_in_dim3A_183 = vector.broadcast %broadcast_in_dim3A_182 : f32 to vector<16xf32>
      %swap3A_184 = arith.index_cast %scan3A_169 : i32 to index
      %swap3A_185 = arith.constant 32 : index
      %swap3A_186 = tpu.vector_load %arg8[%swap3A_184, %swap3A_185] {strides = array<i32>} : memref<80x128xf32, #tpu.memory_space<vmem>>, vector<1x16xf32>,
      %swap3A_187 = vector.shape_cast %swap3A_186 : vector<1x16xf32> to vector<16xf32>
      %swap3A_188 = vector.shape_cast %broadcast_in_dim3A_183 : vector<16xf32> to vector<1x16xf32>
      tpu.vector_store %arg8[%swap3A_184, %swap3A_185], %swap3A_188 {strides = array<i32>} : memref<80x128xf32, #tpu.memory_space<vmem>>, vector<1x16xf32>,
      %broadcast_in_dim3A_189 = arith.constant 0.000000e+00 : f32
      %broadcast_in_dim3A_190 = vector.broadcast %broadcast_in_dim3A_189 : f32 to vector<16xf32>
      %swap3A_191 = arith.index_cast %scan3A_169 : i32 to index
      %swap3A_192 = arith.constant 48 : index
      %swap3A_193 = tpu.vector_load %arg8[%swap3A_191, %swap3A_192] {strides = array<i32>} : memref<80x128xf32, #tpu.memory_space<vmem>>, vector<1x16xf32>,
      %swap3A_194 = vector.shape_cast %swap3A_193 : vector<1x16xf32> to vector<16xf32>
      %swap3A_195 = vector.shape_cast %broadcast_in_dim3A_190 : vector<16xf32> to vector<1x16xf32>
      tpu.vector_store %arg8[%swap3A_191, %swap3A_192], %swap3A_195 {strides = array<i32>} : memref<80x128xf32, #tpu.memory_space<vmem>>, vector<1x16xf32>,
      %broadcast_in_dim3A_196 = arith.constant 0.000000e+00 : f32
      %broadcast_in_dim3A_197 = vector.broadcast %broadcast_in_dim3A_196 : f32 to vector<16xf32>
      %swap3A_198 = arith.index_cast %scan3A_169 : i32 to index
      %swap3A_199 = arith.constant 64 : index
      %swap3A_200 = tpu.vector_load %arg8[%swap3A_198, %swap3A_199] {strides = array<i32>} : memref<80x128xf32, #tpu.memory_space<vmem>>, vector<1x16xf32>,
      %swap3A_201 = vector.shape_cast %swap3A_200 : vector<1x16xf32> to vector<16xf32>
      %swap3A_202 = vector.shape_cast %broadcast_in_dim3A_197 : vector<16xf32> to vector<1x16xf32>
      tpu.vector_store %arg8[%swap3A_198, %swap3A_199], %swap3A_202 {strides = array<i32>} : memref<80x128xf32, #tpu.memory_space<vmem>>, vector<1x16xf32>,
      %broadcast_in_dim3A_203 = arith.constant 0.000000e+00 : f32
      %broadcast_in_dim3A_204 = vector.broadcast %broadcast_in_dim3A_203 : f32 to vector<16xf32>
      %swap3A_205 = arith.index_cast %scan3A_169 : i32 to index
      %swap3A_206 = arith.constant 80 : index
      %swap3A_207 = tpu.vector_load %arg8[%swap3A_205, %swap3A_206] {strides = array<i32>} : memref<80x128xf32, #tpu.memory_space<vmem>>, vector<1x16xf32>,
      %swap3A_208 = vector.shape_cast %swap3A_207 : vector<1x16xf32> to vector<16xf32>
      %swap3A_209 = vector.shape_cast %broadcast_in_dim3A_204 : vector<16xf32> to vector<1x16xf32>
      tpu.vector_store %arg8[%swap3A_205, %swap3A_206], %swap3A_209 {strides = array<i32>} : memref<80x128xf32, #tpu.memory_space<vmem>>, vector<1x16xf32>,
      %broadcast_in_dim3A_210 = arith.constant 0.000000e+00 : f32
      %broadcast_in_dim3A_211 = vector.broadcast %broadcast_in_dim3A_210 : f32 to vector<16xf32>
      %swap3A_212 = arith.index_cast %scan3A_169 : i32 to index
      %swap3A_213 = arith.constant 96 : index
      %swap3A_214 = tpu.vector_load %arg8[%swap3A_212, %swap3A_213] {strides = array<i32>} : memref<80x128xf32, #tpu.memory_space<vmem>>, vector<1x16xf32>,
      %swap3A_215 = vector.shape_cast %swap3A_214 : vector<1x16xf32> to vector<16xf32>
      %swap3A_216 = vector.shape_cast %broadcast_in_dim3A_211 : vector<16xf32> to vector<1x16xf32>
      tpu.vector_store %arg8[%swap3A_212, %swap3A_213], %swap3A_216 {strides = array<i32>} : memref<80x128xf32, #tpu.memory_space<vmem>>, vector<1x16xf32>,
      %broadcast_in_dim3A_217 = arith.constant 0.000000e+00 : f32
      %broadcast_in_dim3A_218 = vector.broadcast %broadcast_in_dim3A_217 : f32 to vector<16xf32>
      %swap3A_219 = arith.index_cast %scan3A_169 : i32 to index
      %swap3A_220 = arith.constant 112 : index
      %swap3A_221 = tpu.vector_load %arg8[%swap3A_219, %swap3A_220] {strides = array<i32>} : memref<80x128xf32, #tpu.memory_space<vmem>>, vector<1x16xf32>,
      %swap3A_222 = vector.shape_cast %swap3A_221 : vector<1x16xf32> to vector<16xf32>
      %swap3A_223 = vector.shape_cast %broadcast_in_dim3A_218 : vector<16xf32> to vector<1x16xf32>
      tpu.vector_store %arg8[%swap3A_219, %swap3A_220], %swap3A_223 {strides = array<i32>} : memref<80x128xf32, #tpu.memory_space<vmem>>, vector<1x16xf32>,
    }
    %scan3A_5 = arith.constant 80 : i32
    %add3A = arith.constant 0 : i32
    %add3A_6 = arith.addi %mul3A_0, %add3A : i32
    "tpu.region"() ({
      %run_scoped3A_169 = tpu.sem_alloc : memref<!tpu.dma_semaphore, #tpu.memory_space<semaphore_mem>>
      %dma_start3A_170 = arith.constant 0 : i32
      %dma_start3A_171 = tpu.memref_slice %arg14[%add3A_6, %dma_start3A_170] : memref<10240x128xf32, #tpu.memory_space<vmem_shared>> -> memref<80x128xf32, #tpu.memory_space<vmem_shared>>
      %dma_start3A_172 = arith.constant 0 : i32
      %dma_start3A_173 = tpu.memref_slice %arg14[%add3A_6, %dma_start3A_172] : memref<10240x128xf32, #tpu.memory_space<vmem_shared>> -> memref<80x128xf32, #tpu.memory_space<vmem_shared>>
      tpu.enqueue_dma source(%arg8 : memref<80x128xf32, #tpu.memory_space<vmem>>) target(%dma_start3A_173 : memref<80x128xf32, #tpu.memory_space<vmem_shared>>) target_semaphore(%run_scoped3A_169 : memref<!tpu.dma_semaphore, #tpu.memory_space<semaphore_mem>>)
      %dma_wait3A_174 = arith.constant 0 : i32
      %dma_wait3A_175 = tpu.memref_slice %arg14[%add3A_6, %dma_wait3A_174] : memref<10240x128xf32, #tpu.memory_space<vmem_shared>> -> memref<80x128xf32, #tpu.memory_space<vmem_shared>>
      %dma_wait3A_176 = arith.constant 0 : i32
      %dma_wait3A_177 = tpu.memref_slice %arg14[%add3A_6, %dma_wait3A_176] : memref<10240x128xf32, #tpu.memory_space<vmem_shared>> -> memref<80x128xf32, #tpu.memory_space<vmem_shared>>
      tpu.wait_dma2 semaphore(%run_scoped3A_169 : memref<!tpu.dma_semaphore, #tpu.memory_space<semaphore_mem>>) src(%arg8 : memref<80x128xf32, #tpu.memory_space<vmem>>) dst(%dma_wait3A_177 : memref<80x128xf32, #tpu.memory_space<vmem_shared>>)
      tpu.yield
    }) : () -> ()
    %add3A_7 = arith.constant 80 : i32
    %add3A_8 = arith.addi %mul3A_0, %add3A_7 : i32
    "tpu.region"() ({
      %run_scoped3A_169 = tpu.sem_alloc : memref<!tpu.dma_semaphore, #tpu.memory_space<semaphore_mem>>
      %dma_start3A_170 = arith.constant 0 : i32
      %dma_start3A_171 = tpu.memref_slice %arg14[%add3A_8, %dma_start3A_170] : memref<10240x128xf32, #tpu.memory_space<vmem_shared>> -> memref<80x128xf32, #tpu.memory_space<vmem_shared>>
      %dma_start3A_172 = arith.constant 0 : i32
      %dma_start3A_173 = tpu.memref_slice %arg14[%add3A_8, %dma_start3A_172] : memref<10240x128xf32, #tpu.memory_space<vmem_shared>> -> memref<80x128xf32, #tpu.memory_space<vmem_shared>>
      tpu.enqueue_dma source(%arg8 : memref<80x128xf32, #tpu.memory_space<vmem>>) target(%dma_start3A_173 : memref<80x128xf32, #tpu.memory_space<vmem_shared>>) target_semaphore(%run_scoped3A_169 : memref<!tpu.dma_semaphore, #tpu.memory_space<semaphore_mem>>)
      %dma_wait3A_174 = arith.constant 0 : i32
      %dma_wait3A_175 = tpu.memref_slice %arg14[%add3A_8, %dma_wait3A_174] : memref<10240x128xf32, #tpu.memory_space<vmem_shared>> -> memref<80x128xf32, #tpu.memory_space<vmem_shared>>
      %dma_wait3A_176 = arith.constant 0 : i32
      %dma_wait3A_177 = tpu.memref_slice %arg14[%add3A_8, %dma_wait3A_176] : memref<10240x128xf32, #tpu.memory_space<vmem_shared>> -> memref<80x128xf32, #tpu.memory_space<vmem_shared>>
      tpu.wait_dma2 semaphore(%run_scoped3A_169 : memref<!tpu.dma_semaphore, #tpu.memory_space<semaphore_mem>>) src(%arg8 : memref<80x128xf32, #tpu.memory_space<vmem>>) dst(%dma_wait3A_177 : memref<80x128xf32, #tpu.memory_space<vmem_shared>>)
      tpu.yield
    }) : () -> ()
    %add3A_9 = arith.constant 160 : i32
    %add3A_10 = arith.addi %mul3A_0, %add3A_9 : i32
    "tpu.region"() ({
      %run_scoped3A_169 = tpu.sem_alloc : memref<!tpu.dma_semaphore, #tpu.memory_space<semaphore_mem>>
      %dma_start3A_170 = arith.constant 0 : i32
      %dma_start3A_171 = tpu.memref_slice %arg14[%add3A_10, %dma_start3A_170] : memref<10240x128xf32, #tpu.memory_space<vmem_shared>> -> memref<80x128xf32, #tpu.memory_space<vmem_shared>>
      %dma_start3A_172 = arith.constant 0 : i32
      %dma_start3A_173 = tpu.memref_slice %arg14[%add3A_10, %dma_start3A_172] : memref<10240x128xf32, #tpu.memory_space<vmem_shared>> -> memref<80x128xf32, #tpu.memory_space<vmem_shared>>
      tpu.enqueue_dma source(%arg8 : memref<80x128xf32, #tpu.memory_space<vmem>>) target(%dma_start3A_173 : memref<80x128xf32, #tpu.memory_space<vmem_shared>>) target_semaphore(%run_scoped3A_169 : memref<!tpu.dma_semaphore, #tpu.memory_space<semaphore_mem>>)
      %dma_wait3A_174 = arith.constant 0 : i32
      %dma_wait3A_175 = tpu.memref_slice %arg14[%add3A_10, %dma_wait3A_174] : memref<10240x128xf32, #tpu.memory_space<vmem_shared>> -> memref<80x128xf32, #tpu.memory_space<vmem_shared>>
      %dma_wait3A_176 = arith.constant 0 : i32
      %dma_wait3A_177 = tpu.memref_slice %arg14[%add3A_10, %dma_wait3A_176] : memref<10240x128xf32, #tpu.memory_space<vmem_shared>> -> memref<80x128xf32, #tpu.memory_space<vmem_shared>>
      tpu.wait_dma2 semaphore(%run_scoped3A_169 : memref<!tpu.dma_semaphore, #tpu.memory_space<semaphore_mem>>) src(%arg8 : memref<80x128xf32, #tpu.memory_space<vmem>>) dst(%dma_wait3A_177 : memref<80x128xf32, #tpu.memory_space<vmem_shared>>)
      tpu.yield
    }) : () -> ()
    %add3A_11 = arith.constant 240 : i32
    %add3A_12 = arith.addi %mul3A_0, %add3A_11 : i32
    "tpu.region"() ({
      %run_scoped3A_169 = tpu.sem_alloc : memref<!tpu.dma_semaphore, #tpu.memory_space<semaphore_mem>>
      %dma_start3A_170 = arith.constant 0 : i32
      %dma_start3A_171 = tpu.memref_slice %arg14[%add3A_12, %dma_start3A_170] : memref<10240x128xf32, #tpu.memory_space<vmem_shared>> -> memref<80x128xf32, #tpu.memory_space<vmem_shared>>
      %dma_start3A_172 = arith.constant 0 : i32
      %dma_start3A_173 = tpu.memref_slice %arg14[%add3A_12, %dma_start3A_172] : memref<10240x128xf32, #tpu.memory_space<vmem_shared>> -> memref<80x128xf32, #tpu.memory_space<vmem_shared>>
      tpu.enqueue_dma source(%arg8 : memref<80x128xf32, #tpu.memory_space<vmem>>) target(%dma_start3A_173 : memref<80x128xf32, #tpu.memory_space<vmem_shared>>) target_semaphore(%run_scoped3A_169 : memref<!tpu.dma_semaphore, #tpu.memory_space<semaphore_mem>>)
      %dma_wait3A_174 = arith.constant 0 : i32
      %dma_wait3A_175 = tpu.memref_slice %arg14[%add3A_12, %dma_wait3A_174] : memref<10240x128xf32, #tpu.memory_space<vmem_shared>> -> memref<80x128xf32, #tpu.memory_space<vmem_shared>>
      %dma_wait3A_176 = arith.constant 0 : i32
      %dma_wait3A_177 = tpu.memref_slice %arg14[%add3A_12, %dma_wait3A_176] : memref<10240x128xf32, #tpu.memory_space<vmem_shared>> -> memref<80x128xf32, #tpu.memory_space<vmem_shared>>
      tpu.wait_dma2 semaphore(%run_scoped3A_169 : memref<!tpu.dma_semaphore, #tpu.memory_space<semaphore_mem>>) src(%arg8 : memref<80x128xf32, #tpu.memory_space<vmem>>) dst(%dma_wait3A_177 : memref<80x128xf32, #tpu.memory_space<vmem_shared>>)
      tpu.yield
    }) : () -> ()
    %add3A_13 = arith.constant 320 : i32
    %add3A_14 = arith.addi %mul3A_0, %add3A_13 : i32
    "tpu.region"() ({
      %run_scoped3A_169 = tpu.sem_alloc : memref<!tpu.dma_semaphore, #tpu.memory_space<semaphore_mem>>
      %dma_start3A_170 = arith.constant 0 : i32
      %dma_start3A_171 = tpu.memref_slice %arg14[%add3A_14, %dma_start3A_170] : memref<10240x128xf32, #tpu.memory_space<vmem_shared>> -> memref<80x128xf32, #tpu.memory_space<vmem_shared>>
      %dma_start3A_172 = arith.constant 0 : i32
      %dma_start3A_173 = tpu.memref_slice %arg14[%add3A_14, %dma_start3A_172] : memref<10240x128xf32, #tpu.memory_space<vmem_shared>> -> memref<80x128xf32, #tpu.memory_space<vmem_shared>>
      tpu.enqueue_dma source(%arg8 : memref<80x128xf32, #tpu.memory_space<vmem>>) target(%dma_start3A_173 : memref<80x128xf32, #tpu.memory_space<vmem_shared>>) target_semaphore(%run_scoped3A_169 : memref<!tpu.dma_semaphore, #tpu.memory_space<semaphore_mem>>)
      %dma_wait3A_174 = arith.constant 0 : i32
      %dma_wait3A_175 = tpu.memref_slice %arg14[%add3A_14, %dma_wait3A_174] : memref<10240x128xf32, #tpu.memory_space<vmem_shared>> -> memref<80x128xf32, #tpu.memory_space<vmem_shared>>
      %dma_wait3A_176 = arith.constant 0 : i32
      %dma_wait3A_177 = tpu.memref_slice %arg14[%add3A_14, %dma_wait3A_176] : memref<10240x128xf32, #tpu.memory_space<vmem_shared>> -> memref<80x128xf32, #tpu.memory_space<vmem_shared>>
      tpu.wait_dma2 semaphore(%run_scoped3A_169 : memref<!tpu.dma_semaphore, #tpu.memory_space<semaphore_mem>>) src(%arg8 : memref<80x128xf32, #tpu.memory_space<vmem>>) dst(%dma_wait3A_177 : memref<80x128xf32, #tpu.memory_space<vmem_shared>>)
      tpu.yield
    }) : () -> ()
    %add3A_15 = arith.constant 400 : i32
    %add3A_16 = arith.addi %mul3A_0, %add3A_15 : i32
    "tpu.region"() ({
      %run_scoped3A_169 = tpu.sem_alloc : memref<!tpu.dma_semaphore, #tpu.memory_space<semaphore_mem>>
      %dma_start3A_170 = arith.constant 0 : i32
      %dma_start3A_171 = tpu.memref_slice %arg14[%add3A_16, %dma_start3A_170] : memref<10240x128xf32, #tpu.memory_space<vmem_shared>> -> memref<80x128xf32, #tpu.memory_space<vmem_shared>>
      %dma_start3A_172 = arith.constant 0 : i32
      %dma_start3A_173 = tpu.memref_slice %arg14[%add3A_16, %dma_start3A_172] : memref<10240x128xf32, #tpu.memory_space<vmem_shared>> -> memref<80x128xf32, #tpu.memory_space<vmem_shared>>
      tpu.enqueue_dma source(%arg8 : memref<80x128xf32, #tpu.memory_space<vmem>>) target(%dma_start3A_173 : memref<80x128xf32, #tpu.memory_space<vmem_shared>>) target_semaphore(%run_scoped3A_169 : memref<!tpu.dma_semaphore, #tpu.memory_space<semaphore_mem>>)
      %dma_wait3A_174 = arith.constant 0 : i32
      %dma_wait3A_175 = tpu.memref_slice %arg14[%add3A_16, %dma_wait3A_174] : memref<10240x128xf32, #tpu.memory_space<vmem_shared>> -> memref<80x128xf32, #tpu.memory_space<vmem_shared>>
      %dma_wait3A_176 = arith.constant 0 : i32
      %dma_wait3A_177 = tpu.memref_slice %arg14[%add3A_16, %dma_wait3A_176] : memref<10240x128xf32, #tpu.memory_space<vmem_shared>> -> memref<80x128xf32, #tpu.memory_space<vmem_shared>>
      tpu.wait_dma2 semaphore(%run_scoped3A_169 : memref<!tpu.dma_semaphore, #tpu.memory_space<semaphore_mem>>) src(%arg8 : memref<80x128xf32, #tpu.memory_space<vmem>>) dst(%dma_wait3A_177 : memref<80x128xf32, #tpu.memory_space<vmem_shared>>)
      tpu.yield
    }) : () -> ()
    %add3A_17 = arith.constant 480 : i32
    %add3A_18 = arith.addi %mul3A_0, %add3A_17 : i32
    "tpu.region"() ({
      %run_scoped3A_169 = tpu.sem_alloc : memref<!tpu.dma_semaphore, #tpu.memory_space<semaphore_mem>>
      %dma_start3A_170 = arith.constant 0 : i32
      %dma_start3A_171 = tpu.memref_slice %arg14[%add3A_18, %dma_start3A_170] : memref<10240x128xf32, #tpu.memory_space<vmem_shared>> -> memref<80x128xf32, #tpu.memory_space<vmem_shared>>
      %dma_start3A_172 = arith.constant 0 : i32
      %dma_start3A_173 = tpu.memref_slice %arg14[%add3A_18, %dma_start3A_172] : memref<10240x128xf32, #tpu.memory_space<vmem_shared>> -> memref<80x128xf32, #tpu.memory_space<vmem_shared>>
      tpu.enqueue_dma source(%arg8 : memref<80x128xf32, #tpu.memory_space<vmem>>) target(%dma_start3A_173 : memref<80x128xf32, #tpu.memory_space<vmem_shared>>) target_semaphore(%run_scoped3A_169 : memref<!tpu.dma_semaphore, #tpu.memory_space<semaphore_mem>>)
      %dma_wait3A_174 = arith.constant 0 : i32
      %dma_wait3A_175 = tpu.memref_slice %arg14[%add3A_18, %dma_wait3A_174] : memref<10240x128xf32, #tpu.memory_space<vmem_shared>> -> memref<80x128xf32, #tpu.memory_space<vmem_shared>>
      %dma_wait3A_176 = arith.constant 0 : i32
      %dma_wait3A_177 = tpu.memref_slice %arg14[%add3A_18, %dma_wait3A_176] : memref<10240x128xf32, #tpu.memory_space<vmem_shared>> -> memref<80x128xf32, #tpu.memory_space<vmem_shared>>
      tpu.wait_dma2 semaphore(%run_scoped3A_169 : memref<!tpu.dma_semaphore, #tpu.memory_space<semaphore_mem>>) src(%arg8 : memref<80x128xf32, #tpu.memory_space<vmem>>) dst(%dma_wait3A_177 : memref<80x128xf32, #tpu.memory_space<vmem_shared>>)
      tpu.yield
    }) : () -> ()
    %add3A_19 = arith.constant 560 : i32
    %add3A_20 = arith.addi %mul3A_0, %add3A_19 : i32
    "tpu.region"() ({
      %run_scoped3A_169 = tpu.sem_alloc : memref<!tpu.dma_semaphore, #tpu.memory_space<semaphore_mem>>
      %dma_start3A_170 = arith.constant 0 : i32
      %dma_start3A_171 = tpu.memref_slice %arg14[%add3A_20, %dma_start3A_170] : memref<10240x128xf32, #tpu.memory_space<vmem_shared>> -> memref<80x128xf32, #tpu.memory_space<vmem_shared>>
      %dma_start3A_172 = arith.constant 0 : i32
      %dma_start3A_173 = tpu.memref_slice %arg14[%add3A_20, %dma_start3A_172] : memref<10240x128xf32, #tpu.memory_space<vmem_shared>> -> memref<80x128xf32, #tpu.memory_space<vmem_shared>>
      tpu.enqueue_dma source(%arg8 : memref<80x128xf32, #tpu.memory_space<vmem>>) target(%dma_start3A_173 : memref<80x128xf32, #tpu.memory_space<vmem_shared>>) target_semaphore(%run_scoped3A_169 : memref<!tpu.dma_semaphore, #tpu.memory_space<semaphore_mem>>)
      %dma_wait3A_174 = arith.constant 0 : i32
      %dma_wait3A_175 = tpu.memref_slice %arg14[%add3A_20, %dma_wait3A_174] : memref<10240x128xf32, #tpu.memory_space<vmem_shared>> -> memref<80x128xf32, #tpu.memory_space<vmem_shared>>
      %dma_wait3A_176 = arith.constant 0 : i32
      %dma_wait3A_177 = tpu.memref_slice %arg14[%add3A_20, %dma_wait3A_176] : memref<10240x128xf32, #tpu.memory_space<vmem_shared>> -> memref<80x128xf32, #tpu.memory_space<vmem_shared>>
      tpu.wait_dma2 semaphore(%run_scoped3A_169 : memref<!tpu.dma_semaphore, #tpu.memory_space<semaphore_mem>>) src(%arg8 : memref<80x128xf32, #tpu.memory_space<vmem>>) dst(%dma_wait3A_177 : memref<80x128xf32, #tpu.memory_space<vmem_shared>>)
      tpu.yield
    }) : () -> ()
    %barrier3A = arith.constant 0 : index
    tpu.barrier barrier_id(%barrier3A)
    %run_scoped3A = arith.constant 0 : i32
    "tpu.region"() ({
      %run_scoped3A_169 = tpu.sem_alloc : memref<!tpu.dma_semaphore, #tpu.memory_space<semaphore_mem>>
      %dma_start3A_170 = arith.constant 0 : i32
      %dma_start3A_171 = arith.constant 0 : i32
      %dma_start3A_172 = tpu.memref_slice %arg2[%arg0, %arg1, %run_scoped3A, %dma_start3A_170, %dma_start3A_171] : memref<2x16x5x25x80xi32, #tpu.memory_space<hbm>> -> memref<1x1x1x25x80xi32, #tpu.memory_space<hbm>>
      %dma_start3A_173 = tpu.memref_squeeze %dma_start3A_172 : memref<1x1x1x25x80xi32, #tpu.memory_space<hbm>> -> memref<25x80xi32, #tpu.memory_space<hbm>>
      %dma_start3A_174 = arith.constant 0 : i32
      %dma_start3A_175 = arith.constant 0 : i32
      %dma_start3A_176 = tpu.memref_slice %arg2[%arg0, %arg1, %run_scoped3A, %dma_start3A_174, %dma_start3A_175] : memref<2x16x5x25x80xi32, #tpu.memory_space<hbm>> -> memref<1x1x1x25x80xi32, #tpu.memory_space<hbm>>
      %dma_start3A_177 = tpu.memref_squeeze %dma_start3A_176 : memref<1x1x1x25x80xi32, #tpu.memory_space<hbm>> -> memref<25x80xi32, #tpu.memory_space<hbm>>
      tpu.enqueue_dma source(%dma_start3A_177 : memref<25x80xi32, #tpu.memory_space<hbm>>) target(%arg6 : memref<25x80xi32, #tpu.memory_space<vmem>>) target_semaphore(%run_scoped3A_169 : memref<!tpu.dma_semaphore, #tpu.memory_space<semaphore_mem>>)
      %dma_wait3A_178 = arith.constant 0 : i32
      %dma_wait3A_179 = arith.constant 0 : i32
      %dma_wait3A_180 = tpu.memref_slice %arg2[%arg0, %arg1, %run_scoped3A, %dma_wait3A_178, %dma_wait3A_179] : memref<2x16x5x25x80xi32, #tpu.memory_space<hbm>> -> memref<1x1x1x25x80xi32, #tpu.memory_space<hbm>>
      %dma_wait3A_181 = tpu.memref_squeeze %dma_wait3A_180 : memref<1x1x1x25x80xi32, #tpu.memory_space<hbm>> -> memref<25x80xi32, #tpu.memory_space<hbm>>
      %dma_wait3A_182 = arith.constant 0 : i32
      %dma_wait3A_183 = arith.constant 0 : i32
      %dma_wait3A_184 = tpu.memref_slice %arg2[%arg0, %arg1, %run_scoped3A, %dma_wait3A_182, %dma_wait3A_183] : memref<2x16x5x25x80xi32, #tpu.memory_space<hbm>> -> memref<1x1x1x25x80xi32, #tpu.memory_space<hbm>>
      %dma_wait3A_185 = tpu.memref_squeeze %dma_wait3A_184 : memref<1x1x1x25x80xi32, #tpu.memory_space<hbm>> -> memref<25x80xi32, #tpu.memory_space<hbm>>
      tpu.wait_dma2 semaphore(%run_scoped3A_169 : memref<!tpu.dma_semaphore, #tpu.memory_space<semaphore_mem>>) src(%dma_wait3A_185 : memref<25x80xi32, #tpu.memory_space<hbm>>) dst(%arg6 : memref<25x80xi32, #tpu.memory_space<vmem>>)
      tpu.yield
    }) : () -> ()
    %run_scoped3A_21 = arith.constant 0 : i32
    "tpu.region"() ({
      %run_scoped3A_169 = tpu.sem_alloc : memref<!tpu.dma_semaphore, #tpu.memory_space<semaphore_mem>>
      %dma_start3A_170 = arith.constant 0 : i32
      %dma_start3A_171 = arith.constant 0 : i32
      %dma_start3A_172 = tpu.memref_slice %arg3[%arg0, %arg1, %run_scoped3A_21, %dma_start3A_170, %dma_start3A_171] : memref<2x16x5x25x80xi32, #tpu.memory_space<hbm>> -> memref<1x1x1x25x80xi32, #tpu.memory_space<hbm>>
      %dma_start3A_173 = tpu.memref_squeeze %dma_start3A_172 : memref<1x1x1x25x80xi32, #tpu.memory_space<hbm>> -> memref<25x80xi32, #tpu.memory_space<hbm>>
      %dma_start3A_174 = arith.constant 0 : i32
      %dma_start3A_175 = arith.constant 0 : i32
      %dma_start3A_176 = tpu.memref_slice %arg3[%arg0, %arg1, %run_scoped3A_21, %dma_start3A_174, %dma_start3A_175] : memref<2x16x5x25x80xi32, #tpu.memory_space<hbm>> -> memref<1x1x1x25x80xi32, #tpu.memory_space<hbm>>
      %dma_start3A_177 = tpu.memref_squeeze %dma_start3A_176 : memref<1x1x1x25x80xi32, #tpu.memory_space<hbm>> -> memref<25x80xi32, #tpu.memory_space<hbm>>
      tpu.enqueue_dma source(%dma_start3A_177 : memref<25x80xi32, #tpu.memory_space<hbm>>) target(%arg7 : memref<25x80xi32, #tpu.memory_space<vmem>>) target_semaphore(%run_scoped3A_169 : memref<!tpu.dma_semaphore, #tpu.memory_space<semaphore_mem>>)
      %dma_wait3A_178 = arith.constant 0 : i32
      %dma_wait3A_179 = arith.constant 0 : i32
      %dma_wait3A_180 = tpu.memref_slice %arg3[%arg0, %arg1, %run_scoped3A_21, %dma_wait3A_178, %dma_wait3A_179] : memref<2x16x5x25x80xi32, #tpu.memory_space<hbm>> -> memref<1x1x1x25x80xi32, #tpu.memory_space<hbm>>
      %dma_wait3A_181 = tpu.memref_squeeze %dma_wait3A_180 : memref<1x1x1x25x80xi32, #tpu.memory_space<hbm>> -> memref<25x80xi32, #tpu.memory_space<hbm>>
      %dma_wait3A_182 = arith.constant 0 : i32
      %dma_wait3A_183 = arith.constant 0 : i32
      %dma_wait3A_184 = tpu.memref_slice %arg3[%arg0, %arg1, %run_scoped3A_21, %dma_wait3A_182, %dma_wait3A_183] : memref<2x16x5x25x80xi32, #tpu.memory_space<hbm>> -> memref<1x1x1x25x80xi32, #tpu.memory_space<hbm>>
      %dma_wait3A_185 = tpu.memref_squeeze %dma_wait3A_184 : memref<1x1x1x25x80xi32, #tpu.memory_space<hbm>> -> memref<25x80xi32, #tpu.memory_space<hbm>>
      tpu.wait_dma2 semaphore(%run_scoped3A_169 : memref<!tpu.dma_semaphore, #tpu.memory_space<semaphore_mem>>) src(%dma_wait3A_185 : memref<25x80xi32, #tpu.memory_space<hbm>>) dst(%arg7 : memref<25x80xi32, #tpu.memory_space<vmem>>)
      tpu.yield
    }) : () -> ()
    %dma_start3A = arith.constant 0 : i32
    %dma_start3A_22 = arith.constant 0 : i32
    %dma_start3A_23 = tpu.memref_slice %arg6[%dma_start3A, %dma_start3A_22] : memref<25x80xi32, #tpu.memory_space<vmem>> -> memref<1x80xi32, #tpu.memory_space<vmem>>
    %dma_start3A_24 = tpu.memref_squeeze %dma_start3A_23 : memref<1x80xi32, #tpu.memory_space<vmem>> -> memref<80xi32, #tpu.memory_space<vmem>>
    %dma_start3A_25 = arith.constant 0 : i32
    %dma_start3A_26 = arith.constant 0 : i32
    %dma_start3A_27 = tpu.memref_slice %arg4[%dma_start3A_25, %dma_start3A_26] : memref<10000x128xf32, #tpu.memory_space<hbm>> -> memref<10000x128xf32, #tpu.memory_space<hbm>>
    tpu.enqueue_indirect_dma source(%dma_start3A_27 : memref<10000x128xf32, #tpu.memory_space<hbm>>) target(%arg8 : memref<80x128xf32, #tpu.memory_space<vmem>>) offsets(%dma_start3A_24 : memref<80xi32, #tpu.memory_space<vmem>>) semaphore(%arg10 : memref<!tpu.dma_semaphore, #tpu.memory_space<semaphore_mem>>)
    %scan3A_28 = arith.constant 0 : i32
    %scan3A_29 = arith.constant 0 : i32
    %scan3A_30 = arith.constant 12 : i32
    %scan3A_31 = arith.addi %scan3A_29, %scan3A_30 : i32
    %scan3A_32 = arith.constant 1 : i32
    scf.for %scan3A_169 = %scan3A_29 to %scan3A_31 step %scan3A_32  : i32 {
      %mul3A_170 = arith.constant 2 : i32
      %mul3A_171 = arith.muli %scan3A_169, %mul3A_170 : i32
      %dma_wait3A_172 = arith.constant 0 : i32
      %dma_wait3A_173 = tpu.memref_slice %arg6[%mul3A_171, %dma_wait3A_172] : memref<25x80xi32, #tpu.memory_space<vmem>> -> memref<1x80xi32, #tpu.memory_space<vmem>>
      %dma_wait3A_174 = tpu.memref_squeeze %dma_wait3A_173 : memref<1x80xi32, #tpu.memory_space<vmem>> -> memref<80xi32, #tpu.memory_space<vmem>>
      %dma_wait3A_175 = arith.constant 0 : i32
      %dma_wait3A_176 = arith.constant 0 : i32
      %dma_wait3A_177 = tpu.memref_slice %arg4[%dma_wait3A_175, %dma_wait3A_176] : memref<10000x128xf32, #tpu.memory_space<hbm>> -> memref<10000x128xf32, #tpu.memory_space<hbm>>
      tpu.wait_indirect_dma semaphore(%arg10 : memref<!tpu.dma_semaphore, #tpu.memory_space<semaphore_mem>>) src(%dma_wait3A_177 : memref<10000x128xf32, #tpu.memory_space<hbm>>) dst(%arg8 : memref<80x128xf32, #tpu.memory_space<vmem>>)
      %gt3A = arith.constant 0 : i32
      %gt3A_178 = arith.cmpi sgt, %mul3A_171, %gt3A : i32
      %convert_element_type3A = arith.extui %gt3A_178 : i1 to i32
      %cond3A = arith.constant 0 : i32
      %cond3A_179 = arith.cmpi ne, %convert_element_type3A, %cond3A : i32
      scf.if %cond3A_179 {
        %dma_wait3A_224 = arith.constant 0 : i32
        %dma_wait3A_225 = tpu.memref_slice %arg7[%mul3A_171, %dma_wait3A_224] : memref<25x80xi32, #tpu.memory_space<vmem>> -> memref<1x80xi32, #tpu.memory_space<vmem>>
        %dma_wait3A_226 = tpu.memref_squeeze %dma_wait3A_225 : memref<1x80xi32, #tpu.memory_space<vmem>> -> memref<80xi32, #tpu.memory_space<vmem>>
        %dma_wait3A_227 = arith.constant 0 : i32
        %dma_wait3A_228 = arith.constant 0 : i32
        %dma_wait3A_229 = tpu.memref_slice %arg14[%dma_wait3A_227, %dma_wait3A_228] : memref<10240x128xf32, #tpu.memory_space<vmem_shared>> -> memref<10240x128xf32, #tpu.memory_space<vmem_shared>>
        tpu.wait_indirect_dma semaphore(%arg13 : memref<!tpu.dma_semaphore, #tpu.memory_space<semaphore_mem>>) src(%arg9 : memref<80x128xf32, #tpu.memory_space<vmem>>) dst(%dma_wait3A_229 : memref<10240x128xf32, #tpu.memory_space<vmem_shared>>)
      } else {
      }
      %add3A_180 = arith.constant 1 : i32
      %add3A_181 = arith.addi %mul3A_171, %add3A_180 : i32
      %dma_start3A_182 = arith.constant 0 : i32
      %dma_start3A_183 = tpu.memref_slice %arg6[%add3A_181, %dma_start3A_182] : memref<25x80xi32, #tpu.memory_space<vmem>> -> memref<1x80xi32, #tpu.memory_space<vmem>>
      %dma_start3A_184 = tpu.memref_squeeze %dma_start3A_183 : memref<1x80xi32, #tpu.memory_space<vmem>> -> memref<80xi32, #tpu.memory_space<vmem>>
      %dma_start3A_185 = arith.constant 0 : i32
      %dma_start3A_186 = arith.constant 0 : i32
      %dma_start3A_187 = tpu.memref_slice %arg4[%dma_start3A_185, %dma_start3A_186] : memref<10000x128xf32, #tpu.memory_space<hbm>> -> memref<10000x128xf32, #tpu.memory_space<hbm>>
      tpu.enqueue_indirect_dma source(%dma_start3A_187 : memref<10000x128xf32, #tpu.memory_space<hbm>>) target(%arg9 : memref<80x128xf32, #tpu.memory_space<vmem>>) offsets(%dma_start3A_184 : memref<80xi32, #tpu.memory_space<vmem>>) semaphore(%arg11 : memref<!tpu.dma_semaphore, #tpu.memory_space<semaphore_mem>>)
      %dma_start3A_188 = arith.constant 0 : i32
      %dma_start3A_189 = tpu.memref_slice %arg7[%mul3A_171, %dma_start3A_188] : memref<25x80xi32, #tpu.memory_space<vmem>> -> memref<1x80xi32, #tpu.memory_space<vmem>>
      %dma_start3A_190 = tpu.memref_squeeze %dma_start3A_189 : memref<1x80xi32, #tpu.memory_space<vmem>> -> memref<80xi32, #tpu.memory_space<vmem>>
      %dma_start3A_191 = arith.constant 0 : i32
      %dma_start3A_192 = arith.constant 0 : i32
      %dma_start3A_193 = tpu.memref_slice %arg14[%dma_start3A_191, %dma_start3A_192] : memref<10240x128xf32, #tpu.memory_space<vmem_shared>> -> memref<10240x128xf32, #tpu.memory_space<vmem_shared>>
      tpu.enqueue_indirect_dma source(%arg8 : memref<80x128xf32, #tpu.memory_space<vmem>>) target(%dma_start3A_193 : memref<10240x128xf32, #tpu.memory_space<vmem_shared>>) offsets(%dma_start3A_190 : memref<80xi32, #tpu.memory_space<vmem>>) semaphore(%arg12 : memref<!tpu.dma_semaphore, #tpu.memory_space<semaphore_mem>>) {add = true}
      %add3A_194 = arith.constant 1 : i32
      %add3A_195 = arith.addi %mul3A_171, %add3A_194 : i32
      %dma_wait3A_196 = arith.constant 0 : i32
      %dma_wait3A_197 = tpu.memref_slice %arg6[%add3A_195, %dma_wait3A_196] : memref<25x80xi32, #tpu.memory_space<vmem>> -> memref<1x80xi32, #tpu.memory_space<vmem>>
      %dma_wait3A_198 = tpu.memref_squeeze %dma_wait3A_197 : memref<1x80xi32, #tpu.memory_space<vmem>> -> memref<80xi32, #tpu.memory_space<vmem>>
      %dma_wait3A_199 = arith.constant 0 : i32
      %dma_wait3A_200 = arith.constant 0 : i32
      %dma_wait3A_201 = tpu.memref_slice %arg4[%dma_wait3A_199, %dma_wait3A_200] : memref<10000x128xf32, #tpu.memory_space<hbm>> -> memref<10000x128xf32, #tpu.memory_space<hbm>>
      tpu.wait_indirect_dma semaphore(%arg11 : memref<!tpu.dma_semaphore, #tpu.memory_space<semaphore_mem>>) src(%dma_wait3A_201 : memref<10000x128xf32, #tpu.memory_space<hbm>>) dst(%arg9 : memref<80x128xf32, #tpu.memory_space<vmem>>)
      %dma_wait3A_202 = arith.constant 0 : i32
      %dma_wait3A_203 = tpu.memref_slice %arg7[%mul3A_171, %dma_wait3A_202] : memref<25x80xi32, #tpu.memory_space<vmem>> -> memref<1x80xi32, #tpu.memory_space<vmem>>
      %dma_wait3A_204 = tpu.memref_squeeze %dma_wait3A_203 : memref<1x80xi32, #tpu.memory_space<vmem>> -> memref<80xi32, #tpu.memory_space<vmem>>
      %dma_wait3A_205 = arith.constant 0 : i32
      %dma_wait3A_206 = arith.constant 0 : i32
      %dma_wait3A_207 = tpu.memref_slice %arg14[%dma_wait3A_205, %dma_wait3A_206] : memref<10240x128xf32, #tpu.memory_space<vmem_shared>> -> memref<10240x128xf32, #tpu.memory_space<vmem_shared>>
      tpu.wait_indirect_dma semaphore(%arg12 : memref<!tpu.dma_semaphore, #tpu.memory_space<semaphore_mem>>) src(%arg8 : memref<80x128xf32, #tpu.memory_space<vmem>>) dst(%dma_wait3A_207 : memref<10240x128xf32, #tpu.memory_space<vmem_shared>>)
      %add3A_208 = arith.constant 2 : i32
      %add3A_209 = arith.addi %mul3A_171, %add3A_208 : i32
      %dma_start3A_210 = arith.constant 0 : i32
      %dma_start3A_211 = tpu.memref_slice %arg6[%add3A_209, %dma_start3A_210] : memref<25x80xi32, #tpu.memory_space<vmem>> -> memref<1x80xi32, #tpu.memory_space<vmem>>
      %dma_start3A_212 = tpu.memref_squeeze %dma_start3A_211 : memref<1x80xi32, #tpu.memory_space<vmem>> -> memref<80xi32, #tpu.memory_space<vmem>>
      %dma_start3A_213 = arith.constant 0 : i32
      %dma_start3A_214 = arith.constant 0 : i32
      %dma_start3A_215 = tpu.memref_slice %arg4[%dma_start3A_213, %dma_start3A_214] : memref<10000x128xf32, #tpu.memory_space<hbm>> -> memref<10000x128xf32, #tpu.memory_space<hbm>>
      tpu.enqueue_indirect_dma source(%dma_start3A_215 : memref<10000x128xf32, #tpu.memory_space<hbm>>) target(%arg8 : memref<80x128xf32, #tpu.memory_space<vmem>>) offsets(%dma_start3A_212 : memref<80xi32, #tpu.memory_space<vmem>>) semaphore(%arg10 : memref<!tpu.dma_semaphore, #tpu.memory_space<semaphore_mem>>)
      %add3A_216 = arith.constant 1 : i32
      %add3A_217 = arith.addi %mul3A_171, %add3A_216 : i32
      %dma_start3A_218 = arith.constant 0 : i32
      %dma_start3A_219 = tpu.memref_slice %arg7[%add3A_217, %dma_start3A_218] : memref<25x80xi32, #tpu.memory_space<vmem>> -> memref<1x80xi32, #tpu.memory_space<vmem>>
      %dma_start3A_220 = tpu.memref_squeeze %dma_start3A_219 : memref<1x80xi32, #tpu.memory_space<vmem>> -> memref<80xi32, #tpu.memory_space<vmem>>
      %dma_start3A_221 = arith.constant 0 : i32
      %dma_start3A_222 = arith.constant 0 : i32
      %dma_start3A_223 = tpu.memref_slice %arg14[%dma_start3A_221, %dma_start3A_222] : memref<10240x128xf32, #tpu.memory_space<vmem_shared>> -> memref<10240x128xf32, #tpu.memory_space<vmem_shared>>
      tpu.enqueue_indirect_dma source(%arg9 : memref<80x128xf32, #tpu.memory_space<vmem>>) target(%dma_start3A_223 : memref<10240x128xf32, #tpu.memory_space<vmem_shared>>) offsets(%dma_start3A_220 : memref<80xi32, #tpu.memory_space<vmem>>) semaphore(%arg13 : memref<!tpu.dma_semaphore, #tpu.memory_space<semaphore_mem>>) {add = true}
    }
    %scan3A_33 = arith.constant 12 : i32
    %dma_wait3A = arith.constant 24 : i32
    %dma_wait3A_34 = arith.constant 0 : i32
    %dma_wait3A_35 = tpu.memref_slice %arg6[%dma_wait3A, %dma_wait3A_34] : memref<25x80xi32, #tpu.memory_space<vmem>> -> memref<1x80xi32, #tpu.memory_space<vmem>>
    %dma_wait3A_36 = tpu.memref_squeeze %dma_wait3A_35 : memref<1x80xi32, #tpu.memory_space<vmem>> -> memref<80xi32, #tpu.memory_space<vmem>>
    %dma_wait3A_37 = arith.constant 0 : i32
    %dma_wait3A_38 = arith.constant 0 : i32
    %dma_wait3A_39 = tpu.memref_slice %arg4[%dma_wait3A_37, %dma_wait3A_38] : memref<10000x128xf32, #tpu.memory_space<hbm>> -> memref<10000x128xf32, #tpu.memory_space<hbm>>
    tpu.wait_indirect_dma semaphore(%arg10 : memref<!tpu.dma_semaphore, #tpu.memory_space<semaphore_mem>>) src(%dma_wait3A_39 : memref<10000x128xf32, #tpu.memory_space<hbm>>) dst(%arg8 : memref<80x128xf32, #tpu.memory_space<vmem>>)
    %run_scoped3A_40 = arith.constant 24 : i32
    "tpu.region"() ({
      %run_scoped3A_169 = tpu.sem_alloc : memref<!tpu.dma_semaphore, #tpu.memory_space<semaphore_mem>>
      %dma_start3A_170 = arith.constant 0 : i32
      %dma_start3A_171 = tpu.memref_slice %arg7[%run_scoped3A_40, %dma_start3A_170] : memref<25x80xi32, #tpu.memory_space<vmem>> -> memref<1x80xi32, #tpu.memory_space<vmem>>
      %dma_start3A_172 = tpu.memref_squeeze %dma_start3A_171 : memref<1x80xi32, #tpu.memory_space<vmem>> -> memref<80xi32, #tpu.memory_space<vmem>>
      %dma_start3A_173 = arith.constant 0 : i32
      %dma_start3A_174 = arith.constant 0 : i32
      %dma_start3A_175 = tpu.memref_slice %arg14[%dma_start3A_173, %dma_start3A_174] : memref<10240x128xf32, #tpu.memory_space<vmem_shared>> -> memref<10240x128xf32, #tpu.memory_space<vmem_shared>>
      tpu.enqueue_indirect_dma source(%arg8 : memref<80x128xf32, #tpu.memory_space<vmem>>) target(%dma_start3A_175 : memref<10240x128xf32, #tpu.memory_space<vmem_shared>>) offsets(%dma_start3A_172 : memref<80xi32, #tpu.memory_space<vmem>>) semaphore(%run_scoped3A_169 : memref<!tpu.dma_semaphore, #tpu.memory_space<semaphore_mem>>) {add = true}
      %dma_wait3A_176 = arith.constant 0 : i32
      %dma_wait3A_177 = tpu.memref_slice %arg7[%run_scoped3A_40, %dma_wait3A_176] : memref<25x80xi32, #tpu.memory_space<vmem>> -> memref<1x80xi32, #tpu.memory_space<vmem>>
      %dma_wait3A_178 = tpu.memref_squeeze %dma_wait3A_177 : memref<1x80xi32, #tpu.memory_space<vmem>> -> memref<80xi32, #tpu.memory_space<vmem>>
      %dma_wait3A_179 = arith.constant 0 : i32
      %dma_wait3A_180 = arith.constant 0 : i32
      %dma_wait3A_181 = tpu.memref_slice %arg14[%dma_wait3A_179, %dma_wait3A_180] : memref<10240x128xf32, #tpu.memory_space<vmem_shared>> -> memref<10240x128xf32, #tpu.memory_space<vmem_shared>>
      tpu.wait_indirect_dma semaphore(%run_scoped3A_169 : memref<!tpu.dma_semaphore, #tpu.memory_space<semaphore_mem>>) src(%arg8 : memref<80x128xf32, #tpu.memory_space<vmem>>) dst(%dma_wait3A_181 : memref<10240x128xf32, #tpu.memory_space<vmem_shared>>)
      tpu.yield
    }) : () -> ()
    %dma_wait3A_41 = arith.constant 23 : i32
    %dma_wait3A_42 = arith.constant 0 : i32
    %dma_wait3A_43 = tpu.memref_slice %arg7[%dma_wait3A_41, %dma_wait3A_42] : memref<25x80xi32, #tpu.memory_space<vmem>> -> memref<1x80xi32, #tpu.memory_space<vmem>>
    %dma_wait3A_44 = tpu.memref_squeeze %dma_wait3A_43 : memref<1x80xi32, #tpu.memory_space<vmem>> -> memref<80xi32, #tpu.memory_space<vmem>>
    %dma_wait3A_45 = arith.constant 0 : i32
    %dma_wait3A_46 = arith.constant 0 : i32
    %dma_wait3A_47 = tpu.memref_slice %arg14[%dma_wait3A_45, %dma_wait3A_46] : memref<10240x128xf32, #tpu.memory_space<vmem_shared>> -> memref<10240x128xf32, #tpu.memory_space<vmem_shared>>
    tpu.wait_indirect_dma semaphore(%arg13 : memref<!tpu.dma_semaphore, #tpu.memory_space<semaphore_mem>>) src(%arg9 : memref<80x128xf32, #tpu.memory_space<vmem>>) dst(%dma_wait3A_47 : memref<10240x128xf32, #tpu.memory_space<vmem_shared>>)
    %run_scoped3A_48 = arith.constant 1 : i32
    "tpu.region"() ({
      %run_scoped3A_169 = tpu.sem_alloc : memref<!tpu.dma_semaphore, #tpu.memory_space<semaphore_mem>>
      %dma_start3A_170 = arith.constant 0 : i32
      %dma_start3A_171 = arith.constant 0 : i32
      %dma_start3A_172 = tpu.memref_slice %arg2[%arg0, %arg1, %run_scoped3A_48, %dma_start3A_170, %dma_start3A_171] : memref<2x16x5x25x80xi32, #tpu.memory_space<hbm>> -> memref<1x1x1x25x80xi32, #tpu.memory_space<hbm>>
      %dma_start3A_173 = tpu.memref_squeeze %dma_start3A_172 : memref<1x1x1x25x80xi32, #tpu.memory_space<hbm>> -> memref<25x80xi32, #tpu.memory_space<hbm>>
      %dma_start3A_174 = arith.constant 0 : i32
      %dma_start3A_175 = arith.constant 0 : i32
      %dma_start3A_176 = tpu.memref_slice %arg2[%arg0, %arg1, %run_scoped3A_48, %dma_start3A_174, %dma_start3A_175] : memref<2x16x5x25x80xi32, #tpu.memory_space<hbm>> -> memref<1x1x1x25x80xi32, #tpu.memory_space<hbm>>
      %dma_start3A_177 = tpu.memref_squeeze %dma_start3A_176 : memref<1x1x1x25x80xi32, #tpu.memory_space<hbm>> -> memref<25x80xi32, #tpu.memory_space<hbm>>
      tpu.enqueue_dma source(%dma_start3A_177 : memref<25x80xi32, #tpu.memory_space<hbm>>) target(%arg6 : memref<25x80xi32, #tpu.memory_space<vmem>>) target_semaphore(%run_scoped3A_169 : memref<!tpu.dma_semaphore, #tpu.memory_space<semaphore_mem>>)
      %dma_wait3A_178 = arith.constant 0 : i32
      %dma_wait3A_179 = arith.constant 0 : i32
      %dma_wait3A_180 = tpu.memref_slice %arg2[%arg0, %arg1, %run_scoped3A_48, %dma_wait3A_178, %dma_wait3A_179] : memref<2x16x5x25x80xi32, #tpu.memory_space<hbm>> -> memref<1x1x1x25x80xi32, #tpu.memory_space<hbm>>
      %dma_wait3A_181 = tpu.memref_squeeze %dma_wait3A_180 : memref<1x1x1x25x80xi32, #tpu.memory_space<hbm>> -> memref<25x80xi32, #tpu.memory_space<hbm>>
      %dma_wait3A_182 = arith.constant 0 : i32
      %dma_wait3A_183 = arith.constant 0 : i32
      %dma_wait3A_184 = tpu.memref_slice %arg2[%arg0, %arg1, %run_scoped3A_48, %dma_wait3A_182, %dma_wait3A_183] : memref<2x16x5x25x80xi32, #tpu.memory_space<hbm>> -> memref<1x1x1x25x80xi32, #tpu.memory_space<hbm>>
      %dma_wait3A_185 = tpu.memref_squeeze %dma_wait3A_184 : memref<1x1x1x25x80xi32, #tpu.memory_space<hbm>> -> memref<25x80xi32, #tpu.memory_space<hbm>>
      tpu.wait_dma2 semaphore(%run_scoped3A_169 : memref<!tpu.dma_semaphore, #tpu.memory_space<semaphore_mem>>) src(%dma_wait3A_185 : memref<25x80xi32, #tpu.memory_space<hbm>>) dst(%arg6 : memref<25x80xi32, #tpu.memory_space<vmem>>)
      tpu.yield
    }) : () -> ()
    %run_scoped3A_49 = arith.constant 1 : i32
    "tpu.region"() ({
      %run_scoped3A_169 = tpu.sem_alloc : memref<!tpu.dma_semaphore, #tpu.memory_space<semaphore_mem>>
      %dma_start3A_170 = arith.constant 0 : i32
      %dma_start3A_171 = arith.constant 0 : i32
      %dma_start3A_172 = tpu.memref_slice %arg3[%arg0, %arg1, %run_scoped3A_49, %dma_start3A_170, %dma_start3A_171] : memref<2x16x5x25x80xi32, #tpu.memory_space<hbm>> -> memref<1x1x1x25x80xi32, #tpu.memory_space<hbm>>
      %dma_start3A_173 = tpu.memref_squeeze %dma_start3A_172 : memref<1x1x1x25x80xi32, #tpu.memory_space<hbm>> -> memref<25x80xi32, #tpu.memory_space<hbm>>
      %dma_start3A_174 = arith.constant 0 : i32
      %dma_start3A_175 = arith.constant 0 : i32
      %dma_start3A_176 = tpu.memref_slice %arg3[%arg0, %arg1, %run_scoped3A_49, %dma_start3A_174, %dma_start3A_175] : memref<2x16x5x25x80xi32, #tpu.memory_space<hbm>> -> memref<1x1x1x25x80xi32, #tpu.memory_space<hbm>>
      %dma_start3A_177 = tpu.memref_squeeze %dma_start3A_176 : memref<1x1x1x25x80xi32, #tpu.memory_space<hbm>> -> memref<25x80xi32, #tpu.memory_space<hbm>>
      tpu.enqueue_dma source(%dma_start3A_177 : memref<25x80xi32, #tpu.memory_space<hbm>>) target(%arg7 : memref<25x80xi32, #tpu.memory_space<vmem>>) target_semaphore(%run_scoped3A_169 : memref<!tpu.dma_semaphore, #tpu.memory_space<semaphore_mem>>)
      %dma_wait3A_178 = arith.constant 0 : i32
      %dma_wait3A_179 = arith.constant 0 : i32
      %dma_wait3A_180 = tpu.memref_slice %arg3[%arg0, %arg1, %run_scoped3A_49, %dma_wait3A_178, %dma_wait3A_179] : memref<2x16x5x25x80xi32, #tpu.memory_space<hbm>> -> memref<1x1x1x25x80xi32, #tpu.memory_space<hbm>>
      %dma_wait3A_181 = tpu.memref_squeeze %dma_wait3A_180 : memref<1x1x1x25x80xi32, #tpu.memory_space<hbm>> -> memref<25x80xi32, #tpu.memory_space<hbm>>
      %dma_wait3A_182 = arith.constant 0 : i32
      %dma_wait3A_183 = arith.constant 0 : i32
      %dma_wait3A_184 = tpu.memref_slice %arg3[%arg0, %arg1, %run_scoped3A_49, %dma_wait3A_182, %dma_wait3A_183] : memref<2x16x5x25x80xi32, #tpu.memory_space<hbm>> -> memref<1x1x1x25x80xi32, #tpu.memory_space<hbm>>
      %dma_wait3A_185 = tpu.memref_squeeze %dma_wait3A_184 : memref<1x1x1x25x80xi32, #tpu.memory_space<hbm>> -> memref<25x80xi32, #tpu.memory_space<hbm>>
      tpu.wait_dma2 semaphore(%run_scoped3A_169 : memref<!tpu.dma_semaphore, #tpu.memory_space<semaphore_mem>>) src(%dma_wait3A_185 : memref<25x80xi32, #tpu.memory_space<hbm>>) dst(%arg7 : memref<25x80xi32, #tpu.memory_space<vmem>>)
      tpu.yield
    }) : () -> ()
    %dma_start3A_50 = arith.constant 0 : i32
    %dma_start3A_51 = arith.constant 0 : i32
    %dma_start3A_52 = tpu.memref_slice %arg6[%dma_start3A_50, %dma_start3A_51] : memref<25x80xi32, #tpu.memory_space<vmem>> -> memref<1x80xi32, #tpu.memory_space<vmem>>
    %dma_start3A_53 = tpu.memref_squeeze %dma_start3A_52 : memref<1x80xi32, #tpu.memory_space<vmem>> -> memref<80xi32, #tpu.memory_space<vmem>>
    %dma_start3A_54 = arith.constant 0 : i32
    %dma_start3A_55 = arith.constant 0 : i32
    %dma_start3A_56 = tpu.memref_slice %arg4[%dma_start3A_54, %dma_start3A_55] : memref<10000x128xf32, #tpu.memory_space<hbm>> -> memref<10000x128xf32, #tpu.memory_space<hbm>>
    tpu.enqueue_indirect_dma source(%dma_start3A_56 : memref<10000x128xf32, #tpu.memory_space<hbm>>) target(%arg8 : memref<80x128xf32, #tpu.memory_space<vmem>>) offsets(%dma_start3A_53 : memref<80xi32, #tpu.memory_space<vmem>>) semaphore(%arg10 : memref<!tpu.dma_semaphore, #tpu.memory_space<semaphore_mem>>)
    %scan3A_57 = arith.constant 0 : i32
    %scan3A_58 = arith.constant 0 : i32
    %scan3A_59 = arith.constant 12 : i32
    %scan3A_60 = arith.addi %scan3A_58, %scan3A_59 : i32
    %scan3A_61 = arith.constant 1 : i32
    scf.for %scan3A_169 = %scan3A_58 to %scan3A_60 step %scan3A_61  : i32 {
      %mul3A_170 = arith.constant 2 : i32
      %mul3A_171 = arith.muli %scan3A_169, %mul3A_170 : i32
      %dma_wait3A_172 = arith.constant 0 : i32
      %dma_wait3A_173 = tpu.memref_slice %arg6[%mul3A_171, %dma_wait3A_172] : memref<25x80xi32, #tpu.memory_space<vmem>> -> memref<1x80xi32, #tpu.memory_space<vmem>>
      %dma_wait3A_174 = tpu.memref_squeeze %dma_wait3A_173 : memref<1x80xi32, #tpu.memory_space<vmem>> -> memref<80xi32, #tpu.memory_space<vmem>>
      %dma_wait3A_175 = arith.constant 0 : i32
      %dma_wait3A_176 = arith.constant 0 : i32
      %dma_wait3A_177 = tpu.memref_slice %arg4[%dma_wait3A_175, %dma_wait3A_176] : memref<10000x128xf32, #tpu.memory_space<hbm>> -> memref<10000x128xf32, #tpu.memory_space<hbm>>
      tpu.wait_indirect_dma semaphore(%arg10 : memref<!tpu.dma_semaphore, #tpu.memory_space<semaphore_mem>>) src(%dma_wait3A_177 : memref<10000x128xf32, #tpu.memory_space<hbm>>) dst(%arg8 : memref<80x128xf32, #tpu.memory_space<vmem>>)
      %gt3A = arith.constant 0 : i32
      %gt3A_178 = arith.cmpi sgt, %mul3A_171, %gt3A : i32
      %convert_element_type3A = arith.extui %gt3A_178 : i1 to i32
      %cond3A = arith.constant 0 : i32
      %cond3A_179 = arith.cmpi ne, %convert_element_type3A, %cond3A : i32
      scf.if %cond3A_179 {
        %dma_wait3A_224 = arith.constant 0 : i32
        %dma_wait3A_225 = tpu.memref_slice %arg7[%mul3A_171, %dma_wait3A_224] : memref<25x80xi32, #tpu.memory_space<vmem>> -> memref<1x80xi32, #tpu.memory_space<vmem>>
        %dma_wait3A_226 = tpu.memref_squeeze %dma_wait3A_225 : memref<1x80xi32, #tpu.memory_space<vmem>> -> memref<80xi32, #tpu.memory_space<vmem>>
        %dma_wait3A_227 = arith.constant 0 : i32
        %dma_wait3A_228 = arith.constant 0 : i32
        %dma_wait3A_229 = tpu.memref_slice %arg14[%dma_wait3A_227, %dma_wait3A_228] : memref<10240x128xf32, #tpu.memory_space<vmem_shared>> -> memref<10240x128xf32, #tpu.memory_space<vmem_shared>>
        tpu.wait_indirect_dma semaphore(%arg13 : memref<!tpu.dma_semaphore, #tpu.memory_space<semaphore_mem>>) src(%arg9 : memref<80x128xf32, #tpu.memory_space<vmem>>) dst(%dma_wait3A_229 : memref<10240x128xf32, #tpu.memory_space<vmem_shared>>)
      } else {
      }
      %add3A_180 = arith.constant 1 : i32
      %add3A_181 = arith.addi %mul3A_171, %add3A_180 : i32
      %dma_start3A_182 = arith.constant 0 : i32
      %dma_start3A_183 = tpu.memref_slice %arg6[%add3A_181, %dma_start3A_182] : memref<25x80xi32, #tpu.memory_space<vmem>> -> memref<1x80xi32, #tpu.memory_space<vmem>>
      %dma_start3A_184 = tpu.memref_squeeze %dma_start3A_183 : memref<1x80xi32, #tpu.memory_space<vmem>> -> memref<80xi32, #tpu.memory_space<vmem>>
      %dma_start3A_185 = arith.constant 0 : i32
      %dma_start3A_186 = arith.constant 0 : i32
      %dma_start3A_187 = tpu.memref_slice %arg4[%dma_start3A_185, %dma_start3A_186] : memref<10000x128xf32, #tpu.memory_space<hbm>> -> memref<10000x128xf32, #tpu.memory_space<hbm>>
      tpu.enqueue_indirect_dma source(%dma_start3A_187 : memref<10000x128xf32, #tpu.memory_space<hbm>>) target(%arg9 : memref<80x128xf32, #tpu.memory_space<vmem>>) offsets(%dma_start3A_184 : memref<80xi32, #tpu.memory_space<vmem>>) semaphore(%arg11 : memref<!tpu.dma_semaphore, #tpu.memory_space<semaphore_mem>>)
      %dma_start3A_188 = arith.constant 0 : i32
      %dma_start3A_189 = tpu.memref_slice %arg7[%mul3A_171, %dma_start3A_188] : memref<25x80xi32, #tpu.memory_space<vmem>> -> memref<1x80xi32, #tpu.memory_space<vmem>>
      %dma_start3A_190 = tpu.memref_squeeze %dma_start3A_189 : memref<1x80xi32, #tpu.memory_space<vmem>> -> memref<80xi32, #tpu.memory_space<vmem>>
      %dma_start3A_191 = arith.constant 0 : i32
      %dma_start3A_192 = arith.constant 0 : i32
      %dma_start3A_193 = tpu.memref_slice %arg14[%dma_start3A_191, %dma_start3A_192] : memref<10240x128xf32, #tpu.memory_space<vmem_shared>> -> memref<10240x128xf32, #tpu.memory_space<vmem_shared>>
      tpu.enqueue_indirect_dma source(%arg8 : memref<80x128xf32, #tpu.memory_space<vmem>>) target(%dma_start3A_193 : memref<10240x128xf32, #tpu.memory_space<vmem_shared>>) offsets(%dma_start3A_190 : memref<80xi32, #tpu.memory_space<vmem>>) semaphore(%arg12 : memref<!tpu.dma_semaphore, #tpu.memory_space<semaphore_mem>>) {add = true}
      %add3A_194 = arith.constant 1 : i32
      %add3A_195 = arith.addi %mul3A_171, %add3A_194 : i32
      %dma_wait3A_196 = arith.constant 0 : i32
      %dma_wait3A_197 = tpu.memref_slice %arg6[%add3A_195, %dma_wait3A_196] : memref<25x80xi32, #tpu.memory_space<vmem>> -> memref<1x80xi32, #tpu.memory_space<vmem>>
      %dma_wait3A_198 = tpu.memref_squeeze %dma_wait3A_197 : memref<1x80xi32, #tpu.memory_space<vmem>> -> memref<80xi32, #tpu.memory_space<vmem>>
      %dma_wait3A_199 = arith.constant 0 : i32
      %dma_wait3A_200 = arith.constant 0 : i32
      %dma_wait3A_201 = tpu.memref_slice %arg4[%dma_wait3A_199, %dma_wait3A_200] : memref<10000x128xf32, #tpu.memory_space<hbm>> -> memref<10000x128xf32, #tpu.memory_space<hbm>>
      tpu.wait_indirect_dma semaphore(%arg11 : memref<!tpu.dma_semaphore, #tpu.memory_space<semaphore_mem>>) src(%dma_wait3A_201 : memref<10000x128xf32, #tpu.memory_space<hbm>>) dst(%arg9 : memref<80x128xf32, #tpu.memory_space<vmem>>)
      %dma_wait3A_202 = arith.constant 0 : i32
      %dma_wait3A_203 = tpu.memref_slice %arg7[%mul3A_171, %dma_wait3A_202] : memref<25x80xi32, #tpu.memory_space<vmem>> -> memref<1x80xi32, #tpu.memory_space<vmem>>
      %dma_wait3A_204 = tpu.memref_squeeze %dma_wait3A_203 : memref<1x80xi32, #tpu.memory_space<vmem>> -> memref<80xi32, #tpu.memory_space<vmem>>
      %dma_wait3A_205 = arith.constant 0 : i32
      %dma_wait3A_206 = arith.constant 0 : i32
      %dma_wait3A_207 = tpu.memref_slice %arg14[%dma_wait3A_205, %dma_wait3A_206] : memref<10240x128xf32, #tpu.memory_space<vmem_shared>> -> memref<10240x128xf32, #tpu.memory_space<vmem_shared>>
      tpu.wait_indirect_dma semaphore(%arg12 : memref<!tpu.dma_semaphore, #tpu.memory_space<semaphore_mem>>) src(%arg8 : memref<80x128xf32, #tpu.memory_space<vmem>>) dst(%dma_wait3A_207 : memref<10240x128xf32, #tpu.memory_space<vmem_shared>>)
      %add3A_208 = arith.constant 2 : i32
      %add3A_209 = arith.addi %mul3A_171, %add3A_208 : i32
      %dma_start3A_210 = arith.constant 0 : i32
      %dma_start3A_211 = tpu.memref_slice %arg6[%add3A_209, %dma_start3A_210] : memref<25x80xi32, #tpu.memory_space<vmem>> -> memref<1x80xi32, #tpu.memory_space<vmem>>
      %dma_start3A_212 = tpu.memref_squeeze %dma_start3A_211 : memref<1x80xi32, #tpu.memory_space<vmem>> -> memref<80xi32, #tpu.memory_space<vmem>>
      %dma_start3A_213 = arith.constant 0 : i32
      %dma_start3A_214 = arith.constant 0 : i32
      %dma_start3A_215 = tpu.memref_slice %arg4[%dma_start3A_213, %dma_start3A_214] : memref<10000x128xf32, #tpu.memory_space<hbm>> -> memref<10000x128xf32, #tpu.memory_space<hbm>>
      tpu.enqueue_indirect_dma source(%dma_start3A_215 : memref<10000x128xf32, #tpu.memory_space<hbm>>) target(%arg8 : memref<80x128xf32, #tpu.memory_space<vmem>>) offsets(%dma_start3A_212 : memref<80xi32, #tpu.memory_space<vmem>>) semaphore(%arg10 : memref<!tpu.dma_semaphore, #tpu.memory_space<semaphore_mem>>)
      %add3A_216 = arith.constant 1 : i32
      %add3A_217 = arith.addi %mul3A_171, %add3A_216 : i32
      %dma_start3A_218 = arith.constant 0 : i32
      %dma_start3A_219 = tpu.memref_slice %arg7[%add3A_217, %dma_start3A_218] : memref<25x80xi32, #tpu.memory_space<vmem>> -> memref<1x80xi32, #tpu.memory_space<vmem>>
      %dma_start3A_220 = tpu.memref_squeeze %dma_start3A_219 : memref<1x80xi32, #tpu.memory_space<vmem>> -> memref<80xi32, #tpu.memory_space<vmem>>
      %dma_start3A_221 = arith.constant 0 : i32
      %dma_start3A_222 = arith.constant 0 : i32
      %dma_start3A_223 = tpu.memref_slice %arg14[%dma_start3A_221, %dma_start3A_222] : memref<10240x128xf32, #tpu.memory_space<vmem_shared>> -> memref<10240x128xf32, #tpu.memory_space<vmem_shared>>
      tpu.enqueue_indirect_dma source(%arg9 : memref<80x128xf32, #tpu.memory_space<vmem>>) target(%dma_start3A_223 : memref<10240x128xf32, #tpu.memory_space<vmem_shared>>) offsets(%dma_start3A_220 : memref<80xi32, #tpu.memory_space<vmem>>) semaphore(%arg13 : memref<!tpu.dma_semaphore, #tpu.memory_space<semaphore_mem>>) {add = true}
    }
    %scan3A_62 = arith.constant 12 : i32
    %dma_wait3A_63 = arith.constant 24 : i32
    %dma_wait3A_64 = arith.constant 0 : i32
    %dma_wait3A_65 = tpu.memref_slice %arg6[%dma_wait3A_63, %dma_wait3A_64] : memref<25x80xi32, #tpu.memory_space<vmem>> -> memref<1x80xi32, #tpu.memory_space<vmem>>
    %dma_wait3A_66 = tpu.memref_squeeze %dma_wait3A_65 : memref<1x80xi32, #tpu.memory_space<vmem>> -> memref<80xi32, #tpu.memory_space<vmem>>
    %dma_wait3A_67 = arith.constant 0 : i32
    %dma_wait3A_68 = arith.constant 0 : i32
    %dma_wait3A_69 = tpu.memref_slice %arg4[%dma_wait3A_67, %dma_wait3A_68] : memref<10000x128xf32, #tpu.memory_space<hbm>> -> memref<10000x128xf32, #tpu.memory_space<hbm>>
    tpu.wait_indirect_dma semaphore(%arg10 : memref<!tpu.dma_semaphore, #tpu.memory_space<semaphore_mem>>) src(%dma_wait3A_69 : memref<10000x128xf32, #tpu.memory_space<hbm>>) dst(%arg8 : memref<80x128xf32, #tpu.memory_space<vmem>>)
    %run_scoped3A_70 = arith.constant 24 : i32
    "tpu.region"() ({
      %run_scoped3A_169 = tpu.sem_alloc : memref<!tpu.dma_semaphore, #tpu.memory_space<semaphore_mem>>
      %dma_start3A_170 = arith.constant 0 : i32
      %dma_start3A_171 = tpu.memref_slice %arg7[%run_scoped3A_70, %dma_start3A_170] : memref<25x80xi32, #tpu.memory_space<vmem>> -> memref<1x80xi32, #tpu.memory_space<vmem>>
      %dma_start3A_172 = tpu.memref_squeeze %dma_start3A_171 : memref<1x80xi32, #tpu.memory_space<vmem>> -> memref<80xi32, #tpu.memory_space<vmem>>
      %dma_start3A_173 = arith.constant 0 : i32
      %dma_start3A_174 = arith.constant 0 : i32
      %dma_start3A_175 = tpu.memref_slice %arg14[%dma_start3A_173, %dma_start3A_174] : memref<10240x128xf32, #tpu.memory_space<vmem_shared>> -> memref<10240x128xf32, #tpu.memory_space<vmem_shared>>
      tpu.enqueue_indirect_dma source(%arg8 : memref<80x128xf32, #tpu.memory_space<vmem>>) target(%dma_start3A_175 : memref<10240x128xf32, #tpu.memory_space<vmem_shared>>) offsets(%dma_start3A_172 : memref<80xi32, #tpu.memory_space<vmem>>) semaphore(%run_scoped3A_169 : memref<!tpu.dma_semaphore, #tpu.memory_space<semaphore_mem>>) {add = true}
      %dma_wait3A_176 = arith.constant 0 : i32
      %dma_wait3A_177 = tpu.memref_slice %arg7[%run_scoped3A_70, %dma_wait3A_176] : memref<25x80xi32, #tpu.memory_space<vmem>> -> memref<1x80xi32, #tpu.memory_space<vmem>>
      %dma_wait3A_178 = tpu.memref_squeeze %dma_wait3A_177 : memref<1x80xi32, #tpu.memory_space<vmem>> -> memref<80xi32, #tpu.memory_space<vmem>>
      %dma_wait3A_179 = arith.constant 0 : i32
      %dma_wait3A_180 = arith.constant 0 : i32
      %dma_wait3A_181 = tpu.memref_slice %arg14[%dma_wait3A_179, %dma_wait3A_180] : memref<10240x128xf32, #tpu.memory_space<vmem_shared>> -> memref<10240x128xf32, #tpu.memory_space<vmem_shared>>
      tpu.wait_indirect_dma semaphore(%run_scoped3A_169 : memref<!tpu.dma_semaphore, #tpu.memory_space<semaphore_mem>>) src(%arg8 : memref<80x128xf32, #tpu.memory_space<vmem>>) dst(%dma_wait3A_181 : memref<10240x128xf32, #tpu.memory_space<vmem_shared>>)
      tpu.yield
    }) : () -> ()
    %dma_wait3A_71 = arith.constant 23 : i32
    %dma_wait3A_72 = arith.constant 0 : i32
    %dma_wait3A_73 = tpu.memref_slice %arg7[%dma_wait3A_71, %dma_wait3A_72] : memref<25x80xi32, #tpu.memory_space<vmem>> -> memref<1x80xi32, #tpu.memory_space<vmem>>
    %dma_wait3A_74 = tpu.memref_squeeze %dma_wait3A_73 : memref<1x80xi32, #tpu.memory_space<vmem>> -> memref<80xi32, #tpu.memory_space<vmem>>
    %dma_wait3A_75 = arith.constant 0 : i32
    %dma_wait3A_76 = arith.constant 0 : i32
    %dma_wait3A_77 = tpu.memref_slice %arg14[%dma_wait3A_75, %dma_wait3A_76] : memref<10240x128xf32, #tpu.memory_space<vmem_shared>> -> memref<10240x128xf32, #tpu.memory_space<vmem_shared>>
    tpu.wait_indirect_dma semaphore(%arg13 : memref<!tpu.dma_semaphore, #tpu.memory_space<semaphore_mem>>) src(%arg9 : memref<80x128xf32, #tpu.memory_space<vmem>>) dst(%dma_wait3A_77 : memref<10240x128xf32, #tpu.memory_space<vmem_shared>>)
    %run_scoped3A_78 = arith.constant 2 : i32
    "tpu.region"() ({
      %run_scoped3A_169 = tpu.sem_alloc : memref<!tpu.dma_semaphore, #tpu.memory_space<semaphore_mem>>
      %dma_start3A_170 = arith.constant 0 : i32
      %dma_start3A_171 = arith.constant 0 : i32
      %dma_start3A_172 = tpu.memref_slice %arg2[%arg0, %arg1, %run_scoped3A_78, %dma_start3A_170, %dma_start3A_171] : memref<2x16x5x25x80xi32, #tpu.memory_space<hbm>> -> memref<1x1x1x25x80xi32, #tpu.memory_space<hbm>>
      %dma_start3A_173 = tpu.memref_squeeze %dma_start3A_172 : memref<1x1x1x25x80xi32, #tpu.memory_space<hbm>> -> memref<25x80xi32, #tpu.memory_space<hbm>>
      %dma_start3A_174 = arith.constant 0 : i32
      %dma_start3A_175 = arith.constant 0 : i32
      %dma_start3A_176 = tpu.memref_slice %arg2[%arg0, %arg1, %run_scoped3A_78, %dma_start3A_174, %dma_start3A_175] : memref<2x16x5x25x80xi32, #tpu.memory_space<hbm>> -> memref<1x1x1x25x80xi32, #tpu.memory_space<hbm>>
      %dma_start3A_177 = tpu.memref_squeeze %dma_start3A_176 : memref<1x1x1x25x80xi32, #tpu.memory_space<hbm>> -> memref<25x80xi32, #tpu.memory_space<hbm>>
      tpu.enqueue_dma source(%dma_start3A_177 : memref<25x80xi32, #tpu.memory_space<hbm>>) target(%arg6 : memref<25x80xi32, #tpu.memory_space<vmem>>) target_semaphore(%run_scoped3A_169 : memref<!tpu.dma_semaphore, #tpu.memory_space<semaphore_mem>>)
      %dma_wait3A_178 = arith.constant 0 : i32
      %dma_wait3A_179 = arith.constant 0 : i32
      %dma_wait3A_180 = tpu.memref_slice %arg2[%arg0, %arg1, %run_scoped3A_78, %dma_wait3A_178, %dma_wait3A_179] : memref<2x16x5x25x80xi32, #tpu.memory_space<hbm>> -> memref<1x1x1x25x80xi32, #tpu.memory_space<hbm>>
      %dma_wait3A_181 = tpu.memref_squeeze %dma_wait3A_180 : memref<1x1x1x25x80xi32, #tpu.memory_space<hbm>> -> memref<25x80xi32, #tpu.memory_space<hbm>>
      %dma_wait3A_182 = arith.constant 0 : i32
      %dma_wait3A_183 = arith.constant 0 : i32
      %dma_wait3A_184 = tpu.memref_slice %arg2[%arg0, %arg1, %run_scoped3A_78, %dma_wait3A_182, %dma_wait3A_183] : memref<2x16x5x25x80xi32, #tpu.memory_space<hbm>> -> memref<1x1x1x25x80xi32, #tpu.memory_space<hbm>>
      %dma_wait3A_185 = tpu.memref_squeeze %dma_wait3A_184 : memref<1x1x1x25x80xi32, #tpu.memory_space<hbm>> -> memref<25x80xi32, #tpu.memory_space<hbm>>
      tpu.wait_dma2 semaphore(%run_scoped3A_169 : memref<!tpu.dma_semaphore, #tpu.memory_space<semaphore_mem>>) src(%dma_wait3A_185 : memref<25x80xi32, #tpu.memory_space<hbm>>) dst(%arg6 : memref<25x80xi32, #tpu.memory_space<vmem>>)
      tpu.yield
    }) : () -> ()
    %run_scoped3A_79 = arith.constant 2 : i32
    "tpu.region"() ({
      %run_scoped3A_169 = tpu.sem_alloc : memref<!tpu.dma_semaphore, #tpu.memory_space<semaphore_mem>>
      %dma_start3A_170 = arith.constant 0 : i32
      %dma_start3A_171 = arith.constant 0 : i32
      %dma_start3A_172 = tpu.memref_slice %arg3[%arg0, %arg1, %run_scoped3A_79, %dma_start3A_170, %dma_start3A_171] : memref<2x16x5x25x80xi32, #tpu.memory_space<hbm>> -> memref<1x1x1x25x80xi32, #tpu.memory_space<hbm>>
      %dma_start3A_173 = tpu.memref_squeeze %dma_start3A_172 : memref<1x1x1x25x80xi32, #tpu.memory_space<hbm>> -> memref<25x80xi32, #tpu.memory_space<hbm>>
      %dma_start3A_174 = arith.constant 0 : i32
      %dma_start3A_175 = arith.constant 0 : i32
      %dma_start3A_176 = tpu.memref_slice %arg3[%arg0, %arg1, %run_scoped3A_79, %dma_start3A_174, %dma_start3A_175] : memref<2x16x5x25x80xi32, #tpu.memory_space<hbm>> -> memref<1x1x1x25x80xi32, #tpu.memory_space<hbm>>
      %dma_start3A_177 = tpu.memref_squeeze %dma_start3A_176 : memref<1x1x1x25x80xi32, #tpu.memory_space<hbm>> -> memref<25x80xi32, #tpu.memory_space<hbm>>
      tpu.enqueue_dma source(%dma_start3A_177 : memref<25x80xi32, #tpu.memory_space<hbm>>) target(%arg7 : memref<25x80xi32, #tpu.memory_space<vmem>>) target_semaphore(%run_scoped3A_169 : memref<!tpu.dma_semaphore, #tpu.memory_space<semaphore_mem>>)
      %dma_wait3A_178 = arith.constant 0 : i32
      %dma_wait3A_179 = arith.constant 0 : i32
      %dma_wait3A_180 = tpu.memref_slice %arg3[%arg0, %arg1, %run_scoped3A_79, %dma_wait3A_178, %dma_wait3A_179] : memref<2x16x5x25x80xi32, #tpu.memory_space<hbm>> -> memref<1x1x1x25x80xi32, #tpu.memory_space<hbm>>
      %dma_wait3A_181 = tpu.memref_squeeze %dma_wait3A_180 : memref<1x1x1x25x80xi32, #tpu.memory_space<hbm>> -> memref<25x80xi32, #tpu.memory_space<hbm>>
      %dma_wait3A_182 = arith.constant 0 : i32
      %dma_wait3A_183 = arith.constant 0 : i32
      %dma_wait3A_184 = tpu.memref_slice %arg3[%arg0, %arg1, %run_scoped3A_79, %dma_wait3A_182, %dma_wait3A_183] : memref<2x16x5x25x80xi32, #tpu.memory_space<hbm>> -> memref<1x1x1x25x80xi32, #tpu.memory_space<hbm>>
      %dma_wait3A_185 = tpu.memref_squeeze %dma_wait3A_184 : memref<1x1x1x25x80xi32, #tpu.memory_space<hbm>> -> memref<25x80xi32, #tpu.memory_space<hbm>>
      tpu.wait_dma2 semaphore(%run_scoped3A_169 : memref<!tpu.dma_semaphore, #tpu.memory_space<semaphore_mem>>) src(%dma_wait3A_185 : memref<25x80xi32, #tpu.memory_space<hbm>>) dst(%arg7 : memref<25x80xi32, #tpu.memory_space<vmem>>)
      tpu.yield
    }) : () -> ()
    %dma_start3A_80 = arith.constant 0 : i32
    %dma_start3A_81 = arith.constant 0 : i32
    %dma_start3A_82 = tpu.memref_slice %arg6[%dma_start3A_80, %dma_start3A_81] : memref<25x80xi32, #tpu.memory_space<vmem>> -> memref<1x80xi32, #tpu.memory_space<vmem>>
    %dma_start3A_83 = tpu.memref_squeeze %dma_start3A_82 : memref<1x80xi32, #tpu.memory_space<vmem>> -> memref<80xi32, #tpu.memory_space<vmem>>
    %dma_start3A_84 = arith.constant 0 : i32
    %dma_start3A_85 = arith.constant 0 : i32
    %dma_start3A_86 = tpu.memref_slice %arg4[%dma_start3A_84, %dma_start3A_85] : memref<10000x128xf32, #tpu.memory_space<hbm>> -> memref<10000x128xf32, #tpu.memory_space<hbm>>
    tpu.enqueue_indirect_dma source(%dma_start3A_86 : memref<10000x128xf32, #tpu.memory_space<hbm>>) target(%arg8 : memref<80x128xf32, #tpu.memory_space<vmem>>) offsets(%dma_start3A_83 : memref<80xi32, #tpu.memory_space<vmem>>) semaphore(%arg10 : memref<!tpu.dma_semaphore, #tpu.memory_space<semaphore_mem>>)
    %scan3A_87 = arith.constant 0 : i32
    %scan3A_88 = arith.constant 0 : i32
    %scan3A_89 = arith.constant 12 : i32
    %scan3A_90 = arith.addi %scan3A_88, %scan3A_89 : i32
    %scan3A_91 = arith.constant 1 : i32
    scf.for %scan3A_169 = %scan3A_88 to %scan3A_90 step %scan3A_91  : i32 {
      %mul3A_170 = arith.constant 2 : i32
      %mul3A_171 = arith.muli %scan3A_169, %mul3A_170 : i32
      %dma_wait3A_172 = arith.constant 0 : i32
      %dma_wait3A_173 = tpu.memref_slice %arg6[%mul3A_171, %dma_wait3A_172] : memref<25x80xi32, #tpu.memory_space<vmem>> -> memref<1x80xi32, #tpu.memory_space<vmem>>
      %dma_wait3A_174 = tpu.memref_squeeze %dma_wait3A_173 : memref<1x80xi32, #tpu.memory_space<vmem>> -> memref<80xi32, #tpu.memory_space<vmem>>
      %dma_wait3A_175 = arith.constant 0 : i32
      %dma_wait3A_176 = arith.constant 0 : i32
      %dma_wait3A_177 = tpu.memref_slice %arg4[%dma_wait3A_175, %dma_wait3A_176] : memref<10000x128xf32, #tpu.memory_space<hbm>> -> memref<10000x128xf32, #tpu.memory_space<hbm>>
      tpu.wait_indirect_dma semaphore(%arg10 : memref<!tpu.dma_semaphore, #tpu.memory_space<semaphore_mem>>) src(%dma_wait3A_177 : memref<10000x128xf32, #tpu.memory_space<hbm>>) dst(%arg8 : memref<80x128xf32, #tpu.memory_space<vmem>>)
      %gt3A = arith.constant 0 : i32
      %gt3A_178 = arith.cmpi sgt, %mul3A_171, %gt3A : i32
      %convert_element_type3A = arith.extui %gt3A_178 : i1 to i32
      %cond3A = arith.constant 0 : i32
      %cond3A_179 = arith.cmpi ne, %convert_element_type3A, %cond3A : i32
      scf.if %cond3A_179 {
        %dma_wait3A_224 = arith.constant 0 : i32
        %dma_wait3A_225 = tpu.memref_slice %arg7[%mul3A_171, %dma_wait3A_224] : memref<25x80xi32, #tpu.memory_space<vmem>> -> memref<1x80xi32, #tpu.memory_space<vmem>>
        %dma_wait3A_226 = tpu.memref_squeeze %dma_wait3A_225 : memref<1x80xi32, #tpu.memory_space<vmem>> -> memref<80xi32, #tpu.memory_space<vmem>>
        %dma_wait3A_227 = arith.constant 0 : i32
        %dma_wait3A_228 = arith.constant 0 : i32
        %dma_wait3A_229 = tpu.memref_slice %arg14[%dma_wait3A_227, %dma_wait3A_228] : memref<10240x128xf32, #tpu.memory_space<vmem_shared>> -> memref<10240x128xf32, #tpu.memory_space<vmem_shared>>
        tpu.wait_indirect_dma semaphore(%arg13 : memref<!tpu.dma_semaphore, #tpu.memory_space<semaphore_mem>>) src(%arg9 : memref<80x128xf32, #tpu.memory_space<vmem>>) dst(%dma_wait3A_229 : memref<10240x128xf32, #tpu.memory_space<vmem_shared>>)
      } else {
      }
      %add3A_180 = arith.constant 1 : i32
      %add3A_181 = arith.addi %mul3A_171, %add3A_180 : i32
      %dma_start3A_182 = arith.constant 0 : i32
      %dma_start3A_183 = tpu.memref_slice %arg6[%add3A_181, %dma_start3A_182] : memref<25x80xi32, #tpu.memory_space<vmem>> -> memref<1x80xi32, #tpu.memory_space<vmem>>
      %dma_start3A_184 = tpu.memref_squeeze %dma_start3A_183 : memref<1x80xi32, #tpu.memory_space<vmem>> -> memref<80xi32, #tpu.memory_space<vmem>>
      %dma_start3A_185 = arith.constant 0 : i32
      %dma_start3A_186 = arith.constant 0 : i32
      %dma_start3A_187 = tpu.memref_slice %arg4[%dma_start3A_185, %dma_start3A_186] : memref<10000x128xf32, #tpu.memory_space<hbm>> -> memref<10000x128xf32, #tpu.memory_space<hbm>>
      tpu.enqueue_indirect_dma source(%dma_start3A_187 : memref<10000x128xf32, #tpu.memory_space<hbm>>) target(%arg9 : memref<80x128xf32, #tpu.memory_space<vmem>>) offsets(%dma_start3A_184 : memref<80xi32, #tpu.memory_space<vmem>>) semaphore(%arg11 : memref<!tpu.dma_semaphore, #tpu.memory_space<semaphore_mem>>)
      %dma_start3A_188 = arith.constant 0 : i32
      %dma_start3A_189 = tpu.memref_slice %arg7[%mul3A_171, %dma_start3A_188] : memref<25x80xi32, #tpu.memory_space<vmem>> -> memref<1x80xi32, #tpu.memory_space<vmem>>
      %dma_start3A_190 = tpu.memref_squeeze %dma_start3A_189 : memref<1x80xi32, #tpu.memory_space<vmem>> -> memref<80xi32, #tpu.memory_space<vmem>>
      %dma_start3A_191 = arith.constant 0 : i32
      %dma_start3A_192 = arith.constant 0 : i32
      %dma_start3A_193 = tpu.memref_slice %arg14[%dma_start3A_191, %dma_start3A_192] : memref<10240x128xf32, #tpu.memory_space<vmem_shared>> -> memref<10240x128xf32, #tpu.memory_space<vmem_shared>>
      tpu.enqueue_indirect_dma source(%arg8 : memref<80x128xf32, #tpu.memory_space<vmem>>) target(%dma_start3A_193 : memref<10240x128xf32, #tpu.memory_space<vmem_shared>>) offsets(%dma_start3A_190 : memref<80xi32, #tpu.memory_space<vmem>>) semaphore(%arg12 : memref<!tpu.dma_semaphore, #tpu.memory_space<semaphore_mem>>) {add = true}
      %add3A_194 = arith.constant 1 : i32
      %add3A_195 = arith.addi %mul3A_171, %add3A_194 : i32
      %dma_wait3A_196 = arith.constant 0 : i32
      %dma_wait3A_197 = tpu.memref_slice %arg6[%add3A_195, %dma_wait3A_196] : memref<25x80xi32, #tpu.memory_space<vmem>> -> memref<1x80xi32, #tpu.memory_space<vmem>>
      %dma_wait3A_198 = tpu.memref_squeeze %dma_wait3A_197 : memref<1x80xi32, #tpu.memory_space<vmem>> -> memref<80xi32, #tpu.memory_space<vmem>>
      %dma_wait3A_199 = arith.constant 0 : i32
      %dma_wait3A_200 = arith.constant 0 : i32
      %dma_wait3A_201 = tpu.memref_slice %arg4[%dma_wait3A_199, %dma_wait3A_200] : memref<10000x128xf32, #tpu.memory_space<hbm>> -> memref<10000x128xf32, #tpu.memory_space<hbm>>
      tpu.wait_indirect_dma semaphore(%arg11 : memref<!tpu.dma_semaphore, #tpu.memory_space<semaphore_mem>>) src(%dma_wait3A_201 : memref<10000x128xf32, #tpu.memory_space<hbm>>) dst(%arg9 : memref<80x128xf32, #tpu.memory_space<vmem>>)
      %dma_wait3A_202 = arith.constant 0 : i32
      %dma_wait3A_203 = tpu.memref_slice %arg7[%mul3A_171, %dma_wait3A_202] : memref<25x80xi32, #tpu.memory_space<vmem>> -> memref<1x80xi32, #tpu.memory_space<vmem>>
      %dma_wait3A_204 = tpu.memref_squeeze %dma_wait3A_203 : memref<1x80xi32, #tpu.memory_space<vmem>> -> memref<80xi32, #tpu.memory_space<vmem>>
      %dma_wait3A_205 = arith.constant 0 : i32
      %dma_wait3A_206 = arith.constant 0 : i32
      %dma_wait3A_207 = tpu.memref_slice %arg14[%dma_wait3A_205, %dma_wait3A_206] : memref<10240x128xf32, #tpu.memory_space<vmem_shared>> -> memref<10240x128xf32, #tpu.memory_space<vmem_shared>>
      tpu.wait_indirect_dma semaphore(%arg12 : memref<!tpu.dma_semaphore, #tpu.memory_space<semaphore_mem>>) src(%arg8 : memref<80x128xf32, #tpu.memory_space<vmem>>) dst(%dma_wait3A_207 : memref<10240x128xf32, #tpu.memory_space<vmem_shared>>)
      %add3A_208 = arith.constant 2 : i32
      %add3A_209 = arith.addi %mul3A_171, %add3A_208 : i32
      %dma_start3A_210 = arith.constant 0 : i32
      %dma_start3A_211 = tpu.memref_slice %arg6[%add3A_209, %dma_start3A_210] : memref<25x80xi32, #tpu.memory_space<vmem>> -> memref<1x80xi32, #tpu.memory_space<vmem>>
      %dma_start3A_212 = tpu.memref_squeeze %dma_start3A_211 : memref<1x80xi32, #tpu.memory_space<vmem>> -> memref<80xi32, #tpu.memory_space<vmem>>
      %dma_start3A_213 = arith.constant 0 : i32
      %dma_start3A_214 = arith.constant 0 : i32
      %dma_start3A_215 = tpu.memref_slice %arg4[%dma_start3A_213, %dma_start3A_214] : memref<10000x128xf32, #tpu.memory_space<hbm>> -> memref<10000x128xf32, #tpu.memory_space<hbm>>
      tpu.enqueue_indirect_dma source(%dma_start3A_215 : memref<10000x128xf32, #tpu.memory_space<hbm>>) target(%arg8 : memref<80x128xf32, #tpu.memory_space<vmem>>) offsets(%dma_start3A_212 : memref<80xi32, #tpu.memory_space<vmem>>) semaphore(%arg10 : memref<!tpu.dma_semaphore, #tpu.memory_space<semaphore_mem>>)
      %add3A_216 = arith.constant 1 : i32
      %add3A_217 = arith.addi %mul3A_171, %add3A_216 : i32
      %dma_start3A_218 = arith.constant 0 : i32
      %dma_start3A_219 = tpu.memref_slice %arg7[%add3A_217, %dma_start3A_218] : memref<25x80xi32, #tpu.memory_space<vmem>> -> memref<1x80xi32, #tpu.memory_space<vmem>>
      %dma_start3A_220 = tpu.memref_squeeze %dma_start3A_219 : memref<1x80xi32, #tpu.memory_space<vmem>> -> memref<80xi32, #tpu.memory_space<vmem>>
      %dma_start3A_221 = arith.constant 0 : i32
      %dma_start3A_222 = arith.constant 0 : i32
      %dma_start3A_223 = tpu.memref_slice %arg14[%dma_start3A_221, %dma_start3A_222] : memref<10240x128xf32, #tpu.memory_space<vmem_shared>> -> memref<10240x128xf32, #tpu.memory_space<vmem_shared>>
      tpu.enqueue_indirect_dma source(%arg9 : memref<80x128xf32, #tpu.memory_space<vmem>>) target(%dma_start3A_223 : memref<10240x128xf32, #tpu.memory_space<vmem_shared>>) offsets(%dma_start3A_220 : memref<80xi32, #tpu.memory_space<vmem>>) semaphore(%arg13 : memref<!tpu.dma_semaphore, #tpu.memory_space<semaphore_mem>>) {add = true}
    }
    %scan3A_92 = arith.constant 12 : i32
    %dma_wait3A_93 = arith.constant 24 : i32
    %dma_wait3A_94 = arith.constant 0 : i32
    %dma_wait3A_95 = tpu.memref_slice %arg6[%dma_wait3A_93, %dma_wait3A_94] : memref<25x80xi32, #tpu.memory_space<vmem>> -> memref<1x80xi32, #tpu.memory_space<vmem>>
    %dma_wait3A_96 = tpu.memref_squeeze %dma_wait3A_95 : memref<1x80xi32, #tpu.memory_space<vmem>> -> memref<80xi32, #tpu.memory_space<vmem>>
    %dma_wait3A_97 = arith.constant 0 : i32
    %dma_wait3A_98 = arith.constant 0 : i32
    %dma_wait3A_99 = tpu.memref_slice %arg4[%dma_wait3A_97, %dma_wait3A_98] : memref<10000x128xf32, #tpu.memory_space<hbm>> -> memref<10000x128xf32, #tpu.memory_space<hbm>>
    tpu.wait_indirect_dma semaphore(%arg10 : memref<!tpu.dma_semaphore, #tpu.memory_space<semaphore_mem>>) src(%dma_wait3A_99 : memref<10000x128xf32, #tpu.memory_space<hbm>>) dst(%arg8 : memref<80x128xf32, #tpu.memory_space<vmem>>)
    %run_scoped3A_100 = arith.constant 24 : i32
    "tpu.region"() ({
      %run_scoped3A_169 = tpu.sem_alloc : memref<!tpu.dma_semaphore, #tpu.memory_space<semaphore_mem>>
      %dma_start3A_170 = arith.constant 0 : i32
      %dma_start3A_171 = tpu.memref_slice %arg7[%run_scoped3A_100, %dma_start3A_170] : memref<25x80xi32, #tpu.memory_space<vmem>> -> memref<1x80xi32, #tpu.memory_space<vmem>>
      %dma_start3A_172 = tpu.memref_squeeze %dma_start3A_171 : memref<1x80xi32, #tpu.memory_space<vmem>> -> memref<80xi32, #tpu.memory_space<vmem>>
      %dma_start3A_173 = arith.constant 0 : i32
      %dma_start3A_174 = arith.constant 0 : i32
      %dma_start3A_175 = tpu.memref_slice %arg14[%dma_start3A_173, %dma_start3A_174] : memref<10240x128xf32, #tpu.memory_space<vmem_shared>> -> memref<10240x128xf32, #tpu.memory_space<vmem_shared>>
      tpu.enqueue_indirect_dma source(%arg8 : memref<80x128xf32, #tpu.memory_space<vmem>>) target(%dma_start3A_175 : memref<10240x128xf32, #tpu.memory_space<vmem_shared>>) offsets(%dma_start3A_172 : memref<80xi32, #tpu.memory_space<vmem>>) semaphore(%run_scoped3A_169 : memref<!tpu.dma_semaphore, #tpu.memory_space<semaphore_mem>>) {add = true}
      %dma_wait3A_176 = arith.constant 0 : i32
      %dma_wait3A_177 = tpu.memref_slice %arg7[%run_scoped3A_100, %dma_wait3A_176] : memref<25x80xi32, #tpu.memory_space<vmem>> -> memref<1x80xi32, #tpu.memory_space<vmem>>
      %dma_wait3A_178 = tpu.memref_squeeze %dma_wait3A_177 : memref<1x80xi32, #tpu.memory_space<vmem>> -> memref<80xi32, #tpu.memory_space<vmem>>
      %dma_wait3A_179 = arith.constant 0 : i32
      %dma_wait3A_180 = arith.constant 0 : i32
      %dma_wait3A_181 = tpu.memref_slice %arg14[%dma_wait3A_179, %dma_wait3A_180] : memref<10240x128xf32, #tpu.memory_space<vmem_shared>> -> memref<10240x128xf32, #tpu.memory_space<vmem_shared>>
      tpu.wait_indirect_dma semaphore(%run_scoped3A_169 : memref<!tpu.dma_semaphore, #tpu.memory_space<semaphore_mem>>) src(%arg8 : memref<80x128xf32, #tpu.memory_space<vmem>>) dst(%dma_wait3A_181 : memref<10240x128xf32, #tpu.memory_space<vmem_shared>>)
      tpu.yield
    }) : () -> ()
    %dma_wait3A_101 = arith.constant 23 : i32
    %dma_wait3A_102 = arith.constant 0 : i32
    %dma_wait3A_103 = tpu.memref_slice %arg7[%dma_wait3A_101, %dma_wait3A_102] : memref<25x80xi32, #tpu.memory_space<vmem>> -> memref<1x80xi32, #tpu.memory_space<vmem>>
    %dma_wait3A_104 = tpu.memref_squeeze %dma_wait3A_103 : memref<1x80xi32, #tpu.memory_space<vmem>> -> memref<80xi32, #tpu.memory_space<vmem>>
    %dma_wait3A_105 = arith.constant 0 : i32
    %dma_wait3A_106 = arith.constant 0 : i32
    %dma_wait3A_107 = tpu.memref_slice %arg14[%dma_wait3A_105, %dma_wait3A_106] : memref<10240x128xf32, #tpu.memory_space<vmem_shared>> -> memref<10240x128xf32, #tpu.memory_space<vmem_shared>>
    tpu.wait_indirect_dma semaphore(%arg13 : memref<!tpu.dma_semaphore, #tpu.memory_space<semaphore_mem>>) src(%arg9 : memref<80x128xf32, #tpu.memory_space<vmem>>) dst(%dma_wait3A_107 : memref<10240x128xf32, #tpu.memory_space<vmem_shared>>)
    %run_scoped3A_108 = arith.constant 3 : i32
    "tpu.region"() ({
      %run_scoped3A_169 = tpu.sem_alloc : memref<!tpu.dma_semaphore, #tpu.memory_space<semaphore_mem>>
      %dma_start3A_170 = arith.constant 0 : i32
      %dma_start3A_171 = arith.constant 0 : i32
      %dma_start3A_172 = tpu.memref_slice %arg2[%arg0, %arg1, %run_scoped3A_108, %dma_start3A_170, %dma_start3A_171] : memref<2x16x5x25x80xi32, #tpu.memory_space<hbm>> -> memref<1x1x1x25x80xi32, #tpu.memory_space<hbm>>
      %dma_start3A_173 = tpu.memref_squeeze %dma_start3A_172 : memref<1x1x1x25x80xi32, #tpu.memory_space<hbm>> -> memref<25x80xi32, #tpu.memory_space<hbm>>
      %dma_start3A_174 = arith.constant 0 : i32
      %dma_start3A_175 = arith.constant 0 : i32
      %dma_start3A_176 = tpu.memref_slice %arg2[%arg0, %arg1, %run_scoped3A_108, %dma_start3A_174, %dma_start3A_175] : memref<2x16x5x25x80xi32, #tpu.memory_space<hbm>> -> memref<1x1x1x25x80xi32, #tpu.memory_space<hbm>>
      %dma_start3A_177 = tpu.memref_squeeze %dma_start3A_176 : memref<1x1x1x25x80xi32, #tpu.memory_space<hbm>> -> memref<25x80xi32, #tpu.memory_space<hbm>>
      tpu.enqueue_dma source(%dma_start3A_177 : memref<25x80xi32, #tpu.memory_space<hbm>>) target(%arg6 : memref<25x80xi32, #tpu.memory_space<vmem>>) target_semaphore(%run_scoped3A_169 : memref<!tpu.dma_semaphore, #tpu.memory_space<semaphore_mem>>)
      %dma_wait3A_178 = arith.constant 0 : i32
      %dma_wait3A_179 = arith.constant 0 : i32
      %dma_wait3A_180 = tpu.memref_slice %arg2[%arg0, %arg1, %run_scoped3A_108, %dma_wait3A_178, %dma_wait3A_179] : memref<2x16x5x25x80xi32, #tpu.memory_space<hbm>> -> memref<1x1x1x25x80xi32, #tpu.memory_space<hbm>>
      %dma_wait3A_181 = tpu.memref_squeeze %dma_wait3A_180 : memref<1x1x1x25x80xi32, #tpu.memory_space<hbm>> -> memref<25x80xi32, #tpu.memory_space<hbm>>
      %dma_wait3A_182 = arith.constant 0 : i32
      %dma_wait3A_183 = arith.constant 0 : i32
      %dma_wait3A_184 = tpu.memref_slice %arg2[%arg0, %arg1, %run_scoped3A_108, %dma_wait3A_182, %dma_wait3A_183] : memref<2x16x5x25x80xi32, #tpu.memory_space<hbm>> -> memref<1x1x1x25x80xi32, #tpu.memory_space<hbm>>
      %dma_wait3A_185 = tpu.memref_squeeze %dma_wait3A_184 : memref<1x1x1x25x80xi32, #tpu.memory_space<hbm>> -> memref<25x80xi32, #tpu.memory_space<hbm>>
      tpu.wait_dma2 semaphore(%run_scoped3A_169 : memref<!tpu.dma_semaphore, #tpu.memory_space<semaphore_mem>>) src(%dma_wait3A_185 : memref<25x80xi32, #tpu.memory_space<hbm>>) dst(%arg6 : memref<25x80xi32, #tpu.memory_space<vmem>>)
      tpu.yield
    }) : () -> ()
    %run_scoped3A_109 = arith.constant 3 : i32
    "tpu.region"() ({
      %run_scoped3A_169 = tpu.sem_alloc : memref<!tpu.dma_semaphore, #tpu.memory_space<semaphore_mem>>
      %dma_start3A_170 = arith.constant 0 : i32
      %dma_start3A_171 = arith.constant 0 : i32
      %dma_start3A_172 = tpu.memref_slice %arg3[%arg0, %arg1, %run_scoped3A_109, %dma_start3A_170, %dma_start3A_171] : memref<2x16x5x25x80xi32, #tpu.memory_space<hbm>> -> memref<1x1x1x25x80xi32, #tpu.memory_space<hbm>>
      %dma_start3A_173 = tpu.memref_squeeze %dma_start3A_172 : memref<1x1x1x25x80xi32, #tpu.memory_space<hbm>> -> memref<25x80xi32, #tpu.memory_space<hbm>>
      %dma_start3A_174 = arith.constant 0 : i32
      %dma_start3A_175 = arith.constant 0 : i32
      %dma_start3A_176 = tpu.memref_slice %arg3[%arg0, %arg1, %run_scoped3A_109, %dma_start3A_174, %dma_start3A_175] : memref<2x16x5x25x80xi32, #tpu.memory_space<hbm>> -> memref<1x1x1x25x80xi32, #tpu.memory_space<hbm>>
      %dma_start3A_177 = tpu.memref_squeeze %dma_start3A_176 : memref<1x1x1x25x80xi32, #tpu.memory_space<hbm>> -> memref<25x80xi32, #tpu.memory_space<hbm>>
      tpu.enqueue_dma source(%dma_start3A_177 : memref<25x80xi32, #tpu.memory_space<hbm>>) target(%arg7 : memref<25x80xi32, #tpu.memory_space<vmem>>) target_semaphore(%run_scoped3A_169 : memref<!tpu.dma_semaphore, #tpu.memory_space<semaphore_mem>>)
      %dma_wait3A_178 = arith.constant 0 : i32
      %dma_wait3A_179 = arith.constant 0 : i32
      %dma_wait3A_180 = tpu.memref_slice %arg3[%arg0, %arg1, %run_scoped3A_109, %dma_wait3A_178, %dma_wait3A_179] : memref<2x16x5x25x80xi32, #tpu.memory_space<hbm>> -> memref<1x1x1x25x80xi32, #tpu.memory_space<hbm>>
      %dma_wait3A_181 = tpu.memref_squeeze %dma_wait3A_180 : memref<1x1x1x25x80xi32, #tpu.memory_space<hbm>> -> memref<25x80xi32, #tpu.memory_space<hbm>>
      %dma_wait3A_182 = arith.constant 0 : i32
      %dma_wait3A_183 = arith.constant 0 : i32
      %dma_wait3A_184 = tpu.memref_slice %arg3[%arg0, %arg1, %run_scoped3A_109, %dma_wait3A_182, %dma_wait3A_183] : memref<2x16x5x25x80xi32, #tpu.memory_space<hbm>> -> memref<1x1x1x25x80xi32, #tpu.memory_space<hbm>>
      %dma_wait3A_185 = tpu.memref_squeeze %dma_wait3A_184 : memref<1x1x1x25x80xi32, #tpu.memory_space<hbm>> -> memref<25x80xi32, #tpu.memory_space<hbm>>
      tpu.wait_dma2 semaphore(%run_scoped3A_169 : memref<!tpu.dma_semaphore, #tpu.memory_space<semaphore_mem>>) src(%dma_wait3A_185 : memref<25x80xi32, #tpu.memory_space<hbm>>) dst(%arg7 : memref<25x80xi32, #tpu.memory_space<vmem>>)
      tpu.yield
    }) : () -> ()
    %dma_start3A_110 = arith.constant 0 : i32
    %dma_start3A_111 = arith.constant 0 : i32
    %dma_start3A_112 = tpu.memref_slice %arg6[%dma_start3A_110, %dma_start3A_111] : memref<25x80xi32, #tpu.memory_space<vmem>> -> memref<1x80xi32, #tpu.memory_space<vmem>>
    %dma_start3A_113 = tpu.memref_squeeze %dma_start3A_112 : memref<1x80xi32, #tpu.memory_space<vmem>> -> memref<80xi32, #tpu.memory_space<vmem>>
    %dma_start3A_114 = arith.constant 0 : i32
    %dma_start3A_115 = arith.constant 0 : i32
    %dma_start3A_116 = tpu.memref_slice %arg4[%dma_start3A_114, %dma_start3A_115] : memref<10000x128xf32, #tpu.memory_space<hbm>> -> memref<10000x128xf32, #tpu.memory_space<hbm>>
    tpu.enqueue_indirect_dma source(%dma_start3A_116 : memref<10000x128xf32, #tpu.memory_space<hbm>>) target(%arg8 : memref<80x128xf32, #tpu.memory_space<vmem>>) offsets(%dma_start3A_113 : memref<80xi32, #tpu.memory_space<vmem>>) semaphore(%arg10 : memref<!tpu.dma_semaphore, #tpu.memory_space<semaphore_mem>>)
    %scan3A_117 = arith.constant 0 : i32
    %scan3A_118 = arith.constant 0 : i32
    %scan3A_119 = arith.constant 12 : i32
    %scan3A_120 = arith.addi %scan3A_118, %scan3A_119 : i32
    %scan3A_121 = arith.constant 1 : i32
    scf.for %scan3A_169 = %scan3A_118 to %scan3A_120 step %scan3A_121  : i32 {
      %mul3A_170 = arith.constant 2 : i32
      %mul3A_171 = arith.muli %scan3A_169, %mul3A_170 : i32
      %dma_wait3A_172 = arith.constant 0 : i32
      %dma_wait3A_173 = tpu.memref_slice %arg6[%mul3A_171, %dma_wait3A_172] : memref<25x80xi32, #tpu.memory_space<vmem>> -> memref<1x80xi32, #tpu.memory_space<vmem>>
      %dma_wait3A_174 = tpu.memref_squeeze %dma_wait3A_173 : memref<1x80xi32, #tpu.memory_space<vmem>> -> memref<80xi32, #tpu.memory_space<vmem>>
      %dma_wait3A_175 = arith.constant 0 : i32
      %dma_wait3A_176 = arith.constant 0 : i32
      %dma_wait3A_177 = tpu.memref_slice %arg4[%dma_wait3A_175, %dma_wait3A_176] : memref<10000x128xf32, #tpu.memory_space<hbm>> -> memref<10000x128xf32, #tpu.memory_space<hbm>>
      tpu.wait_indirect_dma semaphore(%arg10 : memref<!tpu.dma_semaphore, #tpu.memory_space<semaphore_mem>>) src(%dma_wait3A_177 : memref<10000x128xf32, #tpu.memory_space<hbm>>) dst(%arg8 : memref<80x128xf32, #tpu.memory_space<vmem>>)
      %gt3A = arith.constant 0 : i32
      %gt3A_178 = arith.cmpi sgt, %mul3A_171, %gt3A : i32
      %convert_element_type3A = arith.extui %gt3A_178 : i1 to i32
      %cond3A = arith.constant 0 : i32
      %cond3A_179 = arith.cmpi ne, %convert_element_type3A, %cond3A : i32
      scf.if %cond3A_179 {
        %dma_wait3A_224 = arith.constant 0 : i32
        %dma_wait3A_225 = tpu.memref_slice %arg7[%mul3A_171, %dma_wait3A_224] : memref<25x80xi32, #tpu.memory_space<vmem>> -> memref<1x80xi32, #tpu.memory_space<vmem>>
        %dma_wait3A_226 = tpu.memref_squeeze %dma_wait3A_225 : memref<1x80xi32, #tpu.memory_space<vmem>> -> memref<80xi32, #tpu.memory_space<vmem>>
        %dma_wait3A_227 = arith.constant 0 : i32
        %dma_wait3A_228 = arith.constant 0 : i32
        %dma_wait3A_229 = tpu.memref_slice %arg14[%dma_wait3A_227, %dma_wait3A_228] : memref<10240x128xf32, #tpu.memory_space<vmem_shared>> -> memref<10240x128xf32, #tpu.memory_space<vmem_shared>>
        tpu.wait_indirect_dma semaphore(%arg13 : memref<!tpu.dma_semaphore, #tpu.memory_space<semaphore_mem>>) src(%arg9 : memref<80x128xf32, #tpu.memory_space<vmem>>) dst(%dma_wait3A_229 : memref<10240x128xf32, #tpu.memory_space<vmem_shared>>)
      } else {
      }
      %add3A_180 = arith.constant 1 : i32
      %add3A_181 = arith.addi %mul3A_171, %add3A_180 : i32
      %dma_start3A_182 = arith.constant 0 : i32
      %dma_start3A_183 = tpu.memref_slice %arg6[%add3A_181, %dma_start3A_182] : memref<25x80xi32, #tpu.memory_space<vmem>> -> memref<1x80xi32, #tpu.memory_space<vmem>>
      %dma_start3A_184 = tpu.memref_squeeze %dma_start3A_183 : memref<1x80xi32, #tpu.memory_space<vmem>> -> memref<80xi32, #tpu.memory_space<vmem>>
      %dma_start3A_185 = arith.constant 0 : i32
      %dma_start3A_186 = arith.constant 0 : i32
      %dma_start3A_187 = tpu.memref_slice %arg4[%dma_start3A_185, %dma_start3A_186] : memref<10000x128xf32, #tpu.memory_space<hbm>> -> memref<10000x128xf32, #tpu.memory_space<hbm>>
      tpu.enqueue_indirect_dma source(%dma_start3A_187 : memref<10000x128xf32, #tpu.memory_space<hbm>>) target(%arg9 : memref<80x128xf32, #tpu.memory_space<vmem>>) offsets(%dma_start3A_184 : memref<80xi32, #tpu.memory_space<vmem>>) semaphore(%arg11 : memref<!tpu.dma_semaphore, #tpu.memory_space<semaphore_mem>>)
      %dma_start3A_188 = arith.constant 0 : i32
      %dma_start3A_189 = tpu.memref_slice %arg7[%mul3A_171, %dma_start3A_188] : memref<25x80xi32, #tpu.memory_space<vmem>> -> memref<1x80xi32, #tpu.memory_space<vmem>>
      %dma_start3A_190 = tpu.memref_squeeze %dma_start3A_189 : memref<1x80xi32, #tpu.memory_space<vmem>> -> memref<80xi32, #tpu.memory_space<vmem>>
      %dma_start3A_191 = arith.constant 0 : i32
      %dma_start3A_192 = arith.constant 0 : i32
      %dma_start3A_193 = tpu.memref_slice %arg14[%dma_start3A_191, %dma_start3A_192] : memref<10240x128xf32, #tpu.memory_space<vmem_shared>> -> memref<10240x128xf32, #tpu.memory_space<vmem_shared>>
      tpu.enqueue_indirect_dma source(%arg8 : memref<80x128xf32, #tpu.memory_space<vmem>>) target(%dma_start3A_193 : memref<10240x128xf32, #tpu.memory_space<vmem_shared>>) offsets(%dma_start3A_190 : memref<80xi32, #tpu.memory_space<vmem>>) semaphore(%arg12 : memref<!tpu.dma_semaphore, #tpu.memory_space<semaphore_mem>>) {add = true}
      %add3A_194 = arith.constant 1 : i32
      %add3A_195 = arith.addi %mul3A_171, %add3A_194 : i32
      %dma_wait3A_196 = arith.constant 0 : i32
      %dma_wait3A_197 = tpu.memref_slice %arg6[%add3A_195, %dma_wait3A_196] : memref<25x80xi32, #tpu.memory_space<vmem>> -> memref<1x80xi32, #tpu.memory_space<vmem>>
      %dma_wait3A_198 = tpu.memref_squeeze %dma_wait3A_197 : memref<1x80xi32, #tpu.memory_space<vmem>> -> memref<80xi32, #tpu.memory_space<vmem>>
      %dma_wait3A_199 = arith.constant 0 : i32
      %dma_wait3A_200 = arith.constant 0 : i32
      %dma_wait3A_201 = tpu.memref_slice %arg4[%dma_wait3A_199, %dma_wait3A_200] : memref<10000x128xf32, #tpu.memory_space<hbm>> -> memref<10000x128xf32, #tpu.memory_space<hbm>>
      tpu.wait_indirect_dma semaphore(%arg11 : memref<!tpu.dma_semaphore, #tpu.memory_space<semaphore_mem>>) src(%dma_wait3A_201 : memref<10000x128xf32, #tpu.memory_space<hbm>>) dst(%arg9 : memref<80x128xf32, #tpu.memory_space<vmem>>)
      %dma_wait3A_202 = arith.constant 0 : i32
      %dma_wait3A_203 = tpu.memref_slice %arg7[%mul3A_171, %dma_wait3A_202] : memref<25x80xi32, #tpu.memory_space<vmem>> -> memref<1x80xi32, #tpu.memory_space<vmem>>
      %dma_wait3A_204 = tpu.memref_squeeze %dma_wait3A_203 : memref<1x80xi32, #tpu.memory_space<vmem>> -> memref<80xi32, #tpu.memory_space<vmem>>
      %dma_wait3A_205 = arith.constant 0 : i32
      %dma_wait3A_206 = arith.constant 0 : i32
      %dma_wait3A_207 = tpu.memref_slice %arg14[%dma_wait3A_205, %dma_wait3A_206] : memref<10240x128xf32, #tpu.memory_space<vmem_shared>> -> memref<10240x128xf32, #tpu.memory_space<vmem_shared>>
      tpu.wait_indirect_dma semaphore(%arg12 : memref<!tpu.dma_semaphore, #tpu.memory_space<semaphore_mem>>) src(%arg8 : memref<80x128xf32, #tpu.memory_space<vmem>>) dst(%dma_wait3A_207 : memref<10240x128xf32, #tpu.memory_space<vmem_shared>>)
      %add3A_208 = arith.constant 2 : i32
      %add3A_209 = arith.addi %mul3A_171, %add3A_208 : i32
      %dma_start3A_210 = arith.constant 0 : i32
      %dma_start3A_211 = tpu.memref_slice %arg6[%add3A_209, %dma_start3A_210] : memref<25x80xi32, #tpu.memory_space<vmem>> -> memref<1x80xi32, #tpu.memory_space<vmem>>
      %dma_start3A_212 = tpu.memref_squeeze %dma_start3A_211 : memref<1x80xi32, #tpu.memory_space<vmem>> -> memref<80xi32, #tpu.memory_space<vmem>>
      %dma_start3A_213 = arith.constant 0 : i32
      %dma_start3A_214 = arith.constant 0 : i32
      %dma_start3A_215 = tpu.memref_slice %arg4[%dma_start3A_213, %dma_start3A_214] : memref<10000x128xf32, #tpu.memory_space<hbm>> -> memref<10000x128xf32, #tpu.memory_space<hbm>>
      tpu.enqueue_indirect_dma source(%dma_start3A_215 : memref<10000x128xf32, #tpu.memory_space<hbm>>) target(%arg8 : memref<80x128xf32, #tpu.memory_space<vmem>>) offsets(%dma_start3A_212 : memref<80xi32, #tpu.memory_space<vmem>>) semaphore(%arg10 : memref<!tpu.dma_semaphore, #tpu.memory_space<semaphore_mem>>)
      %add3A_216 = arith.constant 1 : i32
      %add3A_217 = arith.addi %mul3A_171, %add3A_216 : i32
      %dma_start3A_218 = arith.constant 0 : i32
      %dma_start3A_219 = tpu.memref_slice %arg7[%add3A_217, %dma_start3A_218] : memref<25x80xi32, #tpu.memory_space<vmem>> -> memref<1x80xi32, #tpu.memory_space<vmem>>
      %dma_start3A_220 = tpu.memref_squeeze %dma_start3A_219 : memref<1x80xi32, #tpu.memory_space<vmem>> -> memref<80xi32, #tpu.memory_space<vmem>>
      %dma_start3A_221 = arith.constant 0 : i32
      %dma_start3A_222 = arith.constant 0 : i32
      %dma_start3A_223 = tpu.memref_slice %arg14[%dma_start3A_221, %dma_start3A_222] : memref<10240x128xf32, #tpu.memory_space<vmem_shared>> -> memref<10240x128xf32, #tpu.memory_space<vmem_shared>>
      tpu.enqueue_indirect_dma source(%arg9 : memref<80x128xf32, #tpu.memory_space<vmem>>) target(%dma_start3A_223 : memref<10240x128xf32, #tpu.memory_space<vmem_shared>>) offsets(%dma_start3A_220 : memref<80xi32, #tpu.memory_space<vmem>>) semaphore(%arg13 : memref<!tpu.dma_semaphore, #tpu.memory_space<semaphore_mem>>) {add = true}
    }
    %scan3A_122 = arith.constant 12 : i32
    %dma_wait3A_123 = arith.constant 24 : i32
    %dma_wait3A_124 = arith.constant 0 : i32
    %dma_wait3A_125 = tpu.memref_slice %arg6[%dma_wait3A_123, %dma_wait3A_124] : memref<25x80xi32, #tpu.memory_space<vmem>> -> memref<1x80xi32, #tpu.memory_space<vmem>>
    %dma_wait3A_126 = tpu.memref_squeeze %dma_wait3A_125 : memref<1x80xi32, #tpu.memory_space<vmem>> -> memref<80xi32, #tpu.memory_space<vmem>>
    %dma_wait3A_127 = arith.constant 0 : i32
    %dma_wait3A_128 = arith.constant 0 : i32
    %dma_wait3A_129 = tpu.memref_slice %arg4[%dma_wait3A_127, %dma_wait3A_128] : memref<10000x128xf32, #tpu.memory_space<hbm>> -> memref<10000x128xf32, #tpu.memory_space<hbm>>
    tpu.wait_indirect_dma semaphore(%arg10 : memref<!tpu.dma_semaphore, #tpu.memory_space<semaphore_mem>>) src(%dma_wait3A_129 : memref<10000x128xf32, #tpu.memory_space<hbm>>) dst(%arg8 : memref<80x128xf32, #tpu.memory_space<vmem>>)
    %run_scoped3A_130 = arith.constant 24 : i32
    "tpu.region"() ({
      %run_scoped3A_169 = tpu.sem_alloc : memref<!tpu.dma_semaphore, #tpu.memory_space<semaphore_mem>>
      %dma_start3A_170 = arith.constant 0 : i32
      %dma_start3A_171 = tpu.memref_slice %arg7[%run_scoped3A_130, %dma_start3A_170] : memref<25x80xi32, #tpu.memory_space<vmem>> -> memref<1x80xi32, #tpu.memory_space<vmem>>
      %dma_start3A_172 = tpu.memref_squeeze %dma_start3A_171 : memref<1x80xi32, #tpu.memory_space<vmem>> -> memref<80xi32, #tpu.memory_space<vmem>>
      %dma_start3A_173 = arith.constant 0 : i32
      %dma_start3A_174 = arith.constant 0 : i32
      %dma_start3A_175 = tpu.memref_slice %arg14[%dma_start3A_173, %dma_start3A_174] : memref<10240x128xf32, #tpu.memory_space<vmem_shared>> -> memref<10240x128xf32, #tpu.memory_space<vmem_shared>>
      tpu.enqueue_indirect_dma source(%arg8 : memref<80x128xf32, #tpu.memory_space<vmem>>) target(%dma_start3A_175 : memref<10240x128xf32, #tpu.memory_space<vmem_shared>>) offsets(%dma_start3A_172 : memref<80xi32, #tpu.memory_space<vmem>>) semaphore(%run_scoped3A_169 : memref<!tpu.dma_semaphore, #tpu.memory_space<semaphore_mem>>) {add = true}
      %dma_wait3A_176 = arith.constant 0 : i32
      %dma_wait3A_177 = tpu.memref_slice %arg7[%run_scoped3A_130, %dma_wait3A_176] : memref<25x80xi32, #tpu.memory_space<vmem>> -> memref<1x80xi32, #tpu.memory_space<vmem>>
      %dma_wait3A_178 = tpu.memref_squeeze %dma_wait3A_177 : memref<1x80xi32, #tpu.memory_space<vmem>> -> memref<80xi32, #tpu.memory_space<vmem>>
      %dma_wait3A_179 = arith.constant 0 : i32
      %dma_wait3A_180 = arith.constant 0 : i32
      %dma_wait3A_181 = tpu.memref_slice %arg14[%dma_wait3A_179, %dma_wait3A_180] : memref<10240x128xf32, #tpu.memory_space<vmem_shared>> -> memref<10240x128xf32, #tpu.memory_space<vmem_shared>>
      tpu.wait_indirect_dma semaphore(%run_scoped3A_169 : memref<!tpu.dma_semaphore, #tpu.memory_space<semaphore_mem>>) src(%arg8 : memref<80x128xf32, #tpu.memory_space<vmem>>) dst(%dma_wait3A_181 : memref<10240x128xf32, #tpu.memory_space<vmem_shared>>)
      tpu.yield
    }) : () -> ()
    %dma_wait3A_131 = arith.constant 23 : i32
    %dma_wait3A_132 = arith.constant 0 : i32
    %dma_wait3A_133 = tpu.memref_slice %arg7[%dma_wait3A_131, %dma_wait3A_132] : memref<25x80xi32, #tpu.memory_space<vmem>> -> memref<1x80xi32, #tpu.memory_space<vmem>>
    %dma_wait3A_134 = tpu.memref_squeeze %dma_wait3A_133 : memref<1x80xi32, #tpu.memory_space<vmem>> -> memref<80xi32, #tpu.memory_space<vmem>>
    %dma_wait3A_135 = arith.constant 0 : i32
    %dma_wait3A_136 = arith.constant 0 : i32
    %dma_wait3A_137 = tpu.memref_slice %arg14[%dma_wait3A_135, %dma_wait3A_136] : memref<10240x128xf32, #tpu.memory_space<vmem_shared>> -> memref<10240x128xf32, #tpu.memory_space<vmem_shared>>
    tpu.wait_indirect_dma semaphore(%arg13 : memref<!tpu.dma_semaphore, #tpu.memory_space<semaphore_mem>>) src(%arg9 : memref<80x128xf32, #tpu.memory_space<vmem>>) dst(%dma_wait3A_137 : memref<10240x128xf32, #tpu.memory_space<vmem_shared>>)
    %run_scoped3A_138 = arith.constant 4 : i32
    "tpu.region"() ({
      %run_scoped3A_169 = tpu.sem_alloc : memref<!tpu.dma_semaphore, #tpu.memory_space<semaphore_mem>>
      %dma_start3A_170 = arith.constant 0 : i32
      %dma_start3A_171 = arith.constant 0 : i32
      %dma_start3A_172 = tpu.memref_slice %arg2[%arg0, %arg1, %run_scoped3A_138, %dma_start3A_170, %dma_start3A_171] : memref<2x16x5x25x80xi32, #tpu.memory_space<hbm>> -> memref<1x1x1x25x80xi32, #tpu.memory_space<hbm>>
      %dma_start3A_173 = tpu.memref_squeeze %dma_start3A_172 : memref<1x1x1x25x80xi32, #tpu.memory_space<hbm>> -> memref<25x80xi32, #tpu.memory_space<hbm>>
      %dma_start3A_174 = arith.constant 0 : i32
      %dma_start3A_175 = arith.constant 0 : i32
      %dma_start3A_176 = tpu.memref_slice %arg2[%arg0, %arg1, %run_scoped3A_138, %dma_start3A_174, %dma_start3A_175] : memref<2x16x5x25x80xi32, #tpu.memory_space<hbm>> -> memref<1x1x1x25x80xi32, #tpu.memory_space<hbm>>
      %dma_start3A_177 = tpu.memref_squeeze %dma_start3A_176 : memref<1x1x1x25x80xi32, #tpu.memory_space<hbm>> -> memref<25x80xi32, #tpu.memory_space<hbm>>
      tpu.enqueue_dma source(%dma_start3A_177 : memref<25x80xi32, #tpu.memory_space<hbm>>) target(%arg6 : memref<25x80xi32, #tpu.memory_space<vmem>>) target_semaphore(%run_scoped3A_169 : memref<!tpu.dma_semaphore, #tpu.memory_space<semaphore_mem>>)
      %dma_wait3A_178 = arith.constant 0 : i32
      %dma_wait3A_179 = arith.constant 0 : i32
      %dma_wait3A_180 = tpu.memref_slice %arg2[%arg0, %arg1, %run_scoped3A_138, %dma_wait3A_178, %dma_wait3A_179] : memref<2x16x5x25x80xi32, #tpu.memory_space<hbm>> -> memref<1x1x1x25x80xi32, #tpu.memory_space<hbm>>
      %dma_wait3A_181 = tpu.memref_squeeze %dma_wait3A_180 : memref<1x1x1x25x80xi32, #tpu.memory_space<hbm>> -> memref<25x80xi32, #tpu.memory_space<hbm>>
      %dma_wait3A_182 = arith.constant 0 : i32
      %dma_wait3A_183 = arith.constant 0 : i32
      %dma_wait3A_184 = tpu.memref_slice %arg2[%arg0, %arg1, %run_scoped3A_138, %dma_wait3A_182, %dma_wait3A_183] : memref<2x16x5x25x80xi32, #tpu.memory_space<hbm>> -> memref<1x1x1x25x80xi32, #tpu.memory_space<hbm>>
      %dma_wait3A_185 = tpu.memref_squeeze %dma_wait3A_184 : memref<1x1x1x25x80xi32, #tpu.memory_space<hbm>> -> memref<25x80xi32, #tpu.memory_space<hbm>>
      tpu.wait_dma2 semaphore(%run_scoped3A_169 : memref<!tpu.dma_semaphore, #tpu.memory_space<semaphore_mem>>) src(%dma_wait3A_185 : memref<25x80xi32, #tpu.memory_space<hbm>>) dst(%arg6 : memref<25x80xi32, #tpu.memory_space<vmem>>)
      tpu.yield
    }) : () -> ()
    %run_scoped3A_139 = arith.constant 4 : i32
    "tpu.region"() ({
      %run_scoped3A_169 = tpu.sem_alloc : memref<!tpu.dma_semaphore, #tpu.memory_space<semaphore_mem>>
      %dma_start3A_170 = arith.constant 0 : i32
      %dma_start3A_171 = arith.constant 0 : i32
      %dma_start3A_172 = tpu.memref_slice %arg3[%arg0, %arg1, %run_scoped3A_139, %dma_start3A_170, %dma_start3A_171] : memref<2x16x5x25x80xi32, #tpu.memory_space<hbm>> -> memref<1x1x1x25x80xi32, #tpu.memory_space<hbm>>
      %dma_start3A_173 = tpu.memref_squeeze %dma_start3A_172 : memref<1x1x1x25x80xi32, #tpu.memory_space<hbm>> -> memref<25x80xi32, #tpu.memory_space<hbm>>
      %dma_start3A_174 = arith.constant 0 : i32
      %dma_start3A_175 = arith.constant 0 : i32
      %dma_start3A_176 = tpu.memref_slice %arg3[%arg0, %arg1, %run_scoped3A_139, %dma_start3A_174, %dma_start3A_175] : memref<2x16x5x25x80xi32, #tpu.memory_space<hbm>> -> memref<1x1x1x25x80xi32, #tpu.memory_space<hbm>>
      %dma_start3A_177 = tpu.memref_squeeze %dma_start3A_176 : memref<1x1x1x25x80xi32, #tpu.memory_space<hbm>> -> memref<25x80xi32, #tpu.memory_space<hbm>>
      tpu.enqueue_dma source(%dma_start3A_177 : memref<25x80xi32, #tpu.memory_space<hbm>>) target(%arg7 : memref<25x80xi32, #tpu.memory_space<vmem>>) target_semaphore(%run_scoped3A_169 : memref<!tpu.dma_semaphore, #tpu.memory_space<semaphore_mem>>)
      %dma_wait3A_178 = arith.constant 0 : i32
      %dma_wait3A_179 = arith.constant 0 : i32
      %dma_wait3A_180 = tpu.memref_slice %arg3[%arg0, %arg1, %run_scoped3A_139, %dma_wait3A_178, %dma_wait3A_179] : memref<2x16x5x25x80xi32, #tpu.memory_space<hbm>> -> memref<1x1x1x25x80xi32, #tpu.memory_space<hbm>>
      %dma_wait3A_181 = tpu.memref_squeeze %dma_wait3A_180 : memref<1x1x1x25x80xi32, #tpu.memory_space<hbm>> -> memref<25x80xi32, #tpu.memory_space<hbm>>
      %dma_wait3A_182 = arith.constant 0 : i32
      %dma_wait3A_183 = arith.constant 0 : i32
      %dma_wait3A_184 = tpu.memref_slice %arg3[%arg0, %arg1, %run_scoped3A_139, %dma_wait3A_182, %dma_wait3A_183] : memref<2x16x5x25x80xi32, #tpu.memory_space<hbm>> -> memref<1x1x1x25x80xi32, #tpu.memory_space<hbm>>
      %dma_wait3A_185 = tpu.memref_squeeze %dma_wait3A_184 : memref<1x1x1x25x80xi32, #tpu.memory_space<hbm>> -> memref<25x80xi32, #tpu.memory_space<hbm>>
      tpu.wait_dma2 semaphore(%run_scoped3A_169 : memref<!tpu.dma_semaphore, #tpu.memory_space<semaphore_mem>>) src(%dma_wait3A_185 : memref<25x80xi32, #tpu.memory_space<hbm>>) dst(%arg7 : memref<25x80xi32, #tpu.memory_space<vmem>>)
      tpu.yield
    }) : () -> ()
    %dma_start3A_140 = arith.constant 0 : i32
    %dma_start3A_141 = arith.constant 0 : i32
    %dma_start3A_142 = tpu.memref_slice %arg6[%dma_start3A_140, %dma_start3A_141] : memref<25x80xi32, #tpu.memory_space<vmem>> -> memref<1x80xi32, #tpu.memory_space<vmem>>
    %dma_start3A_143 = tpu.memref_squeeze %dma_start3A_142 : memref<1x80xi32, #tpu.memory_space<vmem>> -> memref<80xi32, #tpu.memory_space<vmem>>
    %dma_start3A_144 = arith.constant 0 : i32
    %dma_start3A_145 = arith.constant 0 : i32
    %dma_start3A_146 = tpu.memref_slice %arg4[%dma_start3A_144, %dma_start3A_145] : memref<10000x128xf32, #tpu.memory_space<hbm>> -> memref<10000x128xf32, #tpu.memory_space<hbm>>
    tpu.enqueue_indirect_dma source(%dma_start3A_146 : memref<10000x128xf32, #tpu.memory_space<hbm>>) target(%arg8 : memref<80x128xf32, #tpu.memory_space<vmem>>) offsets(%dma_start3A_143 : memref<80xi32, #tpu.memory_space<vmem>>) semaphore(%arg10 : memref<!tpu.dma_semaphore, #tpu.memory_space<semaphore_mem>>)
    %scan3A_147 = arith.constant 0 : i32
    %scan3A_148 = arith.constant 0 : i32
    %scan3A_149 = arith.constant 12 : i32
    %scan3A_150 = arith.addi %scan3A_148, %scan3A_149 : i32
    %scan3A_151 = arith.constant 1 : i32
    scf.for %scan3A_169 = %scan3A_148 to %scan3A_150 step %scan3A_151  : i32 {
      %mul3A_170 = arith.constant 2 : i32
      %mul3A_171 = arith.muli %scan3A_169, %mul3A_170 : i32
      %dma_wait3A_172 = arith.constant 0 : i32
      %dma_wait3A_173 = tpu.memref_slice %arg6[%mul3A_171, %dma_wait3A_172] : memref<25x80xi32, #tpu.memory_space<vmem>> -> memref<1x80xi32, #tpu.memory_space<vmem>>
      %dma_wait3A_174 = tpu.memref_squeeze %dma_wait3A_173 : memref<1x80xi32, #tpu.memory_space<vmem>> -> memref<80xi32, #tpu.memory_space<vmem>>
      %dma_wait3A_175 = arith.constant 0 : i32
      %dma_wait3A_176 = arith.constant 0 : i32
      %dma_wait3A_177 = tpu.memref_slice %arg4[%dma_wait3A_175, %dma_wait3A_176] : memref<10000x128xf32, #tpu.memory_space<hbm>> -> memref<10000x128xf32, #tpu.memory_space<hbm>>
      tpu.wait_indirect_dma semaphore(%arg10 : memref<!tpu.dma_semaphore, #tpu.memory_space<semaphore_mem>>) src(%dma_wait3A_177 : memref<10000x128xf32, #tpu.memory_space<hbm>>) dst(%arg8 : memref<80x128xf32, #tpu.memory_space<vmem>>)
      %gt3A = arith.constant 0 : i32
      %gt3A_178 = arith.cmpi sgt, %mul3A_171, %gt3A : i32
      %convert_element_type3A = arith.extui %gt3A_178 : i1 to i32
      %cond3A = arith.constant 0 : i32
      %cond3A_179 = arith.cmpi ne, %convert_element_type3A, %cond3A : i32
      scf.if %cond3A_179 {
        %dma_wait3A_224 = arith.constant 0 : i32
        %dma_wait3A_225 = tpu.memref_slice %arg7[%mul3A_171, %dma_wait3A_224] : memref<25x80xi32, #tpu.memory_space<vmem>> -> memref<1x80xi32, #tpu.memory_space<vmem>>
        %dma_wait3A_226 = tpu.memref_squeeze %dma_wait3A_225 : memref<1x80xi32, #tpu.memory_space<vmem>> -> memref<80xi32, #tpu.memory_space<vmem>>
        %dma_wait3A_227 = arith.constant 0 : i32
        %dma_wait3A_228 = arith.constant 0 : i32
        %dma_wait3A_229 = tpu.memref_slice %arg14[%dma_wait3A_227, %dma_wait3A_228] : memref<10240x128xf32, #tpu.memory_space<vmem_shared>> -> memref<10240x128xf32, #tpu.memory_space<vmem_shared>>
        tpu.wait_indirect_dma semaphore(%arg13 : memref<!tpu.dma_semaphore, #tpu.memory_space<semaphore_mem>>) src(%arg9 : memref<80x128xf32, #tpu.memory_space<vmem>>) dst(%dma_wait3A_229 : memref<10240x128xf32, #tpu.memory_space<vmem_shared>>)
      } else {
      }
      %add3A_180 = arith.constant 1 : i32
      %add3A_181 = arith.addi %mul3A_171, %add3A_180 : i32
      %dma_start3A_182 = arith.constant 0 : i32
      %dma_start3A_183 = tpu.memref_slice %arg6[%add3A_181, %dma_start3A_182] : memref<25x80xi32, #tpu.memory_space<vmem>> -> memref<1x80xi32, #tpu.memory_space<vmem>>
      %dma_start3A_184 = tpu.memref_squeeze %dma_start3A_183 : memref<1x80xi32, #tpu.memory_space<vmem>> -> memref<80xi32, #tpu.memory_space<vmem>>
      %dma_start3A_185 = arith.constant 0 : i32
      %dma_start3A_186 = arith.constant 0 : i32
      %dma_start3A_187 = tpu.memref_slice %arg4[%dma_start3A_185, %dma_start3A_186] : memref<10000x128xf32, #tpu.memory_space<hbm>> -> memref<10000x128xf32, #tpu.memory_space<hbm>>
      tpu.enqueue_indirect_dma source(%dma_start3A_187 : memref<10000x128xf32, #tpu.memory_space<hbm>>) target(%arg9 : memref<80x128xf32, #tpu.memory_space<vmem>>) offsets(%dma_start3A_184 : memref<80xi32, #tpu.memory_space<vmem>>) semaphore(%arg11 : memref<!tpu.dma_semaphore, #tpu.memory_space<semaphore_mem>>)
      %dma_start3A_188 = arith.constant 0 : i32
      %dma_start3A_189 = tpu.memref_slice %arg7[%mul3A_171, %dma_start3A_188] : memref<25x80xi32, #tpu.memory_space<vmem>> -> memref<1x80xi32, #tpu.memory_space<vmem>>
      %dma_start3A_190 = tpu.memref_squeeze %dma_start3A_189 : memref<1x80xi32, #tpu.memory_space<vmem>> -> memref<80xi32, #tpu.memory_space<vmem>>
      %dma_start3A_191 = arith.constant 0 : i32
      %dma_start3A_192 = arith.constant 0 : i32
      %dma_start3A_193 = tpu.memref_slice %arg14[%dma_start3A_191, %dma_start3A_192] : memref<10240x128xf32, #tpu.memory_space<vmem_shared>> -> memref<10240x128xf32, #tpu.memory_space<vmem_shared>>
      tpu.enqueue_indirect_dma source(%arg8 : memref<80x128xf32, #tpu.memory_space<vmem>>) target(%dma_start3A_193 : memref<10240x128xf32, #tpu.memory_space<vmem_shared>>) offsets(%dma_start3A_190 : memref<80xi32, #tpu.memory_space<vmem>>) semaphore(%arg12 : memref<!tpu.dma_semaphore, #tpu.memory_space<semaphore_mem>>) {add = true}
      %add3A_194 = arith.constant 1 : i32
      %add3A_195 = arith.addi %mul3A_171, %add3A_194 : i32
      %dma_wait3A_196 = arith.constant 0 : i32
      %dma_wait3A_197 = tpu.memref_slice %arg6[%add3A_195, %dma_wait3A_196] : memref<25x80xi32, #tpu.memory_space<vmem>> -> memref<1x80xi32, #tpu.memory_space<vmem>>
      %dma_wait3A_198 = tpu.memref_squeeze %dma_wait3A_197 : memref<1x80xi32, #tpu.memory_space<vmem>> -> memref<80xi32, #tpu.memory_space<vmem>>
      %dma_wait3A_199 = arith.constant 0 : i32
      %dma_wait3A_200 = arith.constant 0 : i32
      %dma_wait3A_201 = tpu.memref_slice %arg4[%dma_wait3A_199, %dma_wait3A_200] : memref<10000x128xf32, #tpu.memory_space<hbm>> -> memref<10000x128xf32, #tpu.memory_space<hbm>>
      tpu.wait_indirect_dma semaphore(%arg11 : memref<!tpu.dma_semaphore, #tpu.memory_space<semaphore_mem>>) src(%dma_wait3A_201 : memref<10000x128xf32, #tpu.memory_space<hbm>>) dst(%arg9 : memref<80x128xf32, #tpu.memory_space<vmem>>)
      %dma_wait3A_202 = arith.constant 0 : i32
      %dma_wait3A_203 = tpu.memref_slice %arg7[%mul3A_171, %dma_wait3A_202] : memref<25x80xi32, #tpu.memory_space<vmem>> -> memref<1x80xi32, #tpu.memory_space<vmem>>
      %dma_wait3A_204 = tpu.memref_squeeze %dma_wait3A_203 : memref<1x80xi32, #tpu.memory_space<vmem>> -> memref<80xi32, #tpu.memory_space<vmem>>
      %dma_wait3A_205 = arith.constant 0 : i32
      %dma_wait3A_206 = arith.constant 0 : i32
      %dma_wait3A_207 = tpu.memref_slice %arg14[%dma_wait3A_205, %dma_wait3A_206] : memref<10240x128xf32, #tpu.memory_space<vmem_shared>> -> memref<10240x128xf32, #tpu.memory_space<vmem_shared>>
      tpu.wait_indirect_dma semaphore(%arg12 : memref<!tpu.dma_semaphore, #tpu.memory_space<semaphore_mem>>) src(%arg8 : memref<80x128xf32, #tpu.memory_space<vmem>>) dst(%dma_wait3A_207 : memref<10240x128xf32, #tpu.memory_space<vmem_shared>>)
      %add3A_208 = arith.constant 2 : i32
      %add3A_209 = arith.addi %mul3A_171, %add3A_208 : i32
      %dma_start3A_210 = arith.constant 0 : i32
      %dma_start3A_211 = tpu.memref_slice %arg6[%add3A_209, %dma_start3A_210] : memref<25x80xi32, #tpu.memory_space<vmem>> -> memref<1x80xi32, #tpu.memory_space<vmem>>
      %dma_start3A_212 = tpu.memref_squeeze %dma_start3A_211 : memref<1x80xi32, #tpu.memory_space<vmem>> -> memref<80xi32, #tpu.memory_space<vmem>>
      %dma_start3A_213 = arith.constant 0 : i32
      %dma_start3A_214 = arith.constant 0 : i32
      %dma_start3A_215 = tpu.memref_slice %arg4[%dma_start3A_213, %dma_start3A_214] : memref<10000x128xf32, #tpu.memory_space<hbm>> -> memref<10000x128xf32, #tpu.memory_space<hbm>>
      tpu.enqueue_indirect_dma source(%dma_start3A_215 : memref<10000x128xf32, #tpu.memory_space<hbm>>) target(%arg8 : memref<80x128xf32, #tpu.memory_space<vmem>>) offsets(%dma_start3A_212 : memref<80xi32, #tpu.memory_space<vmem>>) semaphore(%arg10 : memref<!tpu.dma_semaphore, #tpu.memory_space<semaphore_mem>>)
      %add3A_216 = arith.constant 1 : i32
      %add3A_217 = arith.addi %mul3A_171, %add3A_216 : i32
      %dma_start3A_218 = arith.constant 0 : i32
      %dma_start3A_219 = tpu.memref_slice %arg7[%add3A_217, %dma_start3A_218] : memref<25x80xi32, #tpu.memory_space<vmem>> -> memref<1x80xi32, #tpu.memory_space<vmem>>
      %dma_start3A_220 = tpu.memref_squeeze %dma_start3A_219 : memref<1x80xi32, #tpu.memory_space<vmem>> -> memref<80xi32, #tpu.memory_space<vmem>>
      %dma_start3A_221 = arith.constant 0 : i32
      %dma_start3A_222 = arith.constant 0 : i32
      %dma_start3A_223 = tpu.memref_slice %arg14[%dma_start3A_221, %dma_start3A_222] : memref<10240x128xf32, #tpu.memory_space<vmem_shared>> -> memref<10240x128xf32, #tpu.memory_space<vmem_shared>>
      tpu.enqueue_indirect_dma source(%arg9 : memref<80x128xf32, #tpu.memory_space<vmem>>) target(%dma_start3A_223 : memref<10240x128xf32, #tpu.memory_space<vmem_shared>>) offsets(%dma_start3A_220 : memref<80xi32, #tpu.memory_space<vmem>>) semaphore(%arg13 : memref<!tpu.dma_semaphore, #tpu.memory_space<semaphore_mem>>) {add = true}
    }
    %scan3A_152 = arith.constant 12 : i32
    %dma_wait3A_153 = arith.constant 24 : i32
    %dma_wait3A_154 = arith.constant 0 : i32
    %dma_wait3A_155 = tpu.memref_slice %arg6[%dma_wait3A_153, %dma_wait3A_154] : memref<25x80xi32, #tpu.memory_space<vmem>> -> memref<1x80xi32, #tpu.memory_space<vmem>>
    %dma_wait3A_156 = tpu.memref_squeeze %dma_wait3A_155 : memref<1x80xi32, #tpu.memory_space<vmem>> -> memref<80xi32, #tpu.memory_space<vmem>>
    %dma_wait3A_157 = arith.constant 0 : i32
    %dma_wait3A_158 = arith.constant 0 : i32
    %dma_wait3A_159 = tpu.memref_slice %arg4[%dma_wait3A_157, %dma_wait3A_158] : memref<10000x128xf32, #tpu.memory_space<hbm>> -> memref<10000x128xf32, #tpu.memory_space<hbm>>
    tpu.wait_indirect_dma semaphore(%arg10 : memref<!tpu.dma_semaphore, #tpu.memory_space<semaphore_mem>>) src(%dma_wait3A_159 : memref<10000x128xf32, #tpu.memory_space<hbm>>) dst(%arg8 : memref<80x128xf32, #tpu.memory_space<vmem>>)
    %run_scoped3A_160 = arith.constant 24 : i32
    "tpu.region"() ({
      %run_scoped3A_169 = tpu.sem_alloc : memref<!tpu.dma_semaphore, #tpu.memory_space<semaphore_mem>>
      %dma_start3A_170 = arith.constant 0 : i32
      %dma_start3A_171 = tpu.memref_slice %arg7[%run_scoped3A_160, %dma_start3A_170] : memref<25x80xi32, #tpu.memory_space<vmem>> -> memref<1x80xi32, #tpu.memory_space<vmem>>
      %dma_start3A_172 = tpu.memref_squeeze %dma_start3A_171 : memref<1x80xi32, #tpu.memory_space<vmem>> -> memref<80xi32, #tpu.memory_space<vmem>>
      %dma_start3A_173 = arith.constant 0 : i32
      %dma_start3A_174 = arith.constant 0 : i32
      %dma_start3A_175 = tpu.memref_slice %arg14[%dma_start3A_173, %dma_start3A_174] : memref<10240x128xf32, #tpu.memory_space<vmem_shared>> -> memref<10240x128xf32, #tpu.memory_space<vmem_shared>>
      tpu.enqueue_indirect_dma source(%arg8 : memref<80x128xf32, #tpu.memory_space<vmem>>) target(%dma_start3A_175 : memref<10240x128xf32, #tpu.memory_space<vmem_shared>>) offsets(%dma_start3A_172 : memref<80xi32, #tpu.memory_space<vmem>>) semaphore(%run_scoped3A_169 : memref<!tpu.dma_semaphore, #tpu.memory_space<semaphore_mem>>) {add = true}
      %dma_wait3A_176 = arith.constant 0 : i32
      %dma_wait3A_177 = tpu.memref_slice %arg7[%run_scoped3A_160, %dma_wait3A_176] : memref<25x80xi32, #tpu.memory_space<vmem>> -> memref<1x80xi32, #tpu.memory_space<vmem>>
      %dma_wait3A_178 = tpu.memref_squeeze %dma_wait3A_177 : memref<1x80xi32, #tpu.memory_space<vmem>> -> memref<80xi32, #tpu.memory_space<vmem>>
      %dma_wait3A_179 = arith.constant 0 : i32
      %dma_wait3A_180 = arith.constant 0 : i32
      %dma_wait3A_181 = tpu.memref_slice %arg14[%dma_wait3A_179, %dma_wait3A_180] : memref<10240x128xf32, #tpu.memory_space<vmem_shared>> -> memref<10240x128xf32, #tpu.memory_space<vmem_shared>>
      tpu.wait_indirect_dma semaphore(%run_scoped3A_169 : memref<!tpu.dma_semaphore, #tpu.memory_space<semaphore_mem>>) src(%arg8 : memref<80x128xf32, #tpu.memory_space<vmem>>) dst(%dma_wait3A_181 : memref<10240x128xf32, #tpu.memory_space<vmem_shared>>)
      tpu.yield
    }) : () -> ()
    %dma_wait3A_161 = arith.constant 23 : i32
    %dma_wait3A_162 = arith.constant 0 : i32
    %dma_wait3A_163 = tpu.memref_slice %arg7[%dma_wait3A_161, %dma_wait3A_162] : memref<25x80xi32, #tpu.memory_space<vmem>> -> memref<1x80xi32, #tpu.memory_space<vmem>>
    %dma_wait3A_164 = tpu.memref_squeeze %dma_wait3A_163 : memref<1x80xi32, #tpu.memory_space<vmem>> -> memref<80xi32, #tpu.memory_space<vmem>>
    %dma_wait3A_165 = arith.constant 0 : i32
    %dma_wait3A_166 = arith.constant 0 : i32
    %dma_wait3A_167 = tpu.memref_slice %arg14[%dma_wait3A_165, %dma_wait3A_166] : memref<10240x128xf32, #tpu.memory_space<vmem_shared>> -> memref<10240x128xf32, #tpu.memory_space<vmem_shared>>
    tpu.wait_indirect_dma semaphore(%arg13 : memref<!tpu.dma_semaphore, #tpu.memory_space<semaphore_mem>>) src(%arg9 : memref<80x128xf32, #tpu.memory_space<vmem>>) dst(%dma_wait3A_167 : memref<10240x128xf32, #tpu.memory_space<vmem_shared>>)
    %barrier3A_168 = arith.constant 0 : index
    tpu.barrier barrier_id(%barrier3A_168)
    "tpu.region"() ({
      %run_scoped3A_169 = tpu.sem_alloc : memref<!tpu.dma_semaphore, #tpu.memory_space<semaphore_mem>>
      %dma_start3A_170 = arith.constant 0 : i32
      %dma_start3A_171 = tpu.memref_slice %arg5[%arg0, %mul3A_0, %dma_start3A_170] : memref<2x10240x128xf32, #tpu.memory_space<hbm>> -> memref<1x640x128xf32, #tpu.memory_space<hbm>>
      %dma_start3A_172 = tpu.memref_squeeze %dma_start3A_171 : memref<1x640x128xf32, #tpu.memory_space<hbm>> -> memref<640x128xf32, #tpu.memory_space<hbm>>
      %dma_start3A_173 = arith.constant 0 : i32
      %dma_start3A_174 = tpu.memref_slice %arg14[%mul3A_0, %dma_start3A_173] : memref<10240x128xf32, #tpu.memory_space<vmem_shared>> -> memref<640x128xf32, #tpu.memory_space<vmem_shared>>
      tpu.enqueue_dma source(%dma_start3A_174 : memref<640x128xf32, #tpu.memory_space<vmem_shared>>) target(%dma_start3A_172 : memref<640x128xf32, #tpu.memory_space<hbm>>) target_semaphore(%run_scoped3A_169 : memref<!tpu.dma_semaphore, #tpu.memory_space<semaphore_mem>>)
      %dma_wait3A_175 = arith.constant 0 : i32
      %dma_wait3A_176 = tpu.memref_slice %arg5[%arg0, %mul3A_0, %dma_wait3A_175] : memref<2x10240x128xf32, #tpu.memory_space<hbm>> -> memref<1x640x128xf32, #tpu.memory_space<hbm>>
      %dma_wait3A_177 = tpu.memref_squeeze %dma_wait3A_176 : memref<1x640x128xf32, #tpu.memory_space<hbm>> -> memref<640x128xf32, #tpu.memory_space<hbm>>
      %dma_wait3A_178 = arith.constant 0 : i32
      %dma_wait3A_179 = tpu.memref_slice %arg14[%mul3A_0, %dma_wait3A_178] : memref<10240x128xf32, #tpu.memory_space<vmem_shared>> -> memref<640x128xf32, #tpu.memory_space<vmem_shared>>
      tpu.wait_dma2 semaphore(%run_scoped3A_169 : memref<!tpu.dma_semaphore, #tpu.memory_space<semaphore_mem>>) src(%dma_wait3A_179 : memref<640x128xf32, #tpu.memory_space<vmem_shared>>) dst(%dma_wait3A_177 : memref<640x128xf32, #tpu.memory_space<hbm>>)
      tpu.yield
    }) : () -> ()
    return
  }
}

module attributes {stable_mosaic.version = 14 : i64} {
  func.func @_self_body(%arg0: i32, %arg1: memref<2000x128xf32, #tpu.memory_space<vmem>>, %arg2: memref<128x128xf32, #tpu.memory_space<vmem>>, %arg3: memref<1x128xf32, #tpu.memory_space<vmem>>, %arg4: memref<2000x128xf32, #tpu.memory_space<vmem>>) attributes {dimension_semantics = [#tpu.dimension_semantics<arbitrary>], iteration_bounds = array<i64: 5>, scalar_prefetch = 0 : i64, scratch_operands = 0 : i64, tpu.core_type = #tpu.core_type<tc>, window_params = [{transform_indices = @transform_0, window_bounds = array<i64: 2000, 128>}, {pipeline_mode = #tpu.pipeline_mode<synchronous>, transform_indices = @transform_1, window_bounds = array<i64: 128, 128>}, {pipeline_mode = #tpu.pipeline_mode<synchronous>, transform_indices = @transform_2, window_bounds = array<i64: 1, 128>}, {transform_indices = @transform_3, window_bounds = array<i64: 2000, 128>}]} {
    %get3A = arith.constant 0 : index
    %get3A_0 = arith.constant 0 : index
    %get3A_1 = vector.load %arg1[%get3A, %get3A_0] : memref<2000x128xf32, #tpu.memory_space<vmem>>, vector<2000x128xf32>
    %get3A_2 = arith.constant 0 : index
    %get3A_3 = arith.constant 0 : index
    %get3A_4 = vector.load %arg2[%get3A_2, %get3A_3] : memref<128x128xf32, #tpu.memory_space<vmem>>, vector<128x128xf32>
    %dot_general3A = arith.constant dense<0.000000e+00> : vector<2000x128xf32>
    %dot_general3A_5 = tpu.matmul %get3A_1, %get3A_4, %dot_general3A {dimension_numbers = #tpu.dot_dimension_numbers<[1], [1], [0], [0], [0, 0, 1, 0], [], []>, transpose_lhs_hint = false} : vector<2000x128xf32>, vector<128x128xf32>, vector<2000x128xf32> -> vector<2000x128xf32>
    %get3A_6 = arith.constant 0 : index
    %get3A_7 = arith.constant 0 : index
    %get3A_8 = vector.load %arg3[%get3A_6, %get3A_7] : memref<1x128xf32, #tpu.memory_space<vmem>>, vector<1x128xf32>
    %add3A = vector.broadcast %get3A_8 : vector<1x128xf32> to vector<2000x128xf32>
    %add3A_9 = arith.addf %dot_general3A_5, %add3A : vector<2000x128xf32>
    %swap3A = arith.constant 0 : index
    %swap3A_10 = arith.constant 0 : index
    %swap3A_11 = vector.load %arg4[%swap3A, %swap3A_10] : memref<2000x128xf32, #tpu.memory_space<vmem>>, vector<2000x128xf32>
    tpu.vector_store %arg4[%swap3A, %swap3A_10], %add3A_9 {strides = array<i32>} : memref<2000x128xf32, #tpu.memory_space<vmem>>, vector<2000x128xf32>,
    return
  }
  func.func @transform_0(%arg0: i32) -> (i32, i32) {
    %c0_i32 = arith.constant 0 : i32
    %c0_i32_0 = arith.constant 0 : i32
    return %arg0, %c0_i32 : i32, i32
  }
  func.func @transform_1(%arg0: i32) -> (i32, i32) {
    %c0_i32 = arith.constant 0 : i32
    %c0_i32_0 = arith.constant 0 : i32
    %c0_i32_1 = arith.constant 0 : i32
    return %c0_i32, %c0_i32_0 : i32, i32
  }
  func.func @transform_2(%arg0: i32) -> (i32, i32) {
    %c0_i32 = arith.constant 0 : i32
    %c0_i32_0 = arith.constant 0 : i32
    %c0_i32_1 = arith.constant 0 : i32
    return %c0_i32, %c0_i32_0 : i32, i32
  }
  func.func @transform_3(%arg0: i32) -> (i32, i32) {
    %c0_i32 = arith.constant 0 : i32
    %c0_i32_0 = arith.constant 0 : i32
    return %arg0, %c0_i32 : i32, i32
  }
}

module attributes {stable_mosaic.version = 14 : i64} {
  func.func @_mix_body(%arg0: i32, %arg1: memref<2000x128xf32, #tpu.memory_space<vmem>>, %arg2: memref<2000x128xf32, #tpu.memory_space<vmem>>, %arg3: memref<2000x128xf32, #tpu.memory_space<vmem>>, %arg4: memref<2000x128xf32, #tpu.memory_space<vmem>>, %arg5: memref<2000x128xf32, #tpu.memory_space<vmem>>, %arg6: memref<128x128xf32, #tpu.memory_space<vmem>>, %arg7: memref<2000x128xf32, #tpu.memory_space<vmem>>) attributes {dimension_semantics = [#tpu.dimension_semantics<arbitrary>], iteration_bounds = array<i64: 5>, scalar_prefetch = 0 : i64, scratch_operands = 0 : i64, tpu.core_type = #tpu.core_type<tc>, window_params = [{transform_indices = @transform_0, window_bounds = array<i64: 2000, 128>}, {transform_indices = @transform_1, window_bounds = array<i64: 2000, 128>}, {transform_indices = @transform_2, window_bounds = array<i64: 2000, 128>}, {transform_indices = @transform_3, window_bounds = array<i64: 2000, 128>}, {transform_indices = @transform_4, window_bounds = array<i64: 2000, 128>}, {pipeline_mode = #tpu.pipeline_mode<synchronous>, transform_indices = @transform_5, window_bounds = array<i64: 128, 128>}, {transform_indices = @transform_6, window_bounds = array<i64: 2000, 128>}]} {
    %get3A = arith.constant 0 : index
    %get3A_0 = arith.constant 0 : index
    %get3A_1 = vector.load %arg3[%get3A, %get3A_0] : memref<2000x128xf32, #tpu.memory_space<vmem>>, vector<2000x128xf32>
    %get3A_2 = arith.constant 0 : index
    %get3A_3 = arith.constant 0 : index
    %get3A_4 = vector.load %arg4[%get3A_2, %get3A_3] : memref<2000x128xf32, #tpu.memory_space<vmem>>, vector<2000x128xf32>
    %add3A = arith.addf %get3A_1, %get3A_4 : vector<2000x128xf32>
    %max3A = arith.constant 1.000000e+00 : f32
    %max3A_5 = vector.broadcast %max3A : f32 to vector<2000x128xf32>
    %max3A_6 = arith.maximumf %add3A, %max3A_5 : vector<2000x128xf32>
    %get3A_7 = arith.constant 0 : index
    %get3A_8 = arith.constant 0 : index
    %get3A_9 = vector.load %arg1[%get3A_7, %get3A_8] : memref<2000x128xf32, #tpu.memory_space<vmem>>, vector<2000x128xf32>
    %get3A_10 = arith.constant 0 : index
    %get3A_11 = arith.constant 0 : index
    %get3A_12 = vector.load %arg2[%get3A_10, %get3A_11] : memref<2000x128xf32, #tpu.memory_space<vmem>>, vector<2000x128xf32>
    %add3A_13 = arith.addf %get3A_9, %get3A_12 : vector<2000x128xf32>
    %div3A = arith.divf %add3A_13, %max3A_6 : vector<2000x128xf32>
    %get3A_14 = arith.constant 0 : index
    %get3A_15 = arith.constant 0 : index
    %get3A_16 = vector.load %arg6[%get3A_14, %get3A_15] : memref<128x128xf32, #tpu.memory_space<vmem>>, vector<128x128xf32>
    %dot_general3A = arith.constant dense<0.000000e+00> : vector<2000x128xf32>
    %dot_general3A_17 = tpu.matmul %div3A, %get3A_16, %dot_general3A {dimension_numbers = #tpu.dot_dimension_numbers<[1], [1], [0], [0], [0, 0, 1, 0], [], []>, transpose_lhs_hint = false} : vector<2000x128xf32>, vector<128x128xf32>, vector<2000x128xf32> -> vector<2000x128xf32>
    %get3A_18 = arith.constant 0 : index
    %get3A_19 = arith.constant 0 : index
    %get3A_20 = vector.load %arg5[%get3A_18, %get3A_19] : memref<2000x128xf32, #tpu.memory_space<vmem>>, vector<2000x128xf32>
    %add3A_21 = arith.addf %dot_general3A_17, %get3A_20 : vector<2000x128xf32>
    %max3A_22 = arith.constant 0.000000e+00 : f32
    %max3A_23 = vector.broadcast %max3A_22 : f32 to vector<2000x128xf32>
    %max3A_24 = arith.maximumf %add3A_21, %max3A_23 : vector<2000x128xf32>
    %swap3A = arith.constant 0 : index
    %swap3A_25 = arith.constant 0 : index
    %swap3A_26 = vector.load %arg7[%swap3A, %swap3A_25] : memref<2000x128xf32, #tpu.memory_space<vmem>>, vector<2000x128xf32>
    tpu.vector_store %arg7[%swap3A, %swap3A_25], %max3A_24 {strides = array<i32>} : memref<2000x128xf32, #tpu.memory_space<vmem>>, vector<2000x128xf32>,
    return
  }
  func.func @transform_0(%arg0: i32) -> (i32, i32) {
    %c0_i32 = arith.constant 0 : i32
    %c0_i32_0 = arith.constant 0 : i32
    return %arg0, %c0_i32 : i32, i32
  }
  func.func @transform_1(%arg0: i32) -> (i32, i32) {
    %c0_i32 = arith.constant 0 : i32
    %c0_i32_0 = arith.constant 0 : i32
    return %arg0, %c0_i32 : i32, i32
  }
  func.func @transform_2(%arg0: i32) -> (i32, i32) {
    %c0_i32 = arith.constant 0 : i32
    %c0_i32_0 = arith.constant 0 : i32
    return %arg0, %c0_i32 : i32, i32
  }
  func.func @transform_3(%arg0: i32) -> (i32, i32) {
    %c0_i32 = arith.constant 0 : i32
    %c0_i32_0 = arith.constant 0 : i32
    return %arg0, %c0_i32 : i32, i32
  }
  func.func @transform_4(%arg0: i32) -> (i32, i32) {
    %c0_i32 = arith.constant 0 : i32
    %c0_i32_0 = arith.constant 0 : i32
    return %arg0, %c0_i32 : i32, i32
  }
  func.func @transform_5(%arg0: i32) -> (i32, i32) {
    %c0_i32 = arith.constant 0 : i32
    %c0_i32_0 = arith.constant 0 : i32
    %c0_i32_1 = arith.constant 0 : i32
    return %c0_i32, %c0_i32_0 : i32, i32
  }
  func.func @transform_6(%arg0: i32) -> (i32, i32) {
    %c0_i32 = arith.constant 0 : i32
    %c0_i32_0 = arith.constant 0 : i32
    return %arg0, %c0_i32 : i32, i32
  }
}

module attributes {stable_mosaic.version = 14 : i64} {
  func.func @_mix_body(%arg0: i32, %arg1: memref<2000x128xf32, #tpu.memory_space<vmem>>, %arg2: memref<2000x128xf32, #tpu.memory_space<vmem>>, %arg3: memref<2000x128xf32, #tpu.memory_space<vmem>>, %arg4: memref<2000x128xf32, #tpu.memory_space<vmem>>, %arg5: memref<2000x128xf32, #tpu.memory_space<vmem>>, %arg6: memref<128x128xf32, #tpu.memory_space<vmem>>, %arg7: memref<2000x128xf32, #tpu.memory_space<vmem>>) attributes {dimension_semantics = [#tpu.dimension_semantics<arbitrary>], iteration_bounds = array<i64: 5>, scalar_prefetch = 0 : i64, scratch_operands = 0 : i64, tpu.core_type = #tpu.core_type<tc>, window_params = [{transform_indices = @transform_0, window_bounds = array<i64: 2000, 128>}, {transform_indices = @transform_1, window_bounds = array<i64: 2000, 128>}, {transform_indices = @transform_2, window_bounds = array<i64: 2000, 128>}, {transform_indices = @transform_3, window_bounds = array<i64: 2000, 128>}, {transform_indices = @transform_4, window_bounds = array<i64: 2000, 128>}, {pipeline_mode = #tpu.pipeline_mode<synchronous>, transform_indices = @transform_5, window_bounds = array<i64: 128, 128>}, {transform_indices = @transform_6, window_bounds = array<i64: 2000, 128>}]} {
    %get3A = arith.constant 0 : index
    %get3A_0 = arith.constant 0 : index
    %get3A_1 = vector.load %arg3[%get3A, %get3A_0] : memref<2000x128xf32, #tpu.memory_space<vmem>>, vector<2000x128xf32>
    %get3A_2 = arith.constant 0 : index
    %get3A_3 = arith.constant 0 : index
    %get3A_4 = vector.load %arg4[%get3A_2, %get3A_3] : memref<2000x128xf32, #tpu.memory_space<vmem>>, vector<2000x128xf32>
    %add3A = arith.addf %get3A_1, %get3A_4 : vector<2000x128xf32>
    %max3A = arith.constant 1.000000e+00 : f32
    %max3A_5 = vector.broadcast %max3A : f32 to vector<2000x128xf32>
    %max3A_6 = arith.maximumf %add3A, %max3A_5 : vector<2000x128xf32>
    %get3A_7 = arith.constant 0 : index
    %get3A_8 = arith.constant 0 : index
    %get3A_9 = vector.load %arg1[%get3A_7, %get3A_8] : memref<2000x128xf32, #tpu.memory_space<vmem>>, vector<2000x128xf32>
    %get3A_10 = arith.constant 0 : index
    %get3A_11 = arith.constant 0 : index
    %get3A_12 = vector.load %arg2[%get3A_10, %get3A_11] : memref<2000x128xf32, #tpu.memory_space<vmem>>, vector<2000x128xf32>
    %add3A_13 = arith.addf %get3A_9, %get3A_12 : vector<2000x128xf32>
    %div3A = arith.divf %add3A_13, %max3A_6 : vector<2000x128xf32>
    %get3A_14 = arith.constant 0 : index
    %get3A_15 = arith.constant 0 : index
    %get3A_16 = vector.load %arg6[%get3A_14, %get3A_15] : memref<128x128xf32, #tpu.memory_space<vmem>>, vector<128x128xf32>
    %dot_general3A = arith.constant dense<0.000000e+00> : vector<2000x128xf32>
    %dot_general3A_17 = tpu.matmul %div3A, %get3A_16, %dot_general3A {dimension_numbers = #tpu.dot_dimension_numbers<[1], [1], [0], [0], [0, 0, 1, 0], [], []>, transpose_lhs_hint = false} : vector<2000x128xf32>, vector<128x128xf32>, vector<2000x128xf32> -> vector<2000x128xf32>
    %get3A_18 = arith.constant 0 : index
    %get3A_19 = arith.constant 0 : index
    %get3A_20 = vector.load %arg5[%get3A_18, %get3A_19] : memref<2000x128xf32, #tpu.memory_space<vmem>>, vector<2000x128xf32>
    %add3A_21 = arith.addf %dot_general3A_17, %get3A_20 : vector<2000x128xf32>
    %swap3A = arith.constant 0 : index
    %swap3A_22 = arith.constant 0 : index
    %swap3A_23 = vector.load %arg7[%swap3A, %swap3A_22] : memref<2000x128xf32, #tpu.memory_space<vmem>>, vector<2000x128xf32>
    tpu.vector_store %arg7[%swap3A, %swap3A_22], %add3A_21 {strides = array<i32>} : memref<2000x128xf32, #tpu.memory_space<vmem>>, vector<2000x128xf32>,
    return
  }
  func.func @transform_0(%arg0: i32) -> (i32, i32) {
    %c0_i32 = arith.constant 0 : i32
    %c0_i32_0 = arith.constant 0 : i32
    return %arg0, %c0_i32 : i32, i32
  }
  func.func @transform_1(%arg0: i32) -> (i32, i32) {
    %c0_i32 = arith.constant 0 : i32
    %c0_i32_0 = arith.constant 0 : i32
    return %arg0, %c0_i32 : i32, i32
  }
  func.func @transform_2(%arg0: i32) -> (i32, i32) {
    %c0_i32 = arith.constant 0 : i32
    %c0_i32_0 = arith.constant 0 : i32
    return %arg0, %c0_i32 : i32, i32
  }
  func.func @transform_3(%arg0: i32) -> (i32, i32) {
    %c0_i32 = arith.constant 0 : i32
    %c0_i32_0 = arith.constant 0 : i32
    return %arg0, %c0_i32 : i32, i32
  }
  func.func @transform_4(%arg0: i32) -> (i32, i32) {
    %c0_i32 = arith.constant 0 : i32
    %c0_i32_0 = arith.constant 0 : i32
    return %arg0, %c0_i32 : i32, i32
  }
  func.func @transform_5(%arg0: i32) -> (i32, i32) {
    %c0_i32 = arith.constant 0 : i32
    %c0_i32_0 = arith.constant 0 : i32
    %c0_i32_1 = arith.constant 0 : i32
    return %c0_i32, %c0_i32_0 : i32, i32
  }
  func.func @transform_6(%arg0: i32) -> (i32, i32) {
    %c0_i32 = arith.constant 0 : i32
    %c0_i32_0 = arith.constant 0 : i32
    return %arg0, %c0_i32 : i32, i32
  }
}

</mosaic_0001>

<sc_bundles>
// kernel: kernel.11.cloned.1.call-start
scs
__scs_entry_jumppad:
0x0: {  	(pc) =	sbr.rel $0x88, $3  }
0x1: {  	(tag) =	ssettag $0x0;
	lr =	simm.s32 $0x1  }
0x2: {  	[smem:$0x3F99] =	sst lr;
	_ =	strace $0xD0000000  }
0x3: {  	_ = 	snop  }
0x4: {  	_ = 	snop  }
0x5: {  	_ = 	snop  }
0x6: {  	_ = 	snop  }
0x7: {  	_ = 	snop  }
__scs_overlays_trampoline_lowered:
0x8: {  	[smem:$0x3FA8] =	sst s0  }
0x9: {  	[smem:$0x3FA9] =	sst s1  }
0xa: {  	[smem:$0x3FAA] =	sst s2  }
0xb: {  	[smem:$0x3FAB] =	sst s3  }
0xc: {  	[smem:$0x3FAC] =	sst s4  }
0xd: {  	[smem:$0x3FAD] =	sst s5  }
0xe: {  	[smem:$0x3FAE] =	sst s6  }
0xf: {  	[smem:$0x3FAF] =	sst s7  }
0x10: {  	[smem:$0x3FB0] =	sst s8  }
0x11: {  	[smem:$0x3FB1] =	sst s9;
	s0 =	simm.s32 @!p0 $0x0  }
0x12: {  	s1 =	sld [smem:$0x3F97];
	s0 =	simm.s32 @p0 $0x1  }
0x13: {  	[smem:$0x3FB2] =	sst s0;
	s0 =	simm.s32 @!p1 $0x0  }
0x14: {  	s2 =	sld [smem:$0x3F96];
	s0 =	simm.s32 @p1 $0x1  }
0x15: {  	[smem:$0x3FB3] =	sst s0;
	s0 =	simm.s32 @!p2 $0x0  }
0x16: {  	s3 =	sld [smem:$0x3FDB];
	s0 =	simm.s32 @p2 $0x1  }
0x17: {  	s4 =	simm.s32 $0x1BF5;
	[smem:$0x3FB5] =	sst s0  }
0x18: {  	s0 =	sld [smem:$0x3F98];
	_ =	swait.ge [sflag:s4], $0x0  }
0x19: {  	s7 =	sld [smem:$0x3F99]  }
0x1a: {  	s8 =	sadd.s32 $0xFFFFE003, lr  }
0x1b: {  	s9 =	sadd.s32 $0xFFFFFEF7, lr;
	s5 =	simm.s32 $0xFFFFFFFF;
	p2 =	slt.u32 s8, $0xFFFFF086  }
0x1c: {  	p1 =	slt.u32 s9, $0xF7A;
	s5 =	simm.s32 @!p2 $0x0  }
0x1d: {  	s5 =	simm.s32 @p1 $0x1;
	p0 =	seq.s32 s7, s2  }
0x1e: {  	s7 =	smul.u32 @!p0 $0xF7A, s2;
	p2 =	seq.s32 @!p0 s5, $0x0  }
0x1f: {  	s9 =	smul.u32 $0xF7A, s1;
	s8 =	simm.s32 @!p0 $0x1BF5;
	p2 =	por !p2, p0  }
0x20: {  	[sflag:s8] =	ssyncset.s32 @!p0 $0xFFFFF086;
	s6 =	sadd.s32 @!p0 s3, s7;
	s7 =	simm.s32 @!p0 $0x108  }
0x21: {  	s3 =	sadd.s32 s3, s9;
	s6 =	sadd.s32 @!p0 $0x88, s6;
	s7 =	simm.s32 @p2 $0x1082  }
0x22: {  	[simem:s7], [sflag:s8] =	dma.local @!p0 [hbm:s6], $0xF7A  }
0x23: {  	s9 =	sor.u32 $0xD0000000, s2;
	s6 =	simm.s32 $0x108;
	_ =	swait.ge @!p0 [sflag:s8], $0x0  }
0x24: {  	s3 =	sadd.s32 $0x88, s3;
	s6 =	simm.s32 @!p1 $0x1082;
	[sflag:s4] =	ssyncset.s32 $0xFFFFF086  }
0x25: {  	[simem:s6], [sflag:s4] =	dma.local [hbm:s3], $0xF7A  }
0x26: {  	[smem:$0x3F99] =	sst s1;
	(tag) =	ssettag s2;
	_ =	strace s9  }
0x27: {  	s1 =	sld [smem:$0x3FA9]  }
0x28: {  	s2 =	sld [smem:$0x3FAA]  }
0x29: {  	s4 =	sld [smem:$0x3FAC]  }
0x2a: {  	p0 =	seq.s32 s5, $0x0;
	s5 =	sld [smem:$0x3FAD]  }
0x2b: {  	s6 =	sld [smem:$0x3FAE]  }
0x2c: {  	s7 =	sld [smem:$0x3FAF]  }
0x2d: {  	s3 =	simm.s32 $0x108;
	s8 =	sld [smem:$0x3FB0]  }
0x2e: {  	s3 =	simm.s32 @!p0 $0x1082;
	s9 =	sld [smem:$0x3FB1]  }
0x2f: {  	lr =	sadd.s32 s0, s3;
	s0 =	sld [smem:$0x3FA8]  }
0x30: {  	s3 =	sld [smem:$0x3FAB]  }
0x31: {  	[smem:$0x3FB4] =	sst s10  }
0x32: {  	s10 =	sld [smem:$0x3FB2];
	_ =	sdelay $0x3  }
0x33: {  	p0 =	seq.s32 s10, $0x1;
	s10 =	sld [smem:$0x3FB4];
	_ =	sdelay $0x3  }
0x34: {  	[smem:$0x3FB4] =	sst s10  }
0x35: {  	s10 =	sld [smem:$0x3FB3];
	_ =	sdelay $0x3  }
0x36: {  	p1 =	seq.s32 s10, $0x1;
	s10 =	sld [smem:$0x3FB4];
	_ =	sdelay $0x3  }
0x37: {  	[smem:$0x3FB4] =	sst s10  }
0x38: {  	s10 =	sld [smem:$0x3FB5]  }
0x39: {  	_ = 	snop;
	(pc) =	sbr.ind lr, $3  }
0x3a: {  	_ = 	snop  }
0x3b: {  	_ = 	snop  }
0x3c: {  	p2 =	seq.s32 s10, $0x1;
	s10 =	sld [smem:$0x3FB4]  }
0x3d: {  	_ =	shalt  }
0x3e: {  	_ =	shalt  }
0x3f: {  	_ =	shalt  }
0x40: {  	_ =	shalt  }
0x41: {  	_ =	shalt  }
0x42: {  	_ =	shalt  }
0x43: {  	_ =	shalt  }
0x44: {  	_ =	shalt  }
0x45: {  	_ =	shalt  }
0x46: {  	_ =	shalt  }
0x47: {  	_ =	shalt  }
0x48: {  	_ =	shalt  }
0x49: {  	_ =	shalt  }
0x4a: {  	_ =	shalt  }
0x4b: {  	_ =	shalt  }
0x4c: {  	_ =	shalt  }
0x4d: {  	_ =	shalt  }
0x4e: {  	_ =	shalt  }
0x4f: {  	_ =	shalt  }
0x50: {  	_ =	shalt  }
0x51: {  	_ =	shalt  }
0x52: {  	_ =	shalt  }
0x53: {  	_ =	shalt  }
0x54: {  	_ =	shalt  }
0x55: {  	_ =	shalt  }
0x56: {  	_ =	shalt  }
0x57: {  	_ =	shalt  }
0x58: {  	_ =	shalt  }
0x59: {  	_ =	shalt  }
0x5a: {  	_ =	shalt  }
0x5b: {  	_ =	shalt  }
0x5c: {  	_ =	shalt  }
0x5d: {  	_ =	shalt  }
0x5e: {  	_ =	shalt  }
0x5f: {  	_ =	shalt  }
0x60: {  	_ =	shalt  }
0x61: {  	_ =	shalt  }
0x62: {  	_ =	shalt  }
0x63: {  	_ =	shalt  }
0x64: {  	_ =	shalt  }
0x65: {  	_ =	shalt  }
0x66: {  	_ =	shalt  }
0x67: {  	_ =	shalt  }
0x68: {  	_ =	shalt  }
0x69: {  	_ =	shalt  }
0x6a: {  	_ =	shalt  }
0x6b: {  	_ =	shalt  }
0x6c: {  	_ =	shalt  }
0x6d: {  	_ =	shalt  }
0x6e: {  	_ =	shalt  }
0x6f: {  	_ =	shalt  }
0x70: {  	_ =	shalt  }
0x71: {  	_ =	shalt  }
0x72: {  	_ =	shalt  }
0x73: {  	_ =	shalt  }
0x74: {  	_ =	shalt  }
0x75: {  	_ =	shalt  }
0x76: {  	_ =	shalt  }
0x77: {  	_ =	shalt  }
0x78: {  	_ =	shalt  }
0x79: {  	_ =	shalt  }
0x7a: {  	_ =	shalt  }
0x7b: {  	_ =	shalt  }
0x7c: {  	_ =	shalt  }
0x7d: {  	_ =	shalt  }
0x7e: {  	_ =	shalt  }
0x7f: {  	_ =	shalt  }
0x80: {  	_ =	shalt  }
0x81: {  	_ =	shalt  }
0x82: {  	_ =	shalt  }
0x83: {  	_ =	shalt  }
0x84: {  	_ =	shalt  }
0x85: {  	_ =	shalt  }
0x86: {  	_ =	shalt  }
0x87: {  	_ =	shalt  }
.Lfunc_end0:
.L_simem_size_0:
called_computation.1_lowered:
.L_overlay_start_0:
0x88: {  	s2 =	sld [smem:$0x3FD9]  }
0x89: {  	s3 =	sld [smem:$0x3FFE];
	_ =	sdelay $0x1  }
0x8a: {  	s1 =	srdreg.scid  }
0x8b: {  	s0 =	sand.u32 $0x1, s1  }
0x8c: {  	s17 =	sshll.u32 s0, $0xA;
	s2 =	sadd.s32 s3, s2  }
0x8d: {  	s2 =	sadd.s32 s2, s17  }
0x8e: {  	[smem:$0x3FC0] =	sst s2  }
0x8f: {  	_ = 	snop  }
0x90: {  	s2 =	sld [smem:$0x3FD0];
	(tm) =	ssettm $0x1  }
0x91: {  	s18 =	sld [smem:$0x3FFB];
	_ =	sdelay $0x3  }
0x92: {  	_ =	strace s18  }
0x93: {  	s3 =	sld [smem:$0x3FFC];
	_ =	sdelay $0x3  }
0x94: {  	_ =	strace s3  }
0x95: {  	s3 =	sld [smem:$0x3FFD];
	_ =	sdelay $0x3  }
0x96: {  	_ =	strace s3  }
0x97: {  	_ =	strace $0x8FFFFFFF  }
0x98: {  	s19 =	sld [smem:$0x3FDB];
	_ =	sdelay $0x1  }
0x99: {  	s4 =	simm.s32 $_scs_section_size  }
0x9a: {  	s5 =	simm.s32 $_size__tile_overlayer_lowered;
	s6 =	simm.s32 $_tile_overlayer_lowered  }
0x9b: {  	s22 =	simm.s32 $0x1BFF;
	s21 =	sshll.u32 s6, $0x1;
	s3 =	sadd.s32 s4, s19  }
0x9c: {  	s7 =	simm.s32 $0x0;
	s20 =	sshll.u32 s5, $0x1;
	s5 =	sadd.s32 s21, s3  }
0x9d: {  	[timem:s7], [sflag:s22] =	dma.local [hbm:s5], s20  }
0x9e: {  	_ =	swait.ge [sflag:s22], s20  }
0x9f: {  	s4 =	ssub.s32 $0x0, s20;
	[sflag:s22] =	ssyncset.done $0x0  }
0xa0: {  	[sflag:s22] =	ssyncadd.s32 s4;
	_ =	sdelay $0x1  }
0xa1: {  	s23 =	simm.s32 $0x1B8B  }
0xa2: {  	_ =	swait.ge [sflag:s23], $0x1  }
0xa3: {  	[sflag:s23] =	ssyncset.done $0x0  }
0xa4: {  	s25 =	simm.s32 $0x1B8E;
	s24 =	sld [smem:$0x3FFE];
	[sflag:s23] =	ssyncadd.s32 $0xFFFFFFFF  }
0xa5: {  	s26 =	simm.s32 $execute0_lowered;
	[smem:$0x3FD2] =	sst s25  }
0xa6: {  	s5 =	sshll.u32 s26, $0x1;
	_ =	strace $0x80000049;
	[dreg:$0x1] =	wrdreg $0xFFFFFFFF  }
0xa7: {  	s28 =	simm.s32 $_size_execute0_lowered;
	s3 =	sadd.s32 s3, s5;
	[dreg:$0x0] =	wrdreg $0x0  }
0xa8: {  	s5 =	sshll.u32 s28, $0x1;
	[dreg:$0x2] =	wrdreg s3  }
0xa9: {  	[dreg:$0x3] =	wrdreg s5  }
0xaa: {  	[dreg:$0x4] =	wrdreg $0xC0  }
0xab: {  	_ =	task [dreg:s7], $0x5FFFF  }
0xac: {  	[dreg:$0x1] =	wrdreg $0xFFFFFFFF  }
0xad: {  	[dreg:$0x0] =	wrdreg $0x60  }
0xae: {  	[dreg:$0x2] =	wrdreg s24  }
0xaf: {  	[dreg:$0x3] =	wrdreg s2  }
0xb0: {  	[dreg:$0x4] =	wrdreg $0x70000  }
0xb1: {  	[dreg:$0x5] =	wrdreg $0x9  }
0xb2: {  	_ =	task.clear_ibuf [dreg:s7], $0x6FFFF;
	_ =	strace $0x90000049  }
0xb3: {  	s29 =	simm.s32 $0x9;
	_ =	strace $0x8000004B  }
0xb4: {  	_ =	swait.ge [sflag:s29], $0x1  }
0xb5: {  	[sflag:s29] =	ssyncadd.s32 $0xFFFFFFFF  }
0xb6: {  	_ =	strace $0x9000004B  }
0xb7: {  	_ =	sfence  }
0xb8: {  	s30 =	sld [smem:$0x0];
	_ =	sdelay $0x2  }
0xb9: {  	s31 =	sshll.u32 s1, $0xD;
	s1 =	sshrl.u32 s1, $0x2  }
0xba: {  	s3 =	sand.u32 $0x4000, s31;
	s1 =	sadd.s32 s1, s30  }
0xbb: {  	s0 =	sor.u32 s3, s0;
	s1 =	sshll.u32 s1, $0x11  }
0xbc: {  	s0 =	sor.u32 s1, s0  }
0xbd: {  	s0 =	sadd.s32 $0x8F2B, s0  }
0xbe: {  	[sflag:s0] =	ssyncadd.remote.s32 $0x1  }
0xbf: {  	_ =	sfence.sel $0xFFFF  }
0xc0: {  	[dreg:$0x0] =	wrdreg $0xFFFFFFFF;
	(pc) =	sbr.abs _section_cstart, $3  }
0xc1: {  	[dreg:$0x1] =	wrdreg $0xFFFFFFFF  }
0xc2: {  	_ =	task.clear_ibuf [dreg:s7], $0x2FFFF;
	_ =	strace $0x9FFFFFFF  }
0xc3: {  	(tm) =	ssettm $0x7FFFFFFF  }
tec
execute0_lowered:
.L_overlay_start_1:
0x0: {  	(tag) =	ssettag $0x1  }
0x1: {  	s0 =	rddreg [dreg:$0x0]  }
0x2: {  	s2 =	rddreg [dreg:$0x1];
	s1 =	srdreg.scid  }
0x3: {  	s3 =	rddreg [dreg:$0x2];
	s10 =	stileid.u32;
	s4 =	simm.s32 $0x0  }
0x4: {  	s28 =	simm.s32 $0x1000;
	s29 =	simm.s32 $0x50;
	s6 =	smul.u32 $0x14000, s10  }
0x5: {  	s30 =	simm.s32 $0x1;
	s31 =	simm.s32 $0x80;
	s7 =	smul.u32 $0x50000, s10  }
0x6: {  	s11 =	simm.s32 $0x0;
	s1 =	sand.u32 $0x1, s1;
	s14 =	smul.u32 $0x5000, s10  }
0x7: {  	[smem:$0x7FF] =	sst s4;
	s12 =	sadd.s32 $0x2800, s0;
	s5 =	smul.u32 $0x140000, s1  }
0x8: {  	s8 =	sadd.s32 $0x16800, s0;
	s13 =	ssub.s32 $0x2, s1;
	s1 =	smul.u32 $0x50000, s1  }
0x9: {  	s10 =	simm.s32 $0x1C00;
	_ =	strace $0x8000004A;
	s9 =	sshrl.u32 s13, $0x1  }
0xa: {  	s7 =	sshrl.u32 s7, $0x2;
	s5 =	sadd.s32 s6, s5;
	s1 =	sadd.s32 s14, s1  }
0xb: {  	s9 =	ssub.s32 s13, s9;
	s5 =	sshrl.u32 s5, $0x3;
	s1 =	sshrl.u32 s1, $0x3  }
0xc: {  	s6 =	simm.s32 $0x3;
	s0 =	sadd.s32 s5, s0;
	s22 =	sadd.s32 s12, s1  }
0xd: {  	s5 =	sadd.s32 s7, s3;
	s23 =	sadd.s32 s8, s1;
	[dreg:$0xb] =	wrdreg s22  }
0xe: {  	s24 =	sadd.s32 $0x200, s1;
	s15 =	sadd.s32 $0x2800, s5;
	[dreg:$0xc] =	wrdreg s23  }
0xf: {  	s25 =	sadd.s32 $0x400, s1;
	s16 =	sadd.s32 $0x5000, s5;
	[dreg:$0x4] =	wrdreg s15  }
0x10: {  	s26 =	sadd.s32 $0x600, s1;
	s17 =	sadd.s32 $0x7800, s5;
	[dreg:$0x5] =	wrdreg s16  }
0x11: {  	s1 =	sadd.s32 $0x800, s1;
	s18 =	sadd.s32 $0xA000, s5;
	[dreg:$0x6] =	wrdreg s17  }
0x12: {  	s7 =	simm.s32 $0x100;
	s19 =	sadd.s32 $0xC800, s5;
	[dreg:$0x7] =	wrdreg s18  }
0x13: {  	s20 =	sadd.s32 $0xF000, s5;
	s21 =	sadd.s32 $0x11800, s5;
	[dreg:$0x8] =	wrdreg s19  }
0x14: {  	s22 =	sadd.s32 s8, s1;
	s23 =	sadd.s32 $0x2A800, s0;
	[dreg:$0x9] =	wrdreg s20  }
0x15: {  	s0 =	simm.s32 $0x4800;
	[dreg:$0xa] =	wrdreg s21;
	s15 =	sadd.s32 s12, s24  }
0x16: {  	s16 =	sadd.s32 s8, s24;
	s17 =	sadd.s32 s12, s25;
	s18 =	sadd.s32 s8, s25  }
0x17: {  	s19 =	sadd.s32 s12, s26;
	s20 =	sadd.s32 s8, s26;
	s21 =	sadd.s32 s12, s1  }
0x18: {  	s24 =	smax.u32 s9, $0x1;
	s25 =	simm.s32 $0x2000;
	s26 =	simm.s32 $0x5  }
0x19: {  	v0 =	vimm.f32 $0.0e+00;
	s1 =	simm.s32 $0x2;
	s8 =	simm.s32 $0x1080;
	s9 =	simm.s32 $0x4  }
.LBB2_1:
0x1a: {  	s12 =	simm.s32 $0x0;
	s13 =	simm.s32 $0x200  }
.LBB2_2:
0x1b: {  	p0 =	sne.s32 s13, $0x9E00;
	[tilespmem:s12+$0x2070] =	vst v0  }
0x1c: {  	[tilespmem:s12+$0x2000] =	vst v0  }
0x1d: {  	[tilespmem:s12+$0x2010] =	vst v0  }
.Ltmp0:
0x1e: {  	[tilespmem:s12+$0x2020] =	vst v0;
	(pc) =	sbr.rel @p0 .LBB2_2-.Ltmp0, $4  }
0x1f: {  	[tilespmem:s12+$0x2030] =	vst v0  }
0x20: {  	[tilespmem:s12+$0x2040] =	vst v0  }
0x21: {  	[tilespmem:s12+$0x2050] =	vst v0  }
0x22: {  	[tilespmem:s12+$0x2060] =	vst v0;
	s12 =	sshra.s32 s13, $0x2;
	s13 =	sadd.s32 $0x200, s13  }
0x23: {  	[tilespmem:s12+$0x2070] =	vst v0  }
0x24: {  	[tilespmem:s12+$0x2000] =	vst v0  }
0x25: {  	[tilespmem:s12+$0x2010] =	vst v0  }
0x26: {  	[tilespmem:s12+$0x2020] =	vst v0  }
0x27: {  	[tilespmem:s12+$0x2030] =	vst v0  }
0x28: {  	[tilespmem:s12+$0x2040] =	vst v0  }
0x29: {  	[tilespmem:s12+$0x2050] =	vst v0  }
0x2a: {  	[tilespmem:s12+$0x2060] =	vst v0  }
0x2b: {  	[spmem:s5] =	stream.linear.scatter [tilespmem:s25], [sflag:$0x5], $0x2800, $0x38;
	[tilespmem:$0x1B000] =	vst v63  }
0x2c: {  	_ =	swait.ge [sflag:s26], $0x2800  }
0x2d: {  	[sflag:s26] =	ssyncset.done $0x0  }
0x2e: {  	s13 =	rddreg [dreg:$0x4];
	[sflag:s26] =	ssyncadd.s32 $0xFFFFD800  }
0x2f: {  	[spmem:s13] =	stream.linear.scatter [tilespmem:s25], [sflag:$0x5], $0x2800, $0x38;
	[tilespmem:$0x1B000] =	vst v63  }
0x30: {  	_ =	swait.ge [sflag:s26], $0x2800  }
0x31: {  	[sflag:s26] =	ssyncset.done $0x0  }
0x32: {  	s14 =	rddreg [dreg:$0x5];
	[sflag:s26] =	ssyncadd.s32 $0xFFFFD800  }
0x33: {  	[spmem:s14] =	stream.linear.scatter [tilespmem:s25], [sflag:$0x5], $0x2800, $0x38;
	[tilespmem:$0x1B000] =	vst v63  }
0x34: {  	_ =	swait.ge [sflag:s26], $0x2800  }
0x35: {  	[sflag:s26] =	ssyncset.done $0x0  }
0x36: {  	s13 =	rddreg [dreg:$0x6];
	[sflag:s26] =	ssyncadd.s32 $0xFFFFD800  }
0x37: {  	[spmem:s13] =	stream.linear.scatter [tilespmem:s25], [sflag:$0x5], $0x2800, $0x38;
	[tilespmem:$0x1B000] =	vst v63  }
0x38: {  	_ =	swait.ge [sflag:s26], $0x2800  }
0x39: {  	[sflag:s26] =	ssyncset.done $0x0  }
0x3a: {  	s14 =	rddreg [dreg:$0x7];
	[sflag:s26] =	ssyncadd.s32 $0xFFFFD800  }
0x3b: {  	[spmem:s14] =	stream.linear.scatter [tilespmem:s25], [sflag:$0x5], $0x2800, $0x38;
	[tilespmem:$0x1B000] =	vst v63  }
0x3c: {  	_ =	swait.ge [sflag:s26], $0x2800  }
0x3d: {  	[sflag:s26] =	ssyncset.done $0x0  }
0x3e: {  	s13 =	rddreg [dreg:$0x8];
	[sflag:s26] =	ssyncadd.s32 $0xFFFFD800  }
0x3f: {  	[spmem:s13] =	stream.linear.scatter [tilespmem:s25], [sflag:$0x5], $0x2800, $0x38;
	[tilespmem:$0x1B000] =	vst v63  }
0x40: {  	_ =	swait.ge [sflag:s26], $0x2800  }
0x41: {  	[sflag:s26] =	ssyncset.done $0x0  }
0x42: {  	s14 =	rddreg [dreg:$0x9];
	[sflag:s26] =	ssyncadd.s32 $0xFFFFD800  }
0x43: {  	[spmem:s14] =	stream.linear.scatter [tilespmem:s25], [sflag:$0x5], $0x2800, $0x38;
	[tilespmem:$0x1B000] =	vst v63  }
0x44: {  	_ =	swait.ge [sflag:s26], $0x2800  }
0x45: {  	[sflag:s26] =	ssyncset.done $0x0  }
0x46: {  	s13 =	rddreg [dreg:$0xa];
	[sflag:s26] =	ssyncadd.s32 $0xFFFFD800  }
0x47: {  	[spmem:s13] =	stream.linear.scatter [tilespmem:s25], [sflag:$0x5], $0x2800, $0x38;
	[tilespmem:$0x1B000] =	vst v63  }
0x48: {  	_ =	swait.ge [sflag:s26], $0x2800  }
0x49: {  	[sflag:s26] =	ssyncset.done $0x0  }
0x4a: {  	[sflag:s26] =	ssyncadd.s32 $0xFFFFD800  }
0x4b: {  	[bflag:$0x0] =	sbarrier.arrive $0xFFFF  }
0x4c: {  	s14 =	rddreg [dreg:$0xb]  }
0x4d: {  	[tilespmem:s4], [sflag:$0x5] =	stream.linear.gather [hbm4b:s14+s4], $0xC80, $0x38;
	[tilespmem:$0x1B000] =	vst v63  }
0x4e: {  	_ =	swait.ge [sflag:s26], $0xC80  }
0x4f: {  	[sflag:s26] =	ssyncset.done $0x0  }
0x50: {  	s13 =	rddreg [dreg:$0xc];
	[sflag:s26] =	ssyncadd.s32 $0xFFFFF380  }
0x51: {  	[tilespmem:s28], [sflag:$0x5] =	stream.linear.gather [hbm4b:s13+s4], $0xC80, $0x38;
	[tilespmem:$0x1B000] =	vst v63  }
0x52: {  	_ =	swait.ge [sflag:s26], $0xC80  }
0x53: {  	[sflag:s26] =	ssyncset.done $0x0  }
0x54: {  	[sflag:s26] =	ssyncadd.s32 $0xFFFFF380  }
0x55: {  	[tilespmem:s25], [sflag:$0x1] =	stream.indirect.gather [hbm4b:s2+s29], $0x80, s4, s29, $0xb8;
	[tilespmem:$0x1B000] =	vst v63  }
0x56: {  	_ =	swait.ge [sflag:s30], $0x2800  }
0x57: {  	[sflag:s30] =	ssyncset.done $0x0  }
0x58: {  	[sflag:s30] =	ssyncadd.s32 $0xFFFFD800  }
0x59: {  	[tilespmem:s0], [sflag:$0x2] =	stream.indirect.gather [hbm4b:s2+s29], $0x80, s31, s29, $0xb8;
	[tilespmem:$0x1B000] =	vst v63  }
0x5a: {  	_ = 	snop  }
0x5b: {  	[spmem:s3] =	stream.indirect.scatter.add.f32 [tilespmem:s25], [sflag:$0x3], $0x80, s28, s29, $0xb8;
	[tilespmem:$0x1B000] =	vst v63  }
0x5c: {  	_ =	swait.ge [sflag:s1], $0x2800  }
0x5d: {  	[sflag:s1] =	ssyncset.done $0x0  }
0x5e: {  	[sflag:s1] =	ssyncadd.s32 $0xFFFFD800  }
0x5f: {  	_ =	swait.ge [sflag:s6], $0x2800  }
0x60: {  	[sflag:s6] =	ssyncset.done $0x0  }
0x61: {  	[sflag:s6] =	ssyncadd.s32 $0xFFFFD800  }
0x62: {  	[tilespmem:s25], [sflag:$0x1] =	stream.indirect.gather [hbm4b:s2+s29], $0x80, s7, s29, $0xb8;
	[tilespmem:$0x1B000] =	vst v63  }
0x63: {  	_ = 	snop  }
0x64: {  	[spmem:s3] =	stream.indirect.scatter.add.f32 [tilespmem:s0], [sflag:$0x4], $0x80, s8, s29, $0xb8;
	[tilespmem:$0x1B000] =	vst v63  }
0x65: {  	_ =	swait.ge [sflag:s30], $0x2800  }
0x66: {  	[sflag:s30] =	ssyncset.done $0x0  }
0x67: {  	[sflag:s30] =	ssyncadd.s32 $0xFFFFD800  }
0x68: {  	_ =	swait.ge [sflag:s9], $0x2800  }
0x69: {  	[sflag:s9] =	ssyncset.done $0x0  }
0x6a: {  	s14 =	simm.s32 $0x180;
	[sflag:s9] =	ssyncadd.s32 $0xFFFFD800  }
0x6b: {  	[tilespmem:s0], [sflag:$0x2] =	stream.indirect.gather [hbm4b:s2+s29], $0x80, s14, s29, $0xb8;
	[tilespmem:$0x1B000] =	vst v63  }
0x6c: {  	s13 =	simm.s32 $0x1100  }
0x6d: {  	[spmem:s3] =	stream.indirect.scatter.add.f32 [tilespmem:s25], [sflag:$0x3], $0x80, s13, s29, $0xb8;
	[tilespmem:$0x1B000] =	vst v63  }
0x6e: {  	_ =	swait.ge [sflag:s1], $0x2800  }
0x6f: {  	[sflag:s1] =	ssyncset.done $0x0  }
0x70: {  	[sflag:s1] =	ssyncadd.s32 $0xFFFFD800  }
0x71: {  	_ =	swait.ge [sflag:s6], $0x2800  }
0x72: {  	s12 =	simm.s32 $0xFFFFD800;
	[sflag:s6] =	ssyncset.done $0x0  }
0x73: {  	s14 =	simm.s32 $0x200;
	s13 =	simm.s32 $0x1180;
	[sflag:s6] =	ssyncadd.s32 $0xFFFFD800  }
0x74: {  	[tilespmem:s25], [sflag:$0x1] =	stream.indirect.gather [hbm4b:s2+s29], $0x80, s14, s29, $0xb8;
	[tilespmem:$0x1B000] =	vst v63  }
.LBB2_4:
0x75: {  	[spmem:s3] =	stream.indirect.scatter.add.f32 [tilespmem:s0], [sflag:$0x4], $0x80, s13, s29, $0xb8;
	[tilespmem:$0x1B000] =	vst v63  }
0x76: {  	s13 =	smov.u32 s12  }
0x77: {  	p0 =	sne.s32 s12, $0xFFFFFC00;
	s12 =	sadd.s32 $0x400, s12;
	_ =	swait.ge [sflag:s30], $0x2800  }
0x78: {  	[sflag:s30] =	ssyncset.done $0x0  }
0x79: {  	[sflag:s30] =	ssyncadd.s32 $0xFFFFD800  }
0x7a: {  	_ =	swait.ge [sflag:s9], $0x2800  }
0x7b: {  	s13 =	sshra.s32 s13, $0x2;
	[sflag:s9] =	ssyncset.done $0x0  }
0x7c: {  	s14 =	sadd.s32 $0xC80, s13;
	[sflag:s9] =	ssyncadd.s32 $0xFFFFD800  }
0x7d: {  	[tilespmem:s0], [sflag:$0x2] =	stream.indirect.gather [hbm4b:s2+s29], $0x80, s14, s29, $0xb8;
	[tilespmem:$0x1B000] =	vst v63  }
0x7e: {  	s14 =	sadd.s32 $0x1C00, s13  }
0x7f: {  	[spmem:s3] =	stream.indirect.scatter.add.f32 [tilespmem:s25], [sflag:$0x3], $0x80, s14, s29, $0xb8;
	[tilespmem:$0x1B000] =	vst v63  }
0x80: {  	_ =	swait.ge [sflag:s1], $0x2800  }
0x81: {  	[sflag:s1] =	ssyncset.done $0x0  }
0x82: {  	[sflag:s1] =	ssyncadd.s32 $0xFFFFD800  }
.Ltmp1:
0x83: {  	_ =	swait.ge [sflag:s6], $0x2800;
	(pc) =	sbr.rel @p0 .LBB2_4-.Ltmp1, $4  }
0x84: {  	[sflag:s6] =	ssyncset.done $0x0  }
0x85: {  	s14 =	sadd.s32 $0xD00, s13;
	[sflag:s6] =	ssyncadd.s32 $0xFFFFD800  }
0x86: {  	[tilespmem:s25], [sflag:$0x1] =	stream.indirect.gather [hbm4b:s2+s29], $0x80, s14, s29, $0xb8;
	[tilespmem:$0x1B000] =	vst v63  }
0x87: {  	s13 =	sadd.s32 $0x1C80, s13  }
0x88: {  	[spmem:s3] =	stream.indirect.scatter.add.f32 [tilespmem:s0], [sflag:$0x4], $0x80, s13, s29, $0xb8;
	[tilespmem:$0x1B000] =	vst v63  }
0x89: {  	_ =	swait.ge [sflag:s30], $0x2800  }
0x8a: {  	[sflag:s30] =	ssyncset.done $0x0  }
0x8b: {  	[sflag:s30] =	ssyncadd.s32 $0xFFFFD800  }
0x8c: {  	[spmem:s3] =	stream.indirect.scatter.add.f32 [tilespmem:s25], [sflag:$0x5], $0x80, s10, s29, $0xb8;
	[tilespmem:$0x1B000] =	vst v63  }
0x8d: {  	_ =	swait.ge [sflag:s26], $0x2800  }
0x8e: {  	[sflag:s26] =	ssyncset.done $0x0  }
0x8f: {  	[sflag:s26] =	ssyncadd.s32 $0xFFFFD800  }
0x90: {  	_ =	swait.ge [sflag:s9], $0x2800  }
0x91: {  	[sflag:s9] =	ssyncset.done $0x0  }
0x92: {  	[sflag:s9] =	ssyncadd.s32 $0xFFFFD800  }
0x93: {  	[tilespmem:s4], [sflag:$0x5] =	stream.linear.gather [hbm4b:s15+s4], $0xC80, $0x38;
	[tilespmem:$0x1B000] =	vst v63  }
0x94: {  	_ =	swait.ge [sflag:s26], $0xC80  }
0x95: {  	[sflag:s26] =	ssyncset.done $0x0  }
0x96: {  	[sflag:s26] =	ssyncadd.s32 $0xFFFFF380  }
0x97: {  	[tilespmem:s28], [sflag:$0x5] =	stream.linear.gather [hbm4b:s16+s4], $0xC80, $0x38;
	[tilespmem:$0x1B000] =	vst v63  }
0x98: {  	_ =	swait.ge [sflag:s26], $0xC80  }
0x99: {  	[sflag:s26] =	ssyncset.done $0x0  }
0x9a: {  	[sflag:s26] =	ssyncadd.s32 $0xFFFFF380  }
0x9b: {  	[tilespmem:s25], [sflag:$0x1] =	stream.indirect.gather [hbm4b:s2+s29], $0x80, s4, s29, $0xb8;
	[tilespmem:$0x1B000] =	vst v63  }
0x9c: {  	_ =	swait.ge [sflag:s30], $0x2800  }
0x9d: {  	[sflag:s30] =	ssyncset.done $0x0  }
0x9e: {  	[sflag:s30] =	ssyncadd.s32 $0xFFFFD800  }
0x9f: {  	[tilespmem:s0], [sflag:$0x2] =	stream.indirect.gather [hbm4b:s2+s29], $0x80, s31, s29, $0xb8;
	[tilespmem:$0x1B000] =	vst v63  }
0xa0: {  	_ = 	snop  }
0xa1: {  	[spmem:s3] =	stream.indirect.scatter.add.f32 [tilespmem:s25], [sflag:$0x3], $0x80, s28, s29, $0xb8;
	[tilespmem:$0x1B000] =	vst v63  }
0xa2: {  	_ =	swait.ge [sflag:s1], $0x2800  }
0xa3: {  	[sflag:s1] =	ssyncset.done $0x0  }
0xa4: {  	[sflag:s1] =	ssyncadd.s32 $0xFFFFD800  }
0xa5: {  	_ =	swait.ge [sflag:s6], $0x2800  }
0xa6: {  	[sflag:s6] =	ssyncset.done $0x0  }
0xa7: {  	[sflag:s6] =	ssyncadd.s32 $0xFFFFD800  }
0xa8: {  	[tilespmem:s25], [sflag:$0x1] =	stream.indirect.gather [hbm4b:s2+s29], $0x80, s7, s29, $0xb8;
	[tilespmem:$0x1B000] =	vst v63  }
0xa9: {  	_ = 	snop  }
0xaa: {  	[spmem:s3] =	stream.indirect.scatter.add.f32 [tilespmem:s0], [sflag:$0x4], $0x80, s8, s29, $0xb8;
	[tilespmem:$0x1B000] =	vst v63  }
0xab: {  	_ =	swait.ge [sflag:s30], $0x2800  }
0xac: {  	[sflag:s30] =	ssyncset.done $0x0  }
0xad: {  	[sflag:s30] =	ssyncadd.s32 $0xFFFFD800  }
0xae: {  	_ =	swait.ge [sflag:s9], $0x2800  }
0xaf: {  	[sflag:s9] =	ssyncset.done $0x0  }
0xb0: {  	s12 =	simm.s32 $0x180;
	[sflag:s9] =	ssyncadd.s32 $0xFFFFD800  }
0xb1: {  	[tilespmem:s0], [sflag:$0x2] =	stream.indirect.gather [hbm4b:s2+s29], $0x80, s12, s29, $0xb8;
	[tilespmem:$0x1B000] =	vst v63  }
0xb2: {  	s13 =	simm.s32 $0x1100  }
0xb3: {  	[spmem:s3] =	stream.indirect.scatter.add.f32 [tilespmem:s25], [sflag:$0x3], $0x80, s13, s29, $0xb8;
	[tilespmem:$0x1B000] =	vst v63  }
0xb4: {  	_ =	swait.ge [sflag:s1], $0x2800  }
0xb5: {  	[sflag:s1] =	ssyncset.done $0x0  }
0xb6: {  	[sflag:s1] =	ssyncadd.s32 $0xFFFFD800  }
0xb7: {  	_ =	swait.ge [sflag:s6], $0x2800  }
0xb8: {  	s14 =	simm.s32 $0x200;
	[sflag:s6] =	ssyncset.done $0x0  }
0xb9: {  	s12 =	simm.s32 $0xFFFFD800;
	s13 =	simm.s32 $0x1180;
	[sflag:s6] =	ssyncadd.s32 $0xFFFFD800  }
0xba: {  	[tilespmem:s25], [sflag:$0x1] =	stream.indirect.gather [hbm4b:s2+s29], $0x80, s14, s29, $0xb8;
	[tilespmem:$0x1B000] =	vst v63  }
.LBB2_6:
0xbb: {  	[spmem:s3] =	stream.indirect.scatter.add.f32 [tilespmem:s0], [sflag:$0x4], $0x80, s13, s29, $0xb8;
	[tilespmem:$0x1B000] =	vst v63  }
0xbc: {  	s13 =	smov.u32 s12  }
0xbd: {  	p0 =	sne.s32 s12, $0xFFFFFC00;
	s12 =	sadd.s32 $0x400, s12;
	_ =	swait.ge [sflag:s30], $0x2800  }
0xbe: {  	[sflag:s30] =	ssyncset.done $0x0  }
0xbf: {  	[sflag:s30] =	ssyncadd.s32 $0xFFFFD800  }
0xc0: {  	_ =	swait.ge [sflag:s9], $0x2800  }
0xc1: {  	s13 =	sshra.s32 s13, $0x2;
	[sflag:s9] =	ssyncset.done $0x0  }
0xc2: {  	s14 =	sadd.s32 $0xC80, s13;
	[sflag:s9] =	ssyncadd.s32 $0xFFFFD800  }
0xc3: {  	[tilespmem:s0], [sflag:$0x2] =	stream.indirect.gather [hbm4b:s2+s29], $0x80, s14, s29, $0xb8;
	[tilespmem:$0x1B000] =	vst v63  }
0xc4: {  	s14 =	sadd.s32 $0x1C00, s13  }
0xc5: {  	[spmem:s3] =	stream.indirect.scatter.add.f32 [tilespmem:s25], [sflag:$0x3], $0x80, s14, s29, $0xb8;
	[tilespmem:$0x1B000] =	vst v63  }
0xc6: {  	_ =	swait.ge [sflag:s1], $0x2800  }
0xc7: {  	[sflag:s1] =	ssyncset.done $0x0  }
0xc8: {  	[sflag:s1] =	ssyncadd.s32 $0xFFFFD800  }
.Ltmp2:
0xc9: {  	_ =	swait.ge [sflag:s6], $0x2800;
	(pc) =	sbr.rel @p0 .LBB2_6-.Ltmp2, $4  }
0xca: {  	[sflag:s6] =	ssyncset.done $0x0  }
0xcb: {  	s14 =	sadd.s32 $0xD00, s13;
	[sflag:s6] =	ssyncadd.s32 $0xFFFFD800  }
0xcc: {  	[tilespmem:s25], [sflag:$0x1] =	stream.indirect.gather [hbm4b:s2+s29], $0x80, s14, s29, $0xb8;
	[tilespmem:$0x1B000] =	vst v63  }
0xcd: {  	s13 =	sadd.s32 $0x1C80, s13  }
0xce: {  	[spmem:s3] =	stream.indirect.scatter.add.f32 [tilespmem:s0], [sflag:$0x4], $0x80, s13, s29, $0xb8;
	[tilespmem:$0x1B000] =	vst v63  }
0xcf: {  	_ =	swait.ge [sflag:s30], $0x2800  }
0xd0: {  	[sflag:s30] =	ssyncset.done $0x0  }
0xd1: {  	[sflag:s30] =	ssyncadd.s32 $0xFFFFD800  }
0xd2: {  	[spmem:s3] =	stream.indirect.scatter.add.f32 [tilespmem:s25], [sflag:$0x5], $0x80, s10, s29, $0xb8;
	[tilespmem:$0x1B000] =	vst v63  }
0xd3: {  	_ =	swait.ge [sflag:s26], $0x2800  }
0xd4: {  	[sflag:s26] =	ssyncset.done $0x0  }
0xd5: {  	[sflag:s26] =	ssyncadd.s32 $0xFFFFD800  }
0xd6: {  	_ =	swait.ge [sflag:s9], $0x2800  }
0xd7: {  	[sflag:s9] =	ssyncset.done $0x0  }
0xd8: {  	[sflag:s9] =	ssyncadd.s32 $0xFFFFD800  }
0xd9: {  	[tilespmem:s4], [sflag:$0x5] =	stream.linear.gather [hbm4b:s17+s4], $0xC80, $0x38;
	[tilespmem:$0x1B000] =	vst v63  }
0xda: {  	_ =	swait.ge [sflag:s26], $0xC80  }
0xdb: {  	[sflag:s26] =	ssyncset.done $0x0  }
0xdc: {  	[sflag:s26] =	ssyncadd.s32 $0xFFFFF380  }
0xdd: {  	[tilespmem:s28], [sflag:$0x5] =	stream.linear.gather [hbm4b:s18+s4], $0xC80, $0x38;
	[tilespmem:$0x1B000] =	vst v63  }
0xde: {  	_ =	swait.ge [sflag:s26], $0xC80  }
0xdf: {  	[sflag:s26] =	ssyncset.done $0x0  }
0xe0: {  	[sflag:s26] =	ssyncadd.s32 $0xFFFFF380  }
0xe1: {  	[tilespmem:s25], [sflag:$0x1] =	stream.indirect.gather [hbm4b:s2+s29], $0x80, s4, s29, $0xb8;
	[tilespmem:$0x1B000] =	vst v63  }
0xe2: {  	_ =	swait.ge [sflag:s30], $0x2800  }
0xe3: {  	[sflag:s30] =	ssyncset.done $0x0  }
0xe4: {  	[sflag:s30] =	ssyncadd.s32 $0xFFFFD800  }
0xe5: {  	[tilespmem:s0], [sflag:$0x2] =	stream.indirect.gather [hbm4b:s2+s29], $0x80, s31, s29, $0xb8;
	[tilespmem:$0x1B000] =	vst v63  }
0xe6: {  	_ = 	snop  }
0xe7: {  	[spmem:s3] =	stream.indirect.scatter.add.f32 [tilespmem:s25], [sflag:$0x3], $0x80, s28, s29, $0xb8;
	[tilespmem:$0x1B000] =	vst v63  }
0xe8: {  	_ =	swait.ge [sflag:s1], $0x2800  }
0xe9: {  	[sflag:s1] =	ssyncset.done $0x0  }
0xea: {  	[sflag:s1] =	ssyncadd.s32 $0xFFFFD800  }
0xeb: {  	_ =	swait.ge [sflag:s6], $0x2800  }
0xec: {  	[sflag:s6] =	ssyncset.done $0x0  }
0xed: {  	[sflag:s6] =	ssyncadd.s32 $0xFFFFD800  }
0xee: {  	[tilespmem:s25], [sflag:$0x1] =	stream.indirect.gather [hbm4b:s2+s29], $0x80, s7, s29, $0xb8;
	[tilespmem:$0x1B000] =	vst v63  }
0xef: {  	_ = 	snop  }
0xf0: {  	[spmem:s3] =	stream.indirect.scatter.add.f32 [tilespmem:s0], [sflag:$0x4], $0x80, s8, s29, $0xb8;
	[tilespmem:$0x1B000] =	vst v63  }
0xf1: {  	_ =	swait.ge [sflag:s30], $0x2800  }
0xf2: {  	[sflag:s30] =	ssyncset.done $0x0  }
0xf3: {  	[sflag:s30] =	ssyncadd.s32 $0xFFFFD800  }
0xf4: {  	_ =	swait.ge [sflag:s9], $0x2800  }
0xf5: {  	[sflag:s9] =	ssyncset.done $0x0  }
0xf6: {  	s12 =	simm.s32 $0x180;
	[sflag:s9] =	ssyncadd.s32 $0xFFFFD800  }
0xf7: {  	[tilespmem:s0], [sflag:$0x2] =	stream.indirect.gather [hbm4b:s2+s29], $0x80, s12, s29, $0xb8;
	[tilespmem:$0x1B000] =	vst v63  }
0xf8: {  	s13 =	simm.s32 $0x1100  }
0xf9: {  	[spmem:s3] =	stream.indirect.scatter.add.f32 [tilespmem:s25], [sflag:$0x3], $0x80, s13, s29, $0xb8;
	[tilespmem:$0x1B000] =	vst v63  }
0xfa: {  	_ =	swait.ge [sflag:s1], $0x2800  }
0xfb: {  	[sflag:s1] =	ssyncset.done $0x0  }
0xfc: {  	[sflag:s1] =	ssyncadd.s32 $0xFFFFD800  }
0xfd: {  	_ =	swait.ge [sflag:s6], $0x2800  }
0xfe: {  	s14 =	simm.s32 $0x200;
	[sflag:s6] =	ssyncset.done $0x0  }
0xff: {  	s12 =	simm.s32 $0xFFFFD800;
	s13 =	simm.s32 $0x1180;
	[sflag:s6] =	ssyncadd.s32 $0xFFFFD800  }
0x100: {  	[tilespmem:s25], [sflag:$0x1] =	stream.indirect.gather [hbm4b:s2+s29], $0x80, s14, s29, $0xb8;
	[tilespmem:$0x1B000] =	vst v63  }
.LBB2_8:
0x101: {  	[spmem:s3] =	stream.indirect.scatter.add.f32 [tilespmem:s0], [sflag:$0x4], $0x80, s13, s29, $0xb8;
	[tilespmem:$0x1B000] =	vst v63  }
0x102: {  	s13 =	smov.u32 s12  }
0x103: {  	p0 =	sne.s32 s12, $0xFFFFFC00;
	s12 =	sadd.s32 $0x400, s12;
	_ =	swait.ge [sflag:s30], $0x2800  }
0x104: {  	[sflag:s30] =	ssyncset.done $0x0  }
0x105: {  	[sflag:s30] =	ssyncadd.s32 $0xFFFFD800  }
0x106: {  	_ =	swait.ge [sflag:s9], $0x2800  }
0x107: {  	s13 =	sshra.s32 s13, $0x2;
	[sflag:s9] =	ssyncset.done $0x0  }
0x108: {  	s14 =	sadd.s32 $0xC80, s13;
	[sflag:s9] =	ssyncadd.s32 $0xFFFFD800  }
0x109: {  	[tilespmem:s0], [sflag:$0x2] =	stream.indirect.gather [hbm4b:s2+s29], $0x80, s14, s29, $0xb8;
	[tilespmem:$0x1B000] =	vst v63  }
0x10a: {  	s14 =	sadd.s32 $0x1C00, s13  }
0x10b: {  	[spmem:s3] =	stream.indirect.scatter.add.f32 [tilespmem:s25], [sflag:$0x3], $0x80, s14, s29, $0xb8;
	[tilespmem:$0x1B000] =	vst v63  }
0x10c: {  	_ =	swait.ge [sflag:s1], $0x2800  }
0x10d: {  	[sflag:s1] =	ssyncset.done $0x0  }
0x10e: {  	[sflag:s1] =	ssyncadd.s32 $0xFFFFD800  }
.Ltmp3:
0x10f: {  	_ =	swait.ge [sflag:s6], $0x2800;
	(pc) =	sbr.rel @p0 .LBB2_8-.Ltmp3, $4  }
0x110: {  	[sflag:s6] =	ssyncset.done $0x0  }
0x111: {  	s14 =	sadd.s32 $0xD00, s13;
	[sflag:s6] =	ssyncadd.s32 $0xFFFFD800  }
0x112: {  	[tilespmem:s25], [sflag:$0x1] =	stream.indirect.gather [hbm4b:s2+s29], $0x80, s14, s29, $0xb8;
	[tilespmem:$0x1B000] =	vst v63  }
0x113: {  	s13 =	sadd.s32 $0x1C80, s13  }
0x114: {  	[spmem:s3] =	stream.indirect.scatter.add.f32 [tilespmem:s0], [sflag:$0x4], $0x80, s13, s29, $0xb8;
	[tilespmem:$0x1B000] =	vst v63  }
0x115: {  	_ =	swait.ge [sflag:s30], $0x2800  }
0x116: {  	[sflag:s30] =	ssyncset.done $0x0  }
0x117: {  	[sflag:s30] =	ssyncadd.s32 $0xFFFFD800  }
0x118: {  	[spmem:s3] =	stream.indirect.scatter.add.f32 [tilespmem:s25], [sflag:$0x5], $0x80, s10, s29, $0xb8;
	[tilespmem:$0x1B000] =	vst v63  }
0x119: {  	_ =	swait.ge [sflag:s26], $0x2800  }
0x11a: {  	[sflag:s26] =	ssyncset.done $0x0  }
0x11b: {  	[sflag:s26] =	ssyncadd.s32 $0xFFFFD800  }
0x11c: {  	_ =	swait.ge [sflag:s9], $0x2800  }
0x11d: {  	[sflag:s9] =	ssyncset.done $0x0  }
0x11e: {  	[sflag:s9] =	ssyncadd.s32 $0xFFFFD800  }
0x11f: {  	[tilespmem:s4], [sflag:$0x5] =	stream.linear.gather [hbm4b:s19+s4], $0xC80, $0x38;
	[tilespmem:$0x1B000] =	vst v63  }
0x120: {  	_ =	swait.ge [sflag:s26], $0xC80  }
0x121: {  	[sflag:s26] =	ssyncset.done $0x0  }
0x122: {  	[sflag:s26] =	ssyncadd.s32 $0xFFFFF380  }
0x123: {  	[tilespmem:s28], [sflag:$0x5] =	stream.linear.gather [hbm4b:s20+s4], $0xC80, $0x38;
	[tilespmem:$0x1B000] =	vst v63  }
0x124: {  	_ =	swait.ge [sflag:s26], $0xC80  }
0x125: {  	[sflag:s26] =	ssyncset.done $0x0  }
0x126: {  	[sflag:s26] =	ssyncadd.s32 $0xFFFFF380  }
0x127: {  	[tilespmem:s25], [sflag:$0x1] =	stream.indirect.gather [hbm4b:s2+s29], $0x80, s4, s29, $0xb8;
	[tilespmem:$0x1B000] =	vst v63  }
0x128: {  	_ =	swait.ge [sflag:s30], $0x2800  }
0x129: {  	[sflag:s30] =	ssyncset.done $0x0  }
0x12a: {  	[sflag:s30] =	ssyncadd.s32 $0xFFFFD800  }
0x12b: {  	[tilespmem:s0], [sflag:$0x2] =	stream.indirect.gather [hbm4b:s2+s29], $0x80, s31, s29, $0xb8;
	[tilespmem:$0x1B000] =	vst v63  }
0x12c: {  	_ = 	snop  }
0x12d: {  	[spmem:s3] =	stream.indirect.scatter.add.f32 [tilespmem:s25], [sflag:$0x3], $0x80, s28, s29, $0xb8;
	[tilespmem:$0x1B000] =	vst v63  }
0x12e: {  	_ =	swait.ge [sflag:s1], $0x2800  }
0x12f: {  	[sflag:s1] =	ssyncset.done $0x0  }
0x130: {  	[sflag:s1] =	ssyncadd.s32 $0xFFFFD800  }
0x131: {  	_ =	swait.ge [sflag:s6], $0x2800  }
0x132: {  	[sflag:s6] =	ssyncset.done $0x0  }
0x133: {  	[sflag:s6] =	ssyncadd.s32 $0xFFFFD800  }
0x134: {  	[tilespmem:s25], [sflag:$0x1] =	stream.indirect.gather [hbm4b:s2+s29], $0x80, s7, s29, $0xb8;
	[tilespmem:$0x1B000] =	vst v63  }
0x135: {  	_ = 	snop  }
0x136: {  	[spmem:s3] =	stream.indirect.scatter.add.f32 [tilespmem:s0], [sflag:$0x4], $0x80, s8, s29, $0xb8;
	[tilespmem:$0x1B000] =	vst v63  }
0x137: {  	_ =	swait.ge [sflag:s30], $0x2800  }
0x138: {  	[sflag:s30] =	ssyncset.done $0x0  }
0x139: {  	[sflag:s30] =	ssyncadd.s32 $0xFFFFD800  }
0x13a: {  	_ =	swait.ge [sflag:s9], $0x2800  }
0x13b: {  	[sflag:s9] =	ssyncset.done $0x0  }
0x13c: {  	s12 =	simm.s32 $0x180;
	[sflag:s9] =	ssyncadd.s32 $0xFFFFD800  }
0x13d: {  	[tilespmem:s0], [sflag:$0x2] =	stream.indirect.gather [hbm4b:s2+s29], $0x80, s12, s29, $0xb8;
	[tilespmem:$0x1B000] =	vst v63  }
0x13e: {  	s13 =	simm.s32 $0x1100  }
0x13f: {  	[spmem:s3] =	stream.indirect.scatter.add.f32 [tilespmem:s25], [sflag:$0x3], $0x80, s13, s29, $0xb8;
	[tilespmem:$0x1B000] =	vst v63  }
0x140: {  	_ =	swait.ge [sflag:s1], $0x2800  }
0x141: {  	[sflag:s1] =	ssyncset.done $0x0  }
0x142: {  	[sflag:s1] =	ssyncadd.s32 $0xFFFFD800  }
0x143: {  	_ =	swait.ge [sflag:s6], $0x2800  }
0x144: {  	s14 =	simm.s32 $0x200;
	[sflag:s6] =	ssyncset.done $0x0  }
0x145: {  	s12 =	simm.s32 $0xFFFFD800;
	s13 =	simm.s32 $0x1180;
	[sflag:s6] =	ssyncadd.s32 $0xFFFFD800  }
0x146: {  	[tilespmem:s25], [sflag:$0x1] =	stream.indirect.gather [hbm4b:s2+s29], $0x80, s14, s29, $0xb8;
	[tilespmem:$0x1B000] =	vst v63  }
.LBB2_10:
0x147: {  	[spmem:s3] =	stream.indirect.scatter.add.f32 [tilespmem:s0], [sflag:$0x4], $0x80, s13, s29, $0xb8;
	[tilespmem:$0x1B000] =	vst v63  }
0x148: {  	s13 =	smov.u32 s12  }
0x149: {  	p0 =	sne.s32 s12, $0xFFFFFC00;
	s12 =	sadd.s32 $0x400, s12;
	_ =	swait.ge [sflag:s30], $0x2800  }
0x14a: {  	[sflag:s30] =	ssyncset.done $0x0  }
0x14b: {  	[sflag:s30] =	ssyncadd.s32 $0xFFFFD800  }
0x14c: {  	_ =	swait.ge [sflag:s9], $0x2800  }
0x14d: {  	s13 =	sshra.s32 s13, $0x2;
	[sflag:s9] =	ssyncset.done $0x0  }
0x14e: {  	s14 =	sadd.s32 $0xC80, s13;
	[sflag:s9] =	ssyncadd.s32 $0xFFFFD800  }
0x14f: {  	[tilespmem:s0], [sflag:$0x2] =	stream.indirect.gather [hbm4b:s2+s29], $0x80, s14, s29, $0xb8;
	[tilespmem:$0x1B000] =	vst v63  }
0x150: {  	s14 =	sadd.s32 $0x1C00, s13  }
0x151: {  	[spmem:s3] =	stream.indirect.scatter.add.f32 [tilespmem:s25], [sflag:$0x3], $0x80, s14, s29, $0xb8;
	[tilespmem:$0x1B000] =	vst v63  }
0x152: {  	_ =	swait.ge [sflag:s1], $0x2800  }
0x153: {  	[sflag:s1] =	ssyncset.done $0x0  }
0x154: {  	[sflag:s1] =	ssyncadd.s32 $0xFFFFD800  }
.Ltmp4:
0x155: {  	_ =	swait.ge [sflag:s6], $0x2800;
	(pc) =	sbr.rel @p0 .LBB2_10-.Ltmp4, $4  }
0x156: {  	[sflag:s6] =	ssyncset.done $0x0  }
0x157: {  	s14 =	sadd.s32 $0xD00, s13;
	[sflag:s6] =	ssyncadd.s32 $0xFFFFD800  }
0x158: {  	[tilespmem:s25], [sflag:$0x1] =	stream.indirect.gather [hbm4b:s2+s29], $0x80, s14, s29, $0xb8;
	[tilespmem:$0x1B000] =	vst v63  }
0x159: {  	s13 =	sadd.s32 $0x1C80, s13  }
0x15a: {  	[spmem:s3] =	stream.indirect.scatter.add.f32 [tilespmem:s0], [sflag:$0x4], $0x80, s13, s29, $0xb8;
	[tilespmem:$0x1B000] =	vst v63  }
0x15b: {  	_ =	swait.ge [sflag:s30], $0x2800  }
0x15c: {  	[sflag:s30] =	ssyncset.done $0x0  }
0x15d: {  	[sflag:s30] =	ssyncadd.s32 $0xFFFFD800  }
0x15e: {  	[spmem:s3] =	stream.indirect.scatter.add.f32 [tilespmem:s25], [sflag:$0x5], $0x80, s10, s29, $0xb8;
	[tilespmem:$0x1B000] =	vst v63  }
0x15f: {  	_ =	swait.ge [sflag:s26], $0x2800  }
0x160: {  	[sflag:s26] =	ssyncset.done $0x0  }
0x161: {  	[sflag:s26] =	ssyncadd.s32 $0xFFFFD800  }
0x162: {  	_ =	swait.ge [sflag:s9], $0x2800  }
0x163: {  	[sflag:s9] =	ssyncset.done $0x0  }
0x164: {  	[sflag:s9] =	ssyncadd.s32 $0xFFFFD800  }
0x165: {  	[tilespmem:s4], [sflag:$0x5] =	stream.linear.gather [hbm4b:s21+s4], $0xC80, $0x38;
	[tilespmem:$0x1B000] =	vst v63  }
0x166: {  	_ =	swait.ge [sflag:s26], $0xC80  }
0x167: {  	[sflag:s26] =	ssyncset.done $0x0  }
0x168: {  	[sflag:s26] =	ssyncadd.s32 $0xFFFFF380  }
0x169: {  	[tilespmem:s28], [sflag:$0x5] =	stream.linear.gather [hbm4b:s22+s4], $0xC80, $0x38;
	[tilespmem:$0x1B000] =	vst v63  }
0x16a: {  	_ =	swait.ge [sflag:s26], $0xC80  }
0x16b: {  	[sflag:s26] =	ssyncset.done $0x0  }
0x16c: {  	[sflag:s26] =	ssyncadd.s32 $0xFFFFF380  }
0x16d: {  	[tilespmem:s25], [sflag:$0x1] =	stream.indirect.gather [hbm4b:s2+s29], $0x80, s4, s29, $0xb8;
	[tilespmem:$0x1B000] =	vst v63  }
0x16e: {  	_ =	swait.ge [sflag:s30], $0x2800  }
0x16f: {  	[sflag:s30] =	ssyncset.done $0x0  }
0x170: {  	[sflag:s30] =	ssyncadd.s32 $0xFFFFD800  }
0x171: {  	[tilespmem:s0], [sflag:$0x2] =	stream.indirect.gather [hbm4b:s2+s29], $0x80, s31, s29, $0xb8;
	[tilespmem:$0x1B000] =	vst v63  }
0x172: {  	_ = 	snop  }
0x173: {  	[spmem:s3] =	stream.indirect.scatter.add.f32 [tilespmem:s25], [sflag:$0x3], $0x80, s28, s29, $0xb8;
	[tilespmem:$0x1B000] =	vst v63  }
0x174: {  	_ =	swait.ge [sflag:s1], $0x2800  }
0x175: {  	[sflag:s1] =	ssyncset.done $0x0  }
0x176: {  	[sflag:s1] =	ssyncadd.s32 $0xFFFFD800  }
0x177: {  	_ =	swait.ge [sflag:s6], $0x2800  }
0x178: {  	[sflag:s6] =	ssyncset.done $0x0  }
0x179: {  	[sflag:s6] =	ssyncadd.s32 $0xFFFFD800  }
0x17a: {  	[tilespmem:s25], [sflag:$0x1] =	stream.indirect.gather [hbm4b:s2+s29], $0x80, s7, s29, $0xb8;
	[tilespmem:$0x1B000] =	vst v63  }
0x17b: {  	_ = 	snop  }
0x17c: {  	[spmem:s3] =	stream.indirect.scatter.add.f32 [tilespmem:s0], [sflag:$0x4], $0x80, s8, s29, $0xb8;
	[tilespmem:$0x1B000] =	vst v63  }
0x17d: {  	_ =	swait.ge [sflag:s30], $0x2800  }
0x17e: {  	[sflag:s30] =	ssyncset.done $0x0  }
0x17f: {  	[sflag:s30] =	ssyncadd.s32 $0xFFFFD800  }
0x180: {  	_ =	swait.ge [sflag:s9], $0x2800  }
0x181: {  	[sflag:s9] =	ssyncset.done $0x0  }
0x182: {  	s12 =	simm.s32 $0x180;
	[sflag:s9] =	ssyncadd.s32 $0xFFFFD800  }
0x183: {  	[tilespmem:s0], [sflag:$0x2] =	stream.indirect.gather [hbm4b:s2+s29], $0x80, s12, s29, $0xb8;
	[tilespmem:$0x1B000] =	vst v63  }
0x184: {  	s13 =	simm.s32 $0x1100  }
0x185: {  	[spmem:s3] =	stream.indirect.scatter.add.f32 [tilespmem:s25], [sflag:$0x3], $0x80, s13, s29, $0xb8;
	[tilespmem:$0x1B000] =	vst v63  }
0x186: {  	_ =	swait.ge [sflag:s1], $0x2800  }
0x187: {  	[sflag:s1] =	ssyncset.done $0x0  }
0x188: {  	[sflag:s1] =	ssyncadd.s32 $0xFFFFD800  }
0x189: {  	_ =	swait.ge [sflag:s6], $0x2800  }
0x18a: {  	s14 =	simm.s32 $0x200;
	[sflag:s6] =	ssyncset.done $0x0  }
0x18b: {  	s12 =	simm.s32 $0xFFFFD800;
	s13 =	simm.s32 $0x1180;
	[sflag:s6] =	ssyncadd.s32 $0xFFFFD800  }
0x18c: {  	[tilespmem:s25], [sflag:$0x1] =	stream.indirect.gather [hbm4b:s2+s29], $0x80, s14, s29, $0xb8;
	[tilespmem:$0x1B000] =	vst v63  }
.LBB2_12:
0x18d: {  	[spmem:s3] =	stream.indirect.scatter.add.f32 [tilespmem:s0], [sflag:$0x4], $0x80, s13, s29, $0xb8;
	[tilespmem:$0x1B000] =	vst v63  }
0x18e: {  	s13 =	smov.u32 s12  }
0x18f: {  	p0 =	sne.s32 s12, $0xFFFFFC00;
	s12 =	sadd.s32 $0x400, s12;
	_ =	swait.ge [sflag:s30], $0x2800  }
0x190: {  	[sflag:s30] =	ssyncset.done $0x0  }
0x191: {  	[sflag:s30] =	ssyncadd.s32 $0xFFFFD800  }
0x192: {  	_ =	swait.ge [sflag:s9], $0x2800  }
0x193: {  	s13 =	sshra.s32 s13, $0x2;
	[sflag:s9] =	ssyncset.done $0x0  }
0x194: {  	s14 =	sadd.s32 $0xC80, s13;
	[sflag:s9] =	ssyncadd.s32 $0xFFFFD800  }
0x195: {  	[tilespmem:s0], [sflag:$0x2] =	stream.indirect.gather [hbm4b:s2+s29], $0x80, s14, s29, $0xb8;
	[tilespmem:$0x1B000] =	vst v63  }
0x196: {  	s14 =	sadd.s32 $0x1C00, s13  }
0x197: {  	[spmem:s3] =	stream.indirect.scatter.add.f32 [tilespmem:s25], [sflag:$0x3], $0x80, s14, s29, $0xb8;
	[tilespmem:$0x1B000] =	vst v63  }
0x198: {  	_ =	swait.ge [sflag:s1], $0x2800  }
0x199: {  	[sflag:s1] =	ssyncset.done $0x0  }
0x19a: {  	[sflag:s1] =	ssyncadd.s32 $0xFFFFD800  }
.Ltmp5:
0x19b: {  	_ =	swait.ge [sflag:s6], $0x2800;
	(pc) =	sbr.rel @p0 .LBB2_12-.Ltmp5, $4  }
0x19c: {  	[sflag:s6] =	ssyncset.done $0x0  }
0x19d: {  	s14 =	sadd.s32 $0xD00, s13;
	[sflag:s6] =	ssyncadd.s32 $0xFFFFD800  }
0x19e: {  	[tilespmem:s25], [sflag:$0x1] =	stream.indirect.gather [hbm4b:s2+s29], $0x80, s14, s29, $0xb8;
	[tilespmem:$0x1B000] =	vst v63  }
0x19f: {  	s13 =	sadd.s32 $0x1C80, s13  }
0x1a0: {  	[spmem:s3] =	stream.indirect.scatter.add.f32 [tilespmem:s0], [sflag:$0x4], $0x80, s13, s29, $0xb8;
	[tilespmem:$0x1B000] =	vst v63  }
0x1a1: {  	_ =	swait.ge [sflag:s30], $0x2800  }
0x1a2: {  	[sflag:s30] =	ssyncset.done $0x0  }
0x1a3: {  	[sflag:s30] =	ssyncadd.s32 $0xFFFFD800  }
0x1a4: {  	[spmem:s3] =	stream.indirect.scatter.add.f32 [tilespmem:s25], [sflag:$0x5], $0x80, s10, s29, $0xb8;
	[tilespmem:$0x1B000] =	vst v63  }
0x1a5: {  	_ =	swait.ge [sflag:s26], $0x2800  }
0x1a6: {  	[sflag:s26] =	ssyncset.done $0x0  }
0x1a7: {  	[sflag:s26] =	ssyncadd.s32 $0xFFFFD800  }
0x1a8: {  	s12 =	stileid.u32;
	_ =	swait.ge [sflag:s9], $0x2800  }
0x1a9: {  	s14 =	sshrl.u32 s5, $0x3;
	s11 =	sadd.s32 $0x1, s11;
	[sflag:s9] =	ssyncset.done $0x0  }
0x1aa: {  	s12 =	sshll.u32 s12, $0x6;
	p0 =	sne.s32 s11, s24;
	[sflag:s9] =	ssyncadd.s32 $0xFFFFD800  }
.Ltmp6:
0x1ab: {  	s12 =	sor.u32 $0x1C05, s12;
	[bflag:$0x0] =	sbarrier.arrive $0xFFFF;
	(pc) =	sbr.rel @p0 .LBB2_1-.Ltmp6, $4  }
0x1ac: {  	[hbm:s23], [sflag:s12] =	dma.local [spmem:s14], $0x2800  }
0x1ad: {  	_ =	swait.ge [sflag:s26], $0x2800  }
0x1ae: {  	[sflag:s26] =	ssyncset.done $0x0  }
0x1af: {  	[sflag:s26] =	ssyncadd.s32 $0xFFFFD800  }
0x1b0: {  	_ =	sfence.sel $0x180000  }
0x1b1: {  	[bflag:$0x0] =	sbarrier.arrive $0xFFFF  }
0x1b2: {  	_ =	strace $0x9000004A  }
0x1b3: {  	s0 =	stileid.u32;
	[bflag:$0x2] =	sbarrier.arrive $0xFFFF  }
0x1b4: {  	p0 =	sne.s32 s0, $0x0;
	s0 =	rddreg [dreg:$0x3]  }
0x1b5: {  	s0 =	sadd.s32 @!p0 $0x100000, s0  }
0x1b6: {  	[sflag:s0] =	ssyncadd.tile.s32 @!p0 $0x1;
	_ =	shalt  }
.Lfunc_end2:
_tile_overlayer_lowered:
.L_overlay_start_2:
0x1b7: {  	(tag) =	ssettag $0x2  }
0x1b8: {  	s0 =	rddreg [dreg:$0x0];
	s2 =	stileid.u32  }
0x1b9: {  	s1 =	rddreg [dreg:$0x1];
	p0 =	sne.s32 s2, $0x0  }
0x1ba: {  	s3 =	rddreg [dreg:$0x2];
	[bflag:$0x3] =	sbarrier.arrive $0xFFFF;
	s2 =	simm.s32 @!p0 $0x1C05  }
0x1bb: {  	[timem:s3], [sflag:s2] =	dma.local @!p0 [hbm:s0], s1  }
0x1bc: {  	s0 =	simm.s32 @!p0 $0x5  }
0x1bd: {  	_ =	swait.ge @!p0 [sflag:s0], s1  }
0x1be: {  	s1 =	ssub.s32 @!p0 $0x0, s1;
	[sflag:s0] =	ssyncset.done @!p0 $0x0  }
0x1bf: {  	[sflag:s0] =	ssyncadd.s32 @!p0 s1  }
0x1c0: {  	[bflag:$0x3] =	sbarrier.arrive $0xFFFF  }
0x1c1: {  	_ =	shalt  }

// kernel: kernel.8.cloned.1.call-start
scs
__scs_entry_jumppad:
0x0: {  	(pc) =	sbr.rel $0x88, $3  }
0x1: {  	(tag) =	ssettag $0x0;
	lr =	simm.s32 $0x1  }
0x2: {  	[smem:$0x3F99] =	sst lr;
	_ =	strace $0xD0000000  }
0x3: {  	_ = 	snop  }
0x4: {  	_ = 	snop  }
0x5: {  	_ = 	snop  }
0x6: {  	_ = 	snop  }
0x7: {  	_ = 	snop  }
__scs_overlays_trampoline_lowered:
0x8: {  	[smem:$0x3FA8] =	sst s0  }
0x9: {  	[smem:$0x3FA9] =	sst s1  }
0xa: {  	[smem:$0x3FAA] =	sst s2  }
0xb: {  	[smem:$0x3FAB] =	sst s3  }
0xc: {  	[smem:$0x3FAC] =	sst s4  }
0xd: {  	[smem:$0x3FAD] =	sst s5  }
0xe: {  	[smem:$0x3FAE] =	sst s6  }
0xf: {  	[smem:$0x3FAF] =	sst s7  }
0x10: {  	[smem:$0x3FB0] =	sst s8  }
0x11: {  	[smem:$0x3FB1] =	sst s9;
	s0 =	simm.s32 @!p0 $0x0  }
0x12: {  	s1 =	sld [smem:$0x3F97];
	s0 =	simm.s32 @p0 $0x1  }
0x13: {  	[smem:$0x3FB2] =	sst s0;
	s0 =	simm.s32 @!p1 $0x0  }
0x14: {  	s2 =	sld [smem:$0x3F96];
	s0 =	simm.s32 @p1 $0x1  }
0x15: {  	[smem:$0x3FB3] =	sst s0;
	s0 =	simm.s32 @!p2 $0x0  }
0x16: {  	s3 =	sld [smem:$0x3FDB];
	s0 =	simm.s32 @p2 $0x1  }
0x17: {  	s4 =	simm.s32 $0x1BF5;
	[smem:$0x3FB5] =	sst s0  }
0x18: {  	s0 =	sld [smem:$0x3F98];
	_ =	swait.ge [sflag:s4], $0x0  }
0x19: {  	s7 =	sld [smem:$0x3F99]  }
0x1a: {  	s8 =	sadd.s32 $0xFFFFE003, lr  }
0x1b: {  	s9 =	sadd.s32 $0xFFFFFEF7, lr;
	s5 =	simm.s32 $0xFFFFFFFF;
	p2 =	slt.u32 s8, $0xFFFFF086  }
0x1c: {  	p1 =	slt.u32 s9, $0xF7A;
	s5 =	simm.s32 @!p2 $0x0  }
0x1d: {  	s5 =	simm.s32 @p1 $0x1;
	p0 =	seq.s32 s7, s2  }
0x1e: {  	s7 =	smul.u32 @!p0 $0xF7A, s2;
	p2 =	seq.s32 @!p0 s5, $0x0  }
0x1f: {  	s9 =	smul.u32 $0xF7A, s1;
	s8 =	simm.s32 @!p0 $0x1BF5;
	p2 =	por !p2, p0  }
0x20: {  	[sflag:s8] =	ssyncset.s32 @!p0 $0xFFFFF086;
	s6 =	sadd.s32 @!p0 s3, s7;
	s7 =	simm.s32 @!p0 $0x108  }
0x21: {  	s3 =	sadd.s32 s3, s9;
	s6 =	sadd.s32 @!p0 $0x88, s6;
	s7 =	simm.s32 @p2 $0x1082  }
0x22: {  	[simem:s7], [sflag:s8] =	dma.local @!p0 [hbm:s6], $0xF7A  }
0x23: {  	s9 =	sor.u32 $0xD0000000, s2;
	s6 =	simm.s32 $0x108;
	_ =	swait.ge @!p0 [sflag:s8], $0x0  }
0x24: {  	s3 =	sadd.s32 $0x88, s3;
	s6 =	simm.s32 @!p1 $0x1082;
	[sflag:s4] =	ssyncset.s32 $0xFFFFF086  }
0x25: {  	[simem:s6], [sflag:s4] =	dma.local [hbm:s3], $0xF7A  }
0x26: {  	[smem:$0x3F99] =	sst s1;
	(tag) =	ssettag s2;
	_ =	strace s9  }
0x27: {  	s1 =	sld [smem:$0x3FA9]  }
0x28: {  	s2 =	sld [smem:$0x3FAA]  }
0x29: {  	s4 =	sld [smem:$0x3FAC]  }
0x2a: {  	p0 =	seq.s32 s5, $0x0;
	s5 =	sld [smem:$0x3FAD]  }
0x2b: {  	s6 =	sld [smem:$0x3FAE]  }
0x2c: {  	s7 =	sld [smem:$0x3FAF]  }
0x2d: {  	s3 =	simm.s32 $0x108;
	s8 =	sld [smem:$0x3FB0]  }
0x2e: {  	s3 =	simm.s32 @!p0 $0x1082;
	s9 =	sld [smem:$0x3FB1]  }
0x2f: {  	lr =	sadd.s32 s0, s3;
	s0 =	sld [smem:$0x3FA8]  }
0x30: {  	s3 =	sld [smem:$0x3FAB]  }
0x31: {  	[smem:$0x3FB4] =	sst s10  }
0x32: {  	s10 =	sld [smem:$0x3FB2];
	_ =	sdelay $0x3  }
0x33: {  	p0 =	seq.s32 s10, $0x1;
	s10 =	sld [smem:$0x3FB4];
	_ =	sdelay $0x3  }
0x34: {  	[smem:$0x3FB4] =	sst s10  }
0x35: {  	s10 =	sld [smem:$0x3FB3];
	_ =	sdelay $0x3  }
0x36: {  	p1 =	seq.s32 s10, $0x1;
	s10 =	sld [smem:$0x3FB4];
	_ =	sdelay $0x3  }
0x37: {  	[smem:$0x3FB4] =	sst s10  }
0x38: {  	s10 =	sld [smem:$0x3FB5]  }
0x39: {  	_ = 	snop;
	(pc) =	sbr.ind lr, $3  }
0x3a: {  	_ = 	snop  }
0x3b: {  	_ = 	snop  }
0x3c: {  	p2 =	seq.s32 s10, $0x1;
	s10 =	sld [smem:$0x3FB4]  }
0x3d: {  	_ =	shalt  }
0x3e: {  	_ =	shalt  }
0x3f: {  	_ =	shalt  }
0x40: {  	_ =	shalt  }
0x41: {  	_ =	shalt  }
0x42: {  	_ =	shalt  }
0x43: {  	_ =	shalt  }
0x44: {  	_ =	shalt  }
0x45: {  	_ =	shalt  }
0x46: {  	_ =	shalt  }
0x47: {  	_ =	shalt  }
0x48: {  	_ =	shalt  }
0x49: {  	_ =	shalt  }
0x4a: {  	_ =	shalt  }
0x4b: {  	_ =	shalt  }
0x4c: {  	_ =	shalt  }
0x4d: {  	_ =	shalt  }
0x4e: {  	_ =	shalt  }
0x4f: {  	_ =	shalt  }
0x50: {  	_ =	shalt  }
0x51: {  	_ =	shalt  }
0x52: {  	_ =	shalt  }
0x53: {  	_ =	shalt  }
0x54: {  	_ =	shalt  }
0x55: {  	_ =	shalt  }
0x56: {  	_ =	shalt  }
0x57: {  	_ =	shalt  }
0x58: {  	_ =	shalt  }
0x59: {  	_ =	shalt  }
0x5a: {  	_ =	shalt  }
0x5b: {  	_ =	shalt  }
0x5c: {  	_ =	shalt  }
0x5d: {  	_ =	shalt  }
0x5e: {  	_ =	shalt  }
0x5f: {  	_ =	shalt  }
0x60: {  	_ =	shalt  }
0x61: {  	_ =	shalt  }
0x62: {  	_ =	shalt  }
0x63: {  	_ =	shalt  }
0x64: {  	_ =	shalt  }
0x65: {  	_ =	shalt  }
0x66: {  	_ =	shalt  }
0x67: {  	_ =	shalt  }
0x68: {  	_ =	shalt  }
0x69: {  	_ =	shalt  }
0x6a: {  	_ =	shalt  }
0x6b: {  	_ =	shalt  }
0x6c: {  	_ =	shalt  }
0x6d: {  	_ =	shalt  }
0x6e: {  	_ =	shalt  }
0x6f: {  	_ =	shalt  }
0x70: {  	_ =	shalt  }
0x71: {  	_ =	shalt  }
0x72: {  	_ =	shalt  }
0x73: {  	_ =	shalt  }
0x74: {  	_ =	shalt  }
0x75: {  	_ =	shalt  }
0x76: {  	_ =	shalt  }
0x77: {  	_ =	shalt  }
0x78: {  	_ =	shalt  }
0x79: {  	_ =	shalt  }
0x7a: {  	_ =	shalt  }
0x7b: {  	_ =	shalt  }
0x7c: {  	_ =	shalt  }
0x7d: {  	_ =	shalt  }
0x7e: {  	_ =	shalt  }
0x7f: {  	_ =	shalt  }
0x80: {  	_ =	shalt  }
0x81: {  	_ =	shalt  }
0x82: {  	_ =	shalt  }
0x83: {  	_ =	shalt  }
0x84: {  	_ =	shalt  }
0x85: {  	_ =	shalt  }
0x86: {  	_ =	shalt  }
0x87: {  	_ =	shalt  }
.Lfunc_end0:
.L_simem_size_0:
called_computation_lowered:
.L_overlay_start_0:
0x88: {  	s2 =	sld [smem:$0x3FD9]  }
0x89: {  	s3 =	sld [smem:$0x3FFE];
	_ =	sdelay $0x1  }
0x8a: {  	s1 =	srdreg.scid  }
0x8b: {  	s0 =	sand.u32 $0x1, s1  }
0x8c: {  	s17 =	sshll.u32 s0, $0xA;
	s2 =	sadd.s32 s3, s2  }
0x8d: {  	s2 =	sadd.s32 s2, s17  }
0x8e: {  	[smem:$0x3FC0] =	sst s2  }
0x8f: {  	_ = 	snop  }
0x90: {  	s2 =	sld [smem:$0x3FC9];
	(tm) =	ssettm $0x1  }
0x91: {  	s18 =	sld [smem:$0x3FFB];
	_ =	sdelay $0x3  }
0x92: {  	_ =	strace s18  }
0x93: {  	s3 =	sld [smem:$0x3FFC];
	_ =	sdelay $0x3  }
0x94: {  	_ =	strace s3  }
0x95: {  	s3 =	sld [smem:$0x3FFD];
	_ =	sdelay $0x3  }
0x96: {  	_ =	strace s3  }
0x97: {  	_ =	strace $0x8FFFFFFF  }
0x98: {  	s19 =	sld [smem:$0x3FDB];
	_ =	sdelay $0x1  }
0x99: {  	s4 =	simm.s32 $_scs_section_size  }
0x9a: {  	s5 =	simm.s32 $_size__tile_overlayer_lowered;
	s6 =	simm.s32 $_tile_overlayer_lowered  }
0x9b: {  	s22 =	simm.s32 $0x1BFF;
	s21 =	sshll.u32 s6, $0x1;
	s3 =	sadd.s32 s4, s19  }
0x9c: {  	s7 =	simm.s32 $0x0;
	s20 =	sshll.u32 s5, $0x1;
	s5 =	sadd.s32 s21, s3  }
0x9d: {  	[timem:s7], [sflag:s22] =	dma.local [hbm:s5], s20  }
0x9e: {  	_ =	swait.ge [sflag:s22], s20  }
0x9f: {  	s4 =	ssub.s32 $0x0, s20;
	[sflag:s22] =	ssyncset.done $0x0  }
0xa0: {  	[sflag:s22] =	ssyncadd.s32 s4;
	_ =	sdelay $0x1  }
0xa1: {  	s23 =	simm.s32 $0x1B8B  }
0xa2: {  	_ =	swait.ge [sflag:s23], $0x1  }
0xa3: {  	[sflag:s23] =	ssyncset.done $0x0  }
0xa4: {  	s25 =	simm.s32 $0x1B8E;
	s24 =	sld [smem:$0x3FFE];
	[sflag:s23] =	ssyncadd.s32 $0xFFFFFFFF  }
0xa5: {  	s26 =	simm.s32 $execute0_lowered;
	[smem:$0x3FD2] =	sst s25  }
0xa6: {  	s5 =	sshll.u32 s26, $0x1;
	_ =	strace $0x80000046;
	[dreg:$0x1] =	wrdreg $0xFFFFFFFF  }
0xa7: {  	s28 =	simm.s32 $_size_execute0_lowered;
	s3 =	sadd.s32 s3, s5;
	[dreg:$0x0] =	wrdreg $0x0  }
0xa8: {  	s5 =	sshll.u32 s28, $0x1;
	[dreg:$0x2] =	wrdreg s3  }
0xa9: {  	[dreg:$0x3] =	wrdreg s5  }
0xaa: {  	[dreg:$0x4] =	wrdreg $0xC0  }
0xab: {  	_ =	task [dreg:s7], $0x5FFFF  }
0xac: {  	[dreg:$0x1] =	wrdreg $0xFFFFFFFF  }
0xad: {  	[dreg:$0x0] =	wrdreg $0x60  }
0xae: {  	[dreg:$0x2] =	wrdreg s24  }
0xaf: {  	[dreg:$0x3] =	wrdreg s2  }
0xb0: {  	[dreg:$0x4] =	wrdreg $0x70000  }
0xb1: {  	[dreg:$0x5] =	wrdreg $0x9  }
0xb2: {  	_ =	task.clear_ibuf [dreg:s7], $0x6FFFF;
	_ =	strace $0x90000046  }
0xb3: {  	s29 =	simm.s32 $0x9;
	_ =	strace $0x80000048  }
0xb4: {  	_ =	swait.ge [sflag:s29], $0x1  }
0xb5: {  	[sflag:s29] =	ssyncadd.s32 $0xFFFFFFFF  }
0xb6: {  	_ =	strace $0x90000048  }
0xb7: {  	_ =	sfence  }
0xb8: {  	s30 =	sld [smem:$0x0];
	_ =	sdelay $0x2  }
0xb9: {  	s31 =	sshll.u32 s1, $0xD;
	s1 =	sshrl.u32 s1, $0x2  }
0xba: {  	s3 =	sand.u32 $0x4000, s31;
	s1 =	sadd.s32 s1, s30  }
0xbb: {  	s0 =	sor.u32 s3, s0;
	s1 =	sshll.u32 s1, $0x11  }
0xbc: {  	s0 =	sor.u32 s1, s0  }
0xbd: {  	s0 =	sadd.s32 $0x8F2B, s0  }
0xbe: {  	[sflag:s0] =	ssyncadd.remote.s32 $0x1  }
0xbf: {  	_ =	sfence.sel $0xFFFF  }
0xc0: {  	[dreg:$0x0] =	wrdreg $0xFFFFFFFF;
	(pc) =	sbr.abs _section_cstart, $3  }
0xc1: {  	[dreg:$0x1] =	wrdreg $0xFFFFFFFF  }
0xc2: {  	_ =	task.clear_ibuf [dreg:s7], $0x2FFFF;
	_ =	strace $0x9FFFFFFF  }
0xc3: {  	(tm) =	ssettm $0x7FFFFFFF  }
tec
execute0_lowered:
.L_overlay_start_1:
0x0: {  	(tag) =	ssettag $0x1  }
0x1: {  	s0 =	rddreg [dreg:$0x0]  }
0x2: {  	s1 =	srdreg.scid;
	s10 =	stileid.u32  }
0x3: {  	s2 =	rddreg [dreg:$0x1];
	s6 =	smul.u32 $0x14000, s10  }
0x4: {  	s3 =	rddreg [dreg:$0x2];
	s26 =	smul.u32 $0x50000, s10  }
0x5: {  	s4 =	simm.s32 $0x0;
	s1 =	sand.u32 $0x1, s1;
	s10 =	smul.u32 $0x5000, s10  }
0x6: {  	[smem:$0x7FF] =	sst s4;
	s5 =	smul.u32 $0x140000, s1  }
0x7: {  	s7 =	sadd.s32 $0x2800, s0;
	s9 =	ssub.s32 $0x2, s1;
	s1 =	smul.u32 $0x50000, s1  }
0x8: {  	s8 =	sadd.s32 $0x16800, s0;
	_ =	strace $0x80000047;
	s31 =	sshrl.u32 s9, $0x1  }
0x9: {  	s5 =	sadd.s32 s6, s5;
	s6 =	ssub.s32 s9, s31;
	s1 =	sadd.s32 s10, s1  }
0xa: {  	s29 =	sshrl.u32 s26, $0x2;
	s1 =	sshrl.u32 s1, $0x3;
	s31 =	smax.u32 s6, $0x1  }
0xb: {  	s5 =	sshrl.u32 s5, $0x3;
	s17 =	sadd.s32 s8, s1;
	[dreg:$0x17] =	wrdreg s31  }
0xc: {  	s0 =	sadd.s32 s5, s0;
	s5 =	sadd.s32 s29, s3;
	[dreg:$0xb] =	wrdreg s17  }
0xd: {  	s4 =	sadd.s32 $0x2800, s5;
	[dreg:$0x18] =	wrdreg s5  }
0xe: {  	s11 =	sadd.s32 $0x5000, s5;
	[dreg:$0x4] =	wrdreg s4  }
0xf: {  	s12 =	sadd.s32 $0x7800, s5;
	[dreg:$0x5] =	wrdreg s11  }
0x10: {  	s13 =	sadd.s32 $0xA000, s5;
	[dreg:$0x6] =	wrdreg s12  }
0x11: {  	s14 =	sadd.s32 $0xC800, s5;
	[dreg:$0x7] =	wrdreg s13  }
0x12: {  	s28 =	simm.s32 $0x5;
	s15 =	sadd.s32 $0xF000, s5;
	[dreg:$0x8] =	wrdreg s14  }
0x13: {  	s18 =	sadd.s32 $0x200, s1;
	s16 =	sadd.s32 $0x11800, s5;
	[dreg:$0x9] =	wrdreg s15  }
0x14: {  	s30 =	simm.s32 $0x50;
	s19 =	sadd.s32 s8, s18;
	[dreg:$0xa] =	wrdreg s16  }
0x15: {  	s20 =	sadd.s32 $0x400, s1;
	s23 =	sadd.s32 s7, s18;
	[dreg:$0xc] =	wrdreg s19  }
0x16: {  	s22 =	sadd.s32 $0x800, s1;
	s24 =	sadd.s32 s7, s20;
	[dreg:$0x11] =	wrdreg s23  }
0x17: {  	s10 =	simm.s32 $0x1080;
	s26 =	sadd.s32 s7, s22;
	[dreg:$0x12] =	wrdreg s24  }
0x18: {  	s29 =	sadd.s32 $0x7A800, s0;
	s0 =	sadd.s32 $0x2A800, s0;
	[dreg:$0x14] =	wrdreg s26  }
0x19: {  	s18 =	simm.s32 $0x1;
	s11 =	sadd.s32 $0x600, s1;
	[dreg:$0x15] =	wrdreg s29  }
0x1a: {  	s12 =	sadd.s32 s8, s20;
	s1 =	sadd.s32 s7, s1;
	[dreg:$0x16] =	wrdreg s0  }
0x1b: {  	s26 =	simm.s32 $0x2000;
	s0 =	simm.s32 $0x3;
	[dreg:$0xd] =	wrdreg s12  }
0x1c: {  	s20 =	simm.s32 $0x4800;
	s21 =	sadd.s32 s8, s11;
	[dreg:$0x10] =	wrdreg s1  }
0x1d: {  	s23 =	simm.s32 $0x4;
	s8 =	sadd.s32 s8, s22;
	[dreg:$0xe] =	wrdreg s21  }
0x1e: {  	s25 =	sadd.s32 s7, s11;
	s22 =	simm.s32 $0x1000;
	[dreg:$0xf] =	wrdreg s8  }
0x1f: {  	v0 =	vimm.f32 $0.0e+00;
	v1 =	vimm.f32 $1.000000000e+00;
	s1 =	simm.s32 $0x0;
	[dreg:$0x13] =	wrdreg s25;
	s21 =	simm.s32 $0x2  }
.LBB2_1:
0x20: {  	s6 =	simm.s32 $0x0;
	s7 =	simm.s32 $0x200  }
.LBB2_2:
0x21: {  	p0 =	sne.s32 s7, $0x9E00;
	[tilespmem:s6+$0x2070] =	vst v0  }
0x22: {  	[tilespmem:s6+$0x2000] =	vst v0  }
0x23: {  	[tilespmem:s6+$0x2010] =	vst v0  }
.Ltmp0:
0x24: {  	[tilespmem:s6+$0x2020] =	vst v0;
	(pc) =	sbr.rel @p0 .LBB2_2-.Ltmp0, $4  }
0x25: {  	[tilespmem:s6+$0x2030] =	vst v0  }
0x26: {  	[tilespmem:s6+$0x2040] =	vst v0  }
0x27: {  	[tilespmem:s6+$0x2050] =	vst v0  }
0x28: {  	[tilespmem:s6+$0x2060] =	vst v0;
	s6 =	sshra.s32 s7, $0x2;
	s7 =	sadd.s32 $0x200, s7  }
0x29: {  	[tilespmem:s6+$0x2070] =	vst v0  }
0x2a: {  	[tilespmem:s6+$0x2000] =	vst v0  }
0x2b: {  	[tilespmem:s6+$0x2010] =	vst v0  }
0x2c: {  	[tilespmem:s6+$0x2020] =	vst v0  }
0x2d: {  	[tilespmem:s6+$0x2030] =	vst v0  }
0x2e: {  	[tilespmem:s6+$0x2040] =	vst v0  }
0x2f: {  	[tilespmem:s6+$0x2050] =	vst v0  }
0x30: {  	[dreg:$0x19] =	wrdreg s1;
	[tilespmem:s6+$0x2060] =	vst v0  }
0x31: {  	[spmem:s5] =	stream.linear.scatter [tilespmem:s26], [sflag:$0x5], $0x2800, $0x38;
	[tilespmem:$0x1B000] =	vst v63  }
0x32: {  	_ =	swait.ge [sflag:s28], $0x2800  }
0x33: {  	[sflag:s28] =	ssyncset.done $0x0  }
0x34: {  	s16 =	rddreg [dreg:$0x4];
	[sflag:s28] =	ssyncadd.s32 $0xFFFFD800  }
0x35: {  	[spmem:s16] =	stream.linear.scatter [tilespmem:s26], [sflag:$0x5], $0x2800, $0x38;
	[tilespmem:$0x1B000] =	vst v63  }
0x36: {  	_ =	swait.ge [sflag:s28], $0x2800  }
0x37: {  	[sflag:s28] =	ssyncset.done $0x0  }
0x38: {  	s17 =	rddreg [dreg:$0x5];
	[sflag:s28] =	ssyncadd.s32 $0xFFFFD800  }
0x39: {  	[spmem:s17] =	stream.linear.scatter [tilespmem:s26], [sflag:$0x5], $0x2800, $0x38;
	[tilespmem:$0x1B000] =	vst v63  }
0x3a: {  	_ =	swait.ge [sflag:s28], $0x2800  }
0x3b: {  	[sflag:s28] =	ssyncset.done $0x0  }
0x3c: {  	s19 =	rddreg [dreg:$0x6];
	[sflag:s28] =	ssyncadd.s32 $0xFFFFD800  }
0x3d: {  	[spmem:s19] =	stream.linear.scatter [tilespmem:s26], [sflag:$0x5], $0x2800, $0x38;
	[tilespmem:$0x1B000] =	vst v63  }
0x3e: {  	_ =	swait.ge [sflag:s28], $0x2800  }
0x3f: {  	[sflag:s28] =	ssyncset.done $0x0  }
0x40: {  	s24 =	rddreg [dreg:$0x7];
	[sflag:s28] =	ssyncadd.s32 $0xFFFFD800  }
0x41: {  	[spmem:s24] =	stream.linear.scatter [tilespmem:s26], [sflag:$0x5], $0x2800, $0x38;
	[tilespmem:$0x1B000] =	vst v63  }
0x42: {  	_ =	swait.ge [sflag:s28], $0x2800  }
0x43: {  	[sflag:s28] =	ssyncset.done $0x0  }
0x44: {  	s25 =	rddreg [dreg:$0x8];
	[sflag:s28] =	ssyncadd.s32 $0xFFFFD800  }
0x45: {  	[spmem:s25] =	stream.linear.scatter [tilespmem:s26], [sflag:$0x5], $0x2800, $0x38;
	[tilespmem:$0x1B000] =	vst v63  }
0x46: {  	_ =	swait.ge [sflag:s28], $0x2800  }
0x47: {  	[sflag:s28] =	ssyncset.done $0x0  }
0x48: {  	s29 =	rddreg [dreg:$0x9];
	[sflag:s28] =	ssyncadd.s32 $0xFFFFD800  }
0x49: {  	[spmem:s29] =	stream.linear.scatter [tilespmem:s26], [sflag:$0x5], $0x2800, $0x38;
	[tilespmem:$0x1B000] =	vst v63  }
0x4a: {  	_ =	swait.ge [sflag:s28], $0x2800  }
0x4b: {  	[sflag:s28] =	ssyncset.done $0x0  }
0x4c: {  	s31 =	rddreg [dreg:$0xa];
	[sflag:s28] =	ssyncadd.s32 $0xFFFFD800  }
0x4d: {  	[spmem:s31] =	stream.linear.scatter [tilespmem:s26], [sflag:$0x5], $0x2800, $0x38;
	[tilespmem:$0x1B000] =	vst v63  }
0x4e: {  	_ =	swait.ge [sflag:s28], $0x2800  }
0x4f: {  	[sflag:s28] =	ssyncset.done $0x0  }
0x50: {  	[sflag:s28] =	ssyncadd.s32 $0xFFFFD800  }
0x51: {  	s6 =	simm.s32 $0x0;
	s7 =	simm.s32 $0x200;
	[bflag:$0x0] =	sbarrier.arrive $0xFFFF  }
.LBB2_4:
0x52: {  	p0 =	sne.s32 s7, $0x9E00;
	[tilespmem:s6+$0x2070] =	vst v1  }
0x53: {  	[tilespmem:s6+$0x2000] =	vst v1  }
0x54: {  	[tilespmem:s6+$0x2010] =	vst v1  }
.Ltmp1:
0x55: {  	[tilespmem:s6+$0x2020] =	vst v1;
	(pc) =	sbr.rel @p0 .LBB2_4-.Ltmp1, $4  }
0x56: {  	[tilespmem:s6+$0x2030] =	vst v1  }
0x57: {  	[tilespmem:s6+$0x2040] =	vst v1  }
0x58: {  	[tilespmem:s6+$0x2050] =	vst v1  }
0x59: {  	[tilespmem:s6+$0x2060] =	vst v1;
	s6 =	sshra.s32 s7, $0x2;
	s7 =	sadd.s32 $0x200, s7  }
0x5a: {  	[tilespmem:s6+$0x2070] =	vst v1  }
0x5b: {  	[tilespmem:s6+$0x2000] =	vst v1  }
0x5c: {  	[tilespmem:s6+$0x2010] =	vst v1  }
0x5d: {  	[tilespmem:s6+$0x2020] =	vst v1  }
0x5e: {  	[tilespmem:s6+$0x2030] =	vst v1  }
0x5f: {  	[tilespmem:s6+$0x2040] =	vst v1  }
0x60: {  	[tilespmem:s6+$0x2050] =	vst v1  }
0x61: {  	[tilespmem:s6+$0x2060] =	vst v1;
	s1 =	simm.s32 $0x0;
	s7 =	rddreg [dreg:$0xb]  }
0x62: {  	[tilespmem:s22], [sflag:$0x5] =	stream.linear.gather [hbm4b:s7+s1], $0xC80, $0x38;
	[tilespmem:$0x1B000] =	vst v63  }
0x63: {  	_ =	swait.ge [sflag:s28], $0xC80  }
0x64: {  	[sflag:s28] =	ssyncset.done $0x0  }
0x65: {  	[sflag:s28] =	ssyncadd.s32 $0xFFFFF380  }
0x66: {  	[spmem:s3] =	stream.indirect.scatter.add.f32 [tilespmem:s26], [sflag:$0x3], $0x80, s22, s30, $0xb8;
	[tilespmem:$0x1B000] =	vst v63  }
0x67: {  	_ = 	snop  }
0x68: {  	[spmem:s3] =	stream.indirect.scatter.add.f32 [tilespmem:s26], [sflag:$0x3], $0x80, s10, s30, $0xb8;
	[tilespmem:$0x1B000] =	vst v63  }
0x69: {  	s5 =	simm.s32 $0x1100  }
0x6a: {  	[spmem:s3] =	stream.indirect.scatter.add.f32 [tilespmem:s26], [sflag:$0x3], $0x80, s5, s30, $0xb8;
	[tilespmem:$0x1B000] =	vst v63  }
0x6b: {  	s6 =	simm.s32 $0x1180  }
0x6c: {  	[spmem:s3] =	stream.indirect.scatter.add.f32 [tilespmem:s26], [sflag:$0x3], $0x80, s6, s30, $0xb8;
	[tilespmem:$0x1B000] =	vst v63  }
0x6d: {  	s7 =	simm.s32 $0x1200  }
0x6e: {  	[spmem:s3] =	stream.indirect.scatter.add.f32 [tilespmem:s26], [sflag:$0x3], $0x80, s7, s30, $0xb8;
	[tilespmem:$0x1B000] =	vst v63  }
0x6f: {  	s8 =	simm.s32 $0x1280  }
0x70: {  	[spmem:s3] =	stream.indirect.scatter.add.f32 [tilespmem:s26], [sflag:$0x3], $0x80, s8, s30, $0xb8;
	[tilespmem:$0x1B000] =	vst v63  }
0x71: {  	s9 =	simm.s32 $0x1300  }
0x72: {  	[spmem:s3] =	stream.indirect.scatter.add.f32 [tilespmem:s26], [sflag:$0x3], $0x80, s9, s30, $0xb8;
	[tilespmem:$0x1B000] =	vst v63  }
0x73: {  	s10 =	simm.s32 $0x1380  }
0x74: {  	[spmem:s3] =	stream.indirect.scatter.add.f32 [tilespmem:s26], [sflag:$0x3], $0x80, s10, s30, $0xb8;
	[tilespmem:$0x1B000] =	vst v63  }
0x75: {  	s12 =	simm.s32 $0x1400  }
0x76: {  	[spmem:s3] =	stream.indirect.scatter.add.f32 [tilespmem:s26], [sflag:$0x3], $0x80, s12, s30, $0xb8;
	[tilespmem:$0x1B000] =	vst v63  }
0x77: {  	s13 =	simm.s32 $0x1480  }
0x78: {  	[spmem:s3] =	stream.indirect.scatter.add.f32 [tilespmem:s26], [sflag:$0x3], $0x80, s13, s30, $0xb8;
	[tilespmem:$0x1B000] =	vst v63  }
0x79: {  	s14 =	simm.s32 $0x1500  }
0x7a: {  	[spmem:s3] =	stream.indirect.scatter.add.f32 [tilespmem:s26], [sflag:$0x3], $0x80, s14, s30, $0xb8;
	[tilespmem:$0x1B000] =	vst v63  }
0x7b: {  	s15 =	simm.s32 $0x1580  }
0x7c: {  	[spmem:s3] =	stream.indirect.scatter.add.f32 [tilespmem:s26], [sflag:$0x3], $0x80, s15, s30, $0xb8;
	[tilespmem:$0x1B000] =	vst v63  }
0x7d: {  	s16 =	simm.s32 $0x1600  }
0x7e: {  	[spmem:s3] =	stream.indirect.scatter.add.f32 [tilespmem:s26], [sflag:$0x3], $0x80, s16, s30, $0xb8;
	[tilespmem:$0x1B000] =	vst v63  }
0x7f: {  	s17 =	simm.s32 $0x1680  }
0x80: {  	[spmem:s3] =	stream.indirect.scatter.add.f32 [tilespmem:s26], [sflag:$0x3], $0x80, s17, s30, $0xb8;
	[tilespmem:$0x1B000] =	vst v63  }
0x81: {  	s19 =	simm.s32 $0x1700  }
0x82: {  	[spmem:s3] =	stream.indirect.scatter.add.f32 [tilespmem:s26], [sflag:$0x3], $0x80, s19, s30, $0xb8;
	[tilespmem:$0x1B000] =	vst v63  }
0x83: {  	s24 =	simm.s32 $0x1780  }
0x84: {  	[spmem:s3] =	stream.indirect.scatter.add.f32 [tilespmem:s26], [sflag:$0x3], $0x80, s24, s30, $0xb8;
	[tilespmem:$0x1B000] =	vst v63  }
0x85: {  	s25 =	simm.s32 $0x1800  }
0x86: {  	[spmem:s3] =	stream.indirect.scatter.add.f32 [tilespmem:s26], [sflag:$0x3], $0x80, s25, s30, $0xb8;
	[tilespmem:$0x1B000] =	vst v63  }
0x87: {  	s31 =	simm.s32 $0x1880  }
0x88: {  	[spmem:s3] =	stream.indirect.scatter.add.f32 [tilespmem:s26], [sflag:$0x3], $0x80, s31, s30, $0xb8;
	[tilespmem:$0x1B000] =	vst v63  }
0x89: {  	s4 =	simm.s32 $0x1900  }
0x8a: {  	[spmem:s3] =	stream.indirect.scatter.add.f32 [tilespmem:s26], [sflag:$0x3], $0x80, s4, s30, $0xb8;
	[tilespmem:$0x1B000] =	vst v63  }
0x8b: {  	s7 =	simm.s32 $0x1980  }
0x8c: {  	[spmem:s3] =	stream.indirect.scatter.add.f32 [tilespmem:s26], [sflag:$0x3], $0x80, s7, s30, $0xb8;
	[tilespmem:$0x1B000] =	vst v63  }
0x8d: {  	s9 =	simm.s32 $0x1A00  }
0x8e: {  	[spmem:s3] =	stream.indirect.scatter.add.f32 [tilespmem:s26], [sflag:$0x3], $0x80, s9, s30, $0xb8;
	[tilespmem:$0x1B000] =	vst v63  }
0x8f: {  	s12 =	simm.s32 $0x1A80  }
0x90: {  	[spmem:s3] =	stream.indirect.scatter.add.f32 [tilespmem:s26], [sflag:$0x3], $0x80, s12, s30, $0xb8;
	[tilespmem:$0x1B000] =	vst v63  }
0x91: {  	s13 =	simm.s32 $0x1B00  }
0x92: {  	[spmem:s3] =	stream.indirect.scatter.add.f32 [tilespmem:s26], [sflag:$0x3], $0x80, s13, s30, $0xb8;
	[tilespmem:$0x1B000] =	vst v63  }
0x93: {  	s14 =	simm.s32 $0x1B80  }
0x94: {  	[spmem:s3] =	stream.indirect.scatter.add.f32 [tilespmem:s26], [sflag:$0x3], $0x80, s14, s30, $0xb8;
	[tilespmem:$0x1B000] =	vst v63  }
0x95: {  	s15 =	simm.s32 $0x1C00  }
0x96: {  	[spmem:s3] =	stream.indirect.scatter.add.f32 [tilespmem:s26], [sflag:$0x3], $0x80, s15, s30, $0xb8;
	[tilespmem:$0x1B000] =	vst v63  }
0x97: {  	_ =	swait.ge [sflag:s0], $0x2800  }
0x98: {  	[sflag:s0] =	ssyncset.done $0x0  }
0x99: {  	[sflag:s0] =	ssyncadd.s32 $0xFFFFD800  }
0x9a: {  	_ =	swait.ge [sflag:s0], $0x2800  }
0x9b: {  	[sflag:s0] =	ssyncset.done $0x0  }
0x9c: {  	[sflag:s0] =	ssyncadd.s32 $0xFFFFD800  }
0x9d: {  	_ =	swait.ge [sflag:s0], $0x2800  }
0x9e: {  	[sflag:s0] =	ssyncset.done $0x0  }
0x9f: {  	[sflag:s0] =	ssyncadd.s32 $0xFFFFD800  }
0xa0: {  	_ =	swait.ge [sflag:s0], $0x2800  }
0xa1: {  	[sflag:s0] =	ssyncset.done $0x0  }
0xa2: {  	[sflag:s0] =	ssyncadd.s32 $0xFFFFD800  }
0xa3: {  	_ =	swait.ge [sflag:s0], $0x2800  }
0xa4: {  	[sflag:s0] =	ssyncset.done $0x0  }
0xa5: {  	[sflag:s0] =	ssyncadd.s32 $0xFFFFD800  }
0xa6: {  	_ =	swait.ge [sflag:s0], $0x2800  }
0xa7: {  	[sflag:s0] =	ssyncset.done $0x0  }
0xa8: {  	[sflag:s0] =	ssyncadd.s32 $0xFFFFD800  }
0xa9: {  	_ =	swait.ge [sflag:s0], $0x2800  }
0xaa: {  	[sflag:s0] =	ssyncset.done $0x0  }
0xab: {  	[sflag:s0] =	ssyncadd.s32 $0xFFFFD800  }
0xac: {  	_ =	swait.ge [sflag:s0], $0x2800  }
0xad: {  	[sflag:s0] =	ssyncset.done $0x0  }
0xae: {  	[sflag:s0] =	ssyncadd.s32 $0xFFFFD800  }
0xaf: {  	_ =	swait.ge [sflag:s0], $0x2800  }
0xb0: {  	[sflag:s0] =	ssyncset.done $0x0  }
0xb1: {  	[sflag:s0] =	ssyncadd.s32 $0xFFFFD800  }
0xb2: {  	_ =	swait.ge [sflag:s0], $0x2800  }
0xb3: {  	[sflag:s0] =	ssyncset.done $0x0  }
0xb4: {  	[sflag:s0] =	ssyncadd.s32 $0xFFFFD800  }
0xb5: {  	_ =	swait.ge [sflag:s0], $0x2800  }
0xb6: {  	[sflag:s0] =	ssyncset.done $0x0  }
0xb7: {  	[sflag:s0] =	ssyncadd.s32 $0xFFFFD800  }
0xb8: {  	_ =	swait.ge [sflag:s0], $0x2800  }
0xb9: {  	[sflag:s0] =	ssyncset.done $0x0  }
0xba: {  	[sflag:s0] =	ssyncadd.s32 $0xFFFFD800  }
0xbb: {  	_ =	swait.ge [sflag:s0], $0x2800  }
0xbc: {  	[sflag:s0] =	ssyncset.done $0x0  }
0xbd: {  	[sflag:s0] =	ssyncadd.s32 $0xFFFFD800  }
0xbe: {  	_ =	swait.ge [sflag:s0], $0x2800  }
0xbf: {  	[sflag:s0] =	ssyncset.done $0x0  }
0xc0: {  	[sflag:s0] =	ssyncadd.s32 $0xFFFFD800  }
0xc1: {  	_ =	swait.ge [sflag:s0], $0x2800  }
0xc2: {  	[sflag:s0] =	ssyncset.done $0x0  }
0xc3: {  	[sflag:s0] =	ssyncadd.s32 $0xFFFFD800  }
0xc4: {  	_ =	swait.ge [sflag:s0], $0x2800  }
0xc5: {  	[sflag:s0] =	ssyncset.done $0x0  }
0xc6: {  	[sflag:s0] =	ssyncadd.s32 $0xFFFFD800  }
0xc7: {  	_ =	swait.ge [sflag:s0], $0x2800  }
0xc8: {  	[sflag:s0] =	ssyncset.done $0x0  }
0xc9: {  	[sflag:s0] =	ssyncadd.s32 $0xFFFFD800  }
0xca: {  	_ =	swait.ge [sflag:s0], $0x2800  }
0xcb: {  	[sflag:s0] =	ssyncset.done $0x0  }
0xcc: {  	[sflag:s0] =	ssyncadd.s32 $0xFFFFD800  }
0xcd: {  	_ =	swait.ge [sflag:s0], $0x2800  }
0xce: {  	[sflag:s0] =	ssyncset.done $0x0  }
0xcf: {  	[sflag:s0] =	ssyncadd.s32 $0xFFFFD800  }
0xd0: {  	_ =	swait.ge [sflag:s0], $0x2800  }
0xd1: {  	[sflag:s0] =	ssyncset.done $0x0  }
0xd2: {  	[sflag:s0] =	ssyncadd.s32 $0xFFFFD800  }
0xd3: {  	_ =	swait.ge [sflag:s0], $0x2800  }
0xd4: {  	[sflag:s0] =	ssyncset.done $0x0  }
0xd5: {  	[sflag:s0] =	ssyncadd.s32 $0xFFFFD800  }
0xd6: {  	_ =	swait.ge [sflag:s0], $0x2800  }
0xd7: {  	[sflag:s0] =	ssyncset.done $0x0  }
0xd8: {  	[sflag:s0] =	ssyncadd.s32 $0xFFFFD800  }
0xd9: {  	_ =	swait.ge [sflag:s0], $0x2800  }
0xda: {  	[sflag:s0] =	ssyncset.done $0x0  }
0xdb: {  	[sflag:s0] =	ssyncadd.s32 $0xFFFFD800  }
0xdc: {  	_ =	swait.ge [sflag:s0], $0x2800  }
0xdd: {  	[sflag:s0] =	ssyncset.done $0x0  }
0xde: {  	[sflag:s0] =	ssyncadd.s32 $0xFFFFD800  }
0xdf: {  	_ =	swait.ge [sflag:s0], $0x2800  }
0xe0: {  	[sflag:s0] =	ssyncset.done $0x0  }
0xe1: {  	s13 =	simm.s32 $0x0;
	s16 =	rddreg [dreg:$0xc];
	[sflag:s0] =	ssyncadd.s32 $0xFFFFD800  }
0xe2: {  	[tilespmem:s22], [sflag:$0x5] =	stream.linear.gather [hbm4b:s16+s13], $0xC80, $0x38;
	[tilespmem:$0x1B000] =	vst v63  }
0xe3: {  	_ =	swait.ge [sflag:s28], $0xC80  }
0xe4: {  	[sflag:s28] =	ssyncset.done $0x0  }
0xe5: {  	[sflag:s28] =	ssyncadd.s32 $0xFFFFF380  }
0xe6: {  	[spmem:s3] =	stream.indirect.scatter.add.f32 [tilespmem:s26], [sflag:$0x3], $0x80, s22, s30, $0xb8;
	[tilespmem:$0x1B000] =	vst v63  }
0xe7: {  	s9 =	simm.s32 $0x1080  }
0xe8: {  	[spmem:s3] =	stream.indirect.scatter.add.f32 [tilespmem:s26], [sflag:$0x3], $0x80, s9, s30, $0xb8;
	[tilespmem:$0x1B000] =	vst v63  }
0xe9: {  	s29 =	simm.s32 $0x1100  }
0xea: {  	[spmem:s3] =	stream.indirect.scatter.add.f32 [tilespmem:s26], [sflag:$0x3], $0x80, s29, s30, $0xb8;
	[tilespmem:$0x1B000] =	vst v63  }
0xeb: {  	s6 =	simm.s32 $0x1180  }
0xec: {  	[spmem:s3] =	stream.indirect.scatter.add.f32 [tilespmem:s26], [sflag:$0x3], $0x80, s6, s30, $0xb8;
	[tilespmem:$0x1B000] =	vst v63  }
0xed: {  	s11 =	simm.s32 $0x1200  }
0xee: {  	[spmem:s3] =	stream.indirect.scatter.add.f32 [tilespmem:s26], [sflag:$0x3], $0x80, s11, s30, $0xb8;
	[tilespmem:$0x1B000] =	vst v63  }
0xef: {  	s8 =	simm.s32 $0x1280  }
0xf0: {  	[spmem:s3] =	stream.indirect.scatter.add.f32 [tilespmem:s26], [sflag:$0x3], $0x80, s8, s30, $0xb8;
	[tilespmem:$0x1B000] =	vst v63  }
0xf1: {  	s14 =	simm.s32 $0x1300  }
0xf2: {  	[spmem:s3] =	stream.indirect.scatter.add.f32 [tilespmem:s26], [sflag:$0x3], $0x80, s14, s30, $0xb8;
	[tilespmem:$0x1B000] =	vst v63  }
0xf3: {  	s10 =	simm.s32 $0x1380  }
0xf4: {  	[spmem:s3] =	stream.indirect.scatter.add.f32 [tilespmem:s26], [sflag:$0x3], $0x80, s10, s30, $0xb8;
	[tilespmem:$0x1B000] =	vst v63  }
0xf5: {  	s6 =	simm.s32 $0x1400  }
0xf6: {  	[spmem:s3] =	stream.indirect.scatter.add.f32 [tilespmem:s26], [sflag:$0x3], $0x80, s6, s30, $0xb8;
	[tilespmem:$0x1B000] =	vst v63  }
0xf7: {  	s8 =	simm.s32 $0x1480  }
0xf8: {  	[spmem:s3] =	stream.indirect.scatter.add.f32 [tilespmem:s26], [sflag:$0x3], $0x80, s8, s30, $0xb8;
	[tilespmem:$0x1B000] =	vst v63  }
0xf9: {  	s10 =	simm.s32 $0x1500  }
0xfa: {  	[spmem:s3] =	stream.indirect.scatter.add.f32 [tilespmem:s26], [sflag:$0x3], $0x80, s10, s30, $0xb8;
	[tilespmem:$0x1B000] =	vst v63  }
0xfb: {  	s11 =	simm.s32 $0x1580  }
0xfc: {  	[spmem:s3] =	stream.indirect.scatter.add.f32 [tilespmem:s26], [sflag:$0x3], $0x80, s11, s30, $0xb8;
	[tilespmem:$0x1B000] =	vst v63  }
0xfd: {  	s12 =	simm.s32 $0x1600  }
0xfe: {  	[spmem:s3] =	stream.indirect.scatter.add.f32 [tilespmem:s26], [sflag:$0x3], $0x80, s12, s30, $0xb8;
	[tilespmem:$0x1B000] =	vst v63  }
0xff: {  	s15 =	simm.s32 $0x1680  }
0x100: {  	[spmem:s3] =	stream.indirect.scatter.add.f32 [tilespmem:s26], [sflag:$0x3], $0x80, s15, s30, $0xb8;
	[tilespmem:$0x1B000] =	vst v63  }
0x101: {  	s16 =	simm.s32 $0x1700  }
0x102: {  	[spmem:s3] =	stream.indirect.scatter.add.f32 [tilespmem:s26], [sflag:$0x3], $0x80, s16, s30, $0xb8;
	[tilespmem:$0x1B000] =	vst v63  }
0x103: {  	s5 =	simm.s32 $0x1780  }
0x104: {  	[spmem:s3] =	stream.indirect.scatter.add.f32 [tilespmem:s26], [sflag:$0x3], $0x80, s5, s30, $0xb8;
	[tilespmem:$0x1B000] =	vst v63  }
0x105: {  	s17 =	simm.s32 $0x1800  }
0x106: {  	[spmem:s3] =	stream.indirect.scatter.add.f32 [tilespmem:s26], [sflag:$0x3], $0x80, s17, s30, $0xb8;
	[tilespmem:$0x1B000] =	vst v63  }
0x107: {  	s1 =	simm.s32 $0x1880  }
0x108: {  	[spmem:s3] =	stream.indirect.scatter.add.f32 [tilespmem:s26], [sflag:$0x3], $0x80, s1, s30, $0xb8;
	[tilespmem:$0x1B000] =	vst v63  }
0x109: {  	s17 =	simm.s32 $0x1900  }
0x10a: {  	[spmem:s3] =	stream.indirect.scatter.add.f32 [tilespmem:s26], [sflag:$0x3], $0x80, s17, s30, $0xb8;
	[tilespmem:$0x1B000] =	vst v63  }
0x10b: {  	s4 =	simm.s32 $0x1980  }
0x10c: {  	[spmem:s3] =	stream.indirect.scatter.add.f32 [tilespmem:s26], [sflag:$0x3], $0x80, s4, s30, $0xb8;
	[tilespmem:$0x1B000] =	vst v63  }
0x10d: {  	s29 =	simm.s32 $0x1A00  }
0x10e: {  	[spmem:s3] =	stream.indirect.scatter.add.f32 [tilespmem:s26], [sflag:$0x3], $0x80, s29, s30, $0xb8;
	[tilespmem:$0x1B000] =	vst v63  }
0x10f: {  	s4 =	simm.s32 $0x1A80  }
0x110: {  	[spmem:s3] =	stream.indirect.scatter.add.f32 [tilespmem:s26], [sflag:$0x3], $0x80, s4, s30, $0xb8;
	[tilespmem:$0x1B000] =	vst v63  }
0x111: {  	s5 =	simm.s32 $0x1B00  }
0x112: {  	[spmem:s3] =	stream.indirect.scatter.add.f32 [tilespmem:s26], [sflag:$0x3], $0x80, s5, s30, $0xb8;
	[tilespmem:$0x1B000] =	vst v63  }
0x113: {  	s7 =	simm.s32 $0x1B80  }
0x114: {  	[spmem:s3] =	stream.indirect.scatter.add.f32 [tilespmem:s26], [sflag:$0x3], $0x80, s7, s30, $0xb8;
	[tilespmem:$0x1B000] =	vst v63  }
0x115: {  	s19 =	simm.s32 $0x1C00  }
0x116: {  	[spmem:s3] =	stream.indirect.scatter.add.f32 [tilespmem:s26], [sflag:$0x3], $0x80, s19, s30, $0xb8;
	[tilespmem:$0x1B000] =	vst v63  }
0x117: {  	_ =	swait.ge [sflag:s0], $0x2800  }
0x118: {  	[sflag:s0] =	ssyncset.done $0x0  }
0x119: {  	[sflag:s0] =	ssyncadd.s32 $0xFFFFD800  }
0x11a: {  	_ =	swait.ge [sflag:s0], $0x2800  }
0x11b: {  	[sflag:s0] =	ssyncset.done $0x0  }
0x11c: {  	[sflag:s0] =	ssyncadd.s32 $0xFFFFD800  }
0x11d: {  	_ =	swait.ge [sflag:s0], $0x2800  }
0x11e: {  	[sflag:s0] =	ssyncset.done $0x0  }
0x11f: {  	[sflag:s0] =	ssyncadd.s32 $0xFFFFD800  }
0x120: {  	_ =	swait.ge [sflag:s0], $0x2800  }
0x121: {  	[sflag:s0] =	ssyncset.done $0x0  }
0x122: {  	[sflag:s0] =	ssyncadd.s32 $0xFFFFD800  }
0x123: {  	_ =	swait.ge [sflag:s0], $0x2800  }
0x124: {  	[sflag:s0] =	ssyncset.done $0x0  }
0x125: {  	[sflag:s0] =	ssyncadd.s32 $0xFFFFD800  }
0x126: {  	_ =	swait.ge [sflag:s0], $0x2800  }
0x127: {  	[sflag:s0] =	ssyncset.done $0x0  }
0x128: {  	[sflag:s0] =	ssyncadd.s32 $0xFFFFD800  }
0x129: {  	_ =	swait.ge [sflag:s0], $0x2800  }
0x12a: {  	[sflag:s0] =	ssyncset.done $0x0  }
0x12b: {  	[sflag:s0] =	ssyncadd.s32 $0xFFFFD800  }
0x12c: {  	_ =	swait.ge [sflag:s0], $0x2800  }
0x12d: {  	[sflag:s0] =	ssyncset.done $0x0  }
0x12e: {  	[sflag:s0] =	ssyncadd.s32 $0xFFFFD800  }
0x12f: {  	_ =	swait.ge [sflag:s0], $0x2800  }
0x130: {  	[sflag:s0] =	ssyncset.done $0x0  }
0x131: {  	[sflag:s0] =	ssyncadd.s32 $0xFFFFD800  }
0x132: {  	_ =	swait.ge [sflag:s0], $0x2800  }
0x133: {  	[sflag:s0] =	ssyncset.done $0x0  }
0x134: {  	[sflag:s0] =	ssyncadd.s32 $0xFFFFD800  }
0x135: {  	_ =	swait.ge [sflag:s0], $0x2800  }
0x136: {  	[sflag:s0] =	ssyncset.done $0x0  }
0x137: {  	[sflag:s0] =	ssyncadd.s32 $0xFFFFD800  }
0x138: {  	_ =	swait.ge [sflag:s0], $0x2800  }
0x139: {  	[sflag:s0] =	ssyncset.done $0x0  }
0x13a: {  	[sflag:s0] =	ssyncadd.s32 $0xFFFFD800  }
0x13b: {  	_ =	swait.ge [sflag:s0], $0x2800  }
0x13c: {  	[sflag:s0] =	ssyncset.done $0x0  }
0x13d: {  	[sflag:s0] =	ssyncadd.s32 $0xFFFFD800  }
0x13e: {  	_ =	swait.ge [sflag:s0], $0x2800  }
0x13f: {  	[sflag:s0] =	ssyncset.done $0x0  }
0x140: {  	[sflag:s0] =	ssyncadd.s32 $0xFFFFD800  }
0x141: {  	_ =	swait.ge [sflag:s0], $0x2800  }
0x142: {  	[sflag:s0] =	ssyncset.done $0x0  }
0x143: {  	[sflag:s0] =	ssyncadd.s32 $0xFFFFD800  }
0x144: {  	_ =	swait.ge [sflag:s0], $0x2800  }
0x145: {  	[sflag:s0] =	ssyncset.done $0x0  }
0x146: {  	[sflag:s0] =	ssyncadd.s32 $0xFFFFD800  }
0x147: {  	_ =	swait.ge [sflag:s0], $0x2800  }
0x148: {  	[sflag:s0] =	ssyncset.done $0x0  }
0x149: {  	[sflag:s0] =	ssyncadd.s32 $0xFFFFD800  }
0x14a: {  	_ =	swait.ge [sflag:s0], $0x2800  }
0x14b: {  	[sflag:s0] =	ssyncset.done $0x0  }
0x14c: {  	[sflag:s0] =	ssyncadd.s32 $0xFFFFD800  }
0x14d: {  	_ =	swait.ge [sflag:s0], $0x2800  }
0x14e: {  	[sflag:s0] =	ssyncset.done $0x0  }
0x14f: {  	[sflag:s0] =	ssyncadd.s32 $0xFFFFD800  }
0x150: {  	_ =	swait.ge [sflag:s0], $0x2800  }
0x151: {  	[sflag:s0] =	ssyncset.done $0x0  }
0x152: {  	[sflag:s0] =	ssyncadd.s32 $0xFFFFD800  }
0x153: {  	_ =	swait.ge [sflag:s0], $0x2800  }
0x154: {  	[sflag:s0] =	ssyncset.done $0x0  }
0x155: {  	[sflag:s0] =	ssyncadd.s32 $0xFFFFD800  }
0x156: {  	_ =	swait.ge [sflag:s0], $0x2800  }
0x157: {  	[sflag:s0] =	ssyncset.done $0x0  }
0x158: {  	[sflag:s0] =	ssyncadd.s32 $0xFFFFD800  }
0x159: {  	_ =	swait.ge [sflag:s0], $0x2800  }
0x15a: {  	[sflag:s0] =	ssyncset.done $0x0  }
0x15b: {  	[sflag:s0] =	ssyncadd.s32 $0xFFFFD800  }
0x15c: {  	_ =	swait.ge [sflag:s0], $0x2800  }
0x15d: {  	[sflag:s0] =	ssyncset.done $0x0  }
0x15e: {  	[sflag:s0] =	ssyncadd.s32 $0xFFFFD800  }
0x15f: {  	_ =	swait.ge [sflag:s0], $0x2800  }
0x160: {  	[sflag:s0] =	ssyncset.done $0x0  }
0x161: {  	s19 =	rddreg [dreg:$0xd];
	[sflag:s0] =	ssyncadd.s32 $0xFFFFD800  }
0x162: {  	[tilespmem:s22], [sflag:$0x5] =	stream.linear.gather [hbm4b:s19+s13], $0xC80, $0x38;
	[tilespmem:$0x1B000] =	vst v63  }
0x163: {  	_ =	swait.ge [sflag:s28], $0xC80  }
0x164: {  	[sflag:s28] =	ssyncset.done $0x0  }
0x165: {  	[sflag:s28] =	ssyncadd.s32 $0xFFFFF380  }
0x166: {  	[spmem:s3] =	stream.indirect.scatter.add.f32 [tilespmem:s26], [sflag:$0x3], $0x80, s22, s30, $0xb8;
	[tilespmem:$0x1B000] =	vst v63  }
0x167: {  	_ = 	snop  }
0x168: {  	[spmem:s3] =	stream.indirect.scatter.add.f32 [tilespmem:s26], [sflag:$0x3], $0x80, s9, s30, $0xb8;
	[tilespmem:$0x1B000] =	vst v63  }
0x169: {  	s31 =	simm.s32 $0x1100  }
0x16a: {  	[spmem:s3] =	stream.indirect.scatter.add.f32 [tilespmem:s26], [sflag:$0x3], $0x80, s31, s30, $0xb8;
	[tilespmem:$0x1B000] =	vst v63  }
0x16b: {  	s9 =	simm.s32 $0x1180  }
0x16c: {  	[spmem:s3] =	stream.indirect.scatter.add.f32 [tilespmem:s26], [sflag:$0x3], $0x80, s9, s30, $0xb8;
	[tilespmem:$0x1B000] =	vst v63  }
0x16d: {  	s31 =	simm.s32 $0x1200  }
0x16e: {  	[spmem:s3] =	stream.indirect.scatter.add.f32 [tilespmem:s26], [sflag:$0x3], $0x80, s31, s30, $0xb8;
	[tilespmem:$0x1B000] =	vst v63  }
0x16f: {  	s9 =	simm.s32 $0x1280  }
0x170: {  	[spmem:s3] =	stream.indirect.scatter.add.f32 [tilespmem:s26], [sflag:$0x3], $0x80, s9, s30, $0xb8;
	[tilespmem:$0x1B000] =	vst v63  }
0x171: {  	_ = 	snop  }
0x172: {  	[spmem:s3] =	stream.indirect.scatter.add.f32 [tilespmem:s26], [sflag:$0x3], $0x80, s14, s30, $0xb8;
	[tilespmem:$0x1B000] =	vst v63  }
0x173: {  	s14 =	simm.s32 $0x1380  }
0x174: {  	[spmem:s3] =	stream.indirect.scatter.add.f32 [tilespmem:s26], [sflag:$0x3], $0x80, s14, s30, $0xb8;
	[tilespmem:$0x1B000] =	vst v63  }
0x175: {  	_ = 	snop  }
0x176: {  	[spmem:s3] =	stream.indirect.scatter.add.f32 [tilespmem:s26], [sflag:$0x3], $0x80, s6, s30, $0xb8;
	[tilespmem:$0x1B000] =	vst v63  }
0x177: {  	_ = 	snop  }
0x178: {  	[spmem:s3] =	stream.indirect.scatter.add.f32 [tilespmem:s26], [sflag:$0x3], $0x80, s8, s30, $0xb8;
	[tilespmem:$0x1B000] =	vst v63  }
0x179: {  	_ = 	snop  }
0x17a: {  	[spmem:s3] =	stream.indirect.scatter.add.f32 [tilespmem:s26], [sflag:$0x3], $0x80, s10, s30, $0xb8;
	[tilespmem:$0x1B000] =	vst v63  }
0x17b: {  	_ = 	snop  }
0x17c: {  	[spmem:s3] =	stream.indirect.scatter.add.f32 [tilespmem:s26], [sflag:$0x3], $0x80, s11, s30, $0xb8;
	[tilespmem:$0x1B000] =	vst v63  }
0x17d: {  	_ = 	snop  }
0x17e: {  	[spmem:s3] =	stream.indirect.scatter.add.f32 [tilespmem:s26], [sflag:$0x3], $0x80, s12, s30, $0xb8;
	[tilespmem:$0x1B000] =	vst v63  }
0x17f: {  	_ = 	snop  }
0x180: {  	[spmem:s3] =	stream.indirect.scatter.add.f32 [tilespmem:s26], [sflag:$0x3], $0x80, s15, s30, $0xb8;
	[tilespmem:$0x1B000] =	vst v63  }
0x181: {  	_ = 	snop  }
0x182: {  	[spmem:s3] =	stream.indirect.scatter.add.f32 [tilespmem:s26], [sflag:$0x3], $0x80, s16, s30, $0xb8;
	[tilespmem:$0x1B000] =	vst v63  }
0x183: {  	s25 =	simm.s32 $0x1780  }
0x184: {  	[spmem:s3] =	stream.indirect.scatter.add.f32 [tilespmem:s26], [sflag:$0x3], $0x80, s25, s30, $0xb8;
	[tilespmem:$0x1B000] =	vst v63  }
0x185: {  	s25 =	simm.s32 $0x1800  }
0x186: {  	[spmem:s3] =	stream.indirect.scatter.add.f32 [tilespmem:s26], [sflag:$0x3], $0x80, s25, s30, $0xb8;
	[tilespmem:$0x1B000] =	vst v63  }
0x187: {  	_ = 	snop  }
0x188: {  	[spmem:s3] =	stream.indirect.scatter.add.f32 [tilespmem:s26], [sflag:$0x3], $0x80, s1, s30, $0xb8;
	[tilespmem:$0x1B000] =	vst v63  }
0x189: {  	_ = 	snop  }
0x18a: {  	[spmem:s3] =	stream.indirect.scatter.add.f32 [tilespmem:s26], [sflag:$0x3], $0x80, s17, s30, $0xb8;
	[tilespmem:$0x1B000] =	vst v63  }
0x18b: {  	s24 =	simm.s32 $0x1980  }
0x18c: {  	[spmem:s3] =	stream.indirect.scatter.add.f32 [tilespmem:s26], [sflag:$0x3], $0x80, s24, s30, $0xb8;
	[tilespmem:$0x1B000] =	vst v63  }
0x18d: {  	_ = 	snop  }
0x18e: {  	[spmem:s3] =	stream.indirect.scatter.add.f32 [tilespmem:s26], [sflag:$0x3], $0x80, s29, s30, $0xb8;
	[tilespmem:$0x1B000] =	vst v63  }
0x18f: {  	_ = 	snop  }
0x190: {  	[spmem:s3] =	stream.indirect.scatter.add.f32 [tilespmem:s26], [sflag:$0x3], $0x80, s4, s30, $0xb8;
	[tilespmem:$0x1B000] =	vst v63  }
0x191: {  	_ = 	snop  }
0x192: {  	[spmem:s3] =	stream.indirect.scatter.add.f32 [tilespmem:s26], [sflag:$0x3], $0x80, s5, s30, $0xb8;
	[tilespmem:$0x1B000] =	vst v63  }
0x193: {  	s29 =	simm.s32 $0x1B80  }
0x194: {  	[spmem:s3] =	stream.indirect.scatter.add.f32 [tilespmem:s26], [sflag:$0x3], $0x80, s29, s30, $0xb8;
	[tilespmem:$0x1B000] =	vst v63  }
0x195: {  	s7 =	simm.s32 $0x1C00  }
0x196: {  	[spmem:s3] =	stream.indirect.scatter.add.f32 [tilespmem:s26], [sflag:$0x3], $0x80, s7, s30, $0xb8;
	[tilespmem:$0x1B000] =	vst v63  }
0x197: {  	_ =	swait.ge [sflag:s0], $0x2800  }
0x198: {  	[sflag:s0] =	ssyncset.done $0x0  }
0x199: {  	[sflag:s0] =	ssyncadd.s32 $0xFFFFD800  }
0x19a: {  	_ =	swait.ge [sflag:s0], $0x2800  }
0x19b: {  	[sflag:s0] =	ssyncset.done $0x0  }
0x19c: {  	[sflag:s0] =	ssyncadd.s32 $0xFFFFD800  }
0x19d: {  	_ =	swait.ge [sflag:s0], $0x2800  }
0x19e: {  	[sflag:s0] =	ssyncset.done $0x0  }
0x19f: {  	[sflag:s0] =	ssyncadd.s32 $0xFFFFD800  }
0x1a0: {  	_ =	swait.ge [sflag:s0], $0x2800  }
0x1a1: {  	[sflag:s0] =	ssyncset.done $0x0  }
0x1a2: {  	[sflag:s0] =	ssyncadd.s32 $0xFFFFD800  }
0x1a3: {  	_ =	swait.ge [sflag:s0], $0x2800  }
0x1a4: {  	[sflag:s0] =	ssyncset.done $0x0  }
0x1a5: {  	[sflag:s0] =	ssyncadd.s32 $0xFFFFD800  }
0x1a6: {  	_ =	swait.ge [sflag:s0], $0x2800  }
0x1a7: {  	[sflag:s0] =	ssyncset.done $0x0  }
0x1a8: {  	[sflag:s0] =	ssyncadd.s32 $0xFFFFD800  }
0x1a9: {  	_ =	swait.ge [sflag:s0], $0x2800  }
0x1aa: {  	[sflag:s0] =	ssyncset.done $0x0  }
0x1ab: {  	[sflag:s0] =	ssyncadd.s32 $0xFFFFD800  }
0x1ac: {  	_ =	swait.ge [sflag:s0], $0x2800  }
0x1ad: {  	[sflag:s0] =	ssyncset.done $0x0  }
0x1ae: {  	[sflag:s0] =	ssyncadd.s32 $0xFFFFD800  }
0x1af: {  	_ =	swait.ge [sflag:s0], $0x2800  }
0x1b0: {  	[sflag:s0] =	ssyncset.done $0x0  }
0x1b1: {  	[sflag:s0] =	ssyncadd.s32 $0xFFFFD800  }
0x1b2: {  	_ =	swait.ge [sflag:s0], $0x2800  }
0x1b3: {  	[sflag:s0] =	ssyncset.done $0x0  }
0x1b4: {  	[sflag:s0] =	ssyncadd.s32 $0xFFFFD800  }
0x1b5: {  	_ =	swait.ge [sflag:s0], $0x2800  }
0x1b6: {  	[sflag:s0] =	ssyncset.done $0x0  }
0x1b7: {  	[sflag:s0] =	ssyncadd.s32 $0xFFFFD800  }
0x1b8: {  	_ =	swait.ge [sflag:s0], $0x2800  }
0x1b9: {  	[sflag:s0] =	ssyncset.done $0x0  }
0x1ba: {  	[sflag:s0] =	ssyncadd.s32 $0xFFFFD800  }
0x1bb: {  	_ =	swait.ge [sflag:s0], $0x2800  }
0x1bc: {  	[sflag:s0] =	ssyncset.done $0x0  }
0x1bd: {  	[sflag:s0] =	ssyncadd.s32 $0xFFFFD800  }
0x1be: {  	_ =	swait.ge [sflag:s0], $0x2800  }
0x1bf: {  	[sflag:s0] =	ssyncset.done $0x0  }
0x1c0: {  	[sflag:s0] =	ssyncadd.s32 $0xFFFFD800  }
0x1c1: {  	_ =	swait.ge [sflag:s0], $0x2800  }
0x1c2: {  	[sflag:s0] =	ssyncset.done $0x0  }
0x1c3: {  	[sflag:s0] =	ssyncadd.s32 $0xFFFFD800  }
0x1c4: {  	_ =	swait.ge [sflag:s0], $0x2800  }
0x1c5: {  	[sflag:s0] =	ssyncset.done $0x0  }
0x1c6: {  	[sflag:s0] =	ssyncadd.s32 $0xFFFFD800  }
0x1c7: {  	_ =	swait.ge [sflag:s0], $0x2800  }
0x1c8: {  	[sflag:s0] =	ssyncset.done $0x0  }
0x1c9: {  	[sflag:s0] =	ssyncadd.s32 $0xFFFFD800  }
0x1ca: {  	_ =	swait.ge [sflag:s0], $0x2800  }
0x1cb: {  	[sflag:s0] =	ssyncset.done $0x0  }
0x1cc: {  	[sflag:s0] =	ssyncadd.s32 $0xFFFFD800  }
0x1cd: {  	_ =	swait.ge [sflag:s0], $0x2800  }
0x1ce: {  	[sflag:s0] =	ssyncset.done $0x0  }
0x1cf: {  	[sflag:s0] =	ssyncadd.s32 $0xFFFFD800  }
0x1d0: {  	_ =	swait.ge [sflag:s0], $0x2800  }
0x1d1: {  	[sflag:s0] =	ssyncset.done $0x0  }
0x1d2: {  	[sflag:s0] =	ssyncadd.s32 $0xFFFFD800  }
0x1d3: {  	_ =	swait.ge [sflag:s0], $0x2800  }
0x1d4: {  	[sflag:s0] =	ssyncset.done $0x0  }
0x1d5: {  	[sflag:s0] =	ssyncadd.s32 $0xFFFFD800  }
0x1d6: {  	_ =	swait.ge [sflag:s0], $0x2800  }
0x1d7: {  	[sflag:s0] =	ssyncset.done $0x0  }
0x1d8: {  	[sflag:s0] =	ssyncadd.s32 $0xFFFFD800  }
0x1d9: {  	_ =	swait.ge [sflag:s0], $0x2800  }
0x1da: {  	[sflag:s0] =	ssyncset.done $0x0  }
0x1db: {  	[sflag:s0] =	ssyncadd.s32 $0xFFFFD800  }
0x1dc: {  	_ =	swait.ge [sflag:s0], $0x2800  }
0x1dd: {  	[sflag:s0] =	ssyncset.done $0x0  }
0x1de: {  	[sflag:s0] =	ssyncadd.s32 $0xFFFFD800  }
0x1df: {  	_ =	swait.ge [sflag:s0], $0x2800  }
0x1e0: {  	[sflag:s0] =	ssyncset.done $0x0  }
0x1e1: {  	s13 =	simm.s32 $0x0;
	s10 =	rddreg [dreg:$0xe];
	[sflag:s0] =	ssyncadd.s32 $0xFFFFD800  }
0x1e2: {  	[tilespmem:s22], [sflag:$0x5] =	stream.linear.gather [hbm4b:s10+s13], $0xC80, $0x38;
	[tilespmem:$0x1B000] =	vst v63  }
0x1e3: {  	_ =	swait.ge [sflag:s28], $0xC80  }
0x1e4: {  	[sflag:s28] =	ssyncset.done $0x0  }
0x1e5: {  	[sflag:s28] =	ssyncadd.s32 $0xFFFFF380  }
0x1e6: {  	[spmem:s3] =	stream.indirect.scatter.add.f32 [tilespmem:s26], [sflag:$0x3], $0x80, s22, s30, $0xb8;
	[tilespmem:$0x1B000] =	vst v63  }
0x1e7: {  	s19 =	simm.s32 $0x1080  }
0x1e8: {  	[spmem:s3] =	stream.indirect.scatter.add.f32 [tilespmem:s26], [sflag:$0x3], $0x80, s19, s30, $0xb8;
	[tilespmem:$0x1B000] =	vst v63  }
0x1e9: {  	s12 =	simm.s32 $0x1100  }
0x1ea: {  	[spmem:s3] =	stream.indirect.scatter.add.f32 [tilespmem:s26], [sflag:$0x3], $0x80, s12, s30, $0xb8;
	[tilespmem:$0x1B000] =	vst v63  }
0x1eb: {  	s13 =	simm.s32 $0x1180  }
0x1ec: {  	[spmem:s3] =	stream.indirect.scatter.add.f32 [tilespmem:s26], [sflag:$0x3], $0x80, s13, s30, $0xb8;
	[tilespmem:$0x1B000] =	vst v63  }
0x1ed: {  	s19 =	simm.s32 $0x1200  }
0x1ee: {  	[spmem:s3] =	stream.indirect.scatter.add.f32 [tilespmem:s26], [sflag:$0x3], $0x80, s19, s30, $0xb8;
	[tilespmem:$0x1B000] =	vst v63  }
0x1ef: {  	s24 =	simm.s32 $0x1280  }
0x1f0: {  	[spmem:s3] =	stream.indirect.scatter.add.f32 [tilespmem:s26], [sflag:$0x3], $0x80, s24, s30, $0xb8;
	[tilespmem:$0x1B000] =	vst v63  }
0x1f1: {  	s31 =	simm.s32 $0x1300  }
0x1f2: {  	[spmem:s3] =	stream.indirect.scatter.add.f32 [tilespmem:s26], [sflag:$0x3], $0x80, s31, s30, $0xb8;
	[tilespmem:$0x1B000] =	vst v63  }
0x1f3: {  	s14 =	simm.s32 $0x1380  }
0x1f4: {  	[spmem:s3] =	stream.indirect.scatter.add.f32 [tilespmem:s26], [sflag:$0x3], $0x80, s14, s30, $0xb8;
	[tilespmem:$0x1B000] =	vst v63  }
0x1f5: {  	s6 =	simm.s32 $0x1400  }
0x1f6: {  	[spmem:s3] =	stream.indirect.scatter.add.f32 [tilespmem:s26], [sflag:$0x3], $0x80, s6, s30, $0xb8;
	[tilespmem:$0x1B000] =	vst v63  }
0x1f7: {  	s8 =	simm.s32 $0x1480  }
0x1f8: {  	[spmem:s3] =	stream.indirect.scatter.add.f32 [tilespmem:s26], [sflag:$0x3], $0x80, s8, s30, $0xb8;
	[tilespmem:$0x1B000] =	vst v63  }
0x1f9: {  	s9 =	simm.s32 $0x1500  }
0x1fa: {  	[spmem:s3] =	stream.indirect.scatter.add.f32 [tilespmem:s26], [sflag:$0x3], $0x80, s9, s30, $0xb8;
	[tilespmem:$0x1B000] =	vst v63  }
0x1fb: {  	s29 =	simm.s32 $0x1580  }
0x1fc: {  	[spmem:s3] =	stream.indirect.scatter.add.f32 [tilespmem:s26], [sflag:$0x3], $0x80, s29, s30, $0xb8;
	[tilespmem:$0x1B000] =	vst v63  }
0x1fd: {  	s31 =	simm.s32 $0x1600  }
0x1fe: {  	[spmem:s3] =	stream.indirect.scatter.add.f32 [tilespmem:s26], [sflag:$0x3], $0x80, s31, s30, $0xb8;
	[tilespmem:$0x1B000] =	vst v63  }
0x1ff: {  	s15 =	simm.s32 $0x1680  }
0x200: {  	[spmem:s3] =	stream.indirect.scatter.add.f32 [tilespmem:s26], [sflag:$0x3], $0x80, s15, s30, $0xb8;
	[tilespmem:$0x1B000] =	vst v63  }
0x201: {  	s16 =	simm.s32 $0x1700  }
0x202: {  	[spmem:s3] =	stream.indirect.scatter.add.f32 [tilespmem:s26], [sflag:$0x3], $0x80, s16, s30, $0xb8;
	[tilespmem:$0x1B000] =	vst v63  }
0x203: {  	s7 =	simm.s32 $0x1780  }
0x204: {  	[spmem:s3] =	stream.indirect.scatter.add.f32 [tilespmem:s26], [sflag:$0x3], $0x80, s7, s30, $0xb8;
	[tilespmem:$0x1B000] =	vst v63  }
0x205: {  	s9 =	simm.s32 $0x1800  }
0x206: {  	[spmem:s3] =	stream.indirect.scatter.add.f32 [tilespmem:s26], [sflag:$0x3], $0x80, s9, s30, $0xb8;
	[tilespmem:$0x1B000] =	vst v63  }
0x207: {  	s11 =	simm.s32 $0x1880  }
0x208: {  	[spmem:s3] =	stream.indirect.scatter.add.f32 [tilespmem:s26], [sflag:$0x3], $0x80, s11, s30, $0xb8;
	[tilespmem:$0x1B000] =	vst v63  }
0x209: {  	s17 =	simm.s32 $0x1900  }
0x20a: {  	[spmem:s3] =	stream.indirect.scatter.add.f32 [tilespmem:s26], [sflag:$0x3], $0x80, s17, s30, $0xb8;
	[tilespmem:$0x1B000] =	vst v63  }
0x20b: {  	s17 =	simm.s32 $0x1980  }
0x20c: {  	[spmem:s3] =	stream.indirect.scatter.add.f32 [tilespmem:s26], [sflag:$0x3], $0x80, s17, s30, $0xb8;
	[tilespmem:$0x1B000] =	vst v63  }
0x20d: {  	s7 =	simm.s32 $0x1A00  }
0x20e: {  	[spmem:s3] =	stream.indirect.scatter.add.f32 [tilespmem:s26], [sflag:$0x3], $0x80, s7, s30, $0xb8;
	[tilespmem:$0x1B000] =	vst v63  }
0x20f: {  	s4 =	simm.s32 $0x1A80  }
0x210: {  	[spmem:s3] =	stream.indirect.scatter.add.f32 [tilespmem:s26], [sflag:$0x3], $0x80, s4, s30, $0xb8;
	[tilespmem:$0x1B000] =	vst v63  }
0x211: {  	s5 =	simm.s32 $0x1B00  }
0x212: {  	[spmem:s3] =	stream.indirect.scatter.add.f32 [tilespmem:s26], [sflag:$0x3], $0x80, s5, s30, $0xb8;
	[tilespmem:$0x1B000] =	vst v63  }
0x213: {  	s25 =	simm.s32 $0x1B80  }
0x214: {  	[spmem:s3] =	stream.indirect.scatter.add.f32 [tilespmem:s26], [sflag:$0x3], $0x80, s25, s30, $0xb8;
	[tilespmem:$0x1B000] =	vst v63  }
0x215: {  	s25 =	simm.s32 $0x1C00  }
0x216: {  	[spmem:s3] =	stream.indirect.scatter.add.f32 [tilespmem:s26], [sflag:$0x3], $0x80, s25, s30, $0xb8;
	[tilespmem:$0x1B000] =	vst v63  }
0x217: {  	_ =	swait.ge [sflag:s0], $0x2800  }
0x218: {  	[sflag:s0] =	ssyncset.done $0x0  }
0x219: {  	[sflag:s0] =	ssyncadd.s32 $0xFFFFD800  }
0x21a: {  	_ =	swait.ge [sflag:s0], $0x2800  }
0x21b: {  	[sflag:s0] =	ssyncset.done $0x0  }
0x21c: {  	[sflag:s0] =	ssyncadd.s32 $0xFFFFD800  }
0x21d: {  	_ =	swait.ge [sflag:s0], $0x2800  }
0x21e: {  	[sflag:s0] =	ssyncset.done $0x0  }
0x21f: {  	[sflag:s0] =	ssyncadd.s32 $0xFFFFD800  }
0x220: {  	_ =	swait.ge [sflag:s0], $0x2800  }
0x221: {  	[sflag:s0] =	ssyncset.done $0x0  }
0x222: {  	[sflag:s0] =	ssyncadd.s32 $0xFFFFD800  }
0x223: {  	_ =	swait.ge [sflag:s0], $0x2800  }
0x224: {  	[sflag:s0] =	ssyncset.done $0x0  }
0x225: {  	[sflag:s0] =	ssyncadd.s32 $0xFFFFD800  }
0x226: {  	_ =	swait.ge [sflag:s0], $0x2800  }
0x227: {  	[sflag:s0] =	ssyncset.done $0x0  }
0x228: {  	[sflag:s0] =	ssyncadd.s32 $0xFFFFD800  }
0x229: {  	_ =	swait.ge [sflag:s0], $0x2800  }
0x22a: {  	[sflag:s0] =	ssyncset.done $0x0  }
0x22b: {  	[sflag:s0] =	ssyncadd.s32 $0xFFFFD800  }
0x22c: {  	_ =	swait.ge [sflag:s0], $0x2800  }
0x22d: {  	[sflag:s0] =	ssyncset.done $0x0  }
0x22e: {  	[sflag:s0] =	ssyncadd.s32 $0xFFFFD800  }
0x22f: {  	_ =	swait.ge [sflag:s0], $0x2800  }
0x230: {  	[sflag:s0] =	ssyncset.done $0x0  }
0x231: {  	[sflag:s0] =	ssyncadd.s32 $0xFFFFD800  }
0x232: {  	_ =	swait.ge [sflag:s0], $0x2800  }
0x233: {  	[sflag:s0] =	ssyncset.done $0x0  }
0x234: {  	[sflag:s0] =	ssyncadd.s32 $0xFFFFD800  }
0x235: {  	_ =	swait.ge [sflag:s0], $0x2800  }
0x236: {  	[sflag:s0] =	ssyncset.done $0x0  }
0x237: {  	[sflag:s0] =	ssyncadd.s32 $0xFFFFD800  }
0x238: {  	_ =	swait.ge [sflag:s0], $0x2800  }
0x239: {  	[sflag:s0] =	ssyncset.done $0x0  }
0x23a: {  	[sflag:s0] =	ssyncadd.s32 $0xFFFFD800  }
0x23b: {  	_ =	swait.ge [sflag:s0], $0x2800  }
0x23c: {  	[sflag:s0] =	ssyncset.done $0x0  }
0x23d: {  	[sflag:s0] =	ssyncadd.s32 $0xFFFFD800  }
0x23e: {  	_ =	swait.ge [sflag:s0], $0x2800  }
0x23f: {  	[sflag:s0] =	ssyncset.done $0x0  }
0x240: {  	[sflag:s0] =	ssyncadd.s32 $0xFFFFD800  }
0x241: {  	_ =	swait.ge [sflag:s0], $0x2800  }
0x242: {  	[sflag:s0] =	ssyncset.done $0x0  }
0x243: {  	[sflag:s0] =	ssyncadd.s32 $0xFFFFD800  }
0x244: {  	_ =	swait.ge [sflag:s0], $0x2800  }
0x245: {  	[sflag:s0] =	ssyncset.done $0x0  }
0x246: {  	[sflag:s0] =	ssyncadd.s32 $0xFFFFD800  }
0x247: {  	_ =	swait.ge [sflag:s0], $0x2800  }
0x248: {  	[sflag:s0] =	ssyncset.done $0x0  }
0x249: {  	[sflag:s0] =	ssyncadd.s32 $0xFFFFD800  }
0x24a: {  	_ =	swait.ge [sflag:s0], $0x2800  }
0x24b: {  	[sflag:s0] =	ssyncset.done $0x0  }
0x24c: {  	[sflag:s0] =	ssyncadd.s32 $0xFFFFD800  }
0x24d: {  	_ =	swait.ge [sflag:s0], $0x2800  }
0x24e: {  	[sflag:s0] =	ssyncset.done $0x0  }
0x24f: {  	[sflag:s0] =	ssyncadd.s32 $0xFFFFD800  }
0x250: {  	_ =	swait.ge [sflag:s0], $0x2800  }
0x251: {  	[sflag:s0] =	ssyncset.done $0x0  }
0x252: {  	[sflag:s0] =	ssyncadd.s32 $0xFFFFD800  }
0x253: {  	_ =	swait.ge [sflag:s0], $0x2800  }
0x254: {  	[sflag:s0] =	ssyncset.done $0x0  }
0x255: {  	[sflag:s0] =	ssyncadd.s32 $0xFFFFD800  }
0x256: {  	_ =	swait.ge [sflag:s0], $0x2800  }
0x257: {  	[sflag:s0] =	ssyncset.done $0x0  }
0x258: {  	[sflag:s0] =	ssyncadd.s32 $0xFFFFD800  }
0x259: {  	_ =	swait.ge [sflag:s0], $0x2800  }
0x25a: {  	[sflag:s0] =	ssyncset.done $0x0  }
0x25b: {  	[sflag:s0] =	ssyncadd.s32 $0xFFFFD800  }
0x25c: {  	_ =	swait.ge [sflag:s0], $0x2800  }
0x25d: {  	[sflag:s0] =	ssyncset.done $0x0  }
0x25e: {  	[sflag:s0] =	ssyncadd.s32 $0xFFFFD800  }
0x25f: {  	_ =	swait.ge [sflag:s0], $0x2800  }
0x260: {  	[sflag:s0] =	ssyncset.done $0x0  }
0x261: {  	s1 =	simm.s32 $0x0;
	s25 =	rddreg [dreg:$0xf];
	[sflag:s0] =	ssyncadd.s32 $0xFFFFD800  }
0x262: {  	[tilespmem:s22], [sflag:$0x5] =	stream.linear.gather [hbm4b:s25+s1], $0xC80, $0x38;
	[tilespmem:$0x1B000] =	vst v63  }
0x263: {  	_ =	swait.ge [sflag:s28], $0xC80  }
0x264: {  	[sflag:s28] =	ssyncset.done $0x0  }
0x265: {  	[sflag:s28] =	ssyncadd.s32 $0xFFFFF380  }
0x266: {  	[spmem:s3] =	stream.indirect.scatter.add.f32 [tilespmem:s26], [sflag:$0x3], $0x80, s22, s30, $0xb8;
	[tilespmem:$0x1B000] =	vst v63  }
0x267: {  	s10 =	simm.s32 $0x1080  }
0x268: {  	[spmem:s3] =	stream.indirect.scatter.add.f32 [tilespmem:s26], [sflag:$0x3], $0x80, s10, s30, $0xb8;
	[tilespmem:$0x1B000] =	vst v63  }
0x269: {  	s10 =	simm.s32 $0x1100  }
0x26a: {  	[spmem:s3] =	stream.indirect.scatter.add.f32 [tilespmem:s26], [sflag:$0x3], $0x80, s10, s30, $0xb8;
	[tilespmem:$0x1B000] =	vst v63  }
0x26b: {  	s25 =	simm.s32 $0x1180  }
0x26c: {  	[spmem:s3] =	stream.indirect.scatter.add.f32 [tilespmem:s26], [sflag:$0x3], $0x80, s25, s30, $0xb8;
	[tilespmem:$0x1B000] =	vst v63  }
0x26d: {  	s7 =	simm.s32 $0x1200  }
0x26e: {  	[spmem:s3] =	stream.indirect.scatter.add.f32 [tilespmem:s26], [sflag:$0x3], $0x80, s7, s30, $0xb8;
	[tilespmem:$0x1B000] =	vst v63  }
0x26f: {  	s10 =	simm.s32 $0x1280  }
0x270: {  	[spmem:s3] =	stream.indirect.scatter.add.f32 [tilespmem:s26], [sflag:$0x3], $0x80, s10, s30, $0xb8;
	[tilespmem:$0x1B000] =	vst v63  }
0x271: {  	s12 =	simm.s32 $0x1300  }
0x272: {  	[spmem:s3] =	stream.indirect.scatter.add.f32 [tilespmem:s26], [sflag:$0x3], $0x80, s12, s30, $0xb8;
	[tilespmem:$0x1B000] =	vst v63  }
0x273: {  	s19 =	simm.s32 $0x1380  }
0x274: {  	[spmem:s3] =	stream.indirect.scatter.add.f32 [tilespmem:s26], [sflag:$0x3], $0x80, s19, s30, $0xb8;
	[tilespmem:$0x1B000] =	vst v63  }
0x275: {  	s24 =	simm.s32 $0x1400  }
0x276: {  	[spmem:s3] =	stream.indirect.scatter.add.f32 [tilespmem:s26], [sflag:$0x3], $0x80, s24, s30, $0xb8;
	[tilespmem:$0x1B000] =	vst v63  }
0x277: {  	s13 =	simm.s32 $0x1480  }
0x278: {  	[spmem:s3] =	stream.indirect.scatter.add.f32 [tilespmem:s26], [sflag:$0x3], $0x80, s13, s30, $0xb8;
	[tilespmem:$0x1B000] =	vst v63  }
0x279: {  	s8 =	simm.s32 $0x1500  }
0x27a: {  	[spmem:s3] =	stream.indirect.scatter.add.f32 [tilespmem:s26], [sflag:$0x3], $0x80, s8, s30, $0xb8;
	[tilespmem:$0x1B000] =	vst v63  }
0x27b: {  	s14 =	simm.s32 $0x1580  }
0x27c: {  	[spmem:s3] =	stream.indirect.scatter.add.f32 [tilespmem:s26], [sflag:$0x3], $0x80, s14, s30, $0xb8;
	[tilespmem:$0x1B000] =	vst v63  }
0x27d: {  	s31 =	simm.s32 $0x1600  }
0x27e: {  	[spmem:s3] =	stream.indirect.scatter.add.f32 [tilespmem:s26], [sflag:$0x3], $0x80, s31, s30, $0xb8;
	[tilespmem:$0x1B000] =	vst v63  }
0x27f: {  	s15 =	simm.s32 $0x1680  }
0x280: {  	[spmem:s3] =	stream.indirect.scatter.add.f32 [tilespmem:s26], [sflag:$0x3], $0x80, s15, s30, $0xb8;
	[tilespmem:$0x1B000] =	vst v63  }
0x281: {  	s16 =	simm.s32 $0x1700  }
0x282: {  	[spmem:s3] =	stream.indirect.scatter.add.f32 [tilespmem:s26], [sflag:$0x3], $0x80, s16, s30, $0xb8;
	[tilespmem:$0x1B000] =	vst v63  }
0x283: {  	s24 =	simm.s32 $0x1780  }
0x284: {  	[spmem:s3] =	stream.indirect.scatter.add.f32 [tilespmem:s26], [sflag:$0x3], $0x80, s24, s30, $0xb8;
	[tilespmem:$0x1B000] =	vst v63  }
0x285: {  	s29 =	simm.s32 $0x1800  }
0x286: {  	[spmem:s3] =	stream.indirect.scatter.add.f32 [tilespmem:s26], [sflag:$0x3], $0x80, s29, s30, $0xb8;
	[tilespmem:$0x1B000] =	vst v63  }
0x287: {  	s9 =	simm.s32 $0x1880  }
0x288: {  	[spmem:s3] =	stream.indirect.scatter.add.f32 [tilespmem:s26], [sflag:$0x3], $0x80, s9, s30, $0xb8;
	[tilespmem:$0x1B000] =	vst v63  }
0x289: {  	s11 =	simm.s32 $0x1900  }
0x28a: {  	[spmem:s3] =	stream.indirect.scatter.add.f32 [tilespmem:s26], [sflag:$0x3], $0x80, s11, s30, $0xb8;
	[tilespmem:$0x1B000] =	vst v63  }
0x28b: {  	s17 =	simm.s32 $0x1980  }
0x28c: {  	[spmem:s3] =	stream.indirect.scatter.add.f32 [tilespmem:s26], [sflag:$0x3], $0x80, s17, s30, $0xb8;
	[tilespmem:$0x1B000] =	vst v63  }
0x28d: {  	s25 =	simm.s32 $0x1A00  }
0x28e: {  	[spmem:s3] =	stream.indirect.scatter.add.f32 [tilespmem:s26], [sflag:$0x3], $0x80, s25, s30, $0xb8;
	[tilespmem:$0x1B000] =	vst v63  }
0x28f: {  	s6 =	simm.s32 $0x1A80  }
0x290: {  	[spmem:s3] =	stream.indirect.scatter.add.f32 [tilespmem:s26], [sflag:$0x3], $0x80, s6, s30, $0xb8;
	[tilespmem:$0x1B000] =	vst v63  }
0x291: {  	s4 =	simm.s32 $0x1B00  }
0x292: {  	[spmem:s3] =	stream.indirect.scatter.add.f32 [tilespmem:s26], [sflag:$0x3], $0x80, s4, s30, $0xb8;
	[tilespmem:$0x1B000] =	vst v63  }
0x293: {  	s5 =	simm.s32 $0x1B80  }
0x294: {  	[spmem:s3] =	stream.indirect.scatter.add.f32 [tilespmem:s26], [sflag:$0x3], $0x80, s5, s30, $0xb8;
	[tilespmem:$0x1B000] =	vst v63  }
0x295: {  	s13 =	simm.s32 $0x1C00  }
0x296: {  	[spmem:s3] =	stream.indirect.scatter.add.f32 [tilespmem:s26], [sflag:$0x3], $0x80, s13, s30, $0xb8;
	[tilespmem:$0x1B000] =	vst v63  }
0x297: {  	_ =	swait.ge [sflag:s0], $0x2800  }
0x298: {  	[sflag:s0] =	ssyncset.done $0x0  }
0x299: {  	[sflag:s0] =	ssyncadd.s32 $0xFFFFD800  }
0x29a: {  	_ =	swait.ge [sflag:s0], $0x2800  }
0x29b: {  	[sflag:s0] =	ssyncset.done $0x0  }
0x29c: {  	[sflag:s0] =	ssyncadd.s32 $0xFFFFD800  }
0x29d: {  	_ =	swait.ge [sflag:s0], $0x2800  }
0x29e: {  	[sflag:s0] =	ssyncset.done $0x0  }
0x29f: {  	[sflag:s0] =	ssyncadd.s32 $0xFFFFD800  }
0x2a0: {  	_ =	swait.ge [sflag:s0], $0x2800  }
0x2a1: {  	[sflag:s0] =	ssyncset.done $0x0  }
0x2a2: {  	[sflag:s0] =	ssyncadd.s32 $0xFFFFD800  }
0x2a3: {  	_ =	swait.ge [sflag:s0], $0x2800  }
0x2a4: {  	[sflag:s0] =	ssyncset.done $0x0  }
0x2a5: {  	[sflag:s0] =	ssyncadd.s32 $0xFFFFD800  }
0x2a6: {  	_ =	swait.ge [sflag:s0], $0x2800  }
0x2a7: {  	[sflag:s0] =	ssyncset.done $0x0  }
0x2a8: {  	[sflag:s0] =	ssyncadd.s32 $0xFFFFD800  }
0x2a9: {  	_ =	swait.ge [sflag:s0], $0x2800  }
0x2aa: {  	[sflag:s0] =	ssyncset.done $0x0  }
0x2ab: {  	[sflag:s0] =	ssyncadd.s32 $0xFFFFD800  }
0x2ac: {  	_ =	swait.ge [sflag:s0], $0x2800  }
0x2ad: {  	[sflag:s0] =	ssyncset.done $0x0  }
0x2ae: {  	[sflag:s0] =	ssyncadd.s32 $0xFFFFD800  }
0x2af: {  	_ =	swait.ge [sflag:s0], $0x2800  }
0x2b0: {  	[sflag:s0] =	ssyncset.done $0x0  }
0x2b1: {  	[sflag:s0] =	ssyncadd.s32 $0xFFFFD800  }
0x2b2: {  	_ =	swait.ge [sflag:s0], $0x2800  }
0x2b3: {  	[sflag:s0] =	ssyncset.done $0x0  }
0x2b4: {  	[sflag:s0] =	ssyncadd.s32 $0xFFFFD800  }
0x2b5: {  	_ =	swait.ge [sflag:s0], $0x2800  }
0x2b6: {  	[sflag:s0] =	ssyncset.done $0x0  }
0x2b7: {  	[sflag:s0] =	ssyncadd.s32 $0xFFFFD800  }
0x2b8: {  	_ =	swait.ge [sflag:s0], $0x2800  }
0x2b9: {  	[sflag:s0] =	ssyncset.done $0x0  }
0x2ba: {  	[sflag:s0] =	ssyncadd.s32 $0xFFFFD800  }
0x2bb: {  	_ =	swait.ge [sflag:s0], $0x2800  }
0x2bc: {  	[sflag:s0] =	ssyncset.done $0x0  }
0x2bd: {  	[sflag:s0] =	ssyncadd.s32 $0xFFFFD800  }
0x2be: {  	_ =	swait.ge [sflag:s0], $0x2800  }
0x2bf: {  	[sflag:s0] =	ssyncset.done $0x0  }
0x2c0: {  	[sflag:s0] =	ssyncadd.s32 $0xFFFFD800  }
0x2c1: {  	_ =	swait.ge [sflag:s0], $0x2800  }
0x2c2: {  	[sflag:s0] =	ssyncset.done $0x0  }
0x2c3: {  	[sflag:s0] =	ssyncadd.s32 $0xFFFFD800  }
0x2c4: {  	_ =	swait.ge [sflag:s0], $0x2800  }
0x2c5: {  	[sflag:s0] =	ssyncset.done $0x0  }
0x2c6: {  	[sflag:s0] =	ssyncadd.s32 $0xFFFFD800  }
0x2c7: {  	_ =	swait.ge [sflag:s0], $0x2800  }
0x2c8: {  	[sflag:s0] =	ssyncset.done $0x0  }
0x2c9: {  	[sflag:s0] =	ssyncadd.s32 $0xFFFFD800  }
0x2ca: {  	_ =	swait.ge [sflag:s0], $0x2800  }
0x2cb: {  	[sflag:s0] =	ssyncset.done $0x0  }
0x2cc: {  	[sflag:s0] =	ssyncadd.s32 $0xFFFFD800  }
0x2cd: {  	_ =	swait.ge [sflag:s0], $0x2800  }
0x2ce: {  	[sflag:s0] =	ssyncset.done $0x0  }
0x2cf: {  	[sflag:s0] =	ssyncadd.s32 $0xFFFFD800  }
0x2d0: {  	_ =	swait.ge [sflag:s0], $0x2800  }
0x2d1: {  	[sflag:s0] =	ssyncset.done $0x0  }
0x2d2: {  	[sflag:s0] =	ssyncadd.s32 $0xFFFFD800  }
0x2d3: {  	_ =	swait.ge [sflag:s0], $0x2800  }
0x2d4: {  	[sflag:s0] =	ssyncset.done $0x0  }
0x2d5: {  	[sflag:s0] =	ssyncadd.s32 $0xFFFFD800  }
0x2d6: {  	_ =	swait.ge [sflag:s0], $0x2800  }
0x2d7: {  	[sflag:s0] =	ssyncset.done $0x0  }
0x2d8: {  	[sflag:s0] =	ssyncadd.s32 $0xFFFFD800  }
0x2d9: {  	_ =	swait.ge [sflag:s0], $0x2800  }
0x2da: {  	[sflag:s0] =	ssyncset.done $0x0  }
0x2db: {  	[sflag:s0] =	ssyncadd.s32 $0xFFFFD800  }
0x2dc: {  	_ =	swait.ge [sflag:s0], $0x2800  }
0x2dd: {  	[sflag:s0] =	ssyncset.done $0x0  }
0x2de: {  	[sflag:s0] =	ssyncadd.s32 $0xFFFFD800  }
0x2df: {  	_ =	swait.ge [sflag:s0], $0x2800  }
0x2e0: {  	[sflag:s0] =	ssyncset.done $0x0  }
0x2e1: {  	[sflag:s0] =	ssyncadd.s32 $0xFFFFD800  }
0x2e2: {  	s29 =	stileid.u32;
	[bflag:$0x0] =	sbarrier.arrive $0xFFFF  }
0x2e3: {  	s6 =	sshll.u32 s29, $0x6;
	s5 =	rddreg [dreg:$0x18]  }
0x2e4: {  	s25 =	sor.u32 $0x1C05, s6;
	s31 =	rddreg [dreg:$0x15];
	s6 =	sshrl.u32 s5, $0x3  }
0x2e5: {  	[hbm:s31], [sflag:s25] =	dma.local [spmem:s6], $0x2800  }
0x2e6: {  	_ =	swait.ge [sflag:s28], $0x2800  }
0x2e7: {  	[sflag:s28] =	ssyncset.done $0x0  }
0x2e8: {  	s7 =	simm.s32 $0x0;
	s8 =	simm.s32 $0x200;
	[sflag:s28] =	ssyncadd.s32 $0xFFFFD800  }
.LBB2_6:
0x2e9: {  	p0 =	sne.s32 s8, $0x9E00;
	[tilespmem:s7+$0x2070] =	vst v0  }
0x2ea: {  	[tilespmem:s7+$0x2000] =	vst v0  }
0x2eb: {  	[tilespmem:s7+$0x2010] =	vst v0  }
.Ltmp2:
0x2ec: {  	[tilespmem:s7+$0x2020] =	vst v0;
	(pc) =	sbr.rel @p0 .LBB2_6-.Ltmp2, $4  }
0x2ed: {  	[tilespmem:s7+$0x2030] =	vst v0  }
0x2ee: {  	[tilespmem:s7+$0x2040] =	vst v0  }
0x2ef: {  	[tilespmem:s7+$0x2050] =	vst v0  }
0x2f0: {  	[tilespmem:s7+$0x2060] =	vst v0;
	s7 =	sshra.s32 s8, $0x2;
	s8 =	sadd.s32 $0x200, s8  }
0x2f1: {  	[tilespmem:s7+$0x2070] =	vst v0  }
0x2f2: {  	[tilespmem:s7+$0x2000] =	vst v0  }
0x2f3: {  	[tilespmem:s7+$0x2010] =	vst v0  }
0x2f4: {  	[tilespmem:s7+$0x2020] =	vst v0  }
0x2f5: {  	[tilespmem:s7+$0x2030] =	vst v0  }
0x2f6: {  	[tilespmem:s7+$0x2040] =	vst v0  }
0x2f7: {  	[tilespmem:s7+$0x2050] =	vst v0  }
0x2f8: {  	[tilespmem:s7+$0x2060] =	vst v0  }
0x2f9: {  	[spmem:s5] =	stream.linear.scatter [tilespmem:s26], [sflag:$0x5], $0x2800, $0x38;
	[tilespmem:$0x1B000] =	vst v63  }
0x2fa: {  	_ =	swait.ge [sflag:s28], $0x2800  }
0x2fb: {  	[sflag:s28] =	ssyncset.done $0x0  }
0x2fc: {  	s9 =	rddreg [dreg:$0x4];
	[sflag:s28] =	ssyncadd.s32 $0xFFFFD800  }
0x2fd: {  	[spmem:s9] =	stream.linear.scatter [tilespmem:s26], [sflag:$0x5], $0x2800, $0x38;
	[tilespmem:$0x1B000] =	vst v63  }
0x2fe: {  	_ =	swait.ge [sflag:s28], $0x2800  }
0x2ff: {  	[sflag:s28] =	ssyncset.done $0x0  }
0x300: {  	s10 =	rddreg [dreg:$0x5];
	[sflag:s28] =	ssyncadd.s32 $0xFFFFD800  }
0x301: {  	[spmem:s10] =	stream.linear.scatter [tilespmem:s26], [sflag:$0x5], $0x2800, $0x38;
	[tilespmem:$0x1B000] =	vst v63  }
0x302: {  	_ =	swait.ge [sflag:s28], $0x2800  }
0x303: {  	[sflag:s28] =	ssyncset.done $0x0  }
0x304: {  	s11 =	rddreg [dreg:$0x6];
	[sflag:s28] =	ssyncadd.s32 $0xFFFFD800  }
0x305: {  	[spmem:s11] =	stream.linear.scatter [tilespmem:s26], [sflag:$0x5], $0x2800, $0x38;
	[tilespmem:$0x1B000] =	vst v63  }
0x306: {  	_ =	swait.ge [sflag:s28], $0x2800  }
0x307: {  	[sflag:s28] =	ssyncset.done $0x0  }
0x308: {  	s12 =	rddreg [dreg:$0x7];
	[sflag:s28] =	ssyncadd.s32 $0xFFFFD800  }
0x309: {  	[spmem:s12] =	stream.linear.scatter [tilespmem:s26], [sflag:$0x5], $0x2800, $0x38;
	[tilespmem:$0x1B000] =	vst v63  }
0x30a: {  	_ =	swait.ge [sflag:s28], $0x2800  }
0x30b: {  	[sflag:s28] =	ssyncset.done $0x0  }
0x30c: {  	s14 =	rddreg [dreg:$0x8];
	[sflag:s28] =	ssyncadd.s32 $0xFFFFD800  }
0x30d: {  	[spmem:s14] =	stream.linear.scatter [tilespmem:s26], [sflag:$0x5], $0x2800, $0x38;
	[tilespmem:$0x1B000] =	vst v63  }
0x30e: {  	_ =	swait.ge [sflag:s28], $0x2800  }
0x30f: {  	[sflag:s28] =	ssyncset.done $0x0  }
0x310: {  	s15 =	rddreg [dreg:$0x9];
	[sflag:s28] =	ssyncadd.s32 $0xFFFFD800  }
0x311: {  	[spmem:s15] =	stream.linear.scatter [tilespmem:s26], [sflag:$0x5], $0x2800, $0x38;
	[tilespmem:$0x1B000] =	vst v63  }
0x312: {  	_ =	swait.ge [sflag:s28], $0x2800  }
0x313: {  	[sflag:s28] =	ssyncset.done $0x0  }
0x314: {  	s16 =	rddreg [dreg:$0xa];
	[sflag:s28] =	ssyncadd.s32 $0xFFFFD800  }
0x315: {  	[spmem:s16] =	stream.linear.scatter [tilespmem:s26], [sflag:$0x5], $0x2800, $0x38;
	[tilespmem:$0x1B000] =	vst v63  }
0x316: {  	_ =	swait.ge [sflag:s28], $0x2800  }
0x317: {  	[sflag:s28] =	ssyncset.done $0x0  }
0x318: {  	[sflag:s28] =	ssyncadd.s32 $0xFFFFD800  }
0x319: {  	[bflag:$0x0] =	sbarrier.arrive $0xFFFF  }
0x31a: {  	s1 =	simm.s32 $0x0;
	s17 =	rddreg [dreg:$0x10]  }
0x31b: {  	[tilespmem:s1], [sflag:$0x5] =	stream.linear.gather [hbm4b:s17+s1], $0xC80, $0x38;
	[tilespmem:$0x1B000] =	vst v63  }
0x31c: {  	_ =	swait.ge [sflag:s28], $0xC80  }
0x31d: {  	[sflag:s28] =	ssyncset.done $0x0  }
0x31e: {  	s19 =	rddreg [dreg:$0xb];
	[sflag:s28] =	ssyncadd.s32 $0xFFFFF380  }
0x31f: {  	[tilespmem:s22], [sflag:$0x5] =	stream.linear.gather [hbm4b:s19+s1], $0xC80, $0x38;
	[tilespmem:$0x1B000] =	vst v63  }
0x320: {  	_ =	swait.ge [sflag:s28], $0xC80  }
0x321: {  	[sflag:s28] =	ssyncset.done $0x0  }
0x322: {  	[sflag:s28] =	ssyncadd.s32 $0xFFFFF380  }
0x323: {  	[tilespmem:s26], [sflag:$0x1] =	stream.indirect.gather [hbm4b:s2+s30], $0x80, s1, s30, $0xb8;
	[tilespmem:$0x1B000] =	vst v63  }
0x324: {  	_ =	swait.ge [sflag:s18], $0x2800  }
0x325: {  	[sflag:s18] =	ssyncset.done $0x0  }
0x326: {  	s11 =	simm.s32 $0x80;
	[sflag:s18] =	ssyncadd.s32 $0xFFFFD800  }
0x327: {  	[tilespmem:s20], [sflag:$0x2] =	stream.indirect.gather [hbm4b:s2+s30], $0x80, s11, s30, $0xb8;
	[tilespmem:$0x1B000] =	vst v63  }
0x328: {  	_ = 	snop  }
0x329: {  	[spmem:s3] =	stream.indirect.scatter.add.f32 [tilespmem:s26], [sflag:$0x3], $0x80, s22, s30, $0xb8;
	[tilespmem:$0x1B000] =	vst v63  }
0x32a: {  	_ =	swait.ge [sflag:s21], $0x2800  }
0x32b: {  	[sflag:s21] =	ssyncset.done $0x0  }
0x32c: {  	[sflag:s21] =	ssyncadd.s32 $0xFFFFD800  }
0x32d: {  	_ =	swait.ge [sflag:s0], $0x2800  }
0x32e: {  	[sflag:s0] =	ssyncset.done $0x0  }
0x32f: {  	s12 =	simm.s32 $0x100;
	[sflag:s0] =	ssyncadd.s32 $0xFFFFD800  }
0x330: {  	[tilespmem:s26], [sflag:$0x1] =	stream.indirect.gather [hbm4b:s2+s30], $0x80, s12, s30, $0xb8;
	[tilespmem:$0x1B000] =	vst v63  }
0x331: {  	s10 =	simm.s32 $0x1080  }
0x332: {  	[spmem:s3] =	stream.indirect.scatter.add.f32 [tilespmem:s20], [sflag:$0x4], $0x80, s10, s30, $0xb8;
	[tilespmem:$0x1B000] =	vst v63  }
0x333: {  	_ =	swait.ge [sflag:s18], $0x2800  }
0x334: {  	[sflag:s18] =	ssyncset.done $0x0  }
0x335: {  	[sflag:s18] =	ssyncadd.s32 $0xFFFFD800  }
0x336: {  	_ =	swait.ge [sflag:s23], $0x2800  }
0x337: {  	[sflag:s23] =	ssyncset.done $0x0  }
0x338: {  	s24 =	simm.s32 $0x180;
	[sflag:s23] =	ssyncadd.s32 $0xFFFFD800  }
0x339: {  	[tilespmem:s20], [sflag:$0x2] =	stream.indirect.gather [hbm4b:s2+s30], $0x80, s24, s30, $0xb8;
	[tilespmem:$0x1B000] =	vst v63  }
0x33a: {  	s29 =	simm.s32 $0x1100  }
0x33b: {  	[spmem:s3] =	stream.indirect.scatter.add.f32 [tilespmem:s26], [sflag:$0x3], $0x80, s29, s30, $0xb8;
	[tilespmem:$0x1B000] =	vst v63  }
0x33c: {  	_ =	swait.ge [sflag:s21], $0x2800  }
0x33d: {  	[sflag:s21] =	ssyncset.done $0x0  }
0x33e: {  	[sflag:s21] =	ssyncadd.s32 $0xFFFFD800  }
0x33f: {  	_ =	swait.ge [sflag:s0], $0x2800  }
0x340: {  	s31 =	simm.s32 $0x200;
	[sflag:s0] =	ssyncset.done $0x0  }
0x341: {  	s7 =	simm.s32 $0xFFFFD800;
	s8 =	simm.s32 $0x1180;
	[sflag:s0] =	ssyncadd.s32 $0xFFFFD800  }
0x342: {  	[tilespmem:s26], [sflag:$0x1] =	stream.indirect.gather [hbm4b:s2+s30], $0x80, s31, s30, $0xb8;
	[tilespmem:$0x1B000] =	vst v63  }
.LBB2_8:
0x343: {  	[spmem:s3] =	stream.indirect.scatter.add.f32 [tilespmem:s20], [sflag:$0x4], $0x80, s8, s30, $0xb8;
	[tilespmem:$0x1B000] =	vst v63  }
0x344: {  	s8 =	smov.u32 s7  }
0x345: {  	p0 =	sne.s32 s7, $0xFFFFFC00;
	s7 =	sadd.s32 $0x400, s7;
	_ =	swait.ge [sflag:s18], $0x2800  }
0x346: {  	[sflag:s18] =	ssyncset.done $0x0  }
0x347: {  	[sflag:s18] =	ssyncadd.s32 $0xFFFFD800  }
0x348: {  	_ =	swait.ge [sflag:s23], $0x2800  }
0x349: {  	s8 =	sshra.s32 s8, $0x2;
	[sflag:s23] =	ssyncset.done $0x0  }
0x34a: {  	s9 =	sadd.s32 $0xC80, s8;
	[sflag:s23] =	ssyncadd.s32 $0xFFFFD800  }
0x34b: {  	[tilespmem:s20], [sflag:$0x2] =	stream.indirect.gather [hbm4b:s2+s30], $0x80, s9, s30, $0xb8;
	[tilespmem:$0x1B000] =	vst v63  }
0x34c: {  	s9 =	sadd.s32 $0x1C00, s8  }
0x34d: {  	[spmem:s3] =	stream.indirect.scatter.add.f32 [tilespmem:s26], [sflag:$0x3], $0x80, s9, s30, $0xb8;
	[tilespmem:$0x1B000] =	vst v63  }
0x34e: {  	_ =	swait.ge [sflag:s21], $0x2800  }
0x34f: {  	[sflag:s21] =	ssyncset.done $0x0  }
0x350: {  	[sflag:s21] =	ssyncadd.s32 $0xFFFFD800  }
.Ltmp3:
0x351: {  	_ =	swait.ge [sflag:s0], $0x2800;
	(pc) =	sbr.rel @p0 .LBB2_8-.Ltmp3, $4  }
0x352: {  	[sflag:s0] =	ssyncset.done $0x0  }
0x353: {  	s9 =	sadd.s32 $0xD00, s8;
	[sflag:s0] =	ssyncadd.s32 $0xFFFFD800  }
0x354: {  	[tilespmem:s26], [sflag:$0x1] =	stream.indirect.gather [hbm4b:s2+s30], $0x80, s9, s30, $0xb8;
	[tilespmem:$0x1B000] =	vst v63  }
0x355: {  	s8 =	sadd.s32 $0x1C80, s8  }
0x356: {  	[spmem:s3] =	stream.indirect.scatter.add.f32 [tilespmem:s20], [sflag:$0x4], $0x80, s8, s30, $0xb8;
	[tilespmem:$0x1B000] =	vst v63  }
0x357: {  	_ =	swait.ge [sflag:s18], $0x2800  }
0x358: {  	[sflag:s18] =	ssyncset.done $0x0  }
0x359: {  	[sflag:s18] =	ssyncadd.s32 $0xFFFFD800  }
0x35a: {  	[spmem:s3] =	stream.indirect.scatter.add.f32 [tilespmem:s26], [sflag:$0x5], $0x80, s13, s30, $0xb8;
	[tilespmem:$0x1B000] =	vst v63  }
0x35b: {  	_ =	swait.ge [sflag:s28], $0x2800  }
0x35c: {  	[sflag:s28] =	ssyncset.done $0x0  }
0x35d: {  	[sflag:s28] =	ssyncadd.s32 $0xFFFFD800  }
0x35e: {  	_ =	swait.ge [sflag:s23], $0x2800  }
0x35f: {  	[sflag:s23] =	ssyncset.done $0x0  }
0x360: {  	s7 =	rddreg [dreg:$0x11];
	[sflag:s23] =	ssyncadd.s32 $0xFFFFD800  }
0x361: {  	[tilespmem:s1], [sflag:$0x5] =	stream.linear.gather [hbm4b:s7+s1], $0xC80, $0x38;
	[tilespmem:$0x1B000] =	vst v63  }
0x362: {  	_ =	swait.ge [sflag:s28], $0xC80  }
0x363: {  	[sflag:s28] =	ssyncset.done $0x0  }
0x364: {  	s19 =	rddreg [dreg:$0xc];
	[sflag:s28] =	ssyncadd.s32 $0xFFFFF380  }
0x365: {  	[tilespmem:s22], [sflag:$0x5] =	stream.linear.gather [hbm4b:s19+s1], $0xC80, $0x38;
	[tilespmem:$0x1B000] =	vst v63  }
0x366: {  	_ =	swait.ge [sflag:s28], $0xC80  }
0x367: {  	[sflag:s28] =	ssyncset.done $0x0  }
0x368: {  	[sflag:s28] =	ssyncadd.s32 $0xFFFFF380  }
0x369: {  	[tilespmem:s26], [sflag:$0x1] =	stream.indirect.gather [hbm4b:s2+s30], $0x80, s1, s30, $0xb8;
	[tilespmem:$0x1B000] =	vst v63  }
0x36a: {  	_ =	swait.ge [sflag:s18], $0x2800  }
0x36b: {  	[sflag:s18] =	ssyncset.done $0x0  }
0x36c: {  	[sflag:s18] =	ssyncadd.s32 $0xFFFFD800  }
0x36d: {  	[tilespmem:s20], [sflag:$0x2] =	stream.indirect.gather [hbm4b:s2+s30], $0x80, s11, s30, $0xb8;
	[tilespmem:$0x1B000] =	vst v63  }
0x36e: {  	_ = 	snop  }
0x36f: {  	[spmem:s3] =	stream.indirect.scatter.add.f32 [tilespmem:s26], [sflag:$0x3], $0x80, s22, s30, $0xb8;
	[tilespmem:$0x1B000] =	vst v63  }
0x370: {  	_ =	swait.ge [sflag:s21], $0x2800  }
0x371: {  	[sflag:s21] =	ssyncset.done $0x0  }
0x372: {  	[sflag:s21] =	ssyncadd.s32 $0xFFFFD800  }
0x373: {  	_ =	swait.ge [sflag:s0], $0x2800  }
0x374: {  	[sflag:s0] =	ssyncset.done $0x0  }
0x375: {  	[sflag:s0] =	ssyncadd.s32 $0xFFFFD800  }
0x376: {  	[tilespmem:s26], [sflag:$0x1] =	stream.indirect.gather [hbm4b:s2+s30], $0x80, s12, s30, $0xb8;
	[tilespmem:$0x1B000] =	vst v63  }
0x377: {  	_ = 	snop  }
0x378: {  	[spmem:s3] =	stream.indirect.scatter.add.f32 [tilespmem:s20], [sflag:$0x4], $0x80, s10, s30, $0xb8;
	[tilespmem:$0x1B000] =	vst v63  }
0x379: {  	_ =	swait.ge [sflag:s18], $0x2800  }
0x37a: {  	[sflag:s18] =	ssyncset.done $0x0  }
0x37b: {  	[sflag:s18] =	ssyncadd.s32 $0xFFFFD800  }
0x37c: {  	_ =	swait.ge [sflag:s23], $0x2800  }
0x37d: {  	[sflag:s23] =	ssyncset.done $0x0  }
0x37e: {  	s24 =	simm.s32 $0x180;
	[sflag:s23] =	ssyncadd.s32 $0xFFFFD800  }
0x37f: {  	[tilespmem:s20], [sflag:$0x2] =	stream.indirect.gather [hbm4b:s2+s30], $0x80, s24, s30, $0xb8;
	[tilespmem:$0x1B000] =	vst v63  }
0x380: {  	s29 =	simm.s32 $0x1100  }
0x381: {  	[spmem:s3] =	stream.indirect.scatter.add.f32 [tilespmem:s26], [sflag:$0x3], $0x80, s29, s30, $0xb8;
	[tilespmem:$0x1B000] =	vst v63  }
0x382: {  	_ =	swait.ge [sflag:s21], $0x2800  }
0x383: {  	[sflag:s21] =	ssyncset.done $0x0  }
0x384: {  	[sflag:s21] =	ssyncadd.s32 $0xFFFFD800  }
0x385: {  	_ =	swait.ge [sflag:s0], $0x2800  }
0x386: {  	s31 =	simm.s32 $0x200;
	[sflag:s0] =	ssyncset.done $0x0  }
0x387: {  	s8 =	simm.s32 $0x1180;
	s7 =	simm.s32 $0xFFFFD800;
	[sflag:s0] =	ssyncadd.s32 $0xFFFFD800  }
0x388: {  	[tilespmem:s26], [sflag:$0x1] =	stream.indirect.gather [hbm4b:s2+s30], $0x80, s31, s30, $0xb8;
	[tilespmem:$0x1B000] =	vst v63  }
.LBB2_10:
0x389: {  	[spmem:s3] =	stream.indirect.scatter.add.f32 [tilespmem:s20], [sflag:$0x4], $0x80, s8, s30, $0xb8;
	[tilespmem:$0x1B000] =	vst v63  }
0x38a: {  	s8 =	smov.u32 s7  }
0x38b: {  	p0 =	sne.s32 s7, $0xFFFFFC00;
	s7 =	sadd.s32 $0x400, s7;
	_ =	swait.ge [sflag:s18], $0x2800  }
0x38c: {  	[sflag:s18] =	ssyncset.done $0x0  }
0x38d: {  	[sflag:s18] =	ssyncadd.s32 $0xFFFFD800  }
0x38e: {  	_ =	swait.ge [sflag:s23], $0x2800  }
0x38f: {  	s8 =	sshra.s32 s8, $0x2;
	[sflag:s23] =	ssyncset.done $0x0  }
0x390: {  	s9 =	sadd.s32 $0xC80, s8;
	[sflag:s23] =	ssyncadd.s32 $0xFFFFD800  }
0x391: {  	[tilespmem:s20], [sflag:$0x2] =	stream.indirect.gather [hbm4b:s2+s30], $0x80, s9, s30, $0xb8;
	[tilespmem:$0x1B000] =	vst v63  }
0x392: {  	s9 =	sadd.s32 $0x1C00, s8  }
0x393: {  	[spmem:s3] =	stream.indirect.scatter.add.f32 [tilespmem:s26], [sflag:$0x3], $0x80, s9, s30, $0xb8;
	[tilespmem:$0x1B000] =	vst v63  }
0x394: {  	_ =	swait.ge [sflag:s21], $0x2800  }
0x395: {  	[sflag:s21] =	ssyncset.done $0x0  }
0x396: {  	[sflag:s21] =	ssyncadd.s32 $0xFFFFD800  }
.Ltmp4:
0x397: {  	_ =	swait.ge [sflag:s0], $0x2800;
	(pc) =	sbr.rel @p0 .LBB2_10-.Ltmp4, $4  }
0x398: {  	[sflag:s0] =	ssyncset.done $0x0  }
0x399: {  	s9 =	sadd.s32 $0xD00, s8;
	[sflag:s0] =	ssyncadd.s32 $0xFFFFD800  }
0x39a: {  	[tilespmem:s26], [sflag:$0x1] =	stream.indirect.gather [hbm4b:s2+s30], $0x80, s9, s30, $0xb8;
	[tilespmem:$0x1B000] =	vst v63  }
0x39b: {  	s8 =	sadd.s32 $0x1C80, s8  }
0x39c: {  	[spmem:s3] =	stream.indirect.scatter.add.f32 [tilespmem:s20], [sflag:$0x4], $0x80, s8, s30, $0xb8;
	[tilespmem:$0x1B000] =	vst v63  }
0x39d: {  	_ =	swait.ge [sflag:s18], $0x2800  }
0x39e: {  	[sflag:s18] =	ssyncset.done $0x0  }
0x39f: {  	[sflag:s18] =	ssyncadd.s32 $0xFFFFD800  }
0x3a0: {  	[spmem:s3] =	stream.indirect.scatter.add.f32 [tilespmem:s26], [sflag:$0x5], $0x80, s13, s30, $0xb8;
	[tilespmem:$0x1B000] =	vst v63  }
0x3a1: {  	_ =	swait.ge [sflag:s28], $0x2800  }
0x3a2: {  	[sflag:s28] =	ssyncset.done $0x0  }
0x3a3: {  	[sflag:s28] =	ssyncadd.s32 $0xFFFFD800  }
0x3a4: {  	_ =	swait.ge [sflag:s23], $0x2800  }
0x3a5: {  	[sflag:s23] =	ssyncset.done $0x0  }
0x3a6: {  	s7 =	rddreg [dreg:$0x12];
	[sflag:s23] =	ssyncadd.s32 $0xFFFFD800  }
0x3a7: {  	[tilespmem:s1], [sflag:$0x5] =	stream.linear.gather [hbm4b:s7+s1], $0xC80, $0x38;
	[tilespmem:$0x1B000] =	vst v63  }
0x3a8: {  	_ =	swait.ge [sflag:s28], $0xC80  }
0x3a9: {  	[sflag:s28] =	ssyncset.done $0x0  }
0x3aa: {  	s19 =	rddreg [dreg:$0xd];
	[sflag:s28] =	ssyncadd.s32 $0xFFFFF380  }
0x3ab: {  	[tilespmem:s22], [sflag:$0x5] =	stream.linear.gather [hbm4b:s19+s1], $0xC80, $0x38;
	[tilespmem:$0x1B000] =	vst v63  }
0x3ac: {  	_ =	swait.ge [sflag:s28], $0xC80  }
0x3ad: {  	[sflag:s28] =	ssyncset.done $0x0  }
0x3ae: {  	[sflag:s28] =	ssyncadd.s32 $0xFFFFF380  }
0x3af: {  	[tilespmem:s26], [sflag:$0x1] =	stream.indirect.gather [hbm4b:s2+s30], $0x80, s1, s30, $0xb8;
	[tilespmem:$0x1B000] =	vst v63  }
0x3b0: {  	_ =	swait.ge [sflag:s18], $0x2800  }
0x3b1: {  	[sflag:s18] =	ssyncset.done $0x0  }
0x3b2: {  	[sflag:s18] =	ssyncadd.s32 $0xFFFFD800  }
0x3b3: {  	[tilespmem:s20], [sflag:$0x2] =	stream.indirect.gather [hbm4b:s2+s30], $0x80, s11, s30, $0xb8;
	[tilespmem:$0x1B000] =	vst v63  }
0x3b4: {  	_ = 	snop  }
0x3b5: {  	[spmem:s3] =	stream.indirect.scatter.add.f32 [tilespmem:s26], [sflag:$0x3], $0x80, s22, s30, $0xb8;
	[tilespmem:$0x1B000] =	vst v63  }
0x3b6: {  	_ =	swait.ge [sflag:s21], $0x2800  }
0x3b7: {  	[sflag:s21] =	ssyncset.done $0x0  }
0x3b8: {  	[sflag:s21] =	ssyncadd.s32 $0xFFFFD800  }
0x3b9: {  	_ =	swait.ge [sflag:s0], $0x2800  }
0x3ba: {  	[sflag:s0] =	ssyncset.done $0x0  }
0x3bb: {  	[sflag:s0] =	ssyncadd.s32 $0xFFFFD800  }
0x3bc: {  	[tilespmem:s26], [sflag:$0x1] =	stream.indirect.gather [hbm4b:s2+s30], $0x80, s12, s30, $0xb8;
	[tilespmem:$0x1B000] =	vst v63  }
0x3bd: {  	_ = 	snop  }
0x3be: {  	[spmem:s3] =	stream.indirect.scatter.add.f32 [tilespmem:s20], [sflag:$0x4], $0x80, s10, s30, $0xb8;
	[tilespmem:$0x1B000] =	vst v63  }
0x3bf: {  	_ =	swait.ge [sflag:s18], $0x2800  }
0x3c0: {  	[sflag:s18] =	ssyncset.done $0x0  }
0x3c1: {  	[sflag:s18] =	ssyncadd.s32 $0xFFFFD800  }
0x3c2: {  	_ =	swait.ge [sflag:s23], $0x2800  }
0x3c3: {  	[sflag:s23] =	ssyncset.done $0x0  }
0x3c4: {  	s24 =	simm.s32 $0x180;
	[sflag:s23] =	ssyncadd.s32 $0xFFFFD800  }
0x3c5: {  	[tilespmem:s20], [sflag:$0x2] =	stream.indirect.gather [hbm4b:s2+s30], $0x80, s24, s30, $0xb8;
	[tilespmem:$0x1B000] =	vst v63  }
0x3c6: {  	s29 =	simm.s32 $0x1100  }
0x3c7: {  	[spmem:s3] =	stream.indirect.scatter.add.f32 [tilespmem:s26], [sflag:$0x3], $0x80, s29, s30, $0xb8;
	[tilespmem:$0x1B000] =	vst v63  }
0x3c8: {  	_ =	swait.ge [sflag:s21], $0x2800  }
0x3c9: {  	[sflag:s21] =	ssyncset.done $0x0  }
0x3ca: {  	[sflag:s21] =	ssyncadd.s32 $0xFFFFD800  }
0x3cb: {  	_ =	swait.ge [sflag:s0], $0x2800  }
0x3cc: {  	s31 =	simm.s32 $0x200;
	[sflag:s0] =	ssyncset.done $0x0  }
0x3cd: {  	s8 =	simm.s32 $0x1180;
	s7 =	simm.s32 $0xFFFFD800;
	[sflag:s0] =	ssyncadd.s32 $0xFFFFD800  }
0x3ce: {  	[tilespmem:s26], [sflag:$0x1] =	stream.indirect.gather [hbm4b:s2+s30], $0x80, s31, s30, $0xb8;
	[tilespmem:$0x1B000] =	vst v63  }
.LBB2_12:
0x3cf: {  	[spmem:s3] =	stream.indirect.scatter.add.f32 [tilespmem:s20], [sflag:$0x4], $0x80, s8, s30, $0xb8;
	[tilespmem:$0x1B000] =	vst v63  }
0x3d0: {  	s8 =	smov.u32 s7  }
0x3d1: {  	p0 =	sne.s32 s7, $0xFFFFFC00;
	s7 =	sadd.s32 $0x400, s7;
	_ =	swait.ge [sflag:s18], $0x2800  }
0x3d2: {  	[sflag:s18] =	ssyncset.done $0x0  }
0x3d3: {  	[sflag:s18] =	ssyncadd.s32 $0xFFFFD800  }
0x3d4: {  	_ =	swait.ge [sflag:s23], $0x2800  }
0x3d5: {  	s8 =	sshra.s32 s8, $0x2;
	[sflag:s23] =	ssyncset.done $0x0  }
0x3d6: {  	s9 =	sadd.s32 $0xC80, s8;
	[sflag:s23] =	ssyncadd.s32 $0xFFFFD800  }
0x3d7: {  	[tilespmem:s20], [sflag:$0x2] =	stream.indirect.gather [hbm4b:s2+s30], $0x80, s9, s30, $0xb8;
	[tilespmem:$0x1B000] =	vst v63  }
0x3d8: {  	s9 =	sadd.s32 $0x1C00, s8  }
0x3d9: {  	[spmem:s3] =	stream.indirect.scatter.add.f32 [tilespmem:s26], [sflag:$0x3], $0x80, s9, s30, $0xb8;
	[tilespmem:$0x1B000] =	vst v63  }
0x3da: {  	_ =	swait.ge [sflag:s21], $0x2800  }
0x3db: {  	[sflag:s21] =	ssyncset.done $0x0  }
0x3dc: {  	[sflag:s21] =	ssyncadd.s32 $0xFFFFD800  }
.Ltmp5:
0x3dd: {  	_ =	swait.ge [sflag:s0], $0x2800;
	(pc) =	sbr.rel @p0 .LBB2_12-.Ltmp5, $4  }
0x3de: {  	[sflag:s0] =	ssyncset.done $0x0  }
0x3df: {  	s9 =	sadd.s32 $0xD00, s8;
	[sflag:s0] =	ssyncadd.s32 $0xFFFFD800  }
0x3e0: {  	[tilespmem:s26], [sflag:$0x1] =	stream.indirect.gather [hbm4b:s2+s30], $0x80, s9, s30, $0xb8;
	[tilespmem:$0x1B000] =	vst v63  }
0x3e1: {  	s8 =	sadd.s32 $0x1C80, s8  }
0x3e2: {  	[spmem:s3] =	stream.indirect.scatter.add.f32 [tilespmem:s20], [sflag:$0x4], $0x80, s8, s30, $0xb8;
	[tilespmem:$0x1B000] =	vst v63  }
0x3e3: {  	_ =	swait.ge [sflag:s18], $0x2800  }
0x3e4: {  	[sflag:s18] =	ssyncset.done $0x0  }
0x3e5: {  	[sflag:s18] =	ssyncadd.s32 $0xFFFFD800  }
0x3e6: {  	[spmem:s3] =	stream.indirect.scatter.add.f32 [tilespmem:s26], [sflag:$0x5], $0x80, s13, s30, $0xb8;
	[tilespmem:$0x1B000] =	vst v63  }
0x3e7: {  	_ =	swait.ge [sflag:s28], $0x2800  }
0x3e8: {  	[sflag:s28] =	ssyncset.done $0x0  }
0x3e9: {  	[sflag:s28] =	ssyncadd.s32 $0xFFFFD800  }
0x3ea: {  	_ =	swait.ge [sflag:s23], $0x2800  }
0x3eb: {  	[sflag:s23] =	ssyncset.done $0x0  }
0x3ec: {  	s7 =	rddreg [dreg:$0x13];
	[sflag:s23] =	ssyncadd.s32 $0xFFFFD800  }
0x3ed: {  	[tilespmem:s1], [sflag:$0x5] =	stream.linear.gather [hbm4b:s7+s1], $0xC80, $0x38;
	[tilespmem:$0x1B000] =	vst v63  }
0x3ee: {  	_ =	swait.ge [sflag:s28], $0xC80  }
0x3ef: {  	[sflag:s28] =	ssyncset.done $0x0  }
0x3f0: {  	s19 =	rddreg [dreg:$0xe];
	[sflag:s28] =	ssyncadd.s32 $0xFFFFF380  }
0x3f1: {  	[tilespmem:s22], [sflag:$0x5] =	stream.linear.gather [hbm4b:s19+s1], $0xC80, $0x38;
	[tilespmem:$0x1B000] =	vst v63  }
0x3f2: {  	_ =	swait.ge [sflag:s28], $0xC80  }
0x3f3: {  	[sflag:s28] =	ssyncset.done $0x0  }
0x3f4: {  	[sflag:s28] =	ssyncadd.s32 $0xFFFFF380  }
0x3f5: {  	[tilespmem:s26], [sflag:$0x1] =	stream.indirect.gather [hbm4b:s2+s30], $0x80, s1, s30, $0xb8;
	[tilespmem:$0x1B000] =	vst v63  }
0x3f6: {  	_ =	swait.ge [sflag:s18], $0x2800  }
0x3f7: {  	[sflag:s18] =	ssyncset.done $0x0  }
0x3f8: {  	[sflag:s18] =	ssyncadd.s32 $0xFFFFD800  }
0x3f9: {  	[tilespmem:s20], [sflag:$0x2] =	stream.indirect.gather [hbm4b:s2+s30], $0x80, s11, s30, $0xb8;
	[tilespmem:$0x1B000] =	vst v63  }
0x3fa: {  	_ = 	snop  }
0x3fb: {  	[spmem:s3] =	stream.indirect.scatter.add.f32 [tilespmem:s26], [sflag:$0x3], $0x80, s22, s30, $0xb8;
	[tilespmem:$0x1B000] =	vst v63  }
0x3fc: {  	_ =	swait.ge [sflag:s21], $0x2800  }
0x3fd: {  	[sflag:s21] =	ssyncset.done $0x0  }
0x3fe: {  	[sflag:s21] =	ssyncadd.s32 $0xFFFFD800  }
0x3ff: {  	_ =	swait.ge [sflag:s0], $0x2800  }
0x400: {  	[sflag:s0] =	ssyncset.done $0x0  }
0x401: {  	[sflag:s0] =	ssyncadd.s32 $0xFFFFD800  }
0x402: {  	[tilespmem:s26], [sflag:$0x1] =	stream.indirect.gather [hbm4b:s2+s30], $0x80, s12, s30, $0xb8;
	[tilespmem:$0x1B000] =	vst v63  }
0x403: {  	_ = 	snop  }
0x404: {  	[spmem:s3] =	stream.indirect.scatter.add.f32 [tilespmem:s20], [sflag:$0x4], $0x80, s10, s30, $0xb8;
	[tilespmem:$0x1B000] =	vst v63  }
0x405: {  	_ =	swait.ge [sflag:s18], $0x2800  }
0x406: {  	[sflag:s18] =	ssyncset.done $0x0  }
0x407: {  	[sflag:s18] =	ssyncadd.s32 $0xFFFFD800  }
0x408: {  	_ =	swait.ge [sflag:s23], $0x2800  }
0x409: {  	[sflag:s23] =	ssyncset.done $0x0  }
0x40a: {  	s24 =	simm.s32 $0x180;
	[sflag:s23] =	ssyncadd.s32 $0xFFFFD800  }
0x40b: {  	[tilespmem:s20], [sflag:$0x2] =	stream.indirect.gather [hbm4b:s2+s30], $0x80, s24, s30, $0xb8;
	[tilespmem:$0x1B000] =	vst v63  }
0x40c: {  	s29 =	simm.s32 $0x1100  }
0x40d: {  	[spmem:s3] =	stream.indirect.scatter.add.f32 [tilespmem:s26], [sflag:$0x3], $0x80, s29, s30, $0xb8;
	[tilespmem:$0x1B000] =	vst v63  }
0x40e: {  	_ =	swait.ge [sflag:s21], $0x2800  }
0x40f: {  	[sflag:s21] =	ssyncset.done $0x0  }
0x410: {  	[sflag:s21] =	ssyncadd.s32 $0xFFFFD800  }
0x411: {  	_ =	swait.ge [sflag:s0], $0x2800  }
0x412: {  	s31 =	simm.s32 $0x200;
	[sflag:s0] =	ssyncset.done $0x0  }
0x413: {  	s8 =	simm.s32 $0x1180;
	s7 =	simm.s32 $0xFFFFD800;
	[sflag:s0] =	ssyncadd.s32 $0xFFFFD800  }
0x414: {  	[tilespmem:s26], [sflag:$0x1] =	stream.indirect.gather [hbm4b:s2+s30], $0x80, s31, s30, $0xb8;
	[tilespmem:$0x1B000] =	vst v63  }
.LBB2_14:
0x415: {  	[spmem:s3] =	stream.indirect.scatter.add.f32 [tilespmem:s20], [sflag:$0x4], $0x80, s8, s30, $0xb8;
	[tilespmem:$0x1B000] =	vst v63  }
0x416: {  	s8 =	smov.u32 s7  }
0x417: {  	p0 =	sne.s32 s7, $0xFFFFFC00;
	s7 =	sadd.s32 $0x400, s7;
	_ =	swait.ge [sflag:s18], $0x2800  }
0x418: {  	[sflag:s18] =	ssyncset.done $0x0  }
0x419: {  	[sflag:s18] =	ssyncadd.s32 $0xFFFFD800  }
0x41a: {  	_ =	swait.ge [sflag:s23], $0x2800  }
0x41b: {  	s8 =	sshra.s32 s8, $0x2;
	[sflag:s23] =	ssyncset.done $0x0  }
0x41c: {  	s9 =	sadd.s32 $0xC80, s8;
	[sflag:s23] =	ssyncadd.s32 $0xFFFFD800  }
0x41d: {  	[tilespmem:s20], [sflag:$0x2] =	stream.indirect.gather [hbm4b:s2+s30], $0x80, s9, s30, $0xb8;
	[tilespmem:$0x1B000] =	vst v63  }
0x41e: {  	s9 =	sadd.s32 $0x1C00, s8  }
0x41f: {  	[spmem:s3] =	stream.indirect.scatter.add.f32 [tilespmem:s26], [sflag:$0x3], $0x80, s9, s30, $0xb8;
	[tilespmem:$0x1B000] =	vst v63  }
0x420: {  	_ =	swait.ge [sflag:s21], $0x2800  }
0x421: {  	[sflag:s21] =	ssyncset.done $0x0  }
0x422: {  	[sflag:s21] =	ssyncadd.s32 $0xFFFFD800  }
.Ltmp6:
0x423: {  	_ =	swait.ge [sflag:s0], $0x2800;
	(pc) =	sbr.rel @p0 .LBB2_14-.Ltmp6, $4  }
0x424: {  	[sflag:s0] =	ssyncset.done $0x0  }
0x425: {  	s9 =	sadd.s32 $0xD00, s8;
	[sflag:s0] =	ssyncadd.s32 $0xFFFFD800  }
0x426: {  	[tilespmem:s26], [sflag:$0x1] =	stream.indirect.gather [hbm4b:s2+s30], $0x80, s9, s30, $0xb8;
	[tilespmem:$0x1B000] =	vst v63  }
0x427: {  	s8 =	sadd.s32 $0x1C80, s8  }
0x428: {  	[spmem:s3] =	stream.indirect.scatter.add.f32 [tilespmem:s20], [sflag:$0x4], $0x80, s8, s30, $0xb8;
	[tilespmem:$0x1B000] =	vst v63  }
0x429: {  	_ =	swait.ge [sflag:s18], $0x2800  }
0x42a: {  	[sflag:s18] =	ssyncset.done $0x0  }
0x42b: {  	[sflag:s18] =	ssyncadd.s32 $0xFFFFD800  }
0x42c: {  	[spmem:s3] =	stream.indirect.scatter.add.f32 [tilespmem:s26], [sflag:$0x5], $0x80, s13, s30, $0xb8;
	[tilespmem:$0x1B000] =	vst v63  }
0x42d: {  	_ =	swait.ge [sflag:s28], $0x2800  }
0x42e: {  	[sflag:s28] =	ssyncset.done $0x0  }
0x42f: {  	[sflag:s28] =	ssyncadd.s32 $0xFFFFD800  }
0x430: {  	_ =	swait.ge [sflag:s23], $0x2800  }
0x431: {  	[sflag:s23] =	ssyncset.done $0x0  }
0x432: {  	s7 =	rddreg [dreg:$0x14];
	[sflag:s23] =	ssyncadd.s32 $0xFFFFD800  }
0x433: {  	[tilespmem:s1], [sflag:$0x5] =	stream.linear.gather [hbm4b:s7+s1], $0xC80, $0x38;
	[tilespmem:$0x1B000] =	vst v63  }
0x434: {  	_ =	swait.ge [sflag:s28], $0xC80  }
0x435: {  	[sflag:s28] =	ssyncset.done $0x0  }
0x436: {  	s19 =	rddreg [dreg:$0xf];
	[sflag:s28] =	ssyncadd.s32 $0xFFFFF380  }
0x437: {  	[tilespmem:s22], [sflag:$0x5] =	stream.linear.gather [hbm4b:s19+s1], $0xC80, $0x38;
	[tilespmem:$0x1B000] =	vst v63  }
0x438: {  	_ =	swait.ge [sflag:s28], $0xC80  }
0x439: {  	[sflag:s28] =	ssyncset.done $0x0  }
0x43a: {  	[sflag:s28] =	ssyncadd.s32 $0xFFFFF380  }
0x43b: {  	[tilespmem:s26], [sflag:$0x1] =	stream.indirect.gather [hbm4b:s2+s30], $0x80, s1, s30, $0xb8;
	[tilespmem:$0x1B000] =	vst v63  }
0x43c: {  	_ =	swait.ge [sflag:s18], $0x2800  }
0x43d: {  	[sflag:s18] =	ssyncset.done $0x0  }
0x43e: {  	[sflag:s18] =	ssyncadd.s32 $0xFFFFD800  }
0x43f: {  	[tilespmem:s20], [sflag:$0x2] =	stream.indirect.gather [hbm4b:s2+s30], $0x80, s11, s30, $0xb8;
	[tilespmem:$0x1B000] =	vst v63  }
0x440: {  	_ = 	snop  }
0x441: {  	[spmem:s3] =	stream.indirect.scatter.add.f32 [tilespmem:s26], [sflag:$0x3], $0x80, s22, s30, $0xb8;
	[tilespmem:$0x1B000] =	vst v63  }
0x442: {  	_ =	swait.ge [sflag:s21], $0x2800  }
0x443: {  	[sflag:s21] =	ssyncset.done $0x0  }
0x444: {  	[sflag:s21] =	ssyncadd.s32 $0xFFFFD800  }
0x445: {  	_ =	swait.ge [sflag:s0], $0x2800  }
0x446: {  	[sflag:s0] =	ssyncset.done $0x0  }
0x447: {  	[sflag:s0] =	ssyncadd.s32 $0xFFFFD800  }
0x448: {  	[tilespmem:s26], [sflag:$0x1] =	stream.indirect.gather [hbm4b:s2+s30], $0x80, s12, s30, $0xb8;
	[tilespmem:$0x1B000] =	vst v63  }
0x449: {  	_ = 	snop  }
0x44a: {  	[spmem:s3] =	stream.indirect.scatter.add.f32 [tilespmem:s20], [sflag:$0x4], $0x80, s10, s30, $0xb8;
	[tilespmem:$0x1B000] =	vst v63  }
0x44b: {  	_ =	swait.ge [sflag:s18], $0x2800  }
0x44c: {  	[sflag:s18] =	ssyncset.done $0x0  }
0x44d: {  	[sflag:s18] =	ssyncadd.s32 $0xFFFFD800  }
0x44e: {  	_ =	swait.ge [sflag:s23], $0x2800  }
0x44f: {  	[sflag:s23] =	ssyncset.done $0x0  }
0x450: {  	s24 =	simm.s32 $0x180;
	[sflag:s23] =	ssyncadd.s32 $0xFFFFD800  }
0x451: {  	[tilespmem:s20], [sflag:$0x2] =	stream.indirect.gather [hbm4b:s2+s30], $0x80, s24, s30, $0xb8;
	[tilespmem:$0x1B000] =	vst v63  }
0x452: {  	s29 =	simm.s32 $0x1100  }
0x453: {  	[spmem:s3] =	stream.indirect.scatter.add.f32 [tilespmem:s26], [sflag:$0x3], $0x80, s29, s30, $0xb8;
	[tilespmem:$0x1B000] =	vst v63  }
0x454: {  	_ =	swait.ge [sflag:s21], $0x2800  }
0x455: {  	[sflag:s21] =	ssyncset.done $0x0  }
0x456: {  	[sflag:s21] =	ssyncadd.s32 $0xFFFFD800  }
0x457: {  	_ =	swait.ge [sflag:s0], $0x2800  }
0x458: {  	s31 =	simm.s32 $0x200;
	[sflag:s0] =	ssyncset.done $0x0  }
0x459: {  	s8 =	simm.s32 $0x1180;
	s7 =	simm.s32 $0xFFFFD800;
	[sflag:s0] =	ssyncadd.s32 $0xFFFFD800  }
0x45a: {  	[tilespmem:s26], [sflag:$0x1] =	stream.indirect.gather [hbm4b:s2+s30], $0x80, s31, s30, $0xb8;
	[tilespmem:$0x1B000] =	vst v63  }
.LBB2_16:
0x45b: {  	[spmem:s3] =	stream.indirect.scatter.add.f32 [tilespmem:s20], [sflag:$0x4], $0x80, s8, s30, $0xb8;
	[tilespmem:$0x1B000] =	vst v63  }
0x45c: {  	s8 =	smov.u32 s7  }
0x45d: {  	p0 =	sne.s32 s7, $0xFFFFFC00;
	s7 =	sadd.s32 $0x400, s7;
	_ =	swait.ge [sflag:s18], $0x2800  }
0x45e: {  	[sflag:s18] =	ssyncset.done $0x0  }
0x45f: {  	[sflag:s18] =	ssyncadd.s32 $0xFFFFD800  }
0x460: {  	_ =	swait.ge [sflag:s23], $0x2800  }
0x461: {  	s8 =	sshra.s32 s8, $0x2;
	[sflag:s23] =	ssyncset.done $0x0  }
0x462: {  	s9 =	sadd.s32 $0xC80, s8;
	[sflag:s23] =	ssyncadd.s32 $0xFFFFD800  }
0x463: {  	[tilespmem:s20], [sflag:$0x2] =	stream.indirect.gather [hbm4b:s2+s30], $0x80, s9, s30, $0xb8;
	[tilespmem:$0x1B000] =	vst v63  }
0x464: {  	s9 =	sadd.s32 $0x1C00, s8  }
0x465: {  	[spmem:s3] =	stream.indirect.scatter.add.f32 [tilespmem:s26], [sflag:$0x3], $0x80, s9, s30, $0xb8;
	[tilespmem:$0x1B000] =	vst v63  }
0x466: {  	_ =	swait.ge [sflag:s21], $0x2800  }
0x467: {  	[sflag:s21] =	ssyncset.done $0x0  }
0x468: {  	[sflag:s21] =	ssyncadd.s32 $0xFFFFD800  }
.Ltmp7:
0x469: {  	_ =	swait.ge [sflag:s0], $0x2800;
	(pc) =	sbr.rel @p0 .LBB2_16-.Ltmp7, $4  }
0x46a: {  	[sflag:s0] =	ssyncset.done $0x0  }
0x46b: {  	s9 =	sadd.s32 $0xD00, s8;
	[sflag:s0] =	ssyncadd.s32 $0xFFFFD800  }
0x46c: {  	[tilespmem:s26], [sflag:$0x1] =	stream.indirect.gather [hbm4b:s2+s30], $0x80, s9, s30, $0xb8;
	[tilespmem:$0x1B000] =	vst v63  }
0x46d: {  	s8 =	sadd.s32 $0x1C80, s8  }
0x46e: {  	[spmem:s3] =	stream.indirect.scatter.add.f32 [tilespmem:s20], [sflag:$0x4], $0x80, s8, s30, $0xb8;
	[tilespmem:$0x1B000] =	vst v63  }
0x46f: {  	_ =	swait.ge [sflag:s18], $0x2800  }
0x470: {  	[sflag:s18] =	ssyncset.done $0x0  }
0x471: {  	[sflag:s18] =	ssyncadd.s32 $0xFFFFD800  }
0x472: {  	[spmem:s3] =	stream.indirect.scatter.add.f32 [tilespmem:s26], [sflag:$0x5], $0x80, s13, s30, $0xb8;
	[tilespmem:$0x1B000] =	vst v63  }
0x473: {  	_ =	swait.ge [sflag:s28], $0x2800  }
0x474: {  	[sflag:s28] =	ssyncset.done $0x0  }
0x475: {  	[sflag:s28] =	ssyncadd.s32 $0xFFFFD800  }
0x476: {  	_ =	swait.ge [sflag:s23], $0x2800  }
0x477: {  	[sflag:s23] =	ssyncset.done $0x0  }
0x478: {  	[sflag:s23] =	ssyncadd.s32 $0xFFFFD800  }
0x479: {  	[bflag:$0x0] =	sbarrier.arrive $0xFFFF  }
0x47a: {  	s7 =	rddreg [dreg:$0x16]  }
0x47b: {  	[hbm:s7], [sflag:s25] =	dma.local [spmem:s6], $0x2800  }
0x47c: {  	_ =	swait.ge [sflag:s28], $0x2800  }
0x47d: {  	s1 =	rddreg [dreg:$0x19]  }
0x47e: {  	s31 =	rddreg [dreg:$0x17];
	s1 =	sadd.s32 $0x1, s1  }
0x47f: {  	p0 =	sne.s32 s1, s31  }
.Ltmp8:
0x480: {  	_ = 	snop;
	(pc) =	sbr.rel @p0 .LBB2_1-.Ltmp8, $3  }
0x481: {  	_ =	sdelay $0x1  }
0x482: {  	[sflag:s28] =	ssyncset.done $0x0  }
0x483: {  	[sflag:s28] =	ssyncadd.s32 $0xFFFFD800  }
0x484: {  	_ =	sfence.sel $0x180000  }
0x485: {  	[bflag:$0x0] =	sbarrier.arrive $0xFFFF  }
0x486: {  	_ =	strace $0x90000047  }
0x487: {  	s0 =	stileid.u32;
	[bflag:$0x2] =	sbarrier.arrive $0xFFFF  }
0x488: {  	p0 =	sne.s32 s0, $0x0;
	s0 =	rddreg [dreg:$0x3]  }
0x489: {  	s0 =	sadd.s32 @!p0 $0x100000, s0  }
0x48a: {  	[sflag:s0] =	ssyncadd.tile.s32 @!p0 $0x1;
	_ =	shalt  }
.Lfunc_end2:
_tile_overlayer_lowered:
.L_overlay_start_2:
0x48b: {  	(tag) =	ssettag $0x2  }
0x48c: {  	s0 =	rddreg [dreg:$0x0];
	s2 =	stileid.u32  }
0x48d: {  	s1 =	rddreg [dreg:$0x1];
	p0 =	sne.s32 s2, $0x0  }
0x48e: {  	s3 =	rddreg [dreg:$0x2];
	[bflag:$0x3] =	sbarrier.arrive $0xFFFF;
	s2 =	simm.s32 @!p0 $0x1C05  }
0x48f: {  	[timem:s3], [sflag:s2] =	dma.local @!p0 [hbm:s0], s1  }
0x490: {  	s0 =	simm.s32 @!p0 $0x5  }
0x491: {  	_ =	swait.ge @!p0 [sflag:s0], s1  }
0x492: {  	s1 =	ssub.s32 @!p0 $0x0, s1;
	[sflag:s0] =	ssyncset.done @!p0 $0x0  }
0x493: {  	[sflag:s0] =	ssyncadd.s32 @!p0 s1  }
0x494: {  	[bflag:$0x3] =	sbarrier.arrive $0xFFFF  }
0x495: {  	_ =	shalt  }

</sc_bundles>
